<compile_context>
chip_gen: v7x
topology: tpu7x:2x2x1
jax: 0.10.2.dev20260603
libtpu: 0.0.44.dev20260713+nightly
codegen_flags: <defaults>
</compile_context>

<pallas_src>
import functools

import jax
import jax.numpy as jnp
from jax import lax
from jax.experimental import pallas as pl
from jax.experimental.pallas import tpu as pltpu
from jax.experimental.pallas import tpu_sc as plsc

B, P, M, C = 16, 20000, 50, 21
THRESHOLD = 0.5
NEG_POS_RATIO = 3
VAR0, VAR1 = 0.1, 0.2


def _match_body(loc_ref, pri_ref, box_ref, boxT_ref, lab_ref,
                ct_ref, out_ref):
    px0 = pri_ref[0:1, :]
    py0 = pri_ref[1:2, :]
    px1 = pri_ref[2:3, :]
    py1 = pri_ref[3:4, :]
    boxes = box_ref[0]
    tx0 = boxes[:, 0:1]
    ty0 = boxes[:, 1:2]
    tx1 = boxes[:, 2:3]
    ty1 = boxes[:, 3:4]

    ltx = jnp.maximum(px0, tx0)
    lty = jnp.maximum(py0, ty0)
    rbx = jnp.minimum(px1, tx1)
    rby = jnp.minimum(py1, ty1)
    iw = jnp.clip(rbx - ltx, 0.0, None)
    ih = jnp.clip(rby - lty, 0.0, None)
    inter = iw * ih
    area_p = (px1 - px0) * (py1 - py0)
    area_t = (tx1 - tx0) * (ty1 - ty0)
    iou = inter / (area_p + area_t - inter)

    bto = jnp.max(iou, axis=0, keepdims=True)
    rowmax = jnp.max(iou, axis=1, keepdims=True)

    midx = jax.lax.broadcasted_iota(jnp.int32, (M, P), 0)
    eq = iou == rowmax
    forced_m = jnp.max(jnp.where(eq, midx, -1), axis=0, keepdims=True)
    anyf = forced_m >= 0
    bto = jnp.where(anyf, 2.0, bto)

    onehot = jnp.where(anyf, (midx == forced_m).astype(jnp.float32),
                       (iou == bto).astype(jnp.float32))
    labf = lab_ref[0].astype(jnp.float32)
    table = jnp.concatenate([boxT_ref[0], labf], axis=0)
    g = jax.lax.dot_general(table, onehot, (((1,), (0,)), ((), ())),
                            preferred_element_type=jnp.float32)
    mx0 = g[0:1]
    my0 = g[1:2]
    mx1 = g[2:3]
    my1 = g[3:4]
    conf_t = jnp.where(bto < THRESHOLD, 0.0, g[4:5])
    pos = conf_t > 0.0
    npos_i = jnp.sum(pos.astype(jnp.int32))

    p_w = px1 - px0
    p_h = py1 - py0
    p_cx = (px0 + px1) * 0.5
    p_cy = (py0 + py1) * 0.5
    g_cx = ((mx0 + mx1) * 0.5 - p_cx) / (VAR0 * p_w)
    g_cy = ((my0 + my1) * 0.5 - p_cy) / (VAR0 * p_h)
    g_w = jnp.log((mx1 - mx0) / p_w) / VAR1
    g_h = jnp.log((my1 - my0) / p_h) / VAR1
    loc = loc_ref[0]

    def _sl1(d):
        a = jnp.abs(d)
        return jnp.where(a < 1.0, 0.5 * a * a, a - 0.5)

    le = (_sl1(loc[0:1] - g_cx) + _sl1(loc[1:2] - g_cy)
          + _sl1(loc[2:3] - g_w) + _sl1(loc[3:4] - g_h))
    loss_l = jnp.sum(jnp.where(pos, le, 0.0))

    ct_ref[0] = conf_t

    lane = jax.lax.broadcasted_iota(jnp.int32, (1, 8), 1)
    row = jnp.where(lane == 0, loss_l,
                    jnp.where(lane == 2, npos_i.astype(jnp.float32), 0.0))
    out_ref[0] = row


def _ce_body(conf_ref, ct_ref, ce_ref, out_ref):
    cmat = conf_ref[0]
    conf_t = ct_ref[0]
    pos = conf_t > 0.0
    lse = jnp.log(jnp.sum(jnp.exp(cmat), axis=0, keepdims=True))
    cidx = jax.lax.broadcasted_iota(jnp.int32, (C, P), 0)
    conf_t_i = conf_t.astype(jnp.int32)
    picked = jnp.sum(jnp.where(cidx == conf_t_i, cmat, 0.0), axis=0,
                     keepdims=True)
    ce = lse - picked
    pos_ce = jnp.sum(jnp.where(pos, ce, 0.0))

    ce_ref[0] = jnp.where(pos, 0.0, ce)
    lane = jax.lax.broadcasted_iota(jnp.int32, (1, 8), 1)
    out_ref[0] = jnp.where(lane == 1, pos_ce, 0.0)


_NV = P // 16
_U = 10


_GDN = lax.GatherDimensionNumbers(offset_dims=(), collapsed_slice_dims=(0,),
                                  start_index_map=(0,))


def _xl_sum(s):
    for r in (1, 2, 4, 8):
        idx = (lax.iota(jnp.int32, 16) + r) & 15
        rot = lax.gather(s, idx[:, None], _GDN, slice_sizes=(1,),
                         mode=lax.GatherScatterMode.PROMISE_IN_BOUNDS)
        s = s + rot
    return s


def _sc_mine_body(ce_hbm, k_hbm, out_hbm, ce_v, res_v, k_v):
    wid = lax.axis_index("s") * 2 + lax.axis_index("c")

    @pl.when(wid < B)
    def _():
        pltpu.sync_copy(ce_hbm.at[pl.ds(wid * P, P)], ce_v)
        pltpu.sync_copy(k_hbm.at[pl.ds(wid * 16, 16)], k_v)
        kv = k_v[...]
        zero_i = jnp.zeros((16,), jnp.int32)
        zero_f = jnp.zeros((16,), jnp.float32)
        one_i = jnp.full((16,), 1, jnp.int32)

        def _count_ge(trial_v):
            def body(j, accs):
                accs = list(accs)
                base = j * (16 * _U)
                for u in range(_U):
                    v = ce_v[pl.ds(base + u * 16, 16)]
                    vi = lax.bitcast_convert_type(v, jnp.int32)
                    accs[u % 4] = accs[u % 4] + jnp.where(vi >= trial_v,
                                                          one_i, zero_i)
                return tuple(accs)
            a0, a1, a2, a3 = lax.fori_loop(0, _NV // _U, body,
                                           (zero_i, zero_i, zero_i, zero_i))
            return _xl_sum((a0 + a1) + (a2 + a3))

        x_v = zero_i
        for i in range(20):
            trial_v = x_v | jnp.full((16,), 1 << (30 - i), jnp.int32)
            cnt_v = _count_ge(trial_v)
            x_v = jnp.where(cnt_v >= kv, trial_v, x_v)

        def fin(j, carry):
            c0, c1, s0, s1 = carry
            base = j * (16 * _U)
            for u in range(_U):
                v = ce_v[pl.ds(base + u * 16, 16)]
                vi = lax.bitcast_convert_type(v, jnp.int32)
                gt = vi > x_v
                if u % 2 == 0:
                    c0 = c0 + jnp.where(gt, one_i, zero_i)
                    s0 = s0 + jnp.where(gt, v, zero_f)
                else:
                    c1 = c1 + jnp.where(gt, one_i, zero_i)
                    s1 = s1 + jnp.where(gt, v, zero_f)
            return c0, c1, s0, s1

        c0, c1, s0, s1 = lax.fori_loop(0, _NV // _U, fin,
                                       (zero_i, zero_i, zero_f, zero_f))
        cnt_a = c0 + c1
        sum_a = s0 + s1
        cnt_gt = _xl_sum(cnt_a)
        sum_gt = _xl_sum(sum_a)
        tfv = lax.bitcast_convert_type(x_v, jnp.float32)
        topk_v = sum_gt + (kv - cnt_gt).astype(jnp.float32) * tfv
        topk_v = jnp.where(kv > zero_i, topk_v, zero_f)
        res_v[...] = topk_v
        pltpu.sync_copy(res_v, out_hbm.at[pl.ds(wid * 16, 16)])


@functools.lru_cache(maxsize=None)
def _get_sc_mine():
    return pl.kernel(
        _sc_mine_body,
        mesh=plsc.VectorSubcoreMesh(core_axis_name="c", subcore_axis_name="s"),
        out_type=jax.ShapeDtypeStruct((B * 16,), jnp.float32),
        scratch_types=[
            pltpu.VMEM((P,), jnp.float32),
            pltpu.VMEM((16,), jnp.float32),
            pltpu.VMEM((16,), jnp.int32),
        ],
    )


def _run(loc_t, conf_t, priors_pad, boxes, boxes_t, labels3, interpret=False):
    ct, part_m = pl.pallas_call(
        _match_body,
        grid=(B,),
        in_specs=[
            pl.BlockSpec((1, 4, P), lambda b: (b, 0, 0)),
            pl.BlockSpec((8, P), lambda b: (0, 0)),
            pl.BlockSpec((1, M, 4), lambda b: (b, 0, 0)),
            pl.BlockSpec((1, 4, M), lambda b: (b, 0, 0)),
            pl.BlockSpec((1, 1, M), lambda b: (b, 0, 0)),
        ],
        out_specs=[
            pl.BlockSpec((1, 1, P), lambda b: (b, 0, 0)),
            pl.BlockSpec((1, 1, 8), lambda b: (b, 0, 0)),
        ],
        out_shape=[
            jax.ShapeDtypeStruct((B, 1, P), jnp.float32),
            jax.ShapeDtypeStruct((B, 1, 8), jnp.float32),
        ],
        interpret=interpret,
    )(loc_t, priors_pad, boxes, boxes_t, labels3)
    ce, part_c = pl.pallas_call(
        _ce_body,
        grid=(B,),
        in_specs=[
            pl.BlockSpec((1, C, P), lambda b: (b, 0, 0)),
            pl.BlockSpec((1, 1, P), lambda b: (b, 0, 0)),
        ],
        out_specs=[
            pl.BlockSpec((1, 1, P), lambda b: (b, 0, 0)),
            pl.BlockSpec((1, 1, 8), lambda b: (b, 0, 0)),
        ],
        out_shape=[
            jax.ShapeDtypeStruct((B, 1, P), jnp.float32),
            jax.ShapeDtypeStruct((B, 1, 8), jnp.float32),
        ],
        interpret=interpret,
    )(conf_t, ct)
    parts_m = part_m.reshape(B, 8)
    parts_c = part_c.reshape(B, 8)
    npos_i = parts_m[:, 2].astype(jnp.int32)
    k_arr = jnp.minimum(npos_i * NEG_POS_RATIO, P - 1)
    k_rep = jnp.repeat(k_arr, 16)
    topk = _get_sc_mine()(ce.reshape(B * P), k_rep).reshape(B, 16)[:, 0]
    n = jnp.sum(parts_m[:, 2])
    return (jnp.sum(parts_m[:, 0]) / n
            + (jnp.sum(parts_c[:, 1]) + jnp.sum(topk)) / n)


def kernel(loc_preds, conf_preds, default_boxes, boxes, labels):
    loc_t = jnp.transpose(loc_preds, (0, 2, 1))
    conf_t = jnp.transpose(conf_preds, (0, 2, 1))
    priors_pad = jnp.pad(default_boxes.T, ((0, 4), (0, 0)))
    boxes_t = jnp.transpose(boxes, (0, 2, 1))
    labels3 = labels[:, None, :].astype(jnp.int32)
    return _run(loc_t, conf_t, priors_pad, boxes, boxes_t, labels3)

# --- scband reference (transcript-rebuilt; emitter-appended) ---
"""Pipeline reference for scband-ssdloss-12446815224275 (READ-ONLY COPY).

The authoritative reference and input builder live on the scoring server;
editing this copy changes nothing except your own understanding.
"""

import jax, jax.numpy as jnp
import numpy as np

B, P, M, C = 16, 20000, 50, 21
THRESHOLD = 0.5
NEG_POS_RATIO = 3
VAR0, VAR1 = 0.1, 0.2


def _make_boxes(raw):
    # raw in [0,1): interpret as (cx, cy, w-frac, h-frac) -> corner boxes with positive w/h
    cx = raw[..., 0]
    cy = raw[..., 1]
    w = 0.05 + 0.25 * raw[..., 2]
    h = 0.05 + 0.25 * raw[..., 3]
    return jnp.stack([cx - w / 2, cy - h / 2, cx + w / 2, cy + h / 2], axis=-1)


def setup_inputs(seed: int = 0) -> dict:
    key = jax.random.key(seed)
    k1, k2, k3, k4, k5 = jax.random.split(key, 5)
    loc_preds = jax.random.normal(k1, (B, P, 4), dtype=jnp.float32)
    conf_preds = jax.random.normal(k2, (B, P, C), dtype=jnp.float32)
    default_boxes = _make_boxes(jax.random.uniform(k3, (P, 4), dtype=jnp.float32))
    boxes = _make_boxes(jax.random.uniform(k4, (B, M, 4), dtype=jnp.float32))
    labels = jax.random.randint(k5, (B, M), 0, C)
    return {"loc_preds": loc_preds, "conf_preds": conf_preds,
            "default_boxes": default_boxes, "boxes": boxes, "labels": labels}


def _jaccard(priors, truths):
    # priors [P,4], truths [M,4] corner form -> IoU [P,M]
    lt = jnp.maximum(priors[:, None, :2], truths[None, :, :2])
    rb = jnp.minimum(priors[:, None, 2:], truths[None, :, 2:])
    wh = jnp.clip(rb - lt, 0.0, None)
    inter = wh[..., 0] * wh[..., 1]
    area_p = (priors[:, 2] - priors[:, 0]) * (priors[:, 3] - priors[:, 1])
    area_t = (truths[:, 2] - truths[:, 0]) * (truths[:, 3] - truths[:, 1])
    union = area_p[:, None] + area_t[None, :] - inter
    return inter / union


def _encode(matched, priors):
    p_cxcy = (priors[:, :2] + priors[:, 2:]) / 2
    p_wh = priors[:, 2:] - priors[:, :2]
    g_cxcy = ((matched[:, :2] + matched[:, 2:]) / 2 - p_cxcy) / (VAR0 * p_wh)
    g_wh = jnp.log((matched[:, 2:] - matched[:, :2]) / p_wh) / VAR1
    return jnp.concatenate([g_cxcy, g_wh], axis=1)


def _match_one(truths, labels, priors):
    overlaps = _jaccard(priors, truths)  # [P, M]
    best_truth_overlap = overlaps.max(axis=1)
    best_truth_idx = overlaps.argmax(axis=1)
    best_prior_idx = overlaps.argmax(axis=0)  # [M]
    best_truth_idx = best_truth_idx.at[best_prior_idx].set(jnp.arange(truths.shape[0]))
    best_truth_overlap = best_truth_overlap.at[best_prior_idx].set(2.0)
    matches = truths[best_truth_idx]
    conf = labels[best_truth_idx]
    conf = jnp.where(best_truth_overlap < THRESHOLD, 0, conf)
    loc = _encode(matches, priors)
    return loc, conf


def _smooth_l1(x, y):
    d = jnp.abs(x - y)
    return jnp.where(d < 1.0, 0.5 * d * d, d - 0.5)


def _forward(loc_preds, conf_preds, default_boxes, boxes, labels):
    batch_size, num_priors = loc_preds.shape[0], default_boxes.shape[0]
    num_classes = conf_preds.shape[-1]
    loc_t, conf_t = jax.vmap(_match_one, in_axes=(0, 0, None))(boxes, labels, default_boxes)
    pos = conf_t > 0  # [B, P]
    num_pos = pos.sum(axis=1, keepdims=True)  # [B, 1]
    # localization loss on positives (mask-multiply is equivalent to boolean gather + sum)
    loss_l_elt = _smooth_l1(loc_preds, loc_t).sum(axis=-1)  # [B, P]
    loss_l = (loss_l_elt * pos.astype(loc_preds.dtype)).sum()
    # per-element cross-entropy over all priors
    lse = jax.nn.logsumexp(conf_preds, axis=-1)  # [B, P]
    picked = jnp.take_along_axis(conf_preds, conf_t[..., None], axis=-1)[..., 0]
    ce = lse - picked  # [B, P]
    # hard negative mining
    loss_c_rank = jnp.where(pos, 0.0, ce)
    loss_idx = jnp.argsort(-loss_c_rank, axis=1)
    idx_rank = jnp.argsort(loss_idx, axis=1)
    num_neg = jnp.clip(NEG_POS_RATIO * num_pos, None, num_priors - 1)
    neg = idx_rank < num_neg
    keep = jnp.logical_or(pos, neg)
    loss_c = (ce * keep.astype(ce.dtype)).sum()
    N = num_pos.sum().astype(jnp.float32)
    return loss_l / N + loss_c / N


def reference(loc_preds, conf_preds, default_boxes, boxes, labels):
    return _forward(loc_preds, conf_preds, default_boxes, boxes, labels)

if __name__ == "__main__":
    import jax
    _d = setup_inputs()
    print(jax.jit(kernel)(*tuple(_d.values())))

</pallas_src>

<mosaic_0001>
#map = affine_map<(d0, d1) -> (0)>
module attributes {stable_mosaic.version = 14 : i64} {
  func.func @_sc_mine_body(%arg0: i32, %arg1: i32, %arg2: memref<320000xf32, #tpu.memory_space<hbm>>, %arg3: memref<256xi32, #tpu.memory_space<hbm>>, %arg4: memref<256xf32, #tpu.memory_space<hbm>>, %arg5: memref<20000xf32, #tpu.memory_space<vmem>>, %arg6: memref<16xf32, #tpu.memory_space<vmem>>, %arg7: memref<16xi32, #tpu.memory_space<vmem>>) attributes {dimension_semantics = [#tpu.dimension_semantics<core_parallel>, #tpu.dimension_semantics<subcore_parallel>], iteration_bounds = array<i64: 2, 16>, scalar_prefetch = 0 : i64, scratch_operands = 3 : i64, tpu.core_type = #tpu.core_type<sc_vector_subcore>, window_params = [{transform_indices = #map}, {transform_indices = #map}, {transform_indices = #map}]} {
    %mul3A = arith.constant 2 : i32
    %mul3A_0 = arith.muli %arg1, %mul3A : i32
    %add3A = arith.addi %mul3A_0, %arg0 : i32
    %lt3A = arith.constant 16 : i32
    %lt3A_1 = arith.cmpi slt, %add3A, %lt3A : i32
    %convert_element_type3A = arith.extui %lt3A_1 : i1 to i32
    %cond3A = arith.constant 0 : i32
    %cond3A_2 = arith.cmpi ne, %convert_element_type3A, %cond3A : i32
    scf.if %cond3A_2 {
      %mul3A_3 = arith.constant 20000 : i32
      %mul3A_4 = arith.muli %add3A, %mul3A_3 : i32
      "tpu.region"() ({
        %run_scoped3A = tpu.sem_alloc : memref<!tpu.dma_semaphore, #tpu.memory_space<semaphore_mem>>
        %dma_start3A = tpu.memref_slice %arg2[%mul3A_4] : memref<320000xf32, #tpu.memory_space<hbm>> -> memref<20000xf32, #tpu.memory_space<hbm>>
        %dma_start3A_1272 = tpu.memref_slice %arg2[%mul3A_4] : memref<320000xf32, #tpu.memory_space<hbm>> -> memref<20000xf32, #tpu.memory_space<hbm>>
        tpu.enqueue_dma source(%dma_start3A_1272 : memref<20000xf32, #tpu.memory_space<hbm>>) target(%arg5 : memref<20000xf32, #tpu.memory_space<vmem>>) target_semaphore(%run_scoped3A : memref<!tpu.dma_semaphore, #tpu.memory_space<semaphore_mem>>)
        %dma_wait3A = tpu.memref_slice %arg2[%mul3A_4] : memref<320000xf32, #tpu.memory_space<hbm>> -> memref<20000xf32, #tpu.memory_space<hbm>>
        %dma_wait3A_1273 = tpu.memref_slice %arg2[%mul3A_4] : memref<320000xf32, #tpu.memory_space<hbm>> -> memref<20000xf32, #tpu.memory_space<hbm>>
        tpu.wait_dma2 semaphore(%run_scoped3A : memref<!tpu.dma_semaphore, #tpu.memory_space<semaphore_mem>>) src(%dma_wait3A_1273 : memref<20000xf32, #tpu.memory_space<hbm>>) dst(%arg5 : memref<20000xf32, #tpu.memory_space<vmem>>)
        tpu.yield
      }) : () -> ()
      %mul3A_5 = arith.constant 16 : i32
      %mul3A_6 = arith.muli %add3A, %mul3A_5 : i32
      "tpu.region"() ({
        %run_scoped3A = tpu.sem_alloc : memref<!tpu.dma_semaphore, #tpu.memory_space<semaphore_mem>>
        %dma_start3A = tpu.memref_slice %arg3[%mul3A_6] : memref<256xi32, #tpu.memory_space<hbm>> -> memref<16xi32, #tpu.memory_space<hbm>>
        %dma_start3A_1272 = tpu.memref_slice %arg3[%mul3A_6] : memref<256xi32, #tpu.memory_space<hbm>> -> memref<16xi32, #tpu.memory_space<hbm>>
        tpu.enqueue_dma source(%dma_start3A_1272 : memref<16xi32, #tpu.memory_space<hbm>>) target(%arg7 : memref<16xi32, #tpu.memory_space<vmem>>) target_semaphore(%run_scoped3A : memref<!tpu.dma_semaphore, #tpu.memory_space<semaphore_mem>>)
        %dma_wait3A = tpu.memref_slice %arg3[%mul3A_6] : memref<256xi32, #tpu.memory_space<hbm>> -> memref<16xi32, #tpu.memory_space<hbm>>
        %dma_wait3A_1273 = tpu.memref_slice %arg3[%mul3A_6] : memref<256xi32, #tpu.memory_space<hbm>> -> memref<16xi32, #tpu.memory_space<hbm>>
        tpu.wait_dma2 semaphore(%run_scoped3A : memref<!tpu.dma_semaphore, #tpu.memory_space<semaphore_mem>>) src(%dma_wait3A_1273 : memref<16xi32, #tpu.memory_space<hbm>>) dst(%arg7 : memref<16xi32, #tpu.memory_space<vmem>>)
        tpu.yield
      }) : () -> ()
      %get3A = arith.constant 0 : index
      %get3A_7 = tpu.vector_load %arg7[%get3A] {strides = array<i32>} : memref<16xi32, #tpu.memory_space<vmem>>, vector<16xi32>,
      %get3A_8 = vector.shape_cast %get3A_7 : vector<16xi32> to vector<16xi32>
      %broadcast_in_dim3A = arith.constant 0 : i32
      %broadcast_in_dim3A_9 = vector.broadcast %broadcast_in_dim3A : i32 to vector<16xi32>
      %broadcast_in_dim3A_10 = arith.constant 0.000000e+00 : f32
      %broadcast_in_dim3A_11 = vector.broadcast %broadcast_in_dim3A_10 : f32 to vector<16xf32>
      %broadcast_in_dim3A_12 = arith.constant 1 : i32
      %broadcast_in_dim3A_13 = vector.broadcast %broadcast_in_dim3A_12 : i32 to vector<16xi32>
      %broadcast_in_dim3A_14 = arith.constant 1073741824 : i32
      %broadcast_in_dim3A_15 = vector.broadcast %broadcast_in_dim3A_14 : i32 to vector<16xi32>
      %or3A = arith.ori %broadcast_in_dim3A_9, %broadcast_in_dim3A_15 : vector<16xi32>
      %scan3A = arith.constant 0 : i32
      %scan3A_16 = arith.constant 125 : i32
      %scan3A_17 = arith.addi %scan3A, %scan3A_16 : i32
      %scan3A_18 = arith.constant 1 : i32
      %scan3A_19:4 = scf.for %scan3A_1272 = %scan3A to %scan3A_17 step %scan3A_18 iter_args(%scan3A_1273 = %broadcast_in_dim3A_9, %scan3A_1274 = %broadcast_in_dim3A_9, %scan3A_1275 = %broadcast_in_dim3A_9, %scan3A_1276 = %broadcast_in_dim3A_9) -> (vector<16xi32>, vector<16xi32>, vector<16xi32>, vector<16xi32>)  : i32 {
        %mul3A_1277 = arith.constant 160 : i32
        %mul3A_1278 = arith.muli %scan3A_1272, %mul3A_1277 : i32
        %add3A_1279 = arith.constant 0 : i32
        %add3A_1280 = arith.addi %mul3A_1278, %add3A_1279 : i32
        %get3A_1281 = arith.index_cast %add3A_1280 : i32 to index
        %get3A_1282 = tpu.vector_load %arg5[%get3A_1281] {strides = array<i32>} : memref<20000xf32, #tpu.memory_space<vmem>>, vector<16xf32>,
        %get3A_1283 = vector.shape_cast %get3A_1282 : vector<16xf32> to vector<16xf32>
        %bitcast_convert_type3A_1284 = tpu.bitcast %get3A_1283 : vector<16xf32> -> vector<16xi32>
        %ge3A_1285 = arith.cmpi sge, %bitcast_convert_type3A_1284, %or3A : vector<16xi32>
        %select_n3A_1286 = arith.select %ge3A_1285, %broadcast_in_dim3A_13, %broadcast_in_dim3A_9 : vector<16xi1>, vector<16xi32>
        %add3A_1287 = arith.addi %scan3A_1273, %select_n3A_1286 : vector<16xi32>
        %add3A_1288 = arith.constant 16 : i32
        %add3A_1289 = arith.addi %mul3A_1278, %add3A_1288 : i32
        %get3A_1290 = arith.index_cast %add3A_1289 : i32 to index
        %get3A_1291 = tpu.vector_load %arg5[%get3A_1290] {strides = array<i32>} : memref<20000xf32, #tpu.memory_space<vmem>>, vector<16xf32>,
        %get3A_1292 = vector.shape_cast %get3A_1291 : vector<16xf32> to vector<16xf32>
        %bitcast_convert_type3A_1293 = tpu.bitcast %get3A_1292 : vector<16xf32> -> vector<16xi32>
        %ge3A_1294 = arith.cmpi sge, %bitcast_convert_type3A_1293, %or3A : vector<16xi32>
        %select_n3A_1295 = arith.select %ge3A_1294, %broadcast_in_dim3A_13, %broadcast_in_dim3A_9 : vector<16xi1>, vector<16xi32>
        %add3A_1296 = arith.addi %scan3A_1274, %select_n3A_1295 : vector<16xi32>
        %add3A_1297 = arith.constant 32 : i32
        %add3A_1298 = arith.addi %mul3A_1278, %add3A_1297 : i32
        %get3A_1299 = arith.index_cast %add3A_1298 : i32 to index
        %get3A_1300 = tpu.vector_load %arg5[%get3A_1299] {strides = array<i32>} : memref<20000xf32, #tpu.memory_space<vmem>>, vector<16xf32>,
        %get3A_1301 = vector.shape_cast %get3A_1300 : vector<16xf32> to vector<16xf32>
        %bitcast_convert_type3A_1302 = tpu.bitcast %get3A_1301 : vector<16xf32> -> vector<16xi32>
        %ge3A_1303 = arith.cmpi sge, %bitcast_convert_type3A_1302, %or3A : vector<16xi32>
        %select_n3A_1304 = arith.select %ge3A_1303, %broadcast_in_dim3A_13, %broadcast_in_dim3A_9 : vector<16xi1>, vector<16xi32>
        %add3A_1305 = arith.addi %scan3A_1275, %select_n3A_1304 : vector<16xi32>
        %add3A_1306 = arith.constant 48 : i32
        %add3A_1307 = arith.addi %mul3A_1278, %add3A_1306 : i32
        %get3A_1308 = arith.index_cast %add3A_1307 : i32 to index
        %get3A_1309 = tpu.vector_load %arg5[%get3A_1308] {strides = array<i32>} : memref<20000xf32, #tpu.memory_space<vmem>>, vector<16xf32>,
        %get3A_1310 = vector.shape_cast %get3A_1309 : vector<16xf32> to vector<16xf32>
        %bitcast_convert_type3A_1311 = tpu.bitcast %get3A_1310 : vector<16xf32> -> vector<16xi32>
        %ge3A_1312 = arith.cmpi sge, %bitcast_convert_type3A_1311, %or3A : vector<16xi32>
        %select_n3A_1313 = arith.select %ge3A_1312, %broadcast_in_dim3A_13, %broadcast_in_dim3A_9 : vector<16xi1>, vector<16xi32>
        %add3A_1314 = arith.addi %scan3A_1276, %select_n3A_1313 : vector<16xi32>
        %add3A_1315 = arith.constant 64 : i32
        %add3A_1316 = arith.addi %mul3A_1278, %add3A_1315 : i32
        %get3A_1317 = arith.index_cast %add3A_1316 : i32 to index
        %get3A_1318 = tpu.vector_load %arg5[%get3A_1317] {strides = array<i32>} : memref<20000xf32, #tpu.memory_space<vmem>>, vector<16xf32>,
        %get3A_1319 = vector.shape_cast %get3A_1318 : vector<16xf32> to vector<16xf32>
        %bitcast_convert_type3A_1320 = tpu.bitcast %get3A_1319 : vector<16xf32> -> vector<16xi32>
        %ge3A_1321 = arith.cmpi sge, %bitcast_convert_type3A_1320, %or3A : vector<16xi32>
        %select_n3A_1322 = arith.select %ge3A_1321, %broadcast_in_dim3A_13, %broadcast_in_dim3A_9 : vector<16xi1>, vector<16xi32>
        %add3A_1323 = arith.addi %add3A_1287, %select_n3A_1322 : vector<16xi32>
        %add3A_1324 = arith.constant 80 : i32
        %add3A_1325 = arith.addi %mul3A_1278, %add3A_1324 : i32
        %get3A_1326 = arith.index_cast %add3A_1325 : i32 to index
        %get3A_1327 = tpu.vector_load %arg5[%get3A_1326] {strides = array<i32>} : memref<20000xf32, #tpu.memory_space<vmem>>, vector<16xf32>,
        %get3A_1328 = vector.shape_cast %get3A_1327 : vector<16xf32> to vector<16xf32>
        %bitcast_convert_type3A_1329 = tpu.bitcast %get3A_1328 : vector<16xf32> -> vector<16xi32>
        %ge3A_1330 = arith.cmpi sge, %bitcast_convert_type3A_1329, %or3A : vector<16xi32>
        %select_n3A_1331 = arith.select %ge3A_1330, %broadcast_in_dim3A_13, %broadcast_in_dim3A_9 : vector<16xi1>, vector<16xi32>
        %add3A_1332 = arith.addi %add3A_1296, %select_n3A_1331 : vector<16xi32>
        %add3A_1333 = arith.constant 96 : i32
        %add3A_1334 = arith.addi %mul3A_1278, %add3A_1333 : i32
        %get3A_1335 = arith.index_cast %add3A_1334 : i32 to index
        %get3A_1336 = tpu.vector_load %arg5[%get3A_1335] {strides = array<i32>} : memref<20000xf32, #tpu.memory_space<vmem>>, vector<16xf32>,
        %get3A_1337 = vector.shape_cast %get3A_1336 : vector<16xf32> to vector<16xf32>
        %bitcast_convert_type3A_1338 = tpu.bitcast %get3A_1337 : vector<16xf32> -> vector<16xi32>
        %ge3A_1339 = arith.cmpi sge, %bitcast_convert_type3A_1338, %or3A : vector<16xi32>
        %select_n3A_1340 = arith.select %ge3A_1339, %broadcast_in_dim3A_13, %broadcast_in_dim3A_9 : vector<16xi1>, vector<16xi32>
        %add3A_1341 = arith.addi %add3A_1305, %select_n3A_1340 : vector<16xi32>
        %add3A_1342 = arith.constant 112 : i32
        %add3A_1343 = arith.addi %mul3A_1278, %add3A_1342 : i32
        %get3A_1344 = arith.index_cast %add3A_1343 : i32 to index
        %get3A_1345 = tpu.vector_load %arg5[%get3A_1344] {strides = array<i32>} : memref<20000xf32, #tpu.memory_space<vmem>>, vector<16xf32>,
        %get3A_1346 = vector.shape_cast %get3A_1345 : vector<16xf32> to vector<16xf32>
        %bitcast_convert_type3A_1347 = tpu.bitcast %get3A_1346 : vector<16xf32> -> vector<16xi32>
        %ge3A_1348 = arith.cmpi sge, %bitcast_convert_type3A_1347, %or3A : vector<16xi32>
        %select_n3A_1349 = arith.select %ge3A_1348, %broadcast_in_dim3A_13, %broadcast_in_dim3A_9 : vector<16xi1>, vector<16xi32>
        %add3A_1350 = arith.addi %add3A_1314, %select_n3A_1349 : vector<16xi32>
        %add3A_1351 = arith.constant 128 : i32
        %add3A_1352 = arith.addi %mul3A_1278, %add3A_1351 : i32
        %get3A_1353 = arith.index_cast %add3A_1352 : i32 to index
        %get3A_1354 = tpu.vector_load %arg5[%get3A_1353] {strides = array<i32>} : memref<20000xf32, #tpu.memory_space<vmem>>, vector<16xf32>,
        %get3A_1355 = vector.shape_cast %get3A_1354 : vector<16xf32> to vector<16xf32>
        %bitcast_convert_type3A_1356 = tpu.bitcast %get3A_1355 : vector<16xf32> -> vector<16xi32>
        %ge3A_1357 = arith.cmpi sge, %bitcast_convert_type3A_1356, %or3A : vector<16xi32>
        %select_n3A_1358 = arith.select %ge3A_1357, %broadcast_in_dim3A_13, %broadcast_in_dim3A_9 : vector<16xi1>, vector<16xi32>
        %add3A_1359 = arith.addi %add3A_1323, %select_n3A_1358 : vector<16xi32>
        %add3A_1360 = arith.constant 144 : i32
        %add3A_1361 = arith.addi %mul3A_1278, %add3A_1360 : i32
        %get3A_1362 = arith.index_cast %add3A_1361 : i32 to index
        %get3A_1363 = tpu.vector_load %arg5[%get3A_1362] {strides = array<i32>} : memref<20000xf32, #tpu.memory_space<vmem>>, vector<16xf32>,
        %get3A_1364 = vector.shape_cast %get3A_1363 : vector<16xf32> to vector<16xf32>
        %bitcast_convert_type3A_1365 = tpu.bitcast %get3A_1364 : vector<16xf32> -> vector<16xi32>
        %ge3A_1366 = arith.cmpi sge, %bitcast_convert_type3A_1365, %or3A : vector<16xi32>
        %select_n3A_1367 = arith.select %ge3A_1366, %broadcast_in_dim3A_13, %broadcast_in_dim3A_9 : vector<16xi1>, vector<16xi32>
        %add3A_1368 = arith.addi %add3A_1332, %select_n3A_1367 : vector<16xi32>
        scf.yield %add3A_1359, %add3A_1368, %add3A_1341, %add3A_1350 : vector<16xi32>, vector<16xi32>, vector<16xi32>, vector<16xi32>
      }
      %scan3A_20 = arith.constant 125 : i32
      %add3A_21 = arith.addi %scan3A_19#0, %scan3A_19#1 : vector<16xi32>
      %add3A_22 = arith.addi %scan3A_19#2, %scan3A_19#3 : vector<16xi32>
      %add3A_23 = arith.addi %add3A_21, %add3A_22 : vector<16xi32>
      %iota3A = tpu.iota {dimensions = array<i32: 0>} : vector<16xi32>
      %add3A_24 = arith.constant 1 : i32
      %add3A_25 = vector.broadcast %add3A_24 : i32 to vector<16xi32>
      %add3A_26 = arith.addi %iota3A, %add3A_25 : vector<16xi32>
      %and3A = arith.constant 15 : i32
      %and3A_27 = vector.broadcast %and3A : i32 to vector<16xi32>
      %and3A_28 = arith.andi %add3A_26, %and3A_27 : vector<16xi32>
      %broadcast_in_dim3A_29 = vector.shape_cast %and3A_28 : vector<16xi32> to vector<16x1xi32>
      %gather3A = vector.shape_cast %broadcast_in_dim3A_29 : vector<16x1xi32> to vector<16xi32>
      %gather3A_30 = tpu.dynamic_gather %add3A_23[%gather3A] in [0] : vector<16xi32>, vector<16xi32> -> vector<16xi32>
      %add3A_31 = arith.addi %add3A_23, %gather3A_30 : vector<16xi32>
      %iota3A_32 = tpu.iota {dimensions = array<i32: 0>} : vector<16xi32>
      %add3A_33 = arith.constant 2 : i32
      %add3A_34 = vector.broadcast %add3A_33 : i32 to vector<16xi32>
      %add3A_35 = arith.addi %iota3A_32, %add3A_34 : vector<16xi32>
      %and3A_36 = arith.constant 15 : i32
      %and3A_37 = vector.broadcast %and3A_36 : i32 to vector<16xi32>
      %and3A_38 = arith.andi %add3A_35, %and3A_37 : vector<16xi32>
      %broadcast_in_dim3A_39 = vector.shape_cast %and3A_38 : vector<16xi32> to vector<16x1xi32>
      %gather3A_40 = vector.shape_cast %broadcast_in_dim3A_39 : vector<16x1xi32> to vector<16xi32>
      %gather3A_41 = tpu.dynamic_gather %add3A_31[%gather3A_40] in [0] : vector<16xi32>, vector<16xi32> -> vector<16xi32>
      %add3A_42 = arith.addi %add3A_31, %gather3A_41 : vector<16xi32>
      %iota3A_43 = tpu.iota {dimensions = array<i32: 0>} : vector<16xi32>
      %add3A_44 = arith.constant 4 : i32
      %add3A_45 = vector.broadcast %add3A_44 : i32 to vector<16xi32>
      %add3A_46 = arith.addi %iota3A_43, %add3A_45 : vector<16xi32>
      %and3A_47 = arith.constant 15 : i32
      %and3A_48 = vector.broadcast %and3A_47 : i32 to vector<16xi32>
      %and3A_49 = arith.andi %add3A_46, %and3A_48 : vector<16xi32>
      %broadcast_in_dim3A_50 = vector.shape_cast %and3A_49 : vector<16xi32> to vector<16x1xi32>
      %gather3A_51 = vector.shape_cast %broadcast_in_dim3A_50 : vector<16x1xi32> to vector<16xi32>
      %gather3A_52 = tpu.dynamic_gather %add3A_42[%gather3A_51] in [0] : vector<16xi32>, vector<16xi32> -> vector<16xi32>
      %add3A_53 = arith.addi %add3A_42, %gather3A_52 : vector<16xi32>
      %iota3A_54 = tpu.iota {dimensions = array<i32: 0>} : vector<16xi32>
      %add3A_55 = arith.constant 8 : i32
      %add3A_56 = vector.broadcast %add3A_55 : i32 to vector<16xi32>
      %add3A_57 = arith.addi %iota3A_54, %add3A_56 : vector<16xi32>
      %and3A_58 = arith.constant 15 : i32
      %and3A_59 = vector.broadcast %and3A_58 : i32 to vector<16xi32>
      %and3A_60 = arith.andi %add3A_57, %and3A_59 : vector<16xi32>
      %broadcast_in_dim3A_61 = vector.shape_cast %and3A_60 : vector<16xi32> to vector<16x1xi32>
      %gather3A_62 = vector.shape_cast %broadcast_in_dim3A_61 : vector<16x1xi32> to vector<16xi32>
      %gather3A_63 = tpu.dynamic_gather %add3A_53[%gather3A_62] in [0] : vector<16xi32>, vector<16xi32> -> vector<16xi32>
      %add3A_64 = arith.addi %add3A_53, %gather3A_63 : vector<16xi32>
      %ge3A = arith.cmpi sge, %add3A_64, %get3A_8 : vector<16xi32>
      %select_n3A = arith.select %ge3A, %or3A, %broadcast_in_dim3A_9 : vector<16xi1>, vector<16xi32>
      %broadcast_in_dim3A_65 = arith.constant 536870912 : i32
      %broadcast_in_dim3A_66 = vector.broadcast %broadcast_in_dim3A_65 : i32 to vector<16xi32>
      %or3A_67 = arith.ori %select_n3A, %broadcast_in_dim3A_66 : vector<16xi32>
      %scan3A_68 = arith.constant 0 : i32
      %scan3A_69 = arith.constant 125 : i32
      %scan3A_70 = arith.addi %scan3A_68, %scan3A_69 : i32
      %scan3A_71 = arith.constant 1 : i32
      %scan3A_72:4 = scf.for %scan3A_1272 = %scan3A_68 to %scan3A_70 step %scan3A_71 iter_args(%scan3A_1273 = %broadcast_in_dim3A_9, %scan3A_1274 = %broadcast_in_dim3A_9, %scan3A_1275 = %broadcast_in_dim3A_9, %scan3A_1276 = %broadcast_in_dim3A_9) -> (vector<16xi32>, vector<16xi32>, vector<16xi32>, vector<16xi32>)  : i32 {
        %mul3A_1277 = arith.constant 160 : i32
        %mul3A_1278 = arith.muli %scan3A_1272, %mul3A_1277 : i32
        %add3A_1279 = arith.constant 0 : i32
        %add3A_1280 = arith.addi %mul3A_1278, %add3A_1279 : i32
        %get3A_1281 = arith.index_cast %add3A_1280 : i32 to index
        %get3A_1282 = tpu.vector_load %arg5[%get3A_1281] {strides = array<i32>} : memref<20000xf32, #tpu.memory_space<vmem>>, vector<16xf32>,
        %get3A_1283 = vector.shape_cast %get3A_1282 : vector<16xf32> to vector<16xf32>
        %bitcast_convert_type3A_1284 = tpu.bitcast %get3A_1283 : vector<16xf32> -> vector<16xi32>
        %ge3A_1285 = arith.cmpi sge, %bitcast_convert_type3A_1284, %or3A_67 : vector<16xi32>
        %select_n3A_1286 = arith.select %ge3A_1285, %broadcast_in_dim3A_13, %broadcast_in_dim3A_9 : vector<16xi1>, vector<16xi32>
        %add3A_1287 = arith.addi %scan3A_1273, %select_n3A_1286 : vector<16xi32>
        %add3A_1288 = arith.constant 16 : i32
        %add3A_1289 = arith.addi %mul3A_1278, %add3A_1288 : i32
        %get3A_1290 = arith.index_cast %add3A_1289 : i32 to index
        %get3A_1291 = tpu.vector_load %arg5[%get3A_1290] {strides = array<i32>} : memref<20000xf32, #tpu.memory_space<vmem>>, vector<16xf32>,
        %get3A_1292 = vector.shape_cast %get3A_1291 : vector<16xf32> to vector<16xf32>
        %bitcast_convert_type3A_1293 = tpu.bitcast %get3A_1292 : vector<16xf32> -> vector<16xi32>
        %ge3A_1294 = arith.cmpi sge, %bitcast_convert_type3A_1293, %or3A_67 : vector<16xi32>
        %select_n3A_1295 = arith.select %ge3A_1294, %broadcast_in_dim3A_13, %broadcast_in_dim3A_9 : vector<16xi1>, vector<16xi32>
        %add3A_1296 = arith.addi %scan3A_1274, %select_n3A_1295 : vector<16xi32>
        %add3A_1297 = arith.constant 32 : i32
        %add3A_1298 = arith.addi %mul3A_1278, %add3A_1297 : i32
        %get3A_1299 = arith.index_cast %add3A_1298 : i32 to index
        %get3A_1300 = tpu.vector_load %arg5[%get3A_1299] {strides = array<i32>} : memref<20000xf32, #tpu.memory_space<vmem>>, vector<16xf32>,
        %get3A_1301 = vector.shape_cast %get3A_1300 : vector<16xf32> to vector<16xf32>
        %bitcast_convert_type3A_1302 = tpu.bitcast %get3A_1301 : vector<16xf32> -> vector<16xi32>
        %ge3A_1303 = arith.cmpi sge, %bitcast_convert_type3A_1302, %or3A_67 : vector<16xi32>
        %select_n3A_1304 = arith.select %ge3A_1303, %broadcast_in_dim3A_13, %broadcast_in_dim3A_9 : vector<16xi1>, vector<16xi32>
        %add3A_1305 = arith.addi %scan3A_1275, %select_n3A_1304 : vector<16xi32>
        %add3A_1306 = arith.constant 48 : i32
        %add3A_1307 = arith.addi %mul3A_1278, %add3A_1306 : i32
        %get3A_1308 = arith.index_cast %add3A_1307 : i32 to index
        %get3A_1309 = tpu.vector_load %arg5[%get3A_1308] {strides = array<i32>} : memref<20000xf32, #tpu.memory_space<vmem>>, vector<16xf32>,
        %get3A_1310 = vector.shape_cast %get3A_1309 : vector<16xf32> to vector<16xf32>
        %bitcast_convert_type3A_1311 = tpu.bitcast %get3A_1310 : vector<16xf32> -> vector<16xi32>
        %ge3A_1312 = arith.cmpi sge, %bitcast_convert_type3A_1311, %or3A_67 : vector<16xi32>
        %select_n3A_1313 = arith.select %ge3A_1312, %broadcast_in_dim3A_13, %broadcast_in_dim3A_9 : vector<16xi1>, vector<16xi32>
        %add3A_1314 = arith.addi %scan3A_1276, %select_n3A_1313 : vector<16xi32>
        %add3A_1315 = arith.constant 64 : i32
        %add3A_1316 = arith.addi %mul3A_1278, %add3A_1315 : i32
        %get3A_1317 = arith.index_cast %add3A_1316 : i32 to index
        %get3A_1318 = tpu.vector_load %arg5[%get3A_1317] {strides = array<i32>} : memref<20000xf32, #tpu.memory_space<vmem>>, vector<16xf32>,
        %get3A_1319 = vector.shape_cast %get3A_1318 : vector<16xf32> to vector<16xf32>
        %bitcast_convert_type3A_1320 = tpu.bitcast %get3A_1319 : vector<16xf32> -> vector<16xi32>
        %ge3A_1321 = arith.cmpi sge, %bitcast_convert_type3A_1320, %or3A_67 : vector<16xi32>
        %select_n3A_1322 = arith.select %ge3A_1321, %broadcast_in_dim3A_13, %broadcast_in_dim3A_9 : vector<16xi1>, vector<16xi32>
        %add3A_1323 = arith.addi %add3A_1287, %select_n3A_1322 : vector<16xi32>
        %add3A_1324 = arith.constant 80 : i32
        %add3A_1325 = arith.addi %mul3A_1278, %add3A_1324 : i32
        %get3A_1326 = arith.index_cast %add3A_1325 : i32 to index
        %get3A_1327 = tpu.vector_load %arg5[%get3A_1326] {strides = array<i32>} : memref<20000xf32, #tpu.memory_space<vmem>>, vector<16xf32>,
        %get3A_1328 = vector.shape_cast %get3A_1327 : vector<16xf32> to vector<16xf32>
        %bitcast_convert_type3A_1329 = tpu.bitcast %get3A_1328 : vector<16xf32> -> vector<16xi32>
        %ge3A_1330 = arith.cmpi sge, %bitcast_convert_type3A_1329, %or3A_67 : vector<16xi32>
        %select_n3A_1331 = arith.select %ge3A_1330, %broadcast_in_dim3A_13, %broadcast_in_dim3A_9 : vector<16xi1>, vector<16xi32>
        %add3A_1332 = arith.addi %add3A_1296, %select_n3A_1331 : vector<16xi32>
        %add3A_1333 = arith.constant 96 : i32
        %add3A_1334 = arith.addi %mul3A_1278, %add3A_1333 : i32
        %get3A_1335 = arith.index_cast %add3A_1334 : i32 to index
        %get3A_1336 = tpu.vector_load %arg5[%get3A_1335] {strides = array<i32>} : memref<20000xf32, #tpu.memory_space<vmem>>, vector<16xf32>,
        %get3A_1337 = vector.shape_cast %get3A_1336 : vector<16xf32> to vector<16xf32>
        %bitcast_convert_type3A_1338 = tpu.bitcast %get3A_1337 : vector<16xf32> -> vector<16xi32>
        %ge3A_1339 = arith.cmpi sge, %bitcast_convert_type3A_1338, %or3A_67 : vector<16xi32>
        %select_n3A_1340 = arith.select %ge3A_1339, %broadcast_in_dim3A_13, %broadcast_in_dim3A_9 : vector<16xi1>, vector<16xi32>
        %add3A_1341 = arith.addi %add3A_1305, %select_n3A_1340 : vector<16xi32>
        %add3A_1342 = arith.constant 112 : i32
        %add3A_1343 = arith.addi %mul3A_1278, %add3A_1342 : i32
        %get3A_1344 = arith.index_cast %add3A_1343 : i32 to index
        %get3A_1345 = tpu.vector_load %arg5[%get3A_1344] {strides = array<i32>} : memref<20000xf32, #tpu.memory_space<vmem>>, vector<16xf32>,
        %get3A_1346 = vector.shape_cast %get3A_1345 : vector<16xf32> to vector<16xf32>
        %bitcast_convert_type3A_1347 = tpu.bitcast %get3A_1346 : vector<16xf32> -> vector<16xi32>
        %ge3A_1348 = arith.cmpi sge, %bitcast_convert_type3A_1347, %or3A_67 : vector<16xi32>
        %select_n3A_1349 = arith.select %ge3A_1348, %broadcast_in_dim3A_13, %broadcast_in_dim3A_9 : vector<16xi1>, vector<16xi32>
        %add3A_1350 = arith.addi %add3A_1314, %select_n3A_1349 : vector<16xi32>
        %add3A_1351 = arith.constant 128 : i32
        %add3A_1352 = arith.addi %mul3A_1278, %add3A_1351 : i32
        %get3A_1353 = arith.index_cast %add3A_1352 : i32 to index
        %get3A_1354 = tpu.vector_load %arg5[%get3A_1353] {strides = array<i32>} : memref<20000xf32, #tpu.memory_space<vmem>>, vector<16xf32>,
        %get3A_1355 = vector.shape_cast %get3A_1354 : vector<16xf32> to vector<16xf32>
        %bitcast_convert_type3A_1356 = tpu.bitcast %get3A_1355 : vector<16xf32> -> vector<16xi32>
        %ge3A_1357 = arith.cmpi sge, %bitcast_convert_type3A_1356, %or3A_67 : vector<16xi32>
        %select_n3A_1358 = arith.select %ge3A_1357, %broadcast_in_dim3A_13, %broadcast_in_dim3A_9 : vector<16xi1>, vector<16xi32>
        %add3A_1359 = arith.addi %add3A_1323, %select_n3A_1358 : vector<16xi32>
        %add3A_1360 = arith.constant 144 : i32
        %add3A_1361 = arith.addi %mul3A_1278, %add3A_1360 : i32
        %get3A_1362 = arith.index_cast %add3A_1361 : i32 to index
        %get3A_1363 = tpu.vector_load %arg5[%get3A_1362] {strides = array<i32>} : memref<20000xf32, #tpu.memory_space<vmem>>, vector<16xf32>,
        %get3A_1364 = vector.shape_cast %get3A_1363 : vector<16xf32> to vector<16xf32>
        %bitcast_convert_type3A_1365 = tpu.bitcast %get3A_1364 : vector<16xf32> -> vector<16xi32>
        %ge3A_1366 = arith.cmpi sge, %bitcast_convert_type3A_1365, %or3A_67 : vector<16xi32>
        %select_n3A_1367 = arith.select %ge3A_1366, %broadcast_in_dim3A_13, %broadcast_in_dim3A_9 : vector<16xi1>, vector<16xi32>
        %add3A_1368 = arith.addi %add3A_1332, %select_n3A_1367 : vector<16xi32>
        scf.yield %add3A_1359, %add3A_1368, %add3A_1341, %add3A_1350 : vector<16xi32>, vector<16xi32>, vector<16xi32>, vector<16xi32>
      }
      %scan3A_73 = arith.constant 125 : i32
      %add3A_74 = arith.addi %scan3A_72#0, %scan3A_72#1 : vector<16xi32>
      %add3A_75 = arith.addi %scan3A_72#2, %scan3A_72#3 : vector<16xi32>
      %add3A_76 = arith.addi %add3A_74, %add3A_75 : vector<16xi32>
      %iota3A_77 = tpu.iota {dimensions = array<i32: 0>} : vector<16xi32>
      %add3A_78 = arith.constant 1 : i32
      %add3A_79 = vector.broadcast %add3A_78 : i32 to vector<16xi32>
      %add3A_80 = arith.addi %iota3A_77, %add3A_79 : vector<16xi32>
      %and3A_81 = arith.constant 15 : i32
      %and3A_82 = vector.broadcast %and3A_81 : i32 to vector<16xi32>
      %and3A_83 = arith.andi %add3A_80, %and3A_82 : vector<16xi32>
      %broadcast_in_dim3A_84 = vector.shape_cast %and3A_83 : vector<16xi32> to vector<16x1xi32>
      %gather3A_85 = vector.shape_cast %broadcast_in_dim3A_84 : vector<16x1xi32> to vector<16xi32>
      %gather3A_86 = tpu.dynamic_gather %add3A_76[%gather3A_85] in [0] : vector<16xi32>, vector<16xi32> -> vector<16xi32>
      %add3A_87 = arith.addi %add3A_76, %gather3A_86 : vector<16xi32>
      %iota3A_88 = tpu.iota {dimensions = array<i32: 0>} : vector<16xi32>
      %add3A_89 = arith.constant 2 : i32
      %add3A_90 = vector.broadcast %add3A_89 : i32 to vector<16xi32>
      %add3A_91 = arith.addi %iota3A_88, %add3A_90 : vector<16xi32>
      %and3A_92 = arith.constant 15 : i32
      %and3A_93 = vector.broadcast %and3A_92 : i32 to vector<16xi32>
      %and3A_94 = arith.andi %add3A_91, %and3A_93 : vector<16xi32>
      %broadcast_in_dim3A_95 = vector.shape_cast %and3A_94 : vector<16xi32> to vector<16x1xi32>
      %gather3A_96 = vector.shape_cast %broadcast_in_dim3A_95 : vector<16x1xi32> to vector<16xi32>
      %gather3A_97 = tpu.dynamic_gather %add3A_87[%gather3A_96] in [0] : vector<16xi32>, vector<16xi32> -> vector<16xi32>
      %add3A_98 = arith.addi %add3A_87, %gather3A_97 : vector<16xi32>
      %iota3A_99 = tpu.iota {dimensions = array<i32: 0>} : vector<16xi32>
      %add3A_100 = arith.constant 4 : i32
      %add3A_101 = vector.broadcast %add3A_100 : i32 to vector<16xi32>
      %add3A_102 = arith.addi %iota3A_99, %add3A_101 : vector<16xi32>
      %and3A_103 = arith.constant 15 : i32
      %and3A_104 = vector.broadcast %and3A_103 : i32 to vector<16xi32>
      %and3A_105 = arith.andi %add3A_102, %and3A_104 : vector<16xi32>
      %broadcast_in_dim3A_106 = vector.shape_cast %and3A_105 : vector<16xi32> to vector<16x1xi32>
      %gather3A_107 = vector.shape_cast %broadcast_in_dim3A_106 : vector<16x1xi32> to vector<16xi32>
      %gather3A_108 = tpu.dynamic_gather %add3A_98[%gather3A_107] in [0] : vector<16xi32>, vector<16xi32> -> vector<16xi32>
      %add3A_109 = arith.addi %add3A_98, %gather3A_108 : vector<16xi32>
      %iota3A_110 = tpu.iota {dimensions = array<i32: 0>} : vector<16xi32>
      %add3A_111 = arith.constant 8 : i32
      %add3A_112 = vector.broadcast %add3A_111 : i32 to vector<16xi32>
      %add3A_113 = arith.addi %iota3A_110, %add3A_112 : vector<16xi32>
      %and3A_114 = arith.constant 15 : i32
      %and3A_115 = vector.broadcast %and3A_114 : i32 to vector<16xi32>
      %and3A_116 = arith.andi %add3A_113, %and3A_115 : vector<16xi32>
      %broadcast_in_dim3A_117 = vector.shape_cast %and3A_116 : vector<16xi32> to vector<16x1xi32>
      %gather3A_118 = vector.shape_cast %broadcast_in_dim3A_117 : vector<16x1xi32> to vector<16xi32>
      %gather3A_119 = tpu.dynamic_gather %add3A_109[%gather3A_118] in [0] : vector<16xi32>, vector<16xi32> -> vector<16xi32>
      %add3A_120 = arith.addi %add3A_109, %gather3A_119 : vector<16xi32>
      %ge3A_121 = arith.cmpi sge, %add3A_120, %get3A_8 : vector<16xi32>
      %select_n3A_122 = arith.select %ge3A_121, %or3A_67, %select_n3A : vector<16xi1>, vector<16xi32>
      %broadcast_in_dim3A_123 = arith.constant 268435456 : i32
      %broadcast_in_dim3A_124 = vector.broadcast %broadcast_in_dim3A_123 : i32 to vector<16xi32>
      %or3A_125 = arith.ori %select_n3A_122, %broadcast_in_dim3A_124 : vector<16xi32>
      %scan3A_126 = arith.constant 0 : i32
      %scan3A_127 = arith.constant 125 : i32
      %scan3A_128 = arith.addi %scan3A_126, %scan3A_127 : i32
      %scan3A_129 = arith.constant 1 : i32
      %scan3A_130:4 = scf.for %scan3A_1272 = %scan3A_126 to %scan3A_128 step %scan3A_129 iter_args(%scan3A_1273 = %broadcast_in_dim3A_9, %scan3A_1274 = %broadcast_in_dim3A_9, %scan3A_1275 = %broadcast_in_dim3A_9, %scan3A_1276 = %broadcast_in_dim3A_9) -> (vector<16xi32>, vector<16xi32>, vector<16xi32>, vector<16xi32>)  : i32 {
        %mul3A_1277 = arith.constant 160 : i32
        %mul3A_1278 = arith.muli %scan3A_1272, %mul3A_1277 : i32
        %add3A_1279 = arith.constant 0 : i32
        %add3A_1280 = arith.addi %mul3A_1278, %add3A_1279 : i32
        %get3A_1281 = arith.index_cast %add3A_1280 : i32 to index
        %get3A_1282 = tpu.vector_load %arg5[%get3A_1281] {strides = array<i32>} : memref<20000xf32, #tpu.memory_space<vmem>>, vector<16xf32>,
        %get3A_1283 = vector.shape_cast %get3A_1282 : vector<16xf32> to vector<16xf32>
        %bitcast_convert_type3A_1284 = tpu.bitcast %get3A_1283 : vector<16xf32> -> vector<16xi32>
        %ge3A_1285 = arith.cmpi sge, %bitcast_convert_type3A_1284, %or3A_125 : vector<16xi32>
        %select_n3A_1286 = arith.select %ge3A_1285, %broadcast_in_dim3A_13, %broadcast_in_dim3A_9 : vector<16xi1>, vector<16xi32>
        %add3A_1287 = arith.addi %scan3A_1273, %select_n3A_1286 : vector<16xi32>
        %add3A_1288 = arith.constant 16 : i32
        %add3A_1289 = arith.addi %mul3A_1278, %add3A_1288 : i32
        %get3A_1290 = arith.index_cast %add3A_1289 : i32 to index
        %get3A_1291 = tpu.vector_load %arg5[%get3A_1290] {strides = array<i32>} : memref<20000xf32, #tpu.memory_space<vmem>>, vector<16xf32>,
        %get3A_1292 = vector.shape_cast %get3A_1291 : vector<16xf32> to vector<16xf32>
        %bitcast_convert_type3A_1293 = tpu.bitcast %get3A_1292 : vector<16xf32> -> vector<16xi32>
        %ge3A_1294 = arith.cmpi sge, %bitcast_convert_type3A_1293, %or3A_125 : vector<16xi32>
        %select_n3A_1295 = arith.select %ge3A_1294, %broadcast_in_dim3A_13, %broadcast_in_dim3A_9 : vector<16xi1>, vector<16xi32>
        %add3A_1296 = arith.addi %scan3A_1274, %select_n3A_1295 : vector<16xi32>
        %add3A_1297 = arith.constant 32 : i32
        %add3A_1298 = arith.addi %mul3A_1278, %add3A_1297 : i32
        %get3A_1299 = arith.index_cast %add3A_1298 : i32 to index
        %get3A_1300 = tpu.vector_load %arg5[%get3A_1299] {strides = array<i32>} : memref<20000xf32, #tpu.memory_space<vmem>>, vector<16xf32>,
        %get3A_1301 = vector.shape_cast %get3A_1300 : vector<16xf32> to vector<16xf32>
        %bitcast_convert_type3A_1302 = tpu.bitcast %get3A_1301 : vector<16xf32> -> vector<16xi32>
        %ge3A_1303 = arith.cmpi sge, %bitcast_convert_type3A_1302, %or3A_125 : vector<16xi32>
        %select_n3A_1304 = arith.select %ge3A_1303, %broadcast_in_dim3A_13, %broadcast_in_dim3A_9 : vector<16xi1>, vector<16xi32>
        %add3A_1305 = arith.addi %scan3A_1275, %select_n3A_1304 : vector<16xi32>
        %add3A_1306 = arith.constant 48 : i32
        %add3A_1307 = arith.addi %mul3A_1278, %add3A_1306 : i32
        %get3A_1308 = arith.index_cast %add3A_1307 : i32 to index
        %get3A_1309 = tpu.vector_load %arg5[%get3A_1308] {strides = array<i32>} : memref<20000xf32, #tpu.memory_space<vmem>>, vector<16xf32>,
        %get3A_1310 = vector.shape_cast %get3A_1309 : vector<16xf32> to vector<16xf32>
        %bitcast_convert_type3A_1311 = tpu.bitcast %get3A_1310 : vector<16xf32> -> vector<16xi32>
        %ge3A_1312 = arith.cmpi sge, %bitcast_convert_type3A_1311, %or3A_125 : vector<16xi32>
        %select_n3A_1313 = arith.select %ge3A_1312, %broadcast_in_dim3A_13, %broadcast_in_dim3A_9 : vector<16xi1>, vector<16xi32>
        %add3A_1314 = arith.addi %scan3A_1276, %select_n3A_1313 : vector<16xi32>
        %add3A_1315 = arith.constant 64 : i32
        %add3A_1316 = arith.addi %mul3A_1278, %add3A_1315 : i32
        %get3A_1317 = arith.index_cast %add3A_1316 : i32 to index
        %get3A_1318 = tpu.vector_load %arg5[%get3A_1317] {strides = array<i32>} : memref<20000xf32, #tpu.memory_space<vmem>>, vector<16xf32>,
        %get3A_1319 = vector.shape_cast %get3A_1318 : vector<16xf32> to vector<16xf32>
        %bitcast_convert_type3A_1320 = tpu.bitcast %get3A_1319 : vector<16xf32> -> vector<16xi32>
        %ge3A_1321 = arith.cmpi sge, %bitcast_convert_type3A_1320, %or3A_125 : vector<16xi32>
        %select_n3A_1322 = arith.select %ge3A_1321, %broadcast_in_dim3A_13, %broadcast_in_dim3A_9 : vector<16xi1>, vector<16xi32>
        %add3A_1323 = arith.addi %add3A_1287, %select_n3A_1322 : vector<16xi32>
        %add3A_1324 = arith.constant 80 : i32
        %add3A_1325 = arith.addi %mul3A_1278, %add3A_1324 : i32
        %get3A_1326 = arith.index_cast %add3A_1325 : i32 to index
        %get3A_1327 = tpu.vector_load %arg5[%get3A_1326] {strides = array<i32>} : memref<20000xf32, #tpu.memory_space<vmem>>, vector<16xf32>,
        %get3A_1328 = vector.shape_cast %get3A_1327 : vector<16xf32> to vector<16xf32>
        %bitcast_convert_type3A_1329 = tpu.bitcast %get3A_1328 : vector<16xf32> -> vector<16xi32>
        %ge3A_1330 = arith.cmpi sge, %bitcast_convert_type3A_1329, %or3A_125 : vector<16xi32>
        %select_n3A_1331 = arith.select %ge3A_1330, %broadcast_in_dim3A_13, %broadcast_in_dim3A_9 : vector<16xi1>, vector<16xi32>
        %add3A_1332 = arith.addi %add3A_1296, %select_n3A_1331 : vector<16xi32>
        %add3A_1333 = arith.constant 96 : i32
        %add3A_1334 = arith.addi %mul3A_1278, %add3A_1333 : i32
        %get3A_1335 = arith.index_cast %add3A_1334 : i32 to index
        %get3A_1336 = tpu.vector_load %arg5[%get3A_1335] {strides = array<i32>} : memref<20000xf32, #tpu.memory_space<vmem>>, vector<16xf32>,
        %get3A_1337 = vector.shape_cast %get3A_1336 : vector<16xf32> to vector<16xf32>
        %bitcast_convert_type3A_1338 = tpu.bitcast %get3A_1337 : vector<16xf32> -> vector<16xi32>
        %ge3A_1339 = arith.cmpi sge, %bitcast_convert_type3A_1338, %or3A_125 : vector<16xi32>
        %select_n3A_1340 = arith.select %ge3A_1339, %broadcast_in_dim3A_13, %broadcast_in_dim3A_9 : vector<16xi1>, vector<16xi32>
        %add3A_1341 = arith.addi %add3A_1305, %select_n3A_1340 : vector<16xi32>
        %add3A_1342 = arith.constant 112 : i32
        %add3A_1343 = arith.addi %mul3A_1278, %add3A_1342 : i32
        %get3A_1344 = arith.index_cast %add3A_1343 : i32 to index
        %get3A_1345 = tpu.vector_load %arg5[%get3A_1344] {strides = array<i32>} : memref<20000xf32, #tpu.memory_space<vmem>>, vector<16xf32>,
        %get3A_1346 = vector.shape_cast %get3A_1345 : vector<16xf32> to vector<16xf32>
        %bitcast_convert_type3A_1347 = tpu.bitcast %get3A_1346 : vector<16xf32> -> vector<16xi32>
        %ge3A_1348 = arith.cmpi sge, %bitcast_convert_type3A_1347, %or3A_125 : vector<16xi32>
        %select_n3A_1349 = arith.select %ge3A_1348, %broadcast_in_dim3A_13, %broadcast_in_dim3A_9 : vector<16xi1>, vector<16xi32>
        %add3A_1350 = arith.addi %add3A_1314, %select_n3A_1349 : vector<16xi32>
        %add3A_1351 = arith.constant 128 : i32
        %add3A_1352 = arith.addi %mul3A_1278, %add3A_1351 : i32
        %get3A_1353 = arith.index_cast %add3A_1352 : i32 to index
        %get3A_1354 = tpu.vector_load %arg5[%get3A_1353] {strides = array<i32>} : memref<20000xf32, #tpu.memory_space<vmem>>, vector<16xf32>,
        %get3A_1355 = vector.shape_cast %get3A_1354 : vector<16xf32> to vector<16xf32>
        %bitcast_convert_type3A_1356 = tpu.bitcast %get3A_1355 : vector<16xf32> -> vector<16xi32>
        %ge3A_1357 = arith.cmpi sge, %bitcast_convert_type3A_1356, %or3A_125 : vector<16xi32>
        %select_n3A_1358 = arith.select %ge3A_1357, %broadcast_in_dim3A_13, %broadcast_in_dim3A_9 : vector<16xi1>, vector<16xi32>
        %add3A_1359 = arith.addi %add3A_1323, %select_n3A_1358 : vector<16xi32>
        %add3A_1360 = arith.constant 144 : i32
        %add3A_1361 = arith.addi %mul3A_1278, %add3A_1360 : i32
        %get3A_1362 = arith.index_cast %add3A_1361 : i32 to index
        %get3A_1363 = tpu.vector_load %arg5[%get3A_1362] {strides = array<i32>} : memref<20000xf32, #tpu.memory_space<vmem>>, vector<16xf32>,
        %get3A_1364 = vector.shape_cast %get3A_1363 : vector<16xf32> to vector<16xf32>
        %bitcast_convert_type3A_1365 = tpu.bitcast %get3A_1364 : vector<16xf32> -> vector<16xi32>
        %ge3A_1366 = arith.cmpi sge, %bitcast_convert_type3A_1365, %or3A_125 : vector<16xi32>
        %select_n3A_1367 = arith.select %ge3A_1366, %broadcast_in_dim3A_13, %broadcast_in_dim3A_9 : vector<16xi1>, vector<16xi32>
        %add3A_1368 = arith.addi %add3A_1332, %select_n3A_1367 : vector<16xi32>
        scf.yield %add3A_1359, %add3A_1368, %add3A_1341, %add3A_1350 : vector<16xi32>, vector<16xi32>, vector<16xi32>, vector<16xi32>
      }
      %scan3A_131 = arith.constant 125 : i32
      %add3A_132 = arith.addi %scan3A_130#0, %scan3A_130#1 : vector<16xi32>
      %add3A_133 = arith.addi %scan3A_130#2, %scan3A_130#3 : vector<16xi32>
      %add3A_134 = arith.addi %add3A_132, %add3A_133 : vector<16xi32>
      %iota3A_135 = tpu.iota {dimensions = array<i32: 0>} : vector<16xi32>
      %add3A_136 = arith.constant 1 : i32
      %add3A_137 = vector.broadcast %add3A_136 : i32 to vector<16xi32>
      %add3A_138 = arith.addi %iota3A_135, %add3A_137 : vector<16xi32>
      %and3A_139 = arith.constant 15 : i32
      %and3A_140 = vector.broadcast %and3A_139 : i32 to vector<16xi32>
      %and3A_141 = arith.andi %add3A_138, %and3A_140 : vector<16xi32>
      %broadcast_in_dim3A_142 = vector.shape_cast %and3A_141 : vector<16xi32> to vector<16x1xi32>
      %gather3A_143 = vector.shape_cast %broadcast_in_dim3A_142 : vector<16x1xi32> to vector<16xi32>
      %gather3A_144 = tpu.dynamic_gather %add3A_134[%gather3A_143] in [0] : vector<16xi32>, vector<16xi32> -> vector<16xi32>
      %add3A_145 = arith.addi %add3A_134, %gather3A_144 : vector<16xi32>
      %iota3A_146 = tpu.iota {dimensions = array<i32: 0>} : vector<16xi32>
      %add3A_147 = arith.constant 2 : i32
      %add3A_148 = vector.broadcast %add3A_147 : i32 to vector<16xi32>
      %add3A_149 = arith.addi %iota3A_146, %add3A_148 : vector<16xi32>
      %and3A_150 = arith.constant 15 : i32
      %and3A_151 = vector.broadcast %and3A_150 : i32 to vector<16xi32>
      %and3A_152 = arith.andi %add3A_149, %and3A_151 : vector<16xi32>
      %broadcast_in_dim3A_153 = vector.shape_cast %and3A_152 : vector<16xi32> to vector<16x1xi32>
      %gather3A_154 = vector.shape_cast %broadcast_in_dim3A_153 : vector<16x1xi32> to vector<16xi32>
      %gather3A_155 = tpu.dynamic_gather %add3A_145[%gather3A_154] in [0] : vector<16xi32>, vector<16xi32> -> vector<16xi32>
      %add3A_156 = arith.addi %add3A_145, %gather3A_155 : vector<16xi32>
      %iota3A_157 = tpu.iota {dimensions = array<i32: 0>} : vector<16xi32>
      %add3A_158 = arith.constant 4 : i32
      %add3A_159 = vector.broadcast %add3A_158 : i32 to vector<16xi32>
      %add3A_160 = arith.addi %iota3A_157, %add3A_159 : vector<16xi32>
      %and3A_161 = arith.constant 15 : i32
      %and3A_162 = vector.broadcast %and3A_161 : i32 to vector<16xi32>
      %and3A_163 = arith.andi %add3A_160, %and3A_162 : vector<16xi32>
      %broadcast_in_dim3A_164 = vector.shape_cast %and3A_163 : vector<16xi32> to vector<16x1xi32>
      %gather3A_165 = vector.shape_cast %broadcast_in_dim3A_164 : vector<16x1xi32> to vector<16xi32>
      %gather3A_166 = tpu.dynamic_gather %add3A_156[%gather3A_165] in [0] : vector<16xi32>, vector<16xi32> -> vector<16xi32>
      %add3A_167 = arith.addi %add3A_156, %gather3A_166 : vector<16xi32>
      %iota3A_168 = tpu.iota {dimensions = array<i32: 0>} : vector<16xi32>
      %add3A_169 = arith.constant 8 : i32
      %add3A_170 = vector.broadcast %add3A_169 : i32 to vector<16xi32>
      %add3A_171 = arith.addi %iota3A_168, %add3A_170 : vector<16xi32>
      %and3A_172 = arith.constant 15 : i32
      %and3A_173 = vector.broadcast %and3A_172 : i32 to vector<16xi32>
      %and3A_174 = arith.andi %add3A_171, %and3A_173 : vector<16xi32>
      %broadcast_in_dim3A_175 = vector.shape_cast %and3A_174 : vector<16xi32> to vector<16x1xi32>
      %gather3A_176 = vector.shape_cast %broadcast_in_dim3A_175 : vector<16x1xi32> to vector<16xi32>
      %gather3A_177 = tpu.dynamic_gather %add3A_167[%gather3A_176] in [0] : vector<16xi32>, vector<16xi32> -> vector<16xi32>
      %add3A_178 = arith.addi %add3A_167, %gather3A_177 : vector<16xi32>
      %ge3A_179 = arith.cmpi sge, %add3A_178, %get3A_8 : vector<16xi32>
      %select_n3A_180 = arith.select %ge3A_179, %or3A_125, %select_n3A_122 : vector<16xi1>, vector<16xi32>
      %broadcast_in_dim3A_181 = arith.constant 134217728 : i32
      %broadcast_in_dim3A_182 = vector.broadcast %broadcast_in_dim3A_181 : i32 to vector<16xi32>
      %or3A_183 = arith.ori %select_n3A_180, %broadcast_in_dim3A_182 : vector<16xi32>
      %scan3A_184 = arith.constant 0 : i32
      %scan3A_185 = arith.constant 125 : i32
      %scan3A_186 = arith.addi %scan3A_184, %scan3A_185 : i32
      %scan3A_187 = arith.constant 1 : i32
      %scan3A_188:4 = scf.for %scan3A_1272 = %scan3A_184 to %scan3A_186 step %scan3A_187 iter_args(%scan3A_1273 = %broadcast_in_dim3A_9, %scan3A_1274 = %broadcast_in_dim3A_9, %scan3A_1275 = %broadcast_in_dim3A_9, %scan3A_1276 = %broadcast_in_dim3A_9) -> (vector<16xi32>, vector<16xi32>, vector<16xi32>, vector<16xi32>)  : i32 {
        %mul3A_1277 = arith.constant 160 : i32
        %mul3A_1278 = arith.muli %scan3A_1272, %mul3A_1277 : i32
        %add3A_1279 = arith.constant 0 : i32
        %add3A_1280 = arith.addi %mul3A_1278, %add3A_1279 : i32
        %get3A_1281 = arith.index_cast %add3A_1280 : i32 to index
        %get3A_1282 = tpu.vector_load %arg5[%get3A_1281] {strides = array<i32>} : memref<20000xf32, #tpu.memory_space<vmem>>, vector<16xf32>,
        %get3A_1283 = vector.shape_cast %get3A_1282 : vector<16xf32> to vector<16xf32>
        %bitcast_convert_type3A_1284 = tpu.bitcast %get3A_1283 : vector<16xf32> -> vector<16xi32>
        %ge3A_1285 = arith.cmpi sge, %bitcast_convert_type3A_1284, %or3A_183 : vector<16xi32>
        %select_n3A_1286 = arith.select %ge3A_1285, %broadcast_in_dim3A_13, %broadcast_in_dim3A_9 : vector<16xi1>, vector<16xi32>
        %add3A_1287 = arith.addi %scan3A_1273, %select_n3A_1286 : vector<16xi32>
        %add3A_1288 = arith.constant 16 : i32
        %add3A_1289 = arith.addi %mul3A_1278, %add3A_1288 : i32
        %get3A_1290 = arith.index_cast %add3A_1289 : i32 to index
        %get3A_1291 = tpu.vector_load %arg5[%get3A_1290] {strides = array<i32>} : memref<20000xf32, #tpu.memory_space<vmem>>, vector<16xf32>,
        %get3A_1292 = vector.shape_cast %get3A_1291 : vector<16xf32> to vector<16xf32>
        %bitcast_convert_type3A_1293 = tpu.bitcast %get3A_1292 : vector<16xf32> -> vector<16xi32>
        %ge3A_1294 = arith.cmpi sge, %bitcast_convert_type3A_1293, %or3A_183 : vector<16xi32>
        %select_n3A_1295 = arith.select %ge3A_1294, %broadcast_in_dim3A_13, %broadcast_in_dim3A_9 : vector<16xi1>, vector<16xi32>
        %add3A_1296 = arith.addi %scan3A_1274, %select_n3A_1295 : vector<16xi32>
        %add3A_1297 = arith.constant 32 : i32
        %add3A_1298 = arith.addi %mul3A_1278, %add3A_1297 : i32
        %get3A_1299 = arith.index_cast %add3A_1298 : i32 to index
        %get3A_1300 = tpu.vector_load %arg5[%get3A_1299] {strides = array<i32>} : memref<20000xf32, #tpu.memory_space<vmem>>, vector<16xf32>,
        %get3A_1301 = vector.shape_cast %get3A_1300 : vector<16xf32> to vector<16xf32>
        %bitcast_convert_type3A_1302 = tpu.bitcast %get3A_1301 : vector<16xf32> -> vector<16xi32>
        %ge3A_1303 = arith.cmpi sge, %bitcast_convert_type3A_1302, %or3A_183 : vector<16xi32>
        %select_n3A_1304 = arith.select %ge3A_1303, %broadcast_in_dim3A_13, %broadcast_in_dim3A_9 : vector<16xi1>, vector<16xi32>
        %add3A_1305 = arith.addi %scan3A_1275, %select_n3A_1304 : vector<16xi32>
        %add3A_1306 = arith.constant 48 : i32
        %add3A_1307 = arith.addi %mul3A_1278, %add3A_1306 : i32
        %get3A_1308 = arith.index_cast %add3A_1307 : i32 to index
        %get3A_1309 = tpu.vector_load %arg5[%get3A_1308] {strides = array<i32>} : memref<20000xf32, #tpu.memory_space<vmem>>, vector<16xf32>,
        %get3A_1310 = vector.shape_cast %get3A_1309 : vector<16xf32> to vector<16xf32>
        %bitcast_convert_type3A_1311 = tpu.bitcast %get3A_1310 : vector<16xf32> -> vector<16xi32>
        %ge3A_1312 = arith.cmpi sge, %bitcast_convert_type3A_1311, %or3A_183 : vector<16xi32>
        %select_n3A_1313 = arith.select %ge3A_1312, %broadcast_in_dim3A_13, %broadcast_in_dim3A_9 : vector<16xi1>, vector<16xi32>
        %add3A_1314 = arith.addi %scan3A_1276, %select_n3A_1313 : vector<16xi32>
        %add3A_1315 = arith.constant 64 : i32
        %add3A_1316 = arith.addi %mul3A_1278, %add3A_1315 : i32
        %get3A_1317 = arith.index_cast %add3A_1316 : i32 to index
        %get3A_1318 = tpu.vector_load %arg5[%get3A_1317] {strides = array<i32>} : memref<20000xf32, #tpu.memory_space<vmem>>, vector<16xf32>,
        %get3A_1319 = vector.shape_cast %get3A_1318 : vector<16xf32> to vector<16xf32>
        %bitcast_convert_type3A_1320 = tpu.bitcast %get3A_1319 : vector<16xf32> -> vector<16xi32>
        %ge3A_1321 = arith.cmpi sge, %bitcast_convert_type3A_1320, %or3A_183 : vector<16xi32>
        %select_n3A_1322 = arith.select %ge3A_1321, %broadcast_in_dim3A_13, %broadcast_in_dim3A_9 : vector<16xi1>, vector<16xi32>
        %add3A_1323 = arith.addi %add3A_1287, %select_n3A_1322 : vector<16xi32>
        %add3A_1324 = arith.constant 80 : i32
        %add3A_1325 = arith.addi %mul3A_1278, %add3A_1324 : i32
        %get3A_1326 = arith.index_cast %add3A_1325 : i32 to index
        %get3A_1327 = tpu.vector_load %arg5[%get3A_1326] {strides = array<i32>} : memref<20000xf32, #tpu.memory_space<vmem>>, vector<16xf32>,
        %get3A_1328 = vector.shape_cast %get3A_1327 : vector<16xf32> to vector<16xf32>
        %bitcast_convert_type3A_1329 = tpu.bitcast %get3A_1328 : vector<16xf32> -> vector<16xi32>
        %ge3A_1330 = arith.cmpi sge, %bitcast_convert_type3A_1329, %or3A_183 : vector<16xi32>
        %select_n3A_1331 = arith.select %ge3A_1330, %broadcast_in_dim3A_13, %broadcast_in_dim3A_9 : vector<16xi1>, vector<16xi32>
        %add3A_1332 = arith.addi %add3A_1296, %select_n3A_1331 : vector<16xi32>
        %add3A_1333 = arith.constant 96 : i32
        %add3A_1334 = arith.addi %mul3A_1278, %add3A_1333 : i32
        %get3A_1335 = arith.index_cast %add3A_1334 : i32 to index
        %get3A_1336 = tpu.vector_load %arg5[%get3A_1335] {strides = array<i32>} : memref<20000xf32, #tpu.memory_space<vmem>>, vector<16xf32>,
        %get3A_1337 = vector.shape_cast %get3A_1336 : vector<16xf32> to vector<16xf32>
        %bitcast_convert_type3A_1338 = tpu.bitcast %get3A_1337 : vector<16xf32> -> vector<16xi32>
        %ge3A_1339 = arith.cmpi sge, %bitcast_convert_type3A_1338, %or3A_183 : vector<16xi32>
        %select_n3A_1340 = arith.select %ge3A_1339, %broadcast_in_dim3A_13, %broadcast_in_dim3A_9 : vector<16xi1>, vector<16xi32>
        %add3A_1341 = arith.addi %add3A_1305, %select_n3A_1340 : vector<16xi32>
        %add3A_1342 = arith.constant 112 : i32
        %add3A_1343 = arith.addi %mul3A_1278, %add3A_1342 : i32
        %get3A_1344 = arith.index_cast %add3A_1343 : i32 to index
        %get3A_1345 = tpu.vector_load %arg5[%get3A_1344] {strides = array<i32>} : memref<20000xf32, #tpu.memory_space<vmem>>, vector<16xf32>,
        %get3A_1346 = vector.shape_cast %get3A_1345 : vector<16xf32> to vector<16xf32>
        %bitcast_convert_type3A_1347 = tpu.bitcast %get3A_1346 : vector<16xf32> -> vector<16xi32>
        %ge3A_1348 = arith.cmpi sge, %bitcast_convert_type3A_1347, %or3A_183 : vector<16xi32>
        %select_n3A_1349 = arith.select %ge3A_1348, %broadcast_in_dim3A_13, %broadcast_in_dim3A_9 : vector<16xi1>, vector<16xi32>
        %add3A_1350 = arith.addi %add3A_1314, %select_n3A_1349 : vector<16xi32>
        %add3A_1351 = arith.constant 128 : i32
        %add3A_1352 = arith.addi %mul3A_1278, %add3A_1351 : i32
        %get3A_1353 = arith.index_cast %add3A_1352 : i32 to index
        %get3A_1354 = tpu.vector_load %arg5[%get3A_1353] {strides = array<i32>} : memref<20000xf32, #tpu.memory_space<vmem>>, vector<16xf32>,
        %get3A_1355 = vector.shape_cast %get3A_1354 : vector<16xf32> to vector<16xf32>
        %bitcast_convert_type3A_1356 = tpu.bitcast %get3A_1355 : vector<16xf32> -> vector<16xi32>
        %ge3A_1357 = arith.cmpi sge, %bitcast_convert_type3A_1356, %or3A_183 : vector<16xi32>
        %select_n3A_1358 = arith.select %ge3A_1357, %broadcast_in_dim3A_13, %broadcast_in_dim3A_9 : vector<16xi1>, vector<16xi32>
        %add3A_1359 = arith.addi %add3A_1323, %select_n3A_1358 : vector<16xi32>
        %add3A_1360 = arith.constant 144 : i32
        %add3A_1361 = arith.addi %mul3A_1278, %add3A_1360 : i32
        %get3A_1362 = arith.index_cast %add3A_1361 : i32 to index
        %get3A_1363 = tpu.vector_load %arg5[%get3A_1362] {strides = array<i32>} : memref<20000xf32, #tpu.memory_space<vmem>>, vector<16xf32>,
        %get3A_1364 = vector.shape_cast %get3A_1363 : vector<16xf32> to vector<16xf32>
        %bitcast_convert_type3A_1365 = tpu.bitcast %get3A_1364 : vector<16xf32> -> vector<16xi32>
        %ge3A_1366 = arith.cmpi sge, %bitcast_convert_type3A_1365, %or3A_183 : vector<16xi32>
        %select_n3A_1367 = arith.select %ge3A_1366, %broadcast_in_dim3A_13, %broadcast_in_dim3A_9 : vector<16xi1>, vector<16xi32>
        %add3A_1368 = arith.addi %add3A_1332, %select_n3A_1367 : vector<16xi32>
        scf.yield %add3A_1359, %add3A_1368, %add3A_1341, %add3A_1350 : vector<16xi32>, vector<16xi32>, vector<16xi32>, vector<16xi32>
      }
      %scan3A_189 = arith.constant 125 : i32
      %add3A_190 = arith.addi %scan3A_188#0, %scan3A_188#1 : vector<16xi32>
      %add3A_191 = arith.addi %scan3A_188#2, %scan3A_188#3 : vector<16xi32>
      %add3A_192 = arith.addi %add3A_190, %add3A_191 : vector<16xi32>
      %iota3A_193 = tpu.iota {dimensions = array<i32: 0>} : vector<16xi32>
      %add3A_194 = arith.constant 1 : i32
      %add3A_195 = vector.broadcast %add3A_194 : i32 to vector<16xi32>
      %add3A_196 = arith.addi %iota3A_193, %add3A_195 : vector<16xi32>
      %and3A_197 = arith.constant 15 : i32
      %and3A_198 = vector.broadcast %and3A_197 : i32 to vector<16xi32>
      %and3A_199 = arith.andi %add3A_196, %and3A_198 : vector<16xi32>
      %broadcast_in_dim3A_200 = vector.shape_cast %and3A_199 : vector<16xi32> to vector<16x1xi32>
      %gather3A_201 = vector.shape_cast %broadcast_in_dim3A_200 : vector<16x1xi32> to vector<16xi32>
      %gather3A_202 = tpu.dynamic_gather %add3A_192[%gather3A_201] in [0] : vector<16xi32>, vector<16xi32> -> vector<16xi32>
      %add3A_203 = arith.addi %add3A_192, %gather3A_202 : vector<16xi32>
      %iota3A_204 = tpu.iota {dimensions = array<i32: 0>} : vector<16xi32>
      %add3A_205 = arith.constant 2 : i32
      %add3A_206 = vector.broadcast %add3A_205 : i32 to vector<16xi32>
      %add3A_207 = arith.addi %iota3A_204, %add3A_206 : vector<16xi32>
      %and3A_208 = arith.constant 15 : i32
      %and3A_209 = vector.broadcast %and3A_208 : i32 to vector<16xi32>
      %and3A_210 = arith.andi %add3A_207, %and3A_209 : vector<16xi32>
      %broadcast_in_dim3A_211 = vector.shape_cast %and3A_210 : vector<16xi32> to vector<16x1xi32>
      %gather3A_212 = vector.shape_cast %broadcast_in_dim3A_211 : vector<16x1xi32> to vector<16xi32>
      %gather3A_213 = tpu.dynamic_gather %add3A_203[%gather3A_212] in [0] : vector<16xi32>, vector<16xi32> -> vector<16xi32>
      %add3A_214 = arith.addi %add3A_203, %gather3A_213 : vector<16xi32>
      %iota3A_215 = tpu.iota {dimensions = array<i32: 0>} : vector<16xi32>
      %add3A_216 = arith.constant 4 : i32
      %add3A_217 = vector.broadcast %add3A_216 : i32 to vector<16xi32>
      %add3A_218 = arith.addi %iota3A_215, %add3A_217 : vector<16xi32>
      %and3A_219 = arith.constant 15 : i32
      %and3A_220 = vector.broadcast %and3A_219 : i32 to vector<16xi32>
      %and3A_221 = arith.andi %add3A_218, %and3A_220 : vector<16xi32>
      %broadcast_in_dim3A_222 = vector.shape_cast %and3A_221 : vector<16xi32> to vector<16x1xi32>
      %gather3A_223 = vector.shape_cast %broadcast_in_dim3A_222 : vector<16x1xi32> to vector<16xi32>
      %gather3A_224 = tpu.dynamic_gather %add3A_214[%gather3A_223] in [0] : vector<16xi32>, vector<16xi32> -> vector<16xi32>
      %add3A_225 = arith.addi %add3A_214, %gather3A_224 : vector<16xi32>
      %iota3A_226 = tpu.iota {dimensions = array<i32: 0>} : vector<16xi32>
      %add3A_227 = arith.constant 8 : i32
      %add3A_228 = vector.broadcast %add3A_227 : i32 to vector<16xi32>
      %add3A_229 = arith.addi %iota3A_226, %add3A_228 : vector<16xi32>
      %and3A_230 = arith.constant 15 : i32
      %and3A_231 = vector.broadcast %and3A_230 : i32 to vector<16xi32>
      %and3A_232 = arith.andi %add3A_229, %and3A_231 : vector<16xi32>
      %broadcast_in_dim3A_233 = vector.shape_cast %and3A_232 : vector<16xi32> to vector<16x1xi32>
      %gather3A_234 = vector.shape_cast %broadcast_in_dim3A_233 : vector<16x1xi32> to vector<16xi32>
      %gather3A_235 = tpu.dynamic_gather %add3A_225[%gather3A_234] in [0] : vector<16xi32>, vector<16xi32> -> vector<16xi32>
      %add3A_236 = arith.addi %add3A_225, %gather3A_235 : vector<16xi32>
      %ge3A_237 = arith.cmpi sge, %add3A_236, %get3A_8 : vector<16xi32>
      %select_n3A_238 = arith.select %ge3A_237, %or3A_183, %select_n3A_180 : vector<16xi1>, vector<16xi32>
      %broadcast_in_dim3A_239 = arith.constant 67108864 : i32
      %broadcast_in_dim3A_240 = vector.broadcast %broadcast_in_dim3A_239 : i32 to vector<16xi32>
      %or3A_241 = arith.ori %select_n3A_238, %broadcast_in_dim3A_240 : vector<16xi32>
      %scan3A_242 = arith.constant 0 : i32
      %scan3A_243 = arith.constant 125 : i32
      %scan3A_244 = arith.addi %scan3A_242, %scan3A_243 : i32
      %scan3A_245 = arith.constant 1 : i32
      %scan3A_246:4 = scf.for %scan3A_1272 = %scan3A_242 to %scan3A_244 step %scan3A_245 iter_args(%scan3A_1273 = %broadcast_in_dim3A_9, %scan3A_1274 = %broadcast_in_dim3A_9, %scan3A_1275 = %broadcast_in_dim3A_9, %scan3A_1276 = %broadcast_in_dim3A_9) -> (vector<16xi32>, vector<16xi32>, vector<16xi32>, vector<16xi32>)  : i32 {
        %mul3A_1277 = arith.constant 160 : i32
        %mul3A_1278 = arith.muli %scan3A_1272, %mul3A_1277 : i32
        %add3A_1279 = arith.constant 0 : i32
        %add3A_1280 = arith.addi %mul3A_1278, %add3A_1279 : i32
        %get3A_1281 = arith.index_cast %add3A_1280 : i32 to index
        %get3A_1282 = tpu.vector_load %arg5[%get3A_1281] {strides = array<i32>} : memref<20000xf32, #tpu.memory_space<vmem>>, vector<16xf32>,
        %get3A_1283 = vector.shape_cast %get3A_1282 : vector<16xf32> to vector<16xf32>
        %bitcast_convert_type3A_1284 = tpu.bitcast %get3A_1283 : vector<16xf32> -> vector<16xi32>
        %ge3A_1285 = arith.cmpi sge, %bitcast_convert_type3A_1284, %or3A_241 : vector<16xi32>
        %select_n3A_1286 = arith.select %ge3A_1285, %broadcast_in_dim3A_13, %broadcast_in_dim3A_9 : vector<16xi1>, vector<16xi32>
        %add3A_1287 = arith.addi %scan3A_1273, %select_n3A_1286 : vector<16xi32>
        %add3A_1288 = arith.constant 16 : i32
        %add3A_1289 = arith.addi %mul3A_1278, %add3A_1288 : i32
        %get3A_1290 = arith.index_cast %add3A_1289 : i32 to index
        %get3A_1291 = tpu.vector_load %arg5[%get3A_1290] {strides = array<i32>} : memref<20000xf32, #tpu.memory_space<vmem>>, vector<16xf32>,
        %get3A_1292 = vector.shape_cast %get3A_1291 : vector<16xf32> to vector<16xf32>
        %bitcast_convert_type3A_1293 = tpu.bitcast %get3A_1292 : vector<16xf32> -> vector<16xi32>
        %ge3A_1294 = arith.cmpi sge, %bitcast_convert_type3A_1293, %or3A_241 : vector<16xi32>
        %select_n3A_1295 = arith.select %ge3A_1294, %broadcast_in_dim3A_13, %broadcast_in_dim3A_9 : vector<16xi1>, vector<16xi32>
        %add3A_1296 = arith.addi %scan3A_1274, %select_n3A_1295 : vector<16xi32>
        %add3A_1297 = arith.constant 32 : i32
        %add3A_1298 = arith.addi %mul3A_1278, %add3A_1297 : i32
        %get3A_1299 = arith.index_cast %add3A_1298 : i32 to index
        %get3A_1300 = tpu.vector_load %arg5[%get3A_1299] {strides = array<i32>} : memref<20000xf32, #tpu.memory_space<vmem>>, vector<16xf32>,
        %get3A_1301 = vector.shape_cast %get3A_1300 : vector<16xf32> to vector<16xf32>
        %bitcast_convert_type3A_1302 = tpu.bitcast %get3A_1301 : vector<16xf32> -> vector<16xi32>
        %ge3A_1303 = arith.cmpi sge, %bitcast_convert_type3A_1302, %or3A_241 : vector<16xi32>
        %select_n3A_1304 = arith.select %ge3A_1303, %broadcast_in_dim3A_13, %broadcast_in_dim3A_9 : vector<16xi1>, vector<16xi32>
        %add3A_1305 = arith.addi %scan3A_1275, %select_n3A_1304 : vector<16xi32>
        %add3A_1306 = arith.constant 48 : i32
        %add3A_1307 = arith.addi %mul3A_1278, %add3A_1306 : i32
        %get3A_1308 = arith.index_cast %add3A_1307 : i32 to index
        %get3A_1309 = tpu.vector_load %arg5[%get3A_1308] {strides = array<i32>} : memref<20000xf32, #tpu.memory_space<vmem>>, vector<16xf32>,
        %get3A_1310 = vector.shape_cast %get3A_1309 : vector<16xf32> to vector<16xf32>
        %bitcast_convert_type3A_1311 = tpu.bitcast %get3A_1310 : vector<16xf32> -> vector<16xi32>
        %ge3A_1312 = arith.cmpi sge, %bitcast_convert_type3A_1311, %or3A_241 : vector<16xi32>
        %select_n3A_1313 = arith.select %ge3A_1312, %broadcast_in_dim3A_13, %broadcast_in_dim3A_9 : vector<16xi1>, vector<16xi32>
        %add3A_1314 = arith.addi %scan3A_1276, %select_n3A_1313 : vector<16xi32>
        %add3A_1315 = arith.constant 64 : i32
        %add3A_1316 = arith.addi %mul3A_1278, %add3A_1315 : i32
        %get3A_1317 = arith.index_cast %add3A_1316 : i32 to index
        %get3A_1318 = tpu.vector_load %arg5[%get3A_1317] {strides = array<i32>} : memref<20000xf32, #tpu.memory_space<vmem>>, vector<16xf32>,
        %get3A_1319 = vector.shape_cast %get3A_1318 : vector<16xf32> to vector<16xf32>
        %bitcast_convert_type3A_1320 = tpu.bitcast %get3A_1319 : vector<16xf32> -> vector<16xi32>
        %ge3A_1321 = arith.cmpi sge, %bitcast_convert_type3A_1320, %or3A_241 : vector<16xi32>
        %select_n3A_1322 = arith.select %ge3A_1321, %broadcast_in_dim3A_13, %broadcast_in_dim3A_9 : vector<16xi1>, vector<16xi32>
        %add3A_1323 = arith.addi %add3A_1287, %select_n3A_1322 : vector<16xi32>
        %add3A_1324 = arith.constant 80 : i32
        %add3A_1325 = arith.addi %mul3A_1278, %add3A_1324 : i32
        %get3A_1326 = arith.index_cast %add3A_1325 : i32 to index
        %get3A_1327 = tpu.vector_load %arg5[%get3A_1326] {strides = array<i32>} : memref<20000xf32, #tpu.memory_space<vmem>>, vector<16xf32>,
        %get3A_1328 = vector.shape_cast %get3A_1327 : vector<16xf32> to vector<16xf32>
        %bitcast_convert_type3A_1329 = tpu.bitcast %get3A_1328 : vector<16xf32> -> vector<16xi32>
        %ge3A_1330 = arith.cmpi sge, %bitcast_convert_type3A_1329, %or3A_241 : vector<16xi32>
        %select_n3A_1331 = arith.select %ge3A_1330, %broadcast_in_dim3A_13, %broadcast_in_dim3A_9 : vector<16xi1>, vector<16xi32>
        %add3A_1332 = arith.addi %add3A_1296, %select_n3A_1331 : vector<16xi32>
        %add3A_1333 = arith.constant 96 : i32
        %add3A_1334 = arith.addi %mul3A_1278, %add3A_1333 : i32
        %get3A_1335 = arith.index_cast %add3A_1334 : i32 to index
        %get3A_1336 = tpu.vector_load %arg5[%get3A_1335] {strides = array<i32>} : memref<20000xf32, #tpu.memory_space<vmem>>, vector<16xf32>,
        %get3A_1337 = vector.shape_cast %get3A_1336 : vector<16xf32> to vector<16xf32>
        %bitcast_convert_type3A_1338 = tpu.bitcast %get3A_1337 : vector<16xf32> -> vector<16xi32>
        %ge3A_1339 = arith.cmpi sge, %bitcast_convert_type3A_1338, %or3A_241 : vector<16xi32>
        %select_n3A_1340 = arith.select %ge3A_1339, %broadcast_in_dim3A_13, %broadcast_in_dim3A_9 : vector<16xi1>, vector<16xi32>
        %add3A_1341 = arith.addi %add3A_1305, %select_n3A_1340 : vector<16xi32>
        %add3A_1342 = arith.constant 112 : i32
        %add3A_1343 = arith.addi %mul3A_1278, %add3A_1342 : i32
        %get3A_1344 = arith.index_cast %add3A_1343 : i32 to index
        %get3A_1345 = tpu.vector_load %arg5[%get3A_1344] {strides = array<i32>} : memref<20000xf32, #tpu.memory_space<vmem>>, vector<16xf32>,
        %get3A_1346 = vector.shape_cast %get3A_1345 : vector<16xf32> to vector<16xf32>
        %bitcast_convert_type3A_1347 = tpu.bitcast %get3A_1346 : vector<16xf32> -> vector<16xi32>
        %ge3A_1348 = arith.cmpi sge, %bitcast_convert_type3A_1347, %or3A_241 : vector<16xi32>
        %select_n3A_1349 = arith.select %ge3A_1348, %broadcast_in_dim3A_13, %broadcast_in_dim3A_9 : vector<16xi1>, vector<16xi32>
        %add3A_1350 = arith.addi %add3A_1314, %select_n3A_1349 : vector<16xi32>
        %add3A_1351 = arith.constant 128 : i32
        %add3A_1352 = arith.addi %mul3A_1278, %add3A_1351 : i32
        %get3A_1353 = arith.index_cast %add3A_1352 : i32 to index
        %get3A_1354 = tpu.vector_load %arg5[%get3A_1353] {strides = array<i32>} : memref<20000xf32, #tpu.memory_space<vmem>>, vector<16xf32>,
        %get3A_1355 = vector.shape_cast %get3A_1354 : vector<16xf32> to vector<16xf32>
        %bitcast_convert_type3A_1356 = tpu.bitcast %get3A_1355 : vector<16xf32> -> vector<16xi32>
        %ge3A_1357 = arith.cmpi sge, %bitcast_convert_type3A_1356, %or3A_241 : vector<16xi32>
        %select_n3A_1358 = arith.select %ge3A_1357, %broadcast_in_dim3A_13, %broadcast_in_dim3A_9 : vector<16xi1>, vector<16xi32>
        %add3A_1359 = arith.addi %add3A_1323, %select_n3A_1358 : vector<16xi32>
        %add3A_1360 = arith.constant 144 : i32
        %add3A_1361 = arith.addi %mul3A_1278, %add3A_1360 : i32
        %get3A_1362 = arith.index_cast %add3A_1361 : i32 to index
        %get3A_1363 = tpu.vector_load %arg5[%get3A_1362] {strides = array<i32>} : memref<20000xf32, #tpu.memory_space<vmem>>, vector<16xf32>,
        %get3A_1364 = vector.shape_cast %get3A_1363 : vector<16xf32> to vector<16xf32>
        %bitcast_convert_type3A_1365 = tpu.bitcast %get3A_1364 : vector<16xf32> -> vector<16xi32>
        %ge3A_1366 = arith.cmpi sge, %bitcast_convert_type3A_1365, %or3A_241 : vector<16xi32>
        %select_n3A_1367 = arith.select %ge3A_1366, %broadcast_in_dim3A_13, %broadcast_in_dim3A_9 : vector<16xi1>, vector<16xi32>
        %add3A_1368 = arith.addi %add3A_1332, %select_n3A_1367 : vector<16xi32>
        scf.yield %add3A_1359, %add3A_1368, %add3A_1341, %add3A_1350 : vector<16xi32>, vector<16xi32>, vector<16xi32>, vector<16xi32>
      }
      %scan3A_247 = arith.constant 125 : i32
      %add3A_248 = arith.addi %scan3A_246#0, %scan3A_246#1 : vector<16xi32>
      %add3A_249 = arith.addi %scan3A_246#2, %scan3A_246#3 : vector<16xi32>
      %add3A_250 = arith.addi %add3A_248, %add3A_249 : vector<16xi32>
      %iota3A_251 = tpu.iota {dimensions = array<i32: 0>} : vector<16xi32>
      %add3A_252 = arith.constant 1 : i32
      %add3A_253 = vector.broadcast %add3A_252 : i32 to vector<16xi32>
      %add3A_254 = arith.addi %iota3A_251, %add3A_253 : vector<16xi32>
      %and3A_255 = arith.constant 15 : i32
      %and3A_256 = vector.broadcast %and3A_255 : i32 to vector<16xi32>
      %and3A_257 = arith.andi %add3A_254, %and3A_256 : vector<16xi32>
      %broadcast_in_dim3A_258 = vector.shape_cast %and3A_257 : vector<16xi32> to vector<16x1xi32>
      %gather3A_259 = vector.shape_cast %broadcast_in_dim3A_258 : vector<16x1xi32> to vector<16xi32>
      %gather3A_260 = tpu.dynamic_gather %add3A_250[%gather3A_259] in [0] : vector<16xi32>, vector<16xi32> -> vector<16xi32>
      %add3A_261 = arith.addi %add3A_250, %gather3A_260 : vector<16xi32>
      %iota3A_262 = tpu.iota {dimensions = array<i32: 0>} : vector<16xi32>
      %add3A_263 = arith.constant 2 : i32
      %add3A_264 = vector.broadcast %add3A_263 : i32 to vector<16xi32>
      %add3A_265 = arith.addi %iota3A_262, %add3A_264 : vector<16xi32>
      %and3A_266 = arith.constant 15 : i32
      %and3A_267 = vector.broadcast %and3A_266 : i32 to vector<16xi32>
      %and3A_268 = arith.andi %add3A_265, %and3A_267 : vector<16xi32>
      %broadcast_in_dim3A_269 = vector.shape_cast %and3A_268 : vector<16xi32> to vector<16x1xi32>
      %gather3A_270 = vector.shape_cast %broadcast_in_dim3A_269 : vector<16x1xi32> to vector<16xi32>
      %gather3A_271 = tpu.dynamic_gather %add3A_261[%gather3A_270] in [0] : vector<16xi32>, vector<16xi32> -> vector<16xi32>
      %add3A_272 = arith.addi %add3A_261, %gather3A_271 : vector<16xi32>
      %iota3A_273 = tpu.iota {dimensions = array<i32: 0>} : vector<16xi32>
      %add3A_274 = arith.constant 4 : i32
      %add3A_275 = vector.broadcast %add3A_274 : i32 to vector<16xi32>
      %add3A_276 = arith.addi %iota3A_273, %add3A_275 : vector<16xi32>
      %and3A_277 = arith.constant 15 : i32
      %and3A_278 = vector.broadcast %and3A_277 : i32 to vector<16xi32>
      %and3A_279 = arith.andi %add3A_276, %and3A_278 : vector<16xi32>
      %broadcast_in_dim3A_280 = vector.shape_cast %and3A_279 : vector<16xi32> to vector<16x1xi32>
      %gather3A_281 = vector.shape_cast %broadcast_in_dim3A_280 : vector<16x1xi32> to vector<16xi32>
      %gather3A_282 = tpu.dynamic_gather %add3A_272[%gather3A_281] in [0] : vector<16xi32>, vector<16xi32> -> vector<16xi32>
      %add3A_283 = arith.addi %add3A_272, %gather3A_282 : vector<16xi32>
      %iota3A_284 = tpu.iota {dimensions = array<i32: 0>} : vector<16xi32>
      %add3A_285 = arith.constant 8 : i32
      %add3A_286 = vector.broadcast %add3A_285 : i32 to vector<16xi32>
      %add3A_287 = arith.addi %iota3A_284, %add3A_286 : vector<16xi32>
      %and3A_288 = arith.constant 15 : i32
      %and3A_289 = vector.broadcast %and3A_288 : i32 to vector<16xi32>
      %and3A_290 = arith.andi %add3A_287, %and3A_289 : vector<16xi32>
      %broadcast_in_dim3A_291 = vector.shape_cast %and3A_290 : vector<16xi32> to vector<16x1xi32>
      %gather3A_292 = vector.shape_cast %broadcast_in_dim3A_291 : vector<16x1xi32> to vector<16xi32>
      %gather3A_293 = tpu.dynamic_gather %add3A_283[%gather3A_292] in [0] : vector<16xi32>, vector<16xi32> -> vector<16xi32>
      %add3A_294 = arith.addi %add3A_283, %gather3A_293 : vector<16xi32>
      %ge3A_295 = arith.cmpi sge, %add3A_294, %get3A_8 : vector<16xi32>
      %select_n3A_296 = arith.select %ge3A_295, %or3A_241, %select_n3A_238 : vector<16xi1>, vector<16xi32>
      %broadcast_in_dim3A_297 = arith.constant 33554432 : i32
      %broadcast_in_dim3A_298 = vector.broadcast %broadcast_in_dim3A_297 : i32 to vector<16xi32>
      %or3A_299 = arith.ori %select_n3A_296, %broadcast_in_dim3A_298 : vector<16xi32>
      %scan3A_300 = arith.constant 0 : i32
      %scan3A_301 = arith.constant 125 : i32
      %scan3A_302 = arith.addi %scan3A_300, %scan3A_301 : i32
      %scan3A_303 = arith.constant 1 : i32
      %scan3A_304:4 = scf.for %scan3A_1272 = %scan3A_300 to %scan3A_302 step %scan3A_303 iter_args(%scan3A_1273 = %broadcast_in_dim3A_9, %scan3A_1274 = %broadcast_in_dim3A_9, %scan3A_1275 = %broadcast_in_dim3A_9, %scan3A_1276 = %broadcast_in_dim3A_9) -> (vector<16xi32>, vector<16xi32>, vector<16xi32>, vector<16xi32>)  : i32 {
        %mul3A_1277 = arith.constant 160 : i32
        %mul3A_1278 = arith.muli %scan3A_1272, %mul3A_1277 : i32
        %add3A_1279 = arith.constant 0 : i32
        %add3A_1280 = arith.addi %mul3A_1278, %add3A_1279 : i32
        %get3A_1281 = arith.index_cast %add3A_1280 : i32 to index
        %get3A_1282 = tpu.vector_load %arg5[%get3A_1281] {strides = array<i32>} : memref<20000xf32, #tpu.memory_space<vmem>>, vector<16xf32>,
        %get3A_1283 = vector.shape_cast %get3A_1282 : vector<16xf32> to vector<16xf32>
        %bitcast_convert_type3A_1284 = tpu.bitcast %get3A_1283 : vector<16xf32> -> vector<16xi32>
        %ge3A_1285 = arith.cmpi sge, %bitcast_convert_type3A_1284, %or3A_299 : vector<16xi32>
        %select_n3A_1286 = arith.select %ge3A_1285, %broadcast_in_dim3A_13, %broadcast_in_dim3A_9 : vector<16xi1>, vector<16xi32>
        %add3A_1287 = arith.addi %scan3A_1273, %select_n3A_1286 : vector<16xi32>
        %add3A_1288 = arith.constant 16 : i32
        %add3A_1289 = arith.addi %mul3A_1278, %add3A_1288 : i32
        %get3A_1290 = arith.index_cast %add3A_1289 : i32 to index
        %get3A_1291 = tpu.vector_load %arg5[%get3A_1290] {strides = array<i32>} : memref<20000xf32, #tpu.memory_space<vmem>>, vector<16xf32>,
        %get3A_1292 = vector.shape_cast %get3A_1291 : vector<16xf32> to vector<16xf32>
        %bitcast_convert_type3A_1293 = tpu.bitcast %get3A_1292 : vector<16xf32> -> vector<16xi32>
        %ge3A_1294 = arith.cmpi sge, %bitcast_convert_type3A_1293, %or3A_299 : vector<16xi32>
        %select_n3A_1295 = arith.select %ge3A_1294, %broadcast_in_dim3A_13, %broadcast_in_dim3A_9 : vector<16xi1>, vector<16xi32>
        %add3A_1296 = arith.addi %scan3A_1274, %select_n3A_1295 : vector<16xi32>
        %add3A_1297 = arith.constant 32 : i32
        %add3A_1298 = arith.addi %mul3A_1278, %add3A_1297 : i32
        %get3A_1299 = arith.index_cast %add3A_1298 : i32 to index
        %get3A_1300 = tpu.vector_load %arg5[%get3A_1299] {strides = array<i32>} : memref<20000xf32, #tpu.memory_space<vmem>>, vector<16xf32>,
        %get3A_1301 = vector.shape_cast %get3A_1300 : vector<16xf32> to vector<16xf32>
        %bitcast_convert_type3A_1302 = tpu.bitcast %get3A_1301 : vector<16xf32> -> vector<16xi32>
        %ge3A_1303 = arith.cmpi sge, %bitcast_convert_type3A_1302, %or3A_299 : vector<16xi32>
        %select_n3A_1304 = arith.select %ge3A_1303, %broadcast_in_dim3A_13, %broadcast_in_dim3A_9 : vector<16xi1>, vector<16xi32>
        %add3A_1305 = arith.addi %scan3A_1275, %select_n3A_1304 : vector<16xi32>
        %add3A_1306 = arith.constant 48 : i32
        %add3A_1307 = arith.addi %mul3A_1278, %add3A_1306 : i32
        %get3A_1308 = arith.index_cast %add3A_1307 : i32 to index
        %get3A_1309 = tpu.vector_load %arg5[%get3A_1308] {strides = array<i32>} : memref<20000xf32, #tpu.memory_space<vmem>>, vector<16xf32>,
        %get3A_1310 = vector.shape_cast %get3A_1309 : vector<16xf32> to vector<16xf32>
        %bitcast_convert_type3A_1311 = tpu.bitcast %get3A_1310 : vector<16xf32> -> vector<16xi32>
        %ge3A_1312 = arith.cmpi sge, %bitcast_convert_type3A_1311, %or3A_299 : vector<16xi32>
        %select_n3A_1313 = arith.select %ge3A_1312, %broadcast_in_dim3A_13, %broadcast_in_dim3A_9 : vector<16xi1>, vector<16xi32>
        %add3A_1314 = arith.addi %scan3A_1276, %select_n3A_1313 : vector<16xi32>
        %add3A_1315 = arith.constant 64 : i32
        %add3A_1316 = arith.addi %mul3A_1278, %add3A_1315 : i32
        %get3A_1317 = arith.index_cast %add3A_1316 : i32 to index
        %get3A_1318 = tpu.vector_load %arg5[%get3A_1317] {strides = array<i32>} : memref<20000xf32, #tpu.memory_space<vmem>>, vector<16xf32>,
        %get3A_1319 = vector.shape_cast %get3A_1318 : vector<16xf32> to vector<16xf32>
        %bitcast_convert_type3A_1320 = tpu.bitcast %get3A_1319 : vector<16xf32> -> vector<16xi32>
        %ge3A_1321 = arith.cmpi sge, %bitcast_convert_type3A_1320, %or3A_299 : vector<16xi32>
        %select_n3A_1322 = arith.select %ge3A_1321, %broadcast_in_dim3A_13, %broadcast_in_dim3A_9 : vector<16xi1>, vector<16xi32>
        %add3A_1323 = arith.addi %add3A_1287, %select_n3A_1322 : vector<16xi32>
        %add3A_1324 = arith.constant 80 : i32
        %add3A_1325 = arith.addi %mul3A_1278, %add3A_1324 : i32
        %get3A_1326 = arith.index_cast %add3A_1325 : i32 to index
        %get3A_1327 = tpu.vector_load %arg5[%get3A_1326] {strides = array<i32>} : memref<20000xf32, #tpu.memory_space<vmem>>, vector<16xf32>,
        %get3A_1328 = vector.shape_cast %get3A_1327 : vector<16xf32> to vector<16xf32>
        %bitcast_convert_type3A_1329 = tpu.bitcast %get3A_1328 : vector<16xf32> -> vector<16xi32>
        %ge3A_1330 = arith.cmpi sge, %bitcast_convert_type3A_1329, %or3A_299 : vector<16xi32>
        %select_n3A_1331 = arith.select %ge3A_1330, %broadcast_in_dim3A_13, %broadcast_in_dim3A_9 : vector<16xi1>, vector<16xi32>
        %add3A_1332 = arith.addi %add3A_1296, %select_n3A_1331 : vector<16xi32>
        %add3A_1333 = arith.constant 96 : i32
        %add3A_1334 = arith.addi %mul3A_1278, %add3A_1333 : i32
        %get3A_1335 = arith.index_cast %add3A_1334 : i32 to index
        %get3A_1336 = tpu.vector_load %arg5[%get3A_1335] {strides = array<i32>} : memref<20000xf32, #tpu.memory_space<vmem>>, vector<16xf32>,
        %get3A_1337 = vector.shape_cast %get3A_1336 : vector<16xf32> to vector<16xf32>
        %bitcast_convert_type3A_1338 = tpu.bitcast %get3A_1337 : vector<16xf32> -> vector<16xi32>
        %ge3A_1339 = arith.cmpi sge, %bitcast_convert_type3A_1338, %or3A_299 : vector<16xi32>
        %select_n3A_1340 = arith.select %ge3A_1339, %broadcast_in_dim3A_13, %broadcast_in_dim3A_9 : vector<16xi1>, vector<16xi32>
        %add3A_1341 = arith.addi %add3A_1305, %select_n3A_1340 : vector<16xi32>
        %add3A_1342 = arith.constant 112 : i32
        %add3A_1343 = arith.addi %mul3A_1278, %add3A_1342 : i32
        %get3A_1344 = arith.index_cast %add3A_1343 : i32 to index
        %get3A_1345 = tpu.vector_load %arg5[%get3A_1344] {strides = array<i32>} : memref<20000xf32, #tpu.memory_space<vmem>>, vector<16xf32>,
        %get3A_1346 = vector.shape_cast %get3A_1345 : vector<16xf32> to vector<16xf32>
        %bitcast_convert_type3A_1347 = tpu.bitcast %get3A_1346 : vector<16xf32> -> vector<16xi32>
        %ge3A_1348 = arith.cmpi sge, %bitcast_convert_type3A_1347, %or3A_299 : vector<16xi32>
        %select_n3A_1349 = arith.select %ge3A_1348, %broadcast_in_dim3A_13, %broadcast_in_dim3A_9 : vector<16xi1>, vector<16xi32>
        %add3A_1350 = arith.addi %add3A_1314, %select_n3A_1349 : vector<16xi32>
        %add3A_1351 = arith.constant 128 : i32
        %add3A_1352 = arith.addi %mul3A_1278, %add3A_1351 : i32
        %get3A_1353 = arith.index_cast %add3A_1352 : i32 to index
        %get3A_1354 = tpu.vector_load %arg5[%get3A_1353] {strides = array<i32>} : memref<20000xf32, #tpu.memory_space<vmem>>, vector<16xf32>,
        %get3A_1355 = vector.shape_cast %get3A_1354 : vector<16xf32> to vector<16xf32>
        %bitcast_convert_type3A_1356 = tpu.bitcast %get3A_1355 : vector<16xf32> -> vector<16xi32>
        %ge3A_1357 = arith.cmpi sge, %bitcast_convert_type3A_1356, %or3A_299 : vector<16xi32>
        %select_n3A_1358 = arith.select %ge3A_1357, %broadcast_in_dim3A_13, %broadcast_in_dim3A_9 : vector<16xi1>, vector<16xi32>
        %add3A_1359 = arith.addi %add3A_1323, %select_n3A_1358 : vector<16xi32>
        %add3A_1360 = arith.constant 144 : i32
        %add3A_1361 = arith.addi %mul3A_1278, %add3A_1360 : i32
        %get3A_1362 = arith.index_cast %add3A_1361 : i32 to index
        %get3A_1363 = tpu.vector_load %arg5[%get3A_1362] {strides = array<i32>} : memref<20000xf32, #tpu.memory_space<vmem>>, vector<16xf32>,
        %get3A_1364 = vector.shape_cast %get3A_1363 : vector<16xf32> to vector<16xf32>
        %bitcast_convert_type3A_1365 = tpu.bitcast %get3A_1364 : vector<16xf32> -> vector<16xi32>
        %ge3A_1366 = arith.cmpi sge, %bitcast_convert_type3A_1365, %or3A_299 : vector<16xi32>
        %select_n3A_1367 = arith.select %ge3A_1366, %broadcast_in_dim3A_13, %broadcast_in_dim3A_9 : vector<16xi1>, vector<16xi32>
        %add3A_1368 = arith.addi %add3A_1332, %select_n3A_1367 : vector<16xi32>
        scf.yield %add3A_1359, %add3A_1368, %add3A_1341, %add3A_1350 : vector<16xi32>, vector<16xi32>, vector<16xi32>, vector<16xi32>
      }
      %scan3A_305 = arith.constant 125 : i32
      %add3A_306 = arith.addi %scan3A_304#0, %scan3A_304#1 : vector<16xi32>
      %add3A_307 = arith.addi %scan3A_304#2, %scan3A_304#3 : vector<16xi32>
      %add3A_308 = arith.addi %add3A_306, %add3A_307 : vector<16xi32>
      %iota3A_309 = tpu.iota {dimensions = array<i32: 0>} : vector<16xi32>
      %add3A_310 = arith.constant 1 : i32
      %add3A_311 = vector.broadcast %add3A_310 : i32 to vector<16xi32>
      %add3A_312 = arith.addi %iota3A_309, %add3A_311 : vector<16xi32>
      %and3A_313 = arith.constant 15 : i32
      %and3A_314 = vector.broadcast %and3A_313 : i32 to vector<16xi32>
      %and3A_315 = arith.andi %add3A_312, %and3A_314 : vector<16xi32>
      %broadcast_in_dim3A_316 = vector.shape_cast %and3A_315 : vector<16xi32> to vector<16x1xi32>
      %gather3A_317 = vector.shape_cast %broadcast_in_dim3A_316 : vector<16x1xi32> to vector<16xi32>
      %gather3A_318 = tpu.dynamic_gather %add3A_308[%gather3A_317] in [0] : vector<16xi32>, vector<16xi32> -> vector<16xi32>
      %add3A_319 = arith.addi %add3A_308, %gather3A_318 : vector<16xi32>
      %iota3A_320 = tpu.iota {dimensions = array<i32: 0>} : vector<16xi32>
      %add3A_321 = arith.constant 2 : i32
      %add3A_322 = vector.broadcast %add3A_321 : i32 to vector<16xi32>
      %add3A_323 = arith.addi %iota3A_320, %add3A_322 : vector<16xi32>
      %and3A_324 = arith.constant 15 : i32
      %and3A_325 = vector.broadcast %and3A_324 : i32 to vector<16xi32>
      %and3A_326 = arith.andi %add3A_323, %and3A_325 : vector<16xi32>
      %broadcast_in_dim3A_327 = vector.shape_cast %and3A_326 : vector<16xi32> to vector<16x1xi32>
      %gather3A_328 = vector.shape_cast %broadcast_in_dim3A_327 : vector<16x1xi32> to vector<16xi32>
      %gather3A_329 = tpu.dynamic_gather %add3A_319[%gather3A_328] in [0] : vector<16xi32>, vector<16xi32> -> vector<16xi32>
      %add3A_330 = arith.addi %add3A_319, %gather3A_329 : vector<16xi32>
      %iota3A_331 = tpu.iota {dimensions = array<i32: 0>} : vector<16xi32>
      %add3A_332 = arith.constant 4 : i32
      %add3A_333 = vector.broadcast %add3A_332 : i32 to vector<16xi32>
      %add3A_334 = arith.addi %iota3A_331, %add3A_333 : vector<16xi32>
      %and3A_335 = arith.constant 15 : i32
      %and3A_336 = vector.broadcast %and3A_335 : i32 to vector<16xi32>
      %and3A_337 = arith.andi %add3A_334, %and3A_336 : vector<16xi32>
      %broadcast_in_dim3A_338 = vector.shape_cast %and3A_337 : vector<16xi32> to vector<16x1xi32>
      %gather3A_339 = vector.shape_cast %broadcast_in_dim3A_338 : vector<16x1xi32> to vector<16xi32>
      %gather3A_340 = tpu.dynamic_gather %add3A_330[%gather3A_339] in [0] : vector<16xi32>, vector<16xi32> -> vector<16xi32>
      %add3A_341 = arith.addi %add3A_330, %gather3A_340 : vector<16xi32>
      %iota3A_342 = tpu.iota {dimensions = array<i32: 0>} : vector<16xi32>
      %add3A_343 = arith.constant 8 : i32
      %add3A_344 = vector.broadcast %add3A_343 : i32 to vector<16xi32>
      %add3A_345 = arith.addi %iota3A_342, %add3A_344 : vector<16xi32>
      %and3A_346 = arith.constant 15 : i32
      %and3A_347 = vector.broadcast %and3A_346 : i32 to vector<16xi32>
      %and3A_348 = arith.andi %add3A_345, %and3A_347 : vector<16xi32>
      %broadcast_in_dim3A_349 = vector.shape_cast %and3A_348 : vector<16xi32> to vector<16x1xi32>
      %gather3A_350 = vector.shape_cast %broadcast_in_dim3A_349 : vector<16x1xi32> to vector<16xi32>
      %gather3A_351 = tpu.dynamic_gather %add3A_341[%gather3A_350] in [0] : vector<16xi32>, vector<16xi32> -> vector<16xi32>
      %add3A_352 = arith.addi %add3A_341, %gather3A_351 : vector<16xi32>
      %ge3A_353 = arith.cmpi sge, %add3A_352, %get3A_8 : vector<16xi32>
      %select_n3A_354 = arith.select %ge3A_353, %or3A_299, %select_n3A_296 : vector<16xi1>, vector<16xi32>
      %broadcast_in_dim3A_355 = arith.constant 16777216 : i32
      %broadcast_in_dim3A_356 = vector.broadcast %broadcast_in_dim3A_355 : i32 to vector<16xi32>
      %or3A_357 = arith.ori %select_n3A_354, %broadcast_in_dim3A_356 : vector<16xi32>
      %scan3A_358 = arith.constant 0 : i32
      %scan3A_359 = arith.constant 125 : i32
      %scan3A_360 = arith.addi %scan3A_358, %scan3A_359 : i32
      %scan3A_361 = arith.constant 1 : i32
      %scan3A_362:4 = scf.for %scan3A_1272 = %scan3A_358 to %scan3A_360 step %scan3A_361 iter_args(%scan3A_1273 = %broadcast_in_dim3A_9, %scan3A_1274 = %broadcast_in_dim3A_9, %scan3A_1275 = %broadcast_in_dim3A_9, %scan3A_1276 = %broadcast_in_dim3A_9) -> (vector<16xi32>, vector<16xi32>, vector<16xi32>, vector<16xi32>)  : i32 {
        %mul3A_1277 = arith.constant 160 : i32
        %mul3A_1278 = arith.muli %scan3A_1272, %mul3A_1277 : i32
        %add3A_1279 = arith.constant 0 : i32
        %add3A_1280 = arith.addi %mul3A_1278, %add3A_1279 : i32
        %get3A_1281 = arith.index_cast %add3A_1280 : i32 to index
        %get3A_1282 = tpu.vector_load %arg5[%get3A_1281] {strides = array<i32>} : memref<20000xf32, #tpu.memory_space<vmem>>, vector<16xf32>,
        %get3A_1283 = vector.shape_cast %get3A_1282 : vector<16xf32> to vector<16xf32>
        %bitcast_convert_type3A_1284 = tpu.bitcast %get3A_1283 : vector<16xf32> -> vector<16xi32>
        %ge3A_1285 = arith.cmpi sge, %bitcast_convert_type3A_1284, %or3A_357 : vector<16xi32>
        %select_n3A_1286 = arith.select %ge3A_1285, %broadcast_in_dim3A_13, %broadcast_in_dim3A_9 : vector<16xi1>, vector<16xi32>
        %add3A_1287 = arith.addi %scan3A_1273, %select_n3A_1286 : vector<16xi32>
        %add3A_1288 = arith.constant 16 : i32
        %add3A_1289 = arith.addi %mul3A_1278, %add3A_1288 : i32
        %get3A_1290 = arith.index_cast %add3A_1289 : i32 to index
        %get3A_1291 = tpu.vector_load %arg5[%get3A_1290] {strides = array<i32>} : memref<20000xf32, #tpu.memory_space<vmem>>, vector<16xf32>,
        %get3A_1292 = vector.shape_cast %get3A_1291 : vector<16xf32> to vector<16xf32>
        %bitcast_convert_type3A_1293 = tpu.bitcast %get3A_1292 : vector<16xf32> -> vector<16xi32>
        %ge3A_1294 = arith.cmpi sge, %bitcast_convert_type3A_1293, %or3A_357 : vector<16xi32>
        %select_n3A_1295 = arith.select %ge3A_1294, %broadcast_in_dim3A_13, %broadcast_in_dim3A_9 : vector<16xi1>, vector<16xi32>
        %add3A_1296 = arith.addi %scan3A_1274, %select_n3A_1295 : vector<16xi32>
        %add3A_1297 = arith.constant 32 : i32
        %add3A_1298 = arith.addi %mul3A_1278, %add3A_1297 : i32
        %get3A_1299 = arith.index_cast %add3A_1298 : i32 to index
        %get3A_1300 = tpu.vector_load %arg5[%get3A_1299] {strides = array<i32>} : memref<20000xf32, #tpu.memory_space<vmem>>, vector<16xf32>,
        %get3A_1301 = vector.shape_cast %get3A_1300 : vector<16xf32> to vector<16xf32>
        %bitcast_convert_type3A_1302 = tpu.bitcast %get3A_1301 : vector<16xf32> -> vector<16xi32>
        %ge3A_1303 = arith.cmpi sge, %bitcast_convert_type3A_1302, %or3A_357 : vector<16xi32>
        %select_n3A_1304 = arith.select %ge3A_1303, %broadcast_in_dim3A_13, %broadcast_in_dim3A_9 : vector<16xi1>, vector<16xi32>
        %add3A_1305 = arith.addi %scan3A_1275, %select_n3A_1304 : vector<16xi32>
        %add3A_1306 = arith.constant 48 : i32
        %add3A_1307 = arith.addi %mul3A_1278, %add3A_1306 : i32
        %get3A_1308 = arith.index_cast %add3A_1307 : i32 to index
        %get3A_1309 = tpu.vector_load %arg5[%get3A_1308] {strides = array<i32>} : memref<20000xf32, #tpu.memory_space<vmem>>, vector<16xf32>,
        %get3A_1310 = vector.shape_cast %get3A_1309 : vector<16xf32> to vector<16xf32>
        %bitcast_convert_type3A_1311 = tpu.bitcast %get3A_1310 : vector<16xf32> -> vector<16xi32>
        %ge3A_1312 = arith.cmpi sge, %bitcast_convert_type3A_1311, %or3A_357 : vector<16xi32>
        %select_n3A_1313 = arith.select %ge3A_1312, %broadcast_in_dim3A_13, %broadcast_in_dim3A_9 : vector<16xi1>, vector<16xi32>
        %add3A_1314 = arith.addi %scan3A_1276, %select_n3A_1313 : vector<16xi32>
        %add3A_1315 = arith.constant 64 : i32
        %add3A_1316 = arith.addi %mul3A_1278, %add3A_1315 : i32
        %get3A_1317 = arith.index_cast %add3A_1316 : i32 to index
        %get3A_1318 = tpu.vector_load %arg5[%get3A_1317] {strides = array<i32>} : memref<20000xf32, #tpu.memory_space<vmem>>, vector<16xf32>,
        %get3A_1319 = vector.shape_cast %get3A_1318 : vector<16xf32> to vector<16xf32>
        %bitcast_convert_type3A_1320 = tpu.bitcast %get3A_1319 : vector<16xf32> -> vector<16xi32>
        %ge3A_1321 = arith.cmpi sge, %bitcast_convert_type3A_1320, %or3A_357 : vector<16xi32>
        %select_n3A_1322 = arith.select %ge3A_1321, %broadcast_in_dim3A_13, %broadcast_in_dim3A_9 : vector<16xi1>, vector<16xi32>
        %add3A_1323 = arith.addi %add3A_1287, %select_n3A_1322 : vector<16xi32>
        %add3A_1324 = arith.constant 80 : i32
        %add3A_1325 = arith.addi %mul3A_1278, %add3A_1324 : i32
        %get3A_1326 = arith.index_cast %add3A_1325 : i32 to index
        %get3A_1327 = tpu.vector_load %arg5[%get3A_1326] {strides = array<i32>} : memref<20000xf32, #tpu.memory_space<vmem>>, vector<16xf32>,
        %get3A_1328 = vector.shape_cast %get3A_1327 : vector<16xf32> to vector<16xf32>
        %bitcast_convert_type3A_1329 = tpu.bitcast %get3A_1328 : vector<16xf32> -> vector<16xi32>
        %ge3A_1330 = arith.cmpi sge, %bitcast_convert_type3A_1329, %or3A_357 : vector<16xi32>
        %select_n3A_1331 = arith.select %ge3A_1330, %broadcast_in_dim3A_13, %broadcast_in_dim3A_9 : vector<16xi1>, vector<16xi32>
        %add3A_1332 = arith.addi %add3A_1296, %select_n3A_1331 : vector<16xi32>
        %add3A_1333 = arith.constant 96 : i32
        %add3A_1334 = arith.addi %mul3A_1278, %add3A_1333 : i32
        %get3A_1335 = arith.index_cast %add3A_1334 : i32 to index
        %get3A_1336 = tpu.vector_load %arg5[%get3A_1335] {strides = array<i32>} : memref<20000xf32, #tpu.memory_space<vmem>>, vector<16xf32>,
        %get3A_1337 = vector.shape_cast %get3A_1336 : vector<16xf32> to vector<16xf32>
        %bitcast_convert_type3A_1338 = tpu.bitcast %get3A_1337 : vector<16xf32> -> vector<16xi32>
        %ge3A_1339 = arith.cmpi sge, %bitcast_convert_type3A_1338, %or3A_357 : vector<16xi32>
        %select_n3A_1340 = arith.select %ge3A_1339, %broadcast_in_dim3A_13, %broadcast_in_dim3A_9 : vector<16xi1>, vector<16xi32>
        %add3A_1341 = arith.addi %add3A_1305, %select_n3A_1340 : vector<16xi32>
        %add3A_1342 = arith.constant 112 : i32
        %add3A_1343 = arith.addi %mul3A_1278, %add3A_1342 : i32
        %get3A_1344 = arith.index_cast %add3A_1343 : i32 to index
        %get3A_1345 = tpu.vector_load %arg5[%get3A_1344] {strides = array<i32>} : memref<20000xf32, #tpu.memory_space<vmem>>, vector<16xf32>,
        %get3A_1346 = vector.shape_cast %get3A_1345 : vector<16xf32> to vector<16xf32>
        %bitcast_convert_type3A_1347 = tpu.bitcast %get3A_1346 : vector<16xf32> -> vector<16xi32>
        %ge3A_1348 = arith.cmpi sge, %bitcast_convert_type3A_1347, %or3A_357 : vector<16xi32>
        %select_n3A_1349 = arith.select %ge3A_1348, %broadcast_in_dim3A_13, %broadcast_in_dim3A_9 : vector<16xi1>, vector<16xi32>
        %add3A_1350 = arith.addi %add3A_1314, %select_n3A_1349 : vector<16xi32>
        %add3A_1351 = arith.constant 128 : i32
        %add3A_1352 = arith.addi %mul3A_1278, %add3A_1351 : i32
        %get3A_1353 = arith.index_cast %add3A_1352 : i32 to index
        %get3A_1354 = tpu.vector_load %arg5[%get3A_1353] {strides = array<i32>} : memref<20000xf32, #tpu.memory_space<vmem>>, vector<16xf32>,
        %get3A_1355 = vector.shape_cast %get3A_1354 : vector<16xf32> to vector<16xf32>
        %bitcast_convert_type3A_1356 = tpu.bitcast %get3A_1355 : vector<16xf32> -> vector<16xi32>
        %ge3A_1357 = arith.cmpi sge, %bitcast_convert_type3A_1356, %or3A_357 : vector<16xi32>
        %select_n3A_1358 = arith.select %ge3A_1357, %broadcast_in_dim3A_13, %broadcast_in_dim3A_9 : vector<16xi1>, vector<16xi32>
        %add3A_1359 = arith.addi %add3A_1323, %select_n3A_1358 : vector<16xi32>
        %add3A_1360 = arith.constant 144 : i32
        %add3A_1361 = arith.addi %mul3A_1278, %add3A_1360 : i32
        %get3A_1362 = arith.index_cast %add3A_1361 : i32 to index
        %get3A_1363 = tpu.vector_load %arg5[%get3A_1362] {strides = array<i32>} : memref<20000xf32, #tpu.memory_space<vmem>>, vector<16xf32>,
        %get3A_1364 = vector.shape_cast %get3A_1363 : vector<16xf32> to vector<16xf32>
        %bitcast_convert_type3A_1365 = tpu.bitcast %get3A_1364 : vector<16xf32> -> vector<16xi32>
        %ge3A_1366 = arith.cmpi sge, %bitcast_convert_type3A_1365, %or3A_357 : vector<16xi32>
        %select_n3A_1367 = arith.select %ge3A_1366, %broadcast_in_dim3A_13, %broadcast_in_dim3A_9 : vector<16xi1>, vector<16xi32>
        %add3A_1368 = arith.addi %add3A_1332, %select_n3A_1367 : vector<16xi32>
        scf.yield %add3A_1359, %add3A_1368, %add3A_1341, %add3A_1350 : vector<16xi32>, vector<16xi32>, vector<16xi32>, vector<16xi32>
      }
      %scan3A_363 = arith.constant 125 : i32
      %add3A_364 = arith.addi %scan3A_362#0, %scan3A_362#1 : vector<16xi32>
      %add3A_365 = arith.addi %scan3A_362#2, %scan3A_362#3 : vector<16xi32>
      %add3A_366 = arith.addi %add3A_364, %add3A_365 : vector<16xi32>
      %iota3A_367 = tpu.iota {dimensions = array<i32: 0>} : vector<16xi32>
      %add3A_368 = arith.constant 1 : i32
      %add3A_369 = vector.broadcast %add3A_368 : i32 to vector<16xi32>
      %add3A_370 = arith.addi %iota3A_367, %add3A_369 : vector<16xi32>
      %and3A_371 = arith.constant 15 : i32
      %and3A_372 = vector.broadcast %and3A_371 : i32 to vector<16xi32>
      %and3A_373 = arith.andi %add3A_370, %and3A_372 : vector<16xi32>
      %broadcast_in_dim3A_374 = vector.shape_cast %and3A_373 : vector<16xi32> to vector<16x1xi32>
      %gather3A_375 = vector.shape_cast %broadcast_in_dim3A_374 : vector<16x1xi32> to vector<16xi32>
      %gather3A_376 = tpu.dynamic_gather %add3A_366[%gather3A_375] in [0] : vector<16xi32>, vector<16xi32> -> vector<16xi32>
      %add3A_377 = arith.addi %add3A_366, %gather3A_376 : vector<16xi32>
      %iota3A_378 = tpu.iota {dimensions = array<i32: 0>} : vector<16xi32>
      %add3A_379 = arith.constant 2 : i32
      %add3A_380 = vector.broadcast %add3A_379 : i32 to vector<16xi32>
      %add3A_381 = arith.addi %iota3A_378, %add3A_380 : vector<16xi32>
      %and3A_382 = arith.constant 15 : i32
      %and3A_383 = vector.broadcast %and3A_382 : i32 to vector<16xi32>
      %and3A_384 = arith.andi %add3A_381, %and3A_383 : vector<16xi32>
      %broadcast_in_dim3A_385 = vector.shape_cast %and3A_384 : vector<16xi32> to vector<16x1xi32>
      %gather3A_386 = vector.shape_cast %broadcast_in_dim3A_385 : vector<16x1xi32> to vector<16xi32>
      %gather3A_387 = tpu.dynamic_gather %add3A_377[%gather3A_386] in [0] : vector<16xi32>, vector<16xi32> -> vector<16xi32>
      %add3A_388 = arith.addi %add3A_377, %gather3A_387 : vector<16xi32>
      %iota3A_389 = tpu.iota {dimensions = array<i32: 0>} : vector<16xi32>
      %add3A_390 = arith.constant 4 : i32
      %add3A_391 = vector.broadcast %add3A_390 : i32 to vector<16xi32>
      %add3A_392 = arith.addi %iota3A_389, %add3A_391 : vector<16xi32>
      %and3A_393 = arith.constant 15 : i32
      %and3A_394 = vector.broadcast %and3A_393 : i32 to vector<16xi32>
      %and3A_395 = arith.andi %add3A_392, %and3A_394 : vector<16xi32>
      %broadcast_in_dim3A_396 = vector.shape_cast %and3A_395 : vector<16xi32> to vector<16x1xi32>
      %gather3A_397 = vector.shape_cast %broadcast_in_dim3A_396 : vector<16x1xi32> to vector<16xi32>
      %gather3A_398 = tpu.dynamic_gather %add3A_388[%gather3A_397] in [0] : vector<16xi32>, vector<16xi32> -> vector<16xi32>
      %add3A_399 = arith.addi %add3A_388, %gather3A_398 : vector<16xi32>
      %iota3A_400 = tpu.iota {dimensions = array<i32: 0>} : vector<16xi32>
      %add3A_401 = arith.constant 8 : i32
      %add3A_402 = vector.broadcast %add3A_401 : i32 to vector<16xi32>
      %add3A_403 = arith.addi %iota3A_400, %add3A_402 : vector<16xi32>
      %and3A_404 = arith.constant 15 : i32
      %and3A_405 = vector.broadcast %and3A_404 : i32 to vector<16xi32>
      %and3A_406 = arith.andi %add3A_403, %and3A_405 : vector<16xi32>
      %broadcast_in_dim3A_407 = vector.shape_cast %and3A_406 : vector<16xi32> to vector<16x1xi32>
      %gather3A_408 = vector.shape_cast %broadcast_in_dim3A_407 : vector<16x1xi32> to vector<16xi32>
      %gather3A_409 = tpu.dynamic_gather %add3A_399[%gather3A_408] in [0] : vector<16xi32>, vector<16xi32> -> vector<16xi32>
      %add3A_410 = arith.addi %add3A_399, %gather3A_409 : vector<16xi32>
      %ge3A_411 = arith.cmpi sge, %add3A_410, %get3A_8 : vector<16xi32>
      %select_n3A_412 = arith.select %ge3A_411, %or3A_357, %select_n3A_354 : vector<16xi1>, vector<16xi32>
      %broadcast_in_dim3A_413 = arith.constant 8388608 : i32
      %broadcast_in_dim3A_414 = vector.broadcast %broadcast_in_dim3A_413 : i32 to vector<16xi32>
      %or3A_415 = arith.ori %select_n3A_412, %broadcast_in_dim3A_414 : vector<16xi32>
      %scan3A_416 = arith.constant 0 : i32
      %scan3A_417 = arith.constant 125 : i32
      %scan3A_418 = arith.addi %scan3A_416, %scan3A_417 : i32
      %scan3A_419 = arith.constant 1 : i32
      %scan3A_420:4 = scf.for %scan3A_1272 = %scan3A_416 to %scan3A_418 step %scan3A_419 iter_args(%scan3A_1273 = %broadcast_in_dim3A_9, %scan3A_1274 = %broadcast_in_dim3A_9, %scan3A_1275 = %broadcast_in_dim3A_9, %scan3A_1276 = %broadcast_in_dim3A_9) -> (vector<16xi32>, vector<16xi32>, vector<16xi32>, vector<16xi32>)  : i32 {
        %mul3A_1277 = arith.constant 160 : i32
        %mul3A_1278 = arith.muli %scan3A_1272, %mul3A_1277 : i32
        %add3A_1279 = arith.constant 0 : i32
        %add3A_1280 = arith.addi %mul3A_1278, %add3A_1279 : i32
        %get3A_1281 = arith.index_cast %add3A_1280 : i32 to index
        %get3A_1282 = tpu.vector_load %arg5[%get3A_1281] {strides = array<i32>} : memref<20000xf32, #tpu.memory_space<vmem>>, vector<16xf32>,
        %get3A_1283 = vector.shape_cast %get3A_1282 : vector<16xf32> to vector<16xf32>
        %bitcast_convert_type3A_1284 = tpu.bitcast %get3A_1283 : vector<16xf32> -> vector<16xi32>
        %ge3A_1285 = arith.cmpi sge, %bitcast_convert_type3A_1284, %or3A_415 : vector<16xi32>
        %select_n3A_1286 = arith.select %ge3A_1285, %broadcast_in_dim3A_13, %broadcast_in_dim3A_9 : vector<16xi1>, vector<16xi32>
        %add3A_1287 = arith.addi %scan3A_1273, %select_n3A_1286 : vector<16xi32>
        %add3A_1288 = arith.constant 16 : i32
        %add3A_1289 = arith.addi %mul3A_1278, %add3A_1288 : i32
        %get3A_1290 = arith.index_cast %add3A_1289 : i32 to index
        %get3A_1291 = tpu.vector_load %arg5[%get3A_1290] {strides = array<i32>} : memref<20000xf32, #tpu.memory_space<vmem>>, vector<16xf32>,
        %get3A_1292 = vector.shape_cast %get3A_1291 : vector<16xf32> to vector<16xf32>
        %bitcast_convert_type3A_1293 = tpu.bitcast %get3A_1292 : vector<16xf32> -> vector<16xi32>
        %ge3A_1294 = arith.cmpi sge, %bitcast_convert_type3A_1293, %or3A_415 : vector<16xi32>
        %select_n3A_1295 = arith.select %ge3A_1294, %broadcast_in_dim3A_13, %broadcast_in_dim3A_9 : vector<16xi1>, vector<16xi32>
        %add3A_1296 = arith.addi %scan3A_1274, %select_n3A_1295 : vector<16xi32>
        %add3A_1297 = arith.constant 32 : i32
        %add3A_1298 = arith.addi %mul3A_1278, %add3A_1297 : i32
        %get3A_1299 = arith.index_cast %add3A_1298 : i32 to index
        %get3A_1300 = tpu.vector_load %arg5[%get3A_1299] {strides = array<i32>} : memref<20000xf32, #tpu.memory_space<vmem>>, vector<16xf32>,
        %get3A_1301 = vector.shape_cast %get3A_1300 : vector<16xf32> to vector<16xf32>
        %bitcast_convert_type3A_1302 = tpu.bitcast %get3A_1301 : vector<16xf32> -> vector<16xi32>
        %ge3A_1303 = arith.cmpi sge, %bitcast_convert_type3A_1302, %or3A_415 : vector<16xi32>
        %select_n3A_1304 = arith.select %ge3A_1303, %broadcast_in_dim3A_13, %broadcast_in_dim3A_9 : vector<16xi1>, vector<16xi32>
        %add3A_1305 = arith.addi %scan3A_1275, %select_n3A_1304 : vector<16xi32>
        %add3A_1306 = arith.constant 48 : i32
        %add3A_1307 = arith.addi %mul3A_1278, %add3A_1306 : i32
        %get3A_1308 = arith.index_cast %add3A_1307 : i32 to index
        %get3A_1309 = tpu.vector_load %arg5[%get3A_1308] {strides = array<i32>} : memref<20000xf32, #tpu.memory_space<vmem>>, vector<16xf32>,
        %get3A_1310 = vector.shape_cast %get3A_1309 : vector<16xf32> to vector<16xf32>
        %bitcast_convert_type3A_1311 = tpu.bitcast %get3A_1310 : vector<16xf32> -> vector<16xi32>
        %ge3A_1312 = arith.cmpi sge, %bitcast_convert_type3A_1311, %or3A_415 : vector<16xi32>
        %select_n3A_1313 = arith.select %ge3A_1312, %broadcast_in_dim3A_13, %broadcast_in_dim3A_9 : vector<16xi1>, vector<16xi32>
        %add3A_1314 = arith.addi %scan3A_1276, %select_n3A_1313 : vector<16xi32>
        %add3A_1315 = arith.constant 64 : i32
        %add3A_1316 = arith.addi %mul3A_1278, %add3A_1315 : i32
        %get3A_1317 = arith.index_cast %add3A_1316 : i32 to index
        %get3A_1318 = tpu.vector_load %arg5[%get3A_1317] {strides = array<i32>} : memref<20000xf32, #tpu.memory_space<vmem>>, vector<16xf32>,
        %get3A_1319 = vector.shape_cast %get3A_1318 : vector<16xf32> to vector<16xf32>
        %bitcast_convert_type3A_1320 = tpu.bitcast %get3A_1319 : vector<16xf32> -> vector<16xi32>
        %ge3A_1321 = arith.cmpi sge, %bitcast_convert_type3A_1320, %or3A_415 : vector<16xi32>
        %select_n3A_1322 = arith.select %ge3A_1321, %broadcast_in_dim3A_13, %broadcast_in_dim3A_9 : vector<16xi1>, vector<16xi32>
        %add3A_1323 = arith.addi %add3A_1287, %select_n3A_1322 : vector<16xi32>
        %add3A_1324 = arith.constant 80 : i32
        %add3A_1325 = arith.addi %mul3A_1278, %add3A_1324 : i32
        %get3A_1326 = arith.index_cast %add3A_1325 : i32 to index
        %get3A_1327 = tpu.vector_load %arg5[%get3A_1326] {strides = array<i32>} : memref<20000xf32, #tpu.memory_space<vmem>>, vector<16xf32>,
        %get3A_1328 = vector.shape_cast %get3A_1327 : vector<16xf32> to vector<16xf32>
        %bitcast_convert_type3A_1329 = tpu.bitcast %get3A_1328 : vector<16xf32> -> vector<16xi32>
        %ge3A_1330 = arith.cmpi sge, %bitcast_convert_type3A_1329, %or3A_415 : vector<16xi32>
        %select_n3A_1331 = arith.select %ge3A_1330, %broadcast_in_dim3A_13, %broadcast_in_dim3A_9 : vector<16xi1>, vector<16xi32>
        %add3A_1332 = arith.addi %add3A_1296, %select_n3A_1331 : vector<16xi32>
        %add3A_1333 = arith.constant 96 : i32
        %add3A_1334 = arith.addi %mul3A_1278, %add3A_1333 : i32
        %get3A_1335 = arith.index_cast %add3A_1334 : i32 to index
        %get3A_1336 = tpu.vector_load %arg5[%get3A_1335] {strides = array<i32>} : memref<20000xf32, #tpu.memory_space<vmem>>, vector<16xf32>,
        %get3A_1337 = vector.shape_cast %get3A_1336 : vector<16xf32> to vector<16xf32>
        %bitcast_convert_type3A_1338 = tpu.bitcast %get3A_1337 : vector<16xf32> -> vector<16xi32>
        %ge3A_1339 = arith.cmpi sge, %bitcast_convert_type3A_1338, %or3A_415 : vector<16xi32>
        %select_n3A_1340 = arith.select %ge3A_1339, %broadcast_in_dim3A_13, %broadcast_in_dim3A_9 : vector<16xi1>, vector<16xi32>
        %add3A_1341 = arith.addi %add3A_1305, %select_n3A_1340 : vector<16xi32>
        %add3A_1342 = arith.constant 112 : i32
        %add3A_1343 = arith.addi %mul3A_1278, %add3A_1342 : i32
        %get3A_1344 = arith.index_cast %add3A_1343 : i32 to index
        %get3A_1345 = tpu.vector_load %arg5[%get3A_1344] {strides = array<i32>} : memref<20000xf32, #tpu.memory_space<vmem>>, vector<16xf32>,
        %get3A_1346 = vector.shape_cast %get3A_1345 : vector<16xf32> to vector<16xf32>
        %bitcast_convert_type3A_1347 = tpu.bitcast %get3A_1346 : vector<16xf32> -> vector<16xi32>
        %ge3A_1348 = arith.cmpi sge, %bitcast_convert_type3A_1347, %or3A_415 : vector<16xi32>
        %select_n3A_1349 = arith.select %ge3A_1348, %broadcast_in_dim3A_13, %broadcast_in_dim3A_9 : vector<16xi1>, vector<16xi32>
        %add3A_1350 = arith.addi %add3A_1314, %select_n3A_1349 : vector<16xi32>
        %add3A_1351 = arith.constant 128 : i32
        %add3A_1352 = arith.addi %mul3A_1278, %add3A_1351 : i32
        %get3A_1353 = arith.index_cast %add3A_1352 : i32 to index
        %get3A_1354 = tpu.vector_load %arg5[%get3A_1353] {strides = array<i32>} : memref<20000xf32, #tpu.memory_space<vmem>>, vector<16xf32>,
        %get3A_1355 = vector.shape_cast %get3A_1354 : vector<16xf32> to vector<16xf32>
        %bitcast_convert_type3A_1356 = tpu.bitcast %get3A_1355 : vector<16xf32> -> vector<16xi32>
        %ge3A_1357 = arith.cmpi sge, %bitcast_convert_type3A_1356, %or3A_415 : vector<16xi32>
        %select_n3A_1358 = arith.select %ge3A_1357, %broadcast_in_dim3A_13, %broadcast_in_dim3A_9 : vector<16xi1>, vector<16xi32>
        %add3A_1359 = arith.addi %add3A_1323, %select_n3A_1358 : vector<16xi32>
        %add3A_1360 = arith.constant 144 : i32
        %add3A_1361 = arith.addi %mul3A_1278, %add3A_1360 : i32
        %get3A_1362 = arith.index_cast %add3A_1361 : i32 to index
        %get3A_1363 = tpu.vector_load %arg5[%get3A_1362] {strides = array<i32>} : memref<20000xf32, #tpu.memory_space<vmem>>, vector<16xf32>,
        %get3A_1364 = vector.shape_cast %get3A_1363 : vector<16xf32> to vector<16xf32>
        %bitcast_convert_type3A_1365 = tpu.bitcast %get3A_1364 : vector<16xf32> -> vector<16xi32>
        %ge3A_1366 = arith.cmpi sge, %bitcast_convert_type3A_1365, %or3A_415 : vector<16xi32>
        %select_n3A_1367 = arith.select %ge3A_1366, %broadcast_in_dim3A_13, %broadcast_in_dim3A_9 : vector<16xi1>, vector<16xi32>
        %add3A_1368 = arith.addi %add3A_1332, %select_n3A_1367 : vector<16xi32>
        scf.yield %add3A_1359, %add3A_1368, %add3A_1341, %add3A_1350 : vector<16xi32>, vector<16xi32>, vector<16xi32>, vector<16xi32>
      }
      %scan3A_421 = arith.constant 125 : i32
      %add3A_422 = arith.addi %scan3A_420#0, %scan3A_420#1 : vector<16xi32>
      %add3A_423 = arith.addi %scan3A_420#2, %scan3A_420#3 : vector<16xi32>
      %add3A_424 = arith.addi %add3A_422, %add3A_423 : vector<16xi32>
      %iota3A_425 = tpu.iota {dimensions = array<i32: 0>} : vector<16xi32>
      %add3A_426 = arith.constant 1 : i32
      %add3A_427 = vector.broadcast %add3A_426 : i32 to vector<16xi32>
      %add3A_428 = arith.addi %iota3A_425, %add3A_427 : vector<16xi32>
      %and3A_429 = arith.constant 15 : i32
      %and3A_430 = vector.broadcast %and3A_429 : i32 to vector<16xi32>
      %and3A_431 = arith.andi %add3A_428, %and3A_430 : vector<16xi32>
      %broadcast_in_dim3A_432 = vector.shape_cast %and3A_431 : vector<16xi32> to vector<16x1xi32>
      %gather3A_433 = vector.shape_cast %broadcast_in_dim3A_432 : vector<16x1xi32> to vector<16xi32>
      %gather3A_434 = tpu.dynamic_gather %add3A_424[%gather3A_433] in [0] : vector<16xi32>, vector<16xi32> -> vector<16xi32>
      %add3A_435 = arith.addi %add3A_424, %gather3A_434 : vector<16xi32>
      %iota3A_436 = tpu.iota {dimensions = array<i32: 0>} : vector<16xi32>
      %add3A_437 = arith.constant 2 : i32
      %add3A_438 = vector.broadcast %add3A_437 : i32 to vector<16xi32>
      %add3A_439 = arith.addi %iota3A_436, %add3A_438 : vector<16xi32>
      %and3A_440 = arith.constant 15 : i32
      %and3A_441 = vector.broadcast %and3A_440 : i32 to vector<16xi32>
      %and3A_442 = arith.andi %add3A_439, %and3A_441 : vector<16xi32>
      %broadcast_in_dim3A_443 = vector.shape_cast %and3A_442 : vector<16xi32> to vector<16x1xi32>
      %gather3A_444 = vector.shape_cast %broadcast_in_dim3A_443 : vector<16x1xi32> to vector<16xi32>
      %gather3A_445 = tpu.dynamic_gather %add3A_435[%gather3A_444] in [0] : vector<16xi32>, vector<16xi32> -> vector<16xi32>
      %add3A_446 = arith.addi %add3A_435, %gather3A_445 : vector<16xi32>
      %iota3A_447 = tpu.iota {dimensions = array<i32: 0>} : vector<16xi32>
      %add3A_448 = arith.constant 4 : i32
      %add3A_449 = vector.broadcast %add3A_448 : i32 to vector<16xi32>
      %add3A_450 = arith.addi %iota3A_447, %add3A_449 : vector<16xi32>
      %and3A_451 = arith.constant 15 : i32
      %and3A_452 = vector.broadcast %and3A_451 : i32 to vector<16xi32>
      %and3A_453 = arith.andi %add3A_450, %and3A_452 : vector<16xi32>
      %broadcast_in_dim3A_454 = vector.shape_cast %and3A_453 : vector<16xi32> to vector<16x1xi32>
      %gather3A_455 = vector.shape_cast %broadcast_in_dim3A_454 : vector<16x1xi32> to vector<16xi32>
      %gather3A_456 = tpu.dynamic_gather %add3A_446[%gather3A_455] in [0] : vector<16xi32>, vector<16xi32> -> vector<16xi32>
      %add3A_457 = arith.addi %add3A_446, %gather3A_456 : vector<16xi32>
      %iota3A_458 = tpu.iota {dimensions = array<i32: 0>} : vector<16xi32>
      %add3A_459 = arith.constant 8 : i32
      %add3A_460 = vector.broadcast %add3A_459 : i32 to vector<16xi32>
      %add3A_461 = arith.addi %iota3A_458, %add3A_460 : vector<16xi32>
      %and3A_462 = arith.constant 15 : i32
      %and3A_463 = vector.broadcast %and3A_462 : i32 to vector<16xi32>
      %and3A_464 = arith.andi %add3A_461, %and3A_463 : vector<16xi32>
      %broadcast_in_dim3A_465 = vector.shape_cast %and3A_464 : vector<16xi32> to vector<16x1xi32>
      %gather3A_466 = vector.shape_cast %broadcast_in_dim3A_465 : vector<16x1xi32> to vector<16xi32>
      %gather3A_467 = tpu.dynamic_gather %add3A_457[%gather3A_466] in [0] : vector<16xi32>, vector<16xi32> -> vector<16xi32>
      %add3A_468 = arith.addi %add3A_457, %gather3A_467 : vector<16xi32>
      %ge3A_469 = arith.cmpi sge, %add3A_468, %get3A_8 : vector<16xi32>
      %select_n3A_470 = arith.select %ge3A_469, %or3A_415, %select_n3A_412 : vector<16xi1>, vector<16xi32>
      %broadcast_in_dim3A_471 = arith.constant 4194304 : i32
      %broadcast_in_dim3A_472 = vector.broadcast %broadcast_in_dim3A_471 : i32 to vector<16xi32>
      %or3A_473 = arith.ori %select_n3A_470, %broadcast_in_dim3A_472 : vector<16xi32>
      %scan3A_474 = arith.constant 0 : i32
      %scan3A_475 = arith.constant 125 : i32
      %scan3A_476 = arith.addi %scan3A_474, %scan3A_475 : i32
      %scan3A_477 = arith.constant 1 : i32
      %scan3A_478:4 = scf.for %scan3A_1272 = %scan3A_474 to %scan3A_476 step %scan3A_477 iter_args(%scan3A_1273 = %broadcast_in_dim3A_9, %scan3A_1274 = %broadcast_in_dim3A_9, %scan3A_1275 = %broadcast_in_dim3A_9, %scan3A_1276 = %broadcast_in_dim3A_9) -> (vector<16xi32>, vector<16xi32>, vector<16xi32>, vector<16xi32>)  : i32 {
        %mul3A_1277 = arith.constant 160 : i32
        %mul3A_1278 = arith.muli %scan3A_1272, %mul3A_1277 : i32
        %add3A_1279 = arith.constant 0 : i32
        %add3A_1280 = arith.addi %mul3A_1278, %add3A_1279 : i32
        %get3A_1281 = arith.index_cast %add3A_1280 : i32 to index
        %get3A_1282 = tpu.vector_load %arg5[%get3A_1281] {strides = array<i32>} : memref<20000xf32, #tpu.memory_space<vmem>>, vector<16xf32>,
        %get3A_1283 = vector.shape_cast %get3A_1282 : vector<16xf32> to vector<16xf32>
        %bitcast_convert_type3A_1284 = tpu.bitcast %get3A_1283 : vector<16xf32> -> vector<16xi32>
        %ge3A_1285 = arith.cmpi sge, %bitcast_convert_type3A_1284, %or3A_473 : vector<16xi32>
        %select_n3A_1286 = arith.select %ge3A_1285, %broadcast_in_dim3A_13, %broadcast_in_dim3A_9 : vector<16xi1>, vector<16xi32>
        %add3A_1287 = arith.addi %scan3A_1273, %select_n3A_1286 : vector<16xi32>
        %add3A_1288 = arith.constant 16 : i32
        %add3A_1289 = arith.addi %mul3A_1278, %add3A_1288 : i32
        %get3A_1290 = arith.index_cast %add3A_1289 : i32 to index
        %get3A_1291 = tpu.vector_load %arg5[%get3A_1290] {strides = array<i32>} : memref<20000xf32, #tpu.memory_space<vmem>>, vector<16xf32>,
        %get3A_1292 = vector.shape_cast %get3A_1291 : vector<16xf32> to vector<16xf32>
        %bitcast_convert_type3A_1293 = tpu.bitcast %get3A_1292 : vector<16xf32> -> vector<16xi32>
        %ge3A_1294 = arith.cmpi sge, %bitcast_convert_type3A_1293, %or3A_473 : vector<16xi32>
        %select_n3A_1295 = arith.select %ge3A_1294, %broadcast_in_dim3A_13, %broadcast_in_dim3A_9 : vector<16xi1>, vector<16xi32>
        %add3A_1296 = arith.addi %scan3A_1274, %select_n3A_1295 : vector<16xi32>
        %add3A_1297 = arith.constant 32 : i32
        %add3A_1298 = arith.addi %mul3A_1278, %add3A_1297 : i32
        %get3A_1299 = arith.index_cast %add3A_1298 : i32 to index
        %get3A_1300 = tpu.vector_load %arg5[%get3A_1299] {strides = array<i32>} : memref<20000xf32, #tpu.memory_space<vmem>>, vector<16xf32>,
        %get3A_1301 = vector.shape_cast %get3A_1300 : vector<16xf32> to vector<16xf32>
        %bitcast_convert_type3A_1302 = tpu.bitcast %get3A_1301 : vector<16xf32> -> vector<16xi32>
        %ge3A_1303 = arith.cmpi sge, %bitcast_convert_type3A_1302, %or3A_473 : vector<16xi32>
        %select_n3A_1304 = arith.select %ge3A_1303, %broadcast_in_dim3A_13, %broadcast_in_dim3A_9 : vector<16xi1>, vector<16xi32>
        %add3A_1305 = arith.addi %scan3A_1275, %select_n3A_1304 : vector<16xi32>
        %add3A_1306 = arith.constant 48 : i32
        %add3A_1307 = arith.addi %mul3A_1278, %add3A_1306 : i32
        %get3A_1308 = arith.index_cast %add3A_1307 : i32 to index
        %get3A_1309 = tpu.vector_load %arg5[%get3A_1308] {strides = array<i32>} : memref<20000xf32, #tpu.memory_space<vmem>>, vector<16xf32>,
        %get3A_1310 = vector.shape_cast %get3A_1309 : vector<16xf32> to vector<16xf32>
        %bitcast_convert_type3A_1311 = tpu.bitcast %get3A_1310 : vector<16xf32> -> vector<16xi32>
        %ge3A_1312 = arith.cmpi sge, %bitcast_convert_type3A_1311, %or3A_473 : vector<16xi32>
        %select_n3A_1313 = arith.select %ge3A_1312, %broadcast_in_dim3A_13, %broadcast_in_dim3A_9 : vector<16xi1>, vector<16xi32>
        %add3A_1314 = arith.addi %scan3A_1276, %select_n3A_1313 : vector<16xi32>
        %add3A_1315 = arith.constant 64 : i32
        %add3A_1316 = arith.addi %mul3A_1278, %add3A_1315 : i32
        %get3A_1317 = arith.index_cast %add3A_1316 : i32 to index
        %get3A_1318 = tpu.vector_load %arg5[%get3A_1317] {strides = array<i32>} : memref<20000xf32, #tpu.memory_space<vmem>>, vector<16xf32>,
        %get3A_1319 = vector.shape_cast %get3A_1318 : vector<16xf32> to vector<16xf32>
        %bitcast_convert_type3A_1320 = tpu.bitcast %get3A_1319 : vector<16xf32> -> vector<16xi32>
        %ge3A_1321 = arith.cmpi sge, %bitcast_convert_type3A_1320, %or3A_473 : vector<16xi32>
        %select_n3A_1322 = arith.select %ge3A_1321, %broadcast_in_dim3A_13, %broadcast_in_dim3A_9 : vector<16xi1>, vector<16xi32>
        %add3A_1323 = arith.addi %add3A_1287, %select_n3A_1322 : vector<16xi32>
        %add3A_1324 = arith.constant 80 : i32
        %add3A_1325 = arith.addi %mul3A_1278, %add3A_1324 : i32
        %get3A_1326 = arith.index_cast %add3A_1325 : i32 to index
        %get3A_1327 = tpu.vector_load %arg5[%get3A_1326] {strides = array<i32>} : memref<20000xf32, #tpu.memory_space<vmem>>, vector<16xf32>,
        %get3A_1328 = vector.shape_cast %get3A_1327 : vector<16xf32> to vector<16xf32>
        %bitcast_convert_type3A_1329 = tpu.bitcast %get3A_1328 : vector<16xf32> -> vector<16xi32>
        %ge3A_1330 = arith.cmpi sge, %bitcast_convert_type3A_1329, %or3A_473 : vector<16xi32>
        %select_n3A_1331 = arith.select %ge3A_1330, %broadcast_in_dim3A_13, %broadcast_in_dim3A_9 : vector<16xi1>, vector<16xi32>
        %add3A_1332 = arith.addi %add3A_1296, %select_n3A_1331 : vector<16xi32>
        %add3A_1333 = arith.constant 96 : i32
        %add3A_1334 = arith.addi %mul3A_1278, %add3A_1333 : i32
        %get3A_1335 = arith.index_cast %add3A_1334 : i32 to index
        %get3A_1336 = tpu.vector_load %arg5[%get3A_1335] {strides = array<i32>} : memref<20000xf32, #tpu.memory_space<vmem>>, vector<16xf32>,
        %get3A_1337 = vector.shape_cast %get3A_1336 : vector<16xf32> to vector<16xf32>
        %bitcast_convert_type3A_1338 = tpu.bitcast %get3A_1337 : vector<16xf32> -> vector<16xi32>
        %ge3A_1339 = arith.cmpi sge, %bitcast_convert_type3A_1338, %or3A_473 : vector<16xi32>
        %select_n3A_1340 = arith.select %ge3A_1339, %broadcast_in_dim3A_13, %broadcast_in_dim3A_9 : vector<16xi1>, vector<16xi32>
        %add3A_1341 = arith.addi %add3A_1305, %select_n3A_1340 : vector<16xi32>
        %add3A_1342 = arith.constant 112 : i32
        %add3A_1343 = arith.addi %mul3A_1278, %add3A_1342 : i32
        %get3A_1344 = arith.index_cast %add3A_1343 : i32 to index
        %get3A_1345 = tpu.vector_load %arg5[%get3A_1344] {strides = array<i32>} : memref<20000xf32, #tpu.memory_space<vmem>>, vector<16xf32>,
        %get3A_1346 = vector.shape_cast %get3A_1345 : vector<16xf32> to vector<16xf32>
        %bitcast_convert_type3A_1347 = tpu.bitcast %get3A_1346 : vector<16xf32> -> vector<16xi32>
        %ge3A_1348 = arith.cmpi sge, %bitcast_convert_type3A_1347, %or3A_473 : vector<16xi32>
        %select_n3A_1349 = arith.select %ge3A_1348, %broadcast_in_dim3A_13, %broadcast_in_dim3A_9 : vector<16xi1>, vector<16xi32>
        %add3A_1350 = arith.addi %add3A_1314, %select_n3A_1349 : vector<16xi32>
        %add3A_1351 = arith.constant 128 : i32
        %add3A_1352 = arith.addi %mul3A_1278, %add3A_1351 : i32
        %get3A_1353 = arith.index_cast %add3A_1352 : i32 to index
        %get3A_1354 = tpu.vector_load %arg5[%get3A_1353] {strides = array<i32>} : memref<20000xf32, #tpu.memory_space<vmem>>, vector<16xf32>,
        %get3A_1355 = vector.shape_cast %get3A_1354 : vector<16xf32> to vector<16xf32>
        %bitcast_convert_type3A_1356 = tpu.bitcast %get3A_1355 : vector<16xf32> -> vector<16xi32>
        %ge3A_1357 = arith.cmpi sge, %bitcast_convert_type3A_1356, %or3A_473 : vector<16xi32>
        %select_n3A_1358 = arith.select %ge3A_1357, %broadcast_in_dim3A_13, %broadcast_in_dim3A_9 : vector<16xi1>, vector<16xi32>
        %add3A_1359 = arith.addi %add3A_1323, %select_n3A_1358 : vector<16xi32>
        %add3A_1360 = arith.constant 144 : i32
        %add3A_1361 = arith.addi %mul3A_1278, %add3A_1360 : i32
        %get3A_1362 = arith.index_cast %add3A_1361 : i32 to index
        %get3A_1363 = tpu.vector_load %arg5[%get3A_1362] {strides = array<i32>} : memref<20000xf32, #tpu.memory_space<vmem>>, vector<16xf32>,
        %get3A_1364 = vector.shape_cast %get3A_1363 : vector<16xf32> to vector<16xf32>
        %bitcast_convert_type3A_1365 = tpu.bitcast %get3A_1364 : vector<16xf32> -> vector<16xi32>
        %ge3A_1366 = arith.cmpi sge, %bitcast_convert_type3A_1365, %or3A_473 : vector<16xi32>
        %select_n3A_1367 = arith.select %ge3A_1366, %broadcast_in_dim3A_13, %broadcast_in_dim3A_9 : vector<16xi1>, vector<16xi32>
        %add3A_1368 = arith.addi %add3A_1332, %select_n3A_1367 : vector<16xi32>
        scf.yield %add3A_1359, %add3A_1368, %add3A_1341, %add3A_1350 : vector<16xi32>, vector<16xi32>, vector<16xi32>, vector<16xi32>
      }
      %scan3A_479 = arith.constant 125 : i32
      %add3A_480 = arith.addi %scan3A_478#0, %scan3A_478#1 : vector<16xi32>
      %add3A_481 = arith.addi %scan3A_478#2, %scan3A_478#3 : vector<16xi32>
      %add3A_482 = arith.addi %add3A_480, %add3A_481 : vector<16xi32>
      %iota3A_483 = tpu.iota {dimensions = array<i32: 0>} : vector<16xi32>
      %add3A_484 = arith.constant 1 : i32
      %add3A_485 = vector.broadcast %add3A_484 : i32 to vector<16xi32>
      %add3A_486 = arith.addi %iota3A_483, %add3A_485 : vector<16xi32>
      %and3A_487 = arith.constant 15 : i32
      %and3A_488 = vector.broadcast %and3A_487 : i32 to vector<16xi32>
      %and3A_489 = arith.andi %add3A_486, %and3A_488 : vector<16xi32>
      %broadcast_in_dim3A_490 = vector.shape_cast %and3A_489 : vector<16xi32> to vector<16x1xi32>
      %gather3A_491 = vector.shape_cast %broadcast_in_dim3A_490 : vector<16x1xi32> to vector<16xi32>
      %gather3A_492 = tpu.dynamic_gather %add3A_482[%gather3A_491] in [0] : vector<16xi32>, vector<16xi32> -> vector<16xi32>
      %add3A_493 = arith.addi %add3A_482, %gather3A_492 : vector<16xi32>
      %iota3A_494 = tpu.iota {dimensions = array<i32: 0>} : vector<16xi32>
      %add3A_495 = arith.constant 2 : i32
      %add3A_496 = vector.broadcast %add3A_495 : i32 to vector<16xi32>
      %add3A_497 = arith.addi %iota3A_494, %add3A_496 : vector<16xi32>
      %and3A_498 = arith.constant 15 : i32
      %and3A_499 = vector.broadcast %and3A_498 : i32 to vector<16xi32>
      %and3A_500 = arith.andi %add3A_497, %and3A_499 : vector<16xi32>
      %broadcast_in_dim3A_501 = vector.shape_cast %and3A_500 : vector<16xi32> to vector<16x1xi32>
      %gather3A_502 = vector.shape_cast %broadcast_in_dim3A_501 : vector<16x1xi32> to vector<16xi32>
      %gather3A_503 = tpu.dynamic_gather %add3A_493[%gather3A_502] in [0] : vector<16xi32>, vector<16xi32> -> vector<16xi32>
      %add3A_504 = arith.addi %add3A_493, %gather3A_503 : vector<16xi32>
      %iota3A_505 = tpu.iota {dimensions = array<i32: 0>} : vector<16xi32>
      %add3A_506 = arith.constant 4 : i32
      %add3A_507 = vector.broadcast %add3A_506 : i32 to vector<16xi32>
      %add3A_508 = arith.addi %iota3A_505, %add3A_507 : vector<16xi32>
      %and3A_509 = arith.constant 15 : i32
      %and3A_510 = vector.broadcast %and3A_509 : i32 to vector<16xi32>
      %and3A_511 = arith.andi %add3A_508, %and3A_510 : vector<16xi32>
      %broadcast_in_dim3A_512 = vector.shape_cast %and3A_511 : vector<16xi32> to vector<16x1xi32>
      %gather3A_513 = vector.shape_cast %broadcast_in_dim3A_512 : vector<16x1xi32> to vector<16xi32>
      %gather3A_514 = tpu.dynamic_gather %add3A_504[%gather3A_513] in [0] : vector<16xi32>, vector<16xi32> -> vector<16xi32>
      %add3A_515 = arith.addi %add3A_504, %gather3A_514 : vector<16xi32>
      %iota3A_516 = tpu.iota {dimensions = array<i32: 0>} : vector<16xi32>
      %add3A_517 = arith.constant 8 : i32
      %add3A_518 = vector.broadcast %add3A_517 : i32 to vector<16xi32>
      %add3A_519 = arith.addi %iota3A_516, %add3A_518 : vector<16xi32>
      %and3A_520 = arith.constant 15 : i32
      %and3A_521 = vector.broadcast %and3A_520 : i32 to vector<16xi32>
      %and3A_522 = arith.andi %add3A_519, %and3A_521 : vector<16xi32>
      %broadcast_in_dim3A_523 = vector.shape_cast %and3A_522 : vector<16xi32> to vector<16x1xi32>
      %gather3A_524 = vector.shape_cast %broadcast_in_dim3A_523 : vector<16x1xi32> to vector<16xi32>
      %gather3A_525 = tpu.dynamic_gather %add3A_515[%gather3A_524] in [0] : vector<16xi32>, vector<16xi32> -> vector<16xi32>
      %add3A_526 = arith.addi %add3A_515, %gather3A_525 : vector<16xi32>
      %ge3A_527 = arith.cmpi sge, %add3A_526, %get3A_8 : vector<16xi32>
      %select_n3A_528 = arith.select %ge3A_527, %or3A_473, %select_n3A_470 : vector<16xi1>, vector<16xi32>
      %broadcast_in_dim3A_529 = arith.constant 2097152 : i32
      %broadcast_in_dim3A_530 = vector.broadcast %broadcast_in_dim3A_529 : i32 to vector<16xi32>
      %or3A_531 = arith.ori %select_n3A_528, %broadcast_in_dim3A_530 : vector<16xi32>
      %scan3A_532 = arith.constant 0 : i32
      %scan3A_533 = arith.constant 125 : i32
      %scan3A_534 = arith.addi %scan3A_532, %scan3A_533 : i32
      %scan3A_535 = arith.constant 1 : i32
      %scan3A_536:4 = scf.for %scan3A_1272 = %scan3A_532 to %scan3A_534 step %scan3A_535 iter_args(%scan3A_1273 = %broadcast_in_dim3A_9, %scan3A_1274 = %broadcast_in_dim3A_9, %scan3A_1275 = %broadcast_in_dim3A_9, %scan3A_1276 = %broadcast_in_dim3A_9) -> (vector<16xi32>, vector<16xi32>, vector<16xi32>, vector<16xi32>)  : i32 {
        %mul3A_1277 = arith.constant 160 : i32
        %mul3A_1278 = arith.muli %scan3A_1272, %mul3A_1277 : i32
        %add3A_1279 = arith.constant 0 : i32
        %add3A_1280 = arith.addi %mul3A_1278, %add3A_1279 : i32
        %get3A_1281 = arith.index_cast %add3A_1280 : i32 to index
        %get3A_1282 = tpu.vector_load %arg5[%get3A_1281] {strides = array<i32>} : memref<20000xf32, #tpu.memory_space<vmem>>, vector<16xf32>,
        %get3A_1283 = vector.shape_cast %get3A_1282 : vector<16xf32> to vector<16xf32>
        %bitcast_convert_type3A_1284 = tpu.bitcast %get3A_1283 : vector<16xf32> -> vector<16xi32>
        %ge3A_1285 = arith.cmpi sge, %bitcast_convert_type3A_1284, %or3A_531 : vector<16xi32>
        %select_n3A_1286 = arith.select %ge3A_1285, %broadcast_in_dim3A_13, %broadcast_in_dim3A_9 : vector<16xi1>, vector<16xi32>
        %add3A_1287 = arith.addi %scan3A_1273, %select_n3A_1286 : vector<16xi32>
        %add3A_1288 = arith.constant 16 : i32
        %add3A_1289 = arith.addi %mul3A_1278, %add3A_1288 : i32
        %get3A_1290 = arith.index_cast %add3A_1289 : i32 to index
        %get3A_1291 = tpu.vector_load %arg5[%get3A_1290] {strides = array<i32>} : memref<20000xf32, #tpu.memory_space<vmem>>, vector<16xf32>,
        %get3A_1292 = vector.shape_cast %get3A_1291 : vector<16xf32> to vector<16xf32>
        %bitcast_convert_type3A_1293 = tpu.bitcast %get3A_1292 : vector<16xf32> -> vector<16xi32>
        %ge3A_1294 = arith.cmpi sge, %bitcast_convert_type3A_1293, %or3A_531 : vector<16xi32>
        %select_n3A_1295 = arith.select %ge3A_1294, %broadcast_in_dim3A_13, %broadcast_in_dim3A_9 : vector<16xi1>, vector<16xi32>
        %add3A_1296 = arith.addi %scan3A_1274, %select_n3A_1295 : vector<16xi32>
        %add3A_1297 = arith.constant 32 : i32
        %add3A_1298 = arith.addi %mul3A_1278, %add3A_1297 : i32
        %get3A_1299 = arith.index_cast %add3A_1298 : i32 to index
        %get3A_1300 = tpu.vector_load %arg5[%get3A_1299] {strides = array<i32>} : memref<20000xf32, #tpu.memory_space<vmem>>, vector<16xf32>,
        %get3A_1301 = vector.shape_cast %get3A_1300 : vector<16xf32> to vector<16xf32>
        %bitcast_convert_type3A_1302 = tpu.bitcast %get3A_1301 : vector<16xf32> -> vector<16xi32>
        %ge3A_1303 = arith.cmpi sge, %bitcast_convert_type3A_1302, %or3A_531 : vector<16xi32>
        %select_n3A_1304 = arith.select %ge3A_1303, %broadcast_in_dim3A_13, %broadcast_in_dim3A_9 : vector<16xi1>, vector<16xi32>
        %add3A_1305 = arith.addi %scan3A_1275, %select_n3A_1304 : vector<16xi32>
        %add3A_1306 = arith.constant 48 : i32
        %add3A_1307 = arith.addi %mul3A_1278, %add3A_1306 : i32
        %get3A_1308 = arith.index_cast %add3A_1307 : i32 to index
        %get3A_1309 = tpu.vector_load %arg5[%get3A_1308] {strides = array<i32>} : memref<20000xf32, #tpu.memory_space<vmem>>, vector<16xf32>,
        %get3A_1310 = vector.shape_cast %get3A_1309 : vector<16xf32> to vector<16xf32>
        %bitcast_convert_type3A_1311 = tpu.bitcast %get3A_1310 : vector<16xf32> -> vector<16xi32>
        %ge3A_1312 = arith.cmpi sge, %bitcast_convert_type3A_1311, %or3A_531 : vector<16xi32>
        %select_n3A_1313 = arith.select %ge3A_1312, %broadcast_in_dim3A_13, %broadcast_in_dim3A_9 : vector<16xi1>, vector<16xi32>
        %add3A_1314 = arith.addi %scan3A_1276, %select_n3A_1313 : vector<16xi32>
        %add3A_1315 = arith.constant 64 : i32
        %add3A_1316 = arith.addi %mul3A_1278, %add3A_1315 : i32
        %get3A_1317 = arith.index_cast %add3A_1316 : i32 to index
        %get3A_1318 = tpu.vector_load %arg5[%get3A_1317] {strides = array<i32>} : memref<20000xf32, #tpu.memory_space<vmem>>, vector<16xf32>,
        %get3A_1319 = vector.shape_cast %get3A_1318 : vector<16xf32> to vector<16xf32>
        %bitcast_convert_type3A_1320 = tpu.bitcast %get3A_1319 : vector<16xf32> -> vector<16xi32>
        %ge3A_1321 = arith.cmpi sge, %bitcast_convert_type3A_1320, %or3A_531 : vector<16xi32>
        %select_n3A_1322 = arith.select %ge3A_1321, %broadcast_in_dim3A_13, %broadcast_in_dim3A_9 : vector<16xi1>, vector<16xi32>
        %add3A_1323 = arith.addi %add3A_1287, %select_n3A_1322 : vector<16xi32>
        %add3A_1324 = arith.constant 80 : i32
        %add3A_1325 = arith.addi %mul3A_1278, %add3A_1324 : i32
        %get3A_1326 = arith.index_cast %add3A_1325 : i32 to index
        %get3A_1327 = tpu.vector_load %arg5[%get3A_1326] {strides = array<i32>} : memref<20000xf32, #tpu.memory_space<vmem>>, vector<16xf32>,
        %get3A_1328 = vector.shape_cast %get3A_1327 : vector<16xf32> to vector<16xf32>
        %bitcast_convert_type3A_1329 = tpu.bitcast %get3A_1328 : vector<16xf32> -> vector<16xi32>
        %ge3A_1330 = arith.cmpi sge, %bitcast_convert_type3A_1329, %or3A_531 : vector<16xi32>
        %select_n3A_1331 = arith.select %ge3A_1330, %broadcast_in_dim3A_13, %broadcast_in_dim3A_9 : vector<16xi1>, vector<16xi32>
        %add3A_1332 = arith.addi %add3A_1296, %select_n3A_1331 : vector<16xi32>
        %add3A_1333 = arith.constant 96 : i32
        %add3A_1334 = arith.addi %mul3A_1278, %add3A_1333 : i32
        %get3A_1335 = arith.index_cast %add3A_1334 : i32 to index
        %get3A_1336 = tpu.vector_load %arg5[%get3A_1335] {strides = array<i32>} : memref<20000xf32, #tpu.memory_space<vmem>>, vector<16xf32>,
        %get3A_1337 = vector.shape_cast %get3A_1336 : vector<16xf32> to vector<16xf32>
        %bitcast_convert_type3A_1338 = tpu.bitcast %get3A_1337 : vector<16xf32> -> vector<16xi32>
        %ge3A_1339 = arith.cmpi sge, %bitcast_convert_type3A_1338, %or3A_531 : vector<16xi32>
        %select_n3A_1340 = arith.select %ge3A_1339, %broadcast_in_dim3A_13, %broadcast_in_dim3A_9 : vector<16xi1>, vector<16xi32>
        %add3A_1341 = arith.addi %add3A_1305, %select_n3A_1340 : vector<16xi32>
        %add3A_1342 = arith.constant 112 : i32
        %add3A_1343 = arith.addi %mul3A_1278, %add3A_1342 : i32
        %get3A_1344 = arith.index_cast %add3A_1343 : i32 to index
        %get3A_1345 = tpu.vector_load %arg5[%get3A_1344] {strides = array<i32>} : memref<20000xf32, #tpu.memory_space<vmem>>, vector<16xf32>,
        %get3A_1346 = vector.shape_cast %get3A_1345 : vector<16xf32> to vector<16xf32>
        %bitcast_convert_type3A_1347 = tpu.bitcast %get3A_1346 : vector<16xf32> -> vector<16xi32>
        %ge3A_1348 = arith.cmpi sge, %bitcast_convert_type3A_1347, %or3A_531 : vector<16xi32>
        %select_n3A_1349 = arith.select %ge3A_1348, %broadcast_in_dim3A_13, %broadcast_in_dim3A_9 : vector<16xi1>, vector<16xi32>
        %add3A_1350 = arith.addi %add3A_1314, %select_n3A_1349 : vector<16xi32>
        %add3A_1351 = arith.constant 128 : i32
        %add3A_1352 = arith.addi %mul3A_1278, %add3A_1351 : i32
        %get3A_1353 = arith.index_cast %add3A_1352 : i32 to index
        %get3A_1354 = tpu.vector_load %arg5[%get3A_1353] {strides = array<i32>} : memref<20000xf32, #tpu.memory_space<vmem>>, vector<16xf32>,
        %get3A_1355 = vector.shape_cast %get3A_1354 : vector<16xf32> to vector<16xf32>
        %bitcast_convert_type3A_1356 = tpu.bitcast %get3A_1355 : vector<16xf32> -> vector<16xi32>
        %ge3A_1357 = arith.cmpi sge, %bitcast_convert_type3A_1356, %or3A_531 : vector<16xi32>
        %select_n3A_1358 = arith.select %ge3A_1357, %broadcast_in_dim3A_13, %broadcast_in_dim3A_9 : vector<16xi1>, vector<16xi32>
        %add3A_1359 = arith.addi %add3A_1323, %select_n3A_1358 : vector<16xi32>
        %add3A_1360 = arith.constant 144 : i32
        %add3A_1361 = arith.addi %mul3A_1278, %add3A_1360 : i32
        %get3A_1362 = arith.index_cast %add3A_1361 : i32 to index
        %get3A_1363 = tpu.vector_load %arg5[%get3A_1362] {strides = array<i32>} : memref<20000xf32, #tpu.memory_space<vmem>>, vector<16xf32>,
        %get3A_1364 = vector.shape_cast %get3A_1363 : vector<16xf32> to vector<16xf32>
        %bitcast_convert_type3A_1365 = tpu.bitcast %get3A_1364 : vector<16xf32> -> vector<16xi32>
        %ge3A_1366 = arith.cmpi sge, %bitcast_convert_type3A_1365, %or3A_531 : vector<16xi32>
        %select_n3A_1367 = arith.select %ge3A_1366, %broadcast_in_dim3A_13, %broadcast_in_dim3A_9 : vector<16xi1>, vector<16xi32>
        %add3A_1368 = arith.addi %add3A_1332, %select_n3A_1367 : vector<16xi32>
        scf.yield %add3A_1359, %add3A_1368, %add3A_1341, %add3A_1350 : vector<16xi32>, vector<16xi32>, vector<16xi32>, vector<16xi32>
      }
      %scan3A_537 = arith.constant 125 : i32
      %add3A_538 = arith.addi %scan3A_536#0, %scan3A_536#1 : vector<16xi32>
      %add3A_539 = arith.addi %scan3A_536#2, %scan3A_536#3 : vector<16xi32>
      %add3A_540 = arith.addi %add3A_538, %add3A_539 : vector<16xi32>
      %iota3A_541 = tpu.iota {dimensions = array<i32: 0>} : vector<16xi32>
      %add3A_542 = arith.constant 1 : i32
      %add3A_543 = vector.broadcast %add3A_542 : i32 to vector<16xi32>
      %add3A_544 = arith.addi %iota3A_541, %add3A_543 : vector<16xi32>
      %and3A_545 = arith.constant 15 : i32
      %and3A_546 = vector.broadcast %and3A_545 : i32 to vector<16xi32>
      %and3A_547 = arith.andi %add3A_544, %and3A_546 : vector<16xi32>
      %broadcast_in_dim3A_548 = vector.shape_cast %and3A_547 : vector<16xi32> to vector<16x1xi32>
      %gather3A_549 = vector.shape_cast %broadcast_in_dim3A_548 : vector<16x1xi32> to vector<16xi32>
      %gather3A_550 = tpu.dynamic_gather %add3A_540[%gather3A_549] in [0] : vector<16xi32>, vector<16xi32> -> vector<16xi32>
      %add3A_551 = arith.addi %add3A_540, %gather3A_550 : vector<16xi32>
      %iota3A_552 = tpu.iota {dimensions = array<i32: 0>} : vector<16xi32>
      %add3A_553 = arith.constant 2 : i32
      %add3A_554 = vector.broadcast %add3A_553 : i32 to vector<16xi32>
      %add3A_555 = arith.addi %iota3A_552, %add3A_554 : vector<16xi32>
      %and3A_556 = arith.constant 15 : i32
      %and3A_557 = vector.broadcast %and3A_556 : i32 to vector<16xi32>
      %and3A_558 = arith.andi %add3A_555, %and3A_557 : vector<16xi32>
      %broadcast_in_dim3A_559 = vector.shape_cast %and3A_558 : vector<16xi32> to vector<16x1xi32>
      %gather3A_560 = vector.shape_cast %broadcast_in_dim3A_559 : vector<16x1xi32> to vector<16xi32>
      %gather3A_561 = tpu.dynamic_gather %add3A_551[%gather3A_560] in [0] : vector<16xi32>, vector<16xi32> -> vector<16xi32>
      %add3A_562 = arith.addi %add3A_551, %gather3A_561 : vector<16xi32>
      %iota3A_563 = tpu.iota {dimensions = array<i32: 0>} : vector<16xi32>
      %add3A_564 = arith.constant 4 : i32
      %add3A_565 = vector.broadcast %add3A_564 : i32 to vector<16xi32>
      %add3A_566 = arith.addi %iota3A_563, %add3A_565 : vector<16xi32>
      %and3A_567 = arith.constant 15 : i32
      %and3A_568 = vector.broadcast %and3A_567 : i32 to vector<16xi32>
      %and3A_569 = arith.andi %add3A_566, %and3A_568 : vector<16xi32>
      %broadcast_in_dim3A_570 = vector.shape_cast %and3A_569 : vector<16xi32> to vector<16x1xi32>
      %gather3A_571 = vector.shape_cast %broadcast_in_dim3A_570 : vector<16x1xi32> to vector<16xi32>
      %gather3A_572 = tpu.dynamic_gather %add3A_562[%gather3A_571] in [0] : vector<16xi32>, vector<16xi32> -> vector<16xi32>
      %add3A_573 = arith.addi %add3A_562, %gather3A_572 : vector<16xi32>
      %iota3A_574 = tpu.iota {dimensions = array<i32: 0>} : vector<16xi32>
      %add3A_575 = arith.constant 8 : i32
      %add3A_576 = vector.broadcast %add3A_575 : i32 to vector<16xi32>
      %add3A_577 = arith.addi %iota3A_574, %add3A_576 : vector<16xi32>
      %and3A_578 = arith.constant 15 : i32
      %and3A_579 = vector.broadcast %and3A_578 : i32 to vector<16xi32>
      %and3A_580 = arith.andi %add3A_577, %and3A_579 : vector<16xi32>
      %broadcast_in_dim3A_581 = vector.shape_cast %and3A_580 : vector<16xi32> to vector<16x1xi32>
      %gather3A_582 = vector.shape_cast %broadcast_in_dim3A_581 : vector<16x1xi32> to vector<16xi32>
      %gather3A_583 = tpu.dynamic_gather %add3A_573[%gather3A_582] in [0] : vector<16xi32>, vector<16xi32> -> vector<16xi32>
      %add3A_584 = arith.addi %add3A_573, %gather3A_583 : vector<16xi32>
      %ge3A_585 = arith.cmpi sge, %add3A_584, %get3A_8 : vector<16xi32>
      %select_n3A_586 = arith.select %ge3A_585, %or3A_531, %select_n3A_528 : vector<16xi1>, vector<16xi32>
      %broadcast_in_dim3A_587 = arith.constant 1048576 : i32
      %broadcast_in_dim3A_588 = vector.broadcast %broadcast_in_dim3A_587 : i32 to vector<16xi32>
      %or3A_589 = arith.ori %select_n3A_586, %broadcast_in_dim3A_588 : vector<16xi32>
      %scan3A_590 = arith.constant 0 : i32
      %scan3A_591 = arith.constant 125 : i32
      %scan3A_592 = arith.addi %scan3A_590, %scan3A_591 : i32
      %scan3A_593 = arith.constant 1 : i32
      %scan3A_594:4 = scf.for %scan3A_1272 = %scan3A_590 to %scan3A_592 step %scan3A_593 iter_args(%scan3A_1273 = %broadcast_in_dim3A_9, %scan3A_1274 = %broadcast_in_dim3A_9, %scan3A_1275 = %broadcast_in_dim3A_9, %scan3A_1276 = %broadcast_in_dim3A_9) -> (vector<16xi32>, vector<16xi32>, vector<16xi32>, vector<16xi32>)  : i32 {
        %mul3A_1277 = arith.constant 160 : i32
        %mul3A_1278 = arith.muli %scan3A_1272, %mul3A_1277 : i32
        %add3A_1279 = arith.constant 0 : i32
        %add3A_1280 = arith.addi %mul3A_1278, %add3A_1279 : i32
        %get3A_1281 = arith.index_cast %add3A_1280 : i32 to index
        %get3A_1282 = tpu.vector_load %arg5[%get3A_1281] {strides = array<i32>} : memref<20000xf32, #tpu.memory_space<vmem>>, vector<16xf32>,
        %get3A_1283 = vector.shape_cast %get3A_1282 : vector<16xf32> to vector<16xf32>
        %bitcast_convert_type3A_1284 = tpu.bitcast %get3A_1283 : vector<16xf32> -> vector<16xi32>
        %ge3A_1285 = arith.cmpi sge, %bitcast_convert_type3A_1284, %or3A_589 : vector<16xi32>
        %select_n3A_1286 = arith.select %ge3A_1285, %broadcast_in_dim3A_13, %broadcast_in_dim3A_9 : vector<16xi1>, vector<16xi32>
        %add3A_1287 = arith.addi %scan3A_1273, %select_n3A_1286 : vector<16xi32>
        %add3A_1288 = arith.constant 16 : i32
        %add3A_1289 = arith.addi %mul3A_1278, %add3A_1288 : i32
        %get3A_1290 = arith.index_cast %add3A_1289 : i32 to index
        %get3A_1291 = tpu.vector_load %arg5[%get3A_1290] {strides = array<i32>} : memref<20000xf32, #tpu.memory_space<vmem>>, vector<16xf32>,
        %get3A_1292 = vector.shape_cast %get3A_1291 : vector<16xf32> to vector<16xf32>
        %bitcast_convert_type3A_1293 = tpu.bitcast %get3A_1292 : vector<16xf32> -> vector<16xi32>
        %ge3A_1294 = arith.cmpi sge, %bitcast_convert_type3A_1293, %or3A_589 : vector<16xi32>
        %select_n3A_1295 = arith.select %ge3A_1294, %broadcast_in_dim3A_13, %broadcast_in_dim3A_9 : vector<16xi1>, vector<16xi32>
        %add3A_1296 = arith.addi %scan3A_1274, %select_n3A_1295 : vector<16xi32>
        %add3A_1297 = arith.constant 32 : i32
        %add3A_1298 = arith.addi %mul3A_1278, %add3A_1297 : i32
        %get3A_1299 = arith.index_cast %add3A_1298 : i32 to index
        %get3A_1300 = tpu.vector_load %arg5[%get3A_1299] {strides = array<i32>} : memref<20000xf32, #tpu.memory_space<vmem>>, vector<16xf32>,
        %get3A_1301 = vector.shape_cast %get3A_1300 : vector<16xf32> to vector<16xf32>
        %bitcast_convert_type3A_1302 = tpu.bitcast %get3A_1301 : vector<16xf32> -> vector<16xi32>
        %ge3A_1303 = arith.cmpi sge, %bitcast_convert_type3A_1302, %or3A_589 : vector<16xi32>
        %select_n3A_1304 = arith.select %ge3A_1303, %broadcast_in_dim3A_13, %broadcast_in_dim3A_9 : vector<16xi1>, vector<16xi32>
        %add3A_1305 = arith.addi %scan3A_1275, %select_n3A_1304 : vector<16xi32>
        %add3A_1306 = arith.constant 48 : i32
        %add3A_1307 = arith.addi %mul3A_1278, %add3A_1306 : i32
        %get3A_1308 = arith.index_cast %add3A_1307 : i32 to index
        %get3A_1309 = tpu.vector_load %arg5[%get3A_1308] {strides = array<i32>} : memref<20000xf32, #tpu.memory_space<vmem>>, vector<16xf32>,
        %get3A_1310 = vector.shape_cast %get3A_1309 : vector<16xf32> to vector<16xf32>
        %bitcast_convert_type3A_1311 = tpu.bitcast %get3A_1310 : vector<16xf32> -> vector<16xi32>
        %ge3A_1312 = arith.cmpi sge, %bitcast_convert_type3A_1311, %or3A_589 : vector<16xi32>
        %select_n3A_1313 = arith.select %ge3A_1312, %broadcast_in_dim3A_13, %broadcast_in_dim3A_9 : vector<16xi1>, vector<16xi32>
        %add3A_1314 = arith.addi %scan3A_1276, %select_n3A_1313 : vector<16xi32>
        %add3A_1315 = arith.constant 64 : i32
        %add3A_1316 = arith.addi %mul3A_1278, %add3A_1315 : i32
        %get3A_1317 = arith.index_cast %add3A_1316 : i32 to index
        %get3A_1318 = tpu.vector_load %arg5[%get3A_1317] {strides = array<i32>} : memref<20000xf32, #tpu.memory_space<vmem>>, vector<16xf32>,
        %get3A_1319 = vector.shape_cast %get3A_1318 : vector<16xf32> to vector<16xf32>
        %bitcast_convert_type3A_1320 = tpu.bitcast %get3A_1319 : vector<16xf32> -> vector<16xi32>
        %ge3A_1321 = arith.cmpi sge, %bitcast_convert_type3A_1320, %or3A_589 : vector<16xi32>
        %select_n3A_1322 = arith.select %ge3A_1321, %broadcast_in_dim3A_13, %broadcast_in_dim3A_9 : vector<16xi1>, vector<16xi32>
        %add3A_1323 = arith.addi %add3A_1287, %select_n3A_1322 : vector<16xi32>
        %add3A_1324 = arith.constant 80 : i32
        %add3A_1325 = arith.addi %mul3A_1278, %add3A_1324 : i32
        %get3A_1326 = arith.index_cast %add3A_1325 : i32 to index
        %get3A_1327 = tpu.vector_load %arg5[%get3A_1326] {strides = array<i32>} : memref<20000xf32, #tpu.memory_space<vmem>>, vector<16xf32>,
        %get3A_1328 = vector.shape_cast %get3A_1327 : vector<16xf32> to vector<16xf32>
        %bitcast_convert_type3A_1329 = tpu.bitcast %get3A_1328 : vector<16xf32> -> vector<16xi32>
        %ge3A_1330 = arith.cmpi sge, %bitcast_convert_type3A_1329, %or3A_589 : vector<16xi32>
        %select_n3A_1331 = arith.select %ge3A_1330, %broadcast_in_dim3A_13, %broadcast_in_dim3A_9 : vector<16xi1>, vector<16xi32>
        %add3A_1332 = arith.addi %add3A_1296, %select_n3A_1331 : vector<16xi32>
        %add3A_1333 = arith.constant 96 : i32
        %add3A_1334 = arith.addi %mul3A_1278, %add3A_1333 : i32
        %get3A_1335 = arith.index_cast %add3A_1334 : i32 to index
        %get3A_1336 = tpu.vector_load %arg5[%get3A_1335] {strides = array<i32>} : memref<20000xf32, #tpu.memory_space<vmem>>, vector<16xf32>,
        %get3A_1337 = vector.shape_cast %get3A_1336 : vector<16xf32> to vector<16xf32>
        %bitcast_convert_type3A_1338 = tpu.bitcast %get3A_1337 : vector<16xf32> -> vector<16xi32>
        %ge3A_1339 = arith.cmpi sge, %bitcast_convert_type3A_1338, %or3A_589 : vector<16xi32>
        %select_n3A_1340 = arith.select %ge3A_1339, %broadcast_in_dim3A_13, %broadcast_in_dim3A_9 : vector<16xi1>, vector<16xi32>
        %add3A_1341 = arith.addi %add3A_1305, %select_n3A_1340 : vector<16xi32>
        %add3A_1342 = arith.constant 112 : i32
        %add3A_1343 = arith.addi %mul3A_1278, %add3A_1342 : i32
        %get3A_1344 = arith.index_cast %add3A_1343 : i32 to index
        %get3A_1345 = tpu.vector_load %arg5[%get3A_1344] {strides = array<i32>} : memref<20000xf32, #tpu.memory_space<vmem>>, vector<16xf32>,
        %get3A_1346 = vector.shape_cast %get3A_1345 : vector<16xf32> to vector<16xf32>
        %bitcast_convert_type3A_1347 = tpu.bitcast %get3A_1346 : vector<16xf32> -> vector<16xi32>
        %ge3A_1348 = arith.cmpi sge, %bitcast_convert_type3A_1347, %or3A_589 : vector<16xi32>
        %select_n3A_1349 = arith.select %ge3A_1348, %broadcast_in_dim3A_13, %broadcast_in_dim3A_9 : vector<16xi1>, vector<16xi32>
        %add3A_1350 = arith.addi %add3A_1314, %select_n3A_1349 : vector<16xi32>
        %add3A_1351 = arith.constant 128 : i32
        %add3A_1352 = arith.addi %mul3A_1278, %add3A_1351 : i32
        %get3A_1353 = arith.index_cast %add3A_1352 : i32 to index
        %get3A_1354 = tpu.vector_load %arg5[%get3A_1353] {strides = array<i32>} : memref<20000xf32, #tpu.memory_space<vmem>>, vector<16xf32>,
        %get3A_1355 = vector.shape_cast %get3A_1354 : vector<16xf32> to vector<16xf32>
        %bitcast_convert_type3A_1356 = tpu.bitcast %get3A_1355 : vector<16xf32> -> vector<16xi32>
        %ge3A_1357 = arith.cmpi sge, %bitcast_convert_type3A_1356, %or3A_589 : vector<16xi32>
        %select_n3A_1358 = arith.select %ge3A_1357, %broadcast_in_dim3A_13, %broadcast_in_dim3A_9 : vector<16xi1>, vector<16xi32>
        %add3A_1359 = arith.addi %add3A_1323, %select_n3A_1358 : vector<16xi32>
        %add3A_1360 = arith.constant 144 : i32
        %add3A_1361 = arith.addi %mul3A_1278, %add3A_1360 : i32
        %get3A_1362 = arith.index_cast %add3A_1361 : i32 to index
        %get3A_1363 = tpu.vector_load %arg5[%get3A_1362] {strides = array<i32>} : memref<20000xf32, #tpu.memory_space<vmem>>, vector<16xf32>,
        %get3A_1364 = vector.shape_cast %get3A_1363 : vector<16xf32> to vector<16xf32>
        %bitcast_convert_type3A_1365 = tpu.bitcast %get3A_1364 : vector<16xf32> -> vector<16xi32>
        %ge3A_1366 = arith.cmpi sge, %bitcast_convert_type3A_1365, %or3A_589 : vector<16xi32>
        %select_n3A_1367 = arith.select %ge3A_1366, %broadcast_in_dim3A_13, %broadcast_in_dim3A_9 : vector<16xi1>, vector<16xi32>
        %add3A_1368 = arith.addi %add3A_1332, %select_n3A_1367 : vector<16xi32>
        scf.yield %add3A_1359, %add3A_1368, %add3A_1341, %add3A_1350 : vector<16xi32>, vector<16xi32>, vector<16xi32>, vector<16xi32>
      }
      %scan3A_595 = arith.constant 125 : i32
      %add3A_596 = arith.addi %scan3A_594#0, %scan3A_594#1 : vector<16xi32>
      %add3A_597 = arith.addi %scan3A_594#2, %scan3A_594#3 : vector<16xi32>
      %add3A_598 = arith.addi %add3A_596, %add3A_597 : vector<16xi32>
      %iota3A_599 = tpu.iota {dimensions = array<i32: 0>} : vector<16xi32>
      %add3A_600 = arith.constant 1 : i32
      %add3A_601 = vector.broadcast %add3A_600 : i32 to vector<16xi32>
      %add3A_602 = arith.addi %iota3A_599, %add3A_601 : vector<16xi32>
      %and3A_603 = arith.constant 15 : i32
      %and3A_604 = vector.broadcast %and3A_603 : i32 to vector<16xi32>
      %and3A_605 = arith.andi %add3A_602, %and3A_604 : vector<16xi32>
      %broadcast_in_dim3A_606 = vector.shape_cast %and3A_605 : vector<16xi32> to vector<16x1xi32>
      %gather3A_607 = vector.shape_cast %broadcast_in_dim3A_606 : vector<16x1xi32> to vector<16xi32>
      %gather3A_608 = tpu.dynamic_gather %add3A_598[%gather3A_607] in [0] : vector<16xi32>, vector<16xi32> -> vector<16xi32>
      %add3A_609 = arith.addi %add3A_598, %gather3A_608 : vector<16xi32>
      %iota3A_610 = tpu.iota {dimensions = array<i32: 0>} : vector<16xi32>
      %add3A_611 = arith.constant 2 : i32
      %add3A_612 = vector.broadcast %add3A_611 : i32 to vector<16xi32>
      %add3A_613 = arith.addi %iota3A_610, %add3A_612 : vector<16xi32>
      %and3A_614 = arith.constant 15 : i32
      %and3A_615 = vector.broadcast %and3A_614 : i32 to vector<16xi32>
      %and3A_616 = arith.andi %add3A_613, %and3A_615 : vector<16xi32>
      %broadcast_in_dim3A_617 = vector.shape_cast %and3A_616 : vector<16xi32> to vector<16x1xi32>
      %gather3A_618 = vector.shape_cast %broadcast_in_dim3A_617 : vector<16x1xi32> to vector<16xi32>
      %gather3A_619 = tpu.dynamic_gather %add3A_609[%gather3A_618] in [0] : vector<16xi32>, vector<16xi32> -> vector<16xi32>
      %add3A_620 = arith.addi %add3A_609, %gather3A_619 : vector<16xi32>
      %iota3A_621 = tpu.iota {dimensions = array<i32: 0>} : vector<16xi32>
      %add3A_622 = arith.constant 4 : i32
      %add3A_623 = vector.broadcast %add3A_622 : i32 to vector<16xi32>
      %add3A_624 = arith.addi %iota3A_621, %add3A_623 : vector<16xi32>
      %and3A_625 = arith.constant 15 : i32
      %and3A_626 = vector.broadcast %and3A_625 : i32 to vector<16xi32>
      %and3A_627 = arith.andi %add3A_624, %and3A_626 : vector<16xi32>
      %broadcast_in_dim3A_628 = vector.shape_cast %and3A_627 : vector<16xi32> to vector<16x1xi32>
      %gather3A_629 = vector.shape_cast %broadcast_in_dim3A_628 : vector<16x1xi32> to vector<16xi32>
      %gather3A_630 = tpu.dynamic_gather %add3A_620[%gather3A_629] in [0] : vector<16xi32>, vector<16xi32> -> vector<16xi32>
      %add3A_631 = arith.addi %add3A_620, %gather3A_630 : vector<16xi32>
      %iota3A_632 = tpu.iota {dimensions = array<i32: 0>} : vector<16xi32>
      %add3A_633 = arith.constant 8 : i32
      %add3A_634 = vector.broadcast %add3A_633 : i32 to vector<16xi32>
      %add3A_635 = arith.addi %iota3A_632, %add3A_634 : vector<16xi32>
      %and3A_636 = arith.constant 15 : i32
      %and3A_637 = vector.broadcast %and3A_636 : i32 to vector<16xi32>
      %and3A_638 = arith.andi %add3A_635, %and3A_637 : vector<16xi32>
      %broadcast_in_dim3A_639 = vector.shape_cast %and3A_638 : vector<16xi32> to vector<16x1xi32>
      %gather3A_640 = vector.shape_cast %broadcast_in_dim3A_639 : vector<16x1xi32> to vector<16xi32>
      %gather3A_641 = tpu.dynamic_gather %add3A_631[%gather3A_640] in [0] : vector<16xi32>, vector<16xi32> -> vector<16xi32>
      %add3A_642 = arith.addi %add3A_631, %gather3A_641 : vector<16xi32>
      %ge3A_643 = arith.cmpi sge, %add3A_642, %get3A_8 : vector<16xi32>
      %select_n3A_644 = arith.select %ge3A_643, %or3A_589, %select_n3A_586 : vector<16xi1>, vector<16xi32>
      %broadcast_in_dim3A_645 = arith.constant 524288 : i32
      %broadcast_in_dim3A_646 = vector.broadcast %broadcast_in_dim3A_645 : i32 to vector<16xi32>
      %or3A_647 = arith.ori %select_n3A_644, %broadcast_in_dim3A_646 : vector<16xi32>
      %scan3A_648 = arith.constant 0 : i32
      %scan3A_649 = arith.constant 125 : i32
      %scan3A_650 = arith.addi %scan3A_648, %scan3A_649 : i32
      %scan3A_651 = arith.constant 1 : i32
      %scan3A_652:4 = scf.for %scan3A_1272 = %scan3A_648 to %scan3A_650 step %scan3A_651 iter_args(%scan3A_1273 = %broadcast_in_dim3A_9, %scan3A_1274 = %broadcast_in_dim3A_9, %scan3A_1275 = %broadcast_in_dim3A_9, %scan3A_1276 = %broadcast_in_dim3A_9) -> (vector<16xi32>, vector<16xi32>, vector<16xi32>, vector<16xi32>)  : i32 {
        %mul3A_1277 = arith.constant 160 : i32
        %mul3A_1278 = arith.muli %scan3A_1272, %mul3A_1277 : i32
        %add3A_1279 = arith.constant 0 : i32
        %add3A_1280 = arith.addi %mul3A_1278, %add3A_1279 : i32
        %get3A_1281 = arith.index_cast %add3A_1280 : i32 to index
        %get3A_1282 = tpu.vector_load %arg5[%get3A_1281] {strides = array<i32>} : memref<20000xf32, #tpu.memory_space<vmem>>, vector<16xf32>,
        %get3A_1283 = vector.shape_cast %get3A_1282 : vector<16xf32> to vector<16xf32>
        %bitcast_convert_type3A_1284 = tpu.bitcast %get3A_1283 : vector<16xf32> -> vector<16xi32>
        %ge3A_1285 = arith.cmpi sge, %bitcast_convert_type3A_1284, %or3A_647 : vector<16xi32>
        %select_n3A_1286 = arith.select %ge3A_1285, %broadcast_in_dim3A_13, %broadcast_in_dim3A_9 : vector<16xi1>, vector<16xi32>
        %add3A_1287 = arith.addi %scan3A_1273, %select_n3A_1286 : vector<16xi32>
        %add3A_1288 = arith.constant 16 : i32
        %add3A_1289 = arith.addi %mul3A_1278, %add3A_1288 : i32
        %get3A_1290 = arith.index_cast %add3A_1289 : i32 to index
        %get3A_1291 = tpu.vector_load %arg5[%get3A_1290] {strides = array<i32>} : memref<20000xf32, #tpu.memory_space<vmem>>, vector<16xf32>,
        %get3A_1292 = vector.shape_cast %get3A_1291 : vector<16xf32> to vector<16xf32>
        %bitcast_convert_type3A_1293 = tpu.bitcast %get3A_1292 : vector<16xf32> -> vector<16xi32>
        %ge3A_1294 = arith.cmpi sge, %bitcast_convert_type3A_1293, %or3A_647 : vector<16xi32>
        %select_n3A_1295 = arith.select %ge3A_1294, %broadcast_in_dim3A_13, %broadcast_in_dim3A_9 : vector<16xi1>, vector<16xi32>
        %add3A_1296 = arith.addi %scan3A_1274, %select_n3A_1295 : vector<16xi32>
        %add3A_1297 = arith.constant 32 : i32
        %add3A_1298 = arith.addi %mul3A_1278, %add3A_1297 : i32
        %get3A_1299 = arith.index_cast %add3A_1298 : i32 to index
        %get3A_1300 = tpu.vector_load %arg5[%get3A_1299] {strides = array<i32>} : memref<20000xf32, #tpu.memory_space<vmem>>, vector<16xf32>,
        %get3A_1301 = vector.shape_cast %get3A_1300 : vector<16xf32> to vector<16xf32>
        %bitcast_convert_type3A_1302 = tpu.bitcast %get3A_1301 : vector<16xf32> -> vector<16xi32>
        %ge3A_1303 = arith.cmpi sge, %bitcast_convert_type3A_1302, %or3A_647 : vector<16xi32>
        %select_n3A_1304 = arith.select %ge3A_1303, %broadcast_in_dim3A_13, %broadcast_in_dim3A_9 : vector<16xi1>, vector<16xi32>
        %add3A_1305 = arith.addi %scan3A_1275, %select_n3A_1304 : vector<16xi32>
        %add3A_1306 = arith.constant 48 : i32
        %add3A_1307 = arith.addi %mul3A_1278, %add3A_1306 : i32
        %get3A_1308 = arith.index_cast %add3A_1307 : i32 to index
        %get3A_1309 = tpu.vector_load %arg5[%get3A_1308] {strides = array<i32>} : memref<20000xf32, #tpu.memory_space<vmem>>, vector<16xf32>,
        %get3A_1310 = vector.shape_cast %get3A_1309 : vector<16xf32> to vector<16xf32>
        %bitcast_convert_type3A_1311 = tpu.bitcast %get3A_1310 : vector<16xf32> -> vector<16xi32>
        %ge3A_1312 = arith.cmpi sge, %bitcast_convert_type3A_1311, %or3A_647 : vector<16xi32>
        %select_n3A_1313 = arith.select %ge3A_1312, %broadcast_in_dim3A_13, %broadcast_in_dim3A_9 : vector<16xi1>, vector<16xi32>
        %add3A_1314 = arith.addi %scan3A_1276, %select_n3A_1313 : vector<16xi32>
        %add3A_1315 = arith.constant 64 : i32
        %add3A_1316 = arith.addi %mul3A_1278, %add3A_1315 : i32
        %get3A_1317 = arith.index_cast %add3A_1316 : i32 to index
        %get3A_1318 = tpu.vector_load %arg5[%get3A_1317] {strides = array<i32>} : memref<20000xf32, #tpu.memory_space<vmem>>, vector<16xf32>,
        %get3A_1319 = vector.shape_cast %get3A_1318 : vector<16xf32> to vector<16xf32>
        %bitcast_convert_type3A_1320 = tpu.bitcast %get3A_1319 : vector<16xf32> -> vector<16xi32>
        %ge3A_1321 = arith.cmpi sge, %bitcast_convert_type3A_1320, %or3A_647 : vector<16xi32>
        %select_n3A_1322 = arith.select %ge3A_1321, %broadcast_in_dim3A_13, %broadcast_in_dim3A_9 : vector<16xi1>, vector<16xi32>
        %add3A_1323 = arith.addi %add3A_1287, %select_n3A_1322 : vector<16xi32>
        %add3A_1324 = arith.constant 80 : i32
        %add3A_1325 = arith.addi %mul3A_1278, %add3A_1324 : i32
        %get3A_1326 = arith.index_cast %add3A_1325 : i32 to index
        %get3A_1327 = tpu.vector_load %arg5[%get3A_1326] {strides = array<i32>} : memref<20000xf32, #tpu.memory_space<vmem>>, vector<16xf32>,
        %get3A_1328 = vector.shape_cast %get3A_1327 : vector<16xf32> to vector<16xf32>
        %bitcast_convert_type3A_1329 = tpu.bitcast %get3A_1328 : vector<16xf32> -> vector<16xi32>
        %ge3A_1330 = arith.cmpi sge, %bitcast_convert_type3A_1329, %or3A_647 : vector<16xi32>
        %select_n3A_1331 = arith.select %ge3A_1330, %broadcast_in_dim3A_13, %broadcast_in_dim3A_9 : vector<16xi1>, vector<16xi32>
        %add3A_1332 = arith.addi %add3A_1296, %select_n3A_1331 : vector<16xi32>
        %add3A_1333 = arith.constant 96 : i32
        %add3A_1334 = arith.addi %mul3A_1278, %add3A_1333 : i32
        %get3A_1335 = arith.index_cast %add3A_1334 : i32 to index
        %get3A_1336 = tpu.vector_load %arg5[%get3A_1335] {strides = array<i32>} : memref<20000xf32, #tpu.memory_space<vmem>>, vector<16xf32>,
        %get3A_1337 = vector.shape_cast %get3A_1336 : vector<16xf32> to vector<16xf32>
        %bitcast_convert_type3A_1338 = tpu.bitcast %get3A_1337 : vector<16xf32> -> vector<16xi32>
        %ge3A_1339 = arith.cmpi sge, %bitcast_convert_type3A_1338, %or3A_647 : vector<16xi32>
        %select_n3A_1340 = arith.select %ge3A_1339, %broadcast_in_dim3A_13, %broadcast_in_dim3A_9 : vector<16xi1>, vector<16xi32>
        %add3A_1341 = arith.addi %add3A_1305, %select_n3A_1340 : vector<16xi32>
        %add3A_1342 = arith.constant 112 : i32
        %add3A_1343 = arith.addi %mul3A_1278, %add3A_1342 : i32
        %get3A_1344 = arith.index_cast %add3A_1343 : i32 to index
        %get3A_1345 = tpu.vector_load %arg5[%get3A_1344] {strides = array<i32>} : memref<20000xf32, #tpu.memory_space<vmem>>, vector<16xf32>,
        %get3A_1346 = vector.shape_cast %get3A_1345 : vector<16xf32> to vector<16xf32>
        %bitcast_convert_type3A_1347 = tpu.bitcast %get3A_1346 : vector<16xf32> -> vector<16xi32>
        %ge3A_1348 = arith.cmpi sge, %bitcast_convert_type3A_1347, %or3A_647 : vector<16xi32>
        %select_n3A_1349 = arith.select %ge3A_1348, %broadcast_in_dim3A_13, %broadcast_in_dim3A_9 : vector<16xi1>, vector<16xi32>
        %add3A_1350 = arith.addi %add3A_1314, %select_n3A_1349 : vector<16xi32>
        %add3A_1351 = arith.constant 128 : i32
        %add3A_1352 = arith.addi %mul3A_1278, %add3A_1351 : i32
        %get3A_1353 = arith.index_cast %add3A_1352 : i32 to index
        %get3A_1354 = tpu.vector_load %arg5[%get3A_1353] {strides = array<i32>} : memref<20000xf32, #tpu.memory_space<vmem>>, vector<16xf32>,
        %get3A_1355 = vector.shape_cast %get3A_1354 : vector<16xf32> to vector<16xf32>
        %bitcast_convert_type3A_1356 = tpu.bitcast %get3A_1355 : vector<16xf32> -> vector<16xi32>
        %ge3A_1357 = arith.cmpi sge, %bitcast_convert_type3A_1356, %or3A_647 : vector<16xi32>
        %select_n3A_1358 = arith.select %ge3A_1357, %broadcast_in_dim3A_13, %broadcast_in_dim3A_9 : vector<16xi1>, vector<16xi32>
        %add3A_1359 = arith.addi %add3A_1323, %select_n3A_1358 : vector<16xi32>
        %add3A_1360 = arith.constant 144 : i32
        %add3A_1361 = arith.addi %mul3A_1278, %add3A_1360 : i32
        %get3A_1362 = arith.index_cast %add3A_1361 : i32 to index
        %get3A_1363 = tpu.vector_load %arg5[%get3A_1362] {strides = array<i32>} : memref<20000xf32, #tpu.memory_space<vmem>>, vector<16xf32>,
        %get3A_1364 = vector.shape_cast %get3A_1363 : vector<16xf32> to vector<16xf32>
        %bitcast_convert_type3A_1365 = tpu.bitcast %get3A_1364 : vector<16xf32> -> vector<16xi32>
        %ge3A_1366 = arith.cmpi sge, %bitcast_convert_type3A_1365, %or3A_647 : vector<16xi32>
        %select_n3A_1367 = arith.select %ge3A_1366, %broadcast_in_dim3A_13, %broadcast_in_dim3A_9 : vector<16xi1>, vector<16xi32>
        %add3A_1368 = arith.addi %add3A_1332, %select_n3A_1367 : vector<16xi32>
        scf.yield %add3A_1359, %add3A_1368, %add3A_1341, %add3A_1350 : vector<16xi32>, vector<16xi32>, vector<16xi32>, vector<16xi32>
      }
      %scan3A_653 = arith.constant 125 : i32
      %add3A_654 = arith.addi %scan3A_652#0, %scan3A_652#1 : vector<16xi32>
      %add3A_655 = arith.addi %scan3A_652#2, %scan3A_652#3 : vector<16xi32>
      %add3A_656 = arith.addi %add3A_654, %add3A_655 : vector<16xi32>
      %iota3A_657 = tpu.iota {dimensions = array<i32: 0>} : vector<16xi32>
      %add3A_658 = arith.constant 1 : i32
      %add3A_659 = vector.broadcast %add3A_658 : i32 to vector<16xi32>
      %add3A_660 = arith.addi %iota3A_657, %add3A_659 : vector<16xi32>
      %and3A_661 = arith.constant 15 : i32
      %and3A_662 = vector.broadcast %and3A_661 : i32 to vector<16xi32>
      %and3A_663 = arith.andi %add3A_660, %and3A_662 : vector<16xi32>
      %broadcast_in_dim3A_664 = vector.shape_cast %and3A_663 : vector<16xi32> to vector<16x1xi32>
      %gather3A_665 = vector.shape_cast %broadcast_in_dim3A_664 : vector<16x1xi32> to vector<16xi32>
      %gather3A_666 = tpu.dynamic_gather %add3A_656[%gather3A_665] in [0] : vector<16xi32>, vector<16xi32> -> vector<16xi32>
      %add3A_667 = arith.addi %add3A_656, %gather3A_666 : vector<16xi32>
      %iota3A_668 = tpu.iota {dimensions = array<i32: 0>} : vector<16xi32>
      %add3A_669 = arith.constant 2 : i32
      %add3A_670 = vector.broadcast %add3A_669 : i32 to vector<16xi32>
      %add3A_671 = arith.addi %iota3A_668, %add3A_670 : vector<16xi32>
      %and3A_672 = arith.constant 15 : i32
      %and3A_673 = vector.broadcast %and3A_672 : i32 to vector<16xi32>
      %and3A_674 = arith.andi %add3A_671, %and3A_673 : vector<16xi32>
      %broadcast_in_dim3A_675 = vector.shape_cast %and3A_674 : vector<16xi32> to vector<16x1xi32>
      %gather3A_676 = vector.shape_cast %broadcast_in_dim3A_675 : vector<16x1xi32> to vector<16xi32>
      %gather3A_677 = tpu.dynamic_gather %add3A_667[%gather3A_676] in [0] : vector<16xi32>, vector<16xi32> -> vector<16xi32>
      %add3A_678 = arith.addi %add3A_667, %gather3A_677 : vector<16xi32>
      %iota3A_679 = tpu.iota {dimensions = array<i32: 0>} : vector<16xi32>
      %add3A_680 = arith.constant 4 : i32
      %add3A_681 = vector.broadcast %add3A_680 : i32 to vector<16xi32>
      %add3A_682 = arith.addi %iota3A_679, %add3A_681 : vector<16xi32>
      %and3A_683 = arith.constant 15 : i32
      %and3A_684 = vector.broadcast %and3A_683 : i32 to vector<16xi32>
      %and3A_685 = arith.andi %add3A_682, %and3A_684 : vector<16xi32>
      %broadcast_in_dim3A_686 = vector.shape_cast %and3A_685 : vector<16xi32> to vector<16x1xi32>
      %gather3A_687 = vector.shape_cast %broadcast_in_dim3A_686 : vector<16x1xi32> to vector<16xi32>
      %gather3A_688 = tpu.dynamic_gather %add3A_678[%gather3A_687] in [0] : vector<16xi32>, vector<16xi32> -> vector<16xi32>
      %add3A_689 = arith.addi %add3A_678, %gather3A_688 : vector<16xi32>
      %iota3A_690 = tpu.iota {dimensions = array<i32: 0>} : vector<16xi32>
      %add3A_691 = arith.constant 8 : i32
      %add3A_692 = vector.broadcast %add3A_691 : i32 to vector<16xi32>
      %add3A_693 = arith.addi %iota3A_690, %add3A_692 : vector<16xi32>
      %and3A_694 = arith.constant 15 : i32
      %and3A_695 = vector.broadcast %and3A_694 : i32 to vector<16xi32>
      %and3A_696 = arith.andi %add3A_693, %and3A_695 : vector<16xi32>
      %broadcast_in_dim3A_697 = vector.shape_cast %and3A_696 : vector<16xi32> to vector<16x1xi32>
      %gather3A_698 = vector.shape_cast %broadcast_in_dim3A_697 : vector<16x1xi32> to vector<16xi32>
      %gather3A_699 = tpu.dynamic_gather %add3A_689[%gather3A_698] in [0] : vector<16xi32>, vector<16xi32> -> vector<16xi32>
      %add3A_700 = arith.addi %add3A_689, %gather3A_699 : vector<16xi32>
      %ge3A_701 = arith.cmpi sge, %add3A_700, %get3A_8 : vector<16xi32>
      %select_n3A_702 = arith.select %ge3A_701, %or3A_647, %select_n3A_644 : vector<16xi1>, vector<16xi32>
      %broadcast_in_dim3A_703 = arith.constant 262144 : i32
      %broadcast_in_dim3A_704 = vector.broadcast %broadcast_in_dim3A_703 : i32 to vector<16xi32>
      %or3A_705 = arith.ori %select_n3A_702, %broadcast_in_dim3A_704 : vector<16xi32>
      %scan3A_706 = arith.constant 0 : i32
      %scan3A_707 = arith.constant 125 : i32
      %scan3A_708 = arith.addi %scan3A_706, %scan3A_707 : i32
      %scan3A_709 = arith.constant 1 : i32
      %scan3A_710:4 = scf.for %scan3A_1272 = %scan3A_706 to %scan3A_708 step %scan3A_709 iter_args(%scan3A_1273 = %broadcast_in_dim3A_9, %scan3A_1274 = %broadcast_in_dim3A_9, %scan3A_1275 = %broadcast_in_dim3A_9, %scan3A_1276 = %broadcast_in_dim3A_9) -> (vector<16xi32>, vector<16xi32>, vector<16xi32>, vector<16xi32>)  : i32 {
        %mul3A_1277 = arith.constant 160 : i32
        %mul3A_1278 = arith.muli %scan3A_1272, %mul3A_1277 : i32
        %add3A_1279 = arith.constant 0 : i32
        %add3A_1280 = arith.addi %mul3A_1278, %add3A_1279 : i32
        %get3A_1281 = arith.index_cast %add3A_1280 : i32 to index
        %get3A_1282 = tpu.vector_load %arg5[%get3A_1281] {strides = array<i32>} : memref<20000xf32, #tpu.memory_space<vmem>>, vector<16xf32>,
        %get3A_1283 = vector.shape_cast %get3A_1282 : vector<16xf32> to vector<16xf32>
        %bitcast_convert_type3A_1284 = tpu.bitcast %get3A_1283 : vector<16xf32> -> vector<16xi32>
        %ge3A_1285 = arith.cmpi sge, %bitcast_convert_type3A_1284, %or3A_705 : vector<16xi32>
        %select_n3A_1286 = arith.select %ge3A_1285, %broadcast_in_dim3A_13, %broadcast_in_dim3A_9 : vector<16xi1>, vector<16xi32>
        %add3A_1287 = arith.addi %scan3A_1273, %select_n3A_1286 : vector<16xi32>
        %add3A_1288 = arith.constant 16 : i32
        %add3A_1289 = arith.addi %mul3A_1278, %add3A_1288 : i32
        %get3A_1290 = arith.index_cast %add3A_1289 : i32 to index
        %get3A_1291 = tpu.vector_load %arg5[%get3A_1290] {strides = array<i32>} : memref<20000xf32, #tpu.memory_space<vmem>>, vector<16xf32>,
        %get3A_1292 = vector.shape_cast %get3A_1291 : vector<16xf32> to vector<16xf32>
        %bitcast_convert_type3A_1293 = tpu.bitcast %get3A_1292 : vector<16xf32> -> vector<16xi32>
        %ge3A_1294 = arith.cmpi sge, %bitcast_convert_type3A_1293, %or3A_705 : vector<16xi32>
        %select_n3A_1295 = arith.select %ge3A_1294, %broadcast_in_dim3A_13, %broadcast_in_dim3A_9 : vector<16xi1>, vector<16xi32>
        %add3A_1296 = arith.addi %scan3A_1274, %select_n3A_1295 : vector<16xi32>
        %add3A_1297 = arith.constant 32 : i32
        %add3A_1298 = arith.addi %mul3A_1278, %add3A_1297 : i32
        %get3A_1299 = arith.index_cast %add3A_1298 : i32 to index
        %get3A_1300 = tpu.vector_load %arg5[%get3A_1299] {strides = array<i32>} : memref<20000xf32, #tpu.memory_space<vmem>>, vector<16xf32>,
        %get3A_1301 = vector.shape_cast %get3A_1300 : vector<16xf32> to vector<16xf32>
        %bitcast_convert_type3A_1302 = tpu.bitcast %get3A_1301 : vector<16xf32> -> vector<16xi32>
        %ge3A_1303 = arith.cmpi sge, %bitcast_convert_type3A_1302, %or3A_705 : vector<16xi32>
        %select_n3A_1304 = arith.select %ge3A_1303, %broadcast_in_dim3A_13, %broadcast_in_dim3A_9 : vector<16xi1>, vector<16xi32>
        %add3A_1305 = arith.addi %scan3A_1275, %select_n3A_1304 : vector<16xi32>
        %add3A_1306 = arith.constant 48 : i32
        %add3A_1307 = arith.addi %mul3A_1278, %add3A_1306 : i32
        %get3A_1308 = arith.index_cast %add3A_1307 : i32 to index
        %get3A_1309 = tpu.vector_load %arg5[%get3A_1308] {strides = array<i32>} : memref<20000xf32, #tpu.memory_space<vmem>>, vector<16xf32>,
        %get3A_1310 = vector.shape_cast %get3A_1309 : vector<16xf32> to vector<16xf32>
        %bitcast_convert_type3A_1311 = tpu.bitcast %get3A_1310 : vector<16xf32> -> vector<16xi32>
        %ge3A_1312 = arith.cmpi sge, %bitcast_convert_type3A_1311, %or3A_705 : vector<16xi32>
        %select_n3A_1313 = arith.select %ge3A_1312, %broadcast_in_dim3A_13, %broadcast_in_dim3A_9 : vector<16xi1>, vector<16xi32>
        %add3A_1314 = arith.addi %scan3A_1276, %select_n3A_1313 : vector<16xi32>
        %add3A_1315 = arith.constant 64 : i32
        %add3A_1316 = arith.addi %mul3A_1278, %add3A_1315 : i32
        %get3A_1317 = arith.index_cast %add3A_1316 : i32 to index
        %get3A_1318 = tpu.vector_load %arg5[%get3A_1317] {strides = array<i32>} : memref<20000xf32, #tpu.memory_space<vmem>>, vector<16xf32>,
        %get3A_1319 = vector.shape_cast %get3A_1318 : vector<16xf32> to vector<16xf32>
        %bitcast_convert_type3A_1320 = tpu.bitcast %get3A_1319 : vector<16xf32> -> vector<16xi32>
        %ge3A_1321 = arith.cmpi sge, %bitcast_convert_type3A_1320, %or3A_705 : vector<16xi32>
        %select_n3A_1322 = arith.select %ge3A_1321, %broadcast_in_dim3A_13, %broadcast_in_dim3A_9 : vector<16xi1>, vector<16xi32>
        %add3A_1323 = arith.addi %add3A_1287, %select_n3A_1322 : vector<16xi32>
        %add3A_1324 = arith.constant 80 : i32
        %add3A_1325 = arith.addi %mul3A_1278, %add3A_1324 : i32
        %get3A_1326 = arith.index_cast %add3A_1325 : i32 to index
        %get3A_1327 = tpu.vector_load %arg5[%get3A_1326] {strides = array<i32>} : memref<20000xf32, #tpu.memory_space<vmem>>, vector<16xf32>,
        %get3A_1328 = vector.shape_cast %get3A_1327 : vector<16xf32> to vector<16xf32>
        %bitcast_convert_type3A_1329 = tpu.bitcast %get3A_1328 : vector<16xf32> -> vector<16xi32>
        %ge3A_1330 = arith.cmpi sge, %bitcast_convert_type3A_1329, %or3A_705 : vector<16xi32>
        %select_n3A_1331 = arith.select %ge3A_1330, %broadcast_in_dim3A_13, %broadcast_in_dim3A_9 : vector<16xi1>, vector<16xi32>
        %add3A_1332 = arith.addi %add3A_1296, %select_n3A_1331 : vector<16xi32>
        %add3A_1333 = arith.constant 96 : i32
        %add3A_1334 = arith.addi %mul3A_1278, %add3A_1333 : i32
        %get3A_1335 = arith.index_cast %add3A_1334 : i32 to index
        %get3A_1336 = tpu.vector_load %arg5[%get3A_1335] {strides = array<i32>} : memref<20000xf32, #tpu.memory_space<vmem>>, vector<16xf32>,
        %get3A_1337 = vector.shape_cast %get3A_1336 : vector<16xf32> to vector<16xf32>
        %bitcast_convert_type3A_1338 = tpu.bitcast %get3A_1337 : vector<16xf32> -> vector<16xi32>
        %ge3A_1339 = arith.cmpi sge, %bitcast_convert_type3A_1338, %or3A_705 : vector<16xi32>
        %select_n3A_1340 = arith.select %ge3A_1339, %broadcast_in_dim3A_13, %broadcast_in_dim3A_9 : vector<16xi1>, vector<16xi32>
        %add3A_1341 = arith.addi %add3A_1305, %select_n3A_1340 : vector<16xi32>
        %add3A_1342 = arith.constant 112 : i32
        %add3A_1343 = arith.addi %mul3A_1278, %add3A_1342 : i32
        %get3A_1344 = arith.index_cast %add3A_1343 : i32 to index
        %get3A_1345 = tpu.vector_load %arg5[%get3A_1344] {strides = array<i32>} : memref<20000xf32, #tpu.memory_space<vmem>>, vector<16xf32>,
        %get3A_1346 = vector.shape_cast %get3A_1345 : vector<16xf32> to vector<16xf32>
        %bitcast_convert_type3A_1347 = tpu.bitcast %get3A_1346 : vector<16xf32> -> vector<16xi32>
        %ge3A_1348 = arith.cmpi sge, %bitcast_convert_type3A_1347, %or3A_705 : vector<16xi32>
        %select_n3A_1349 = arith.select %ge3A_1348, %broadcast_in_dim3A_13, %broadcast_in_dim3A_9 : vector<16xi1>, vector<16xi32>
        %add3A_1350 = arith.addi %add3A_1314, %select_n3A_1349 : vector<16xi32>
        %add3A_1351 = arith.constant 128 : i32
        %add3A_1352 = arith.addi %mul3A_1278, %add3A_1351 : i32
        %get3A_1353 = arith.index_cast %add3A_1352 : i32 to index
        %get3A_1354 = tpu.vector_load %arg5[%get3A_1353] {strides = array<i32>} : memref<20000xf32, #tpu.memory_space<vmem>>, vector<16xf32>,
        %get3A_1355 = vector.shape_cast %get3A_1354 : vector<16xf32> to vector<16xf32>
        %bitcast_convert_type3A_1356 = tpu.bitcast %get3A_1355 : vector<16xf32> -> vector<16xi32>
        %ge3A_1357 = arith.cmpi sge, %bitcast_convert_type3A_1356, %or3A_705 : vector<16xi32>
        %select_n3A_1358 = arith.select %ge3A_1357, %broadcast_in_dim3A_13, %broadcast_in_dim3A_9 : vector<16xi1>, vector<16xi32>
        %add3A_1359 = arith.addi %add3A_1323, %select_n3A_1358 : vector<16xi32>
        %add3A_1360 = arith.constant 144 : i32
        %add3A_1361 = arith.addi %mul3A_1278, %add3A_1360 : i32
        %get3A_1362 = arith.index_cast %add3A_1361 : i32 to index
        %get3A_1363 = tpu.vector_load %arg5[%get3A_1362] {strides = array<i32>} : memref<20000xf32, #tpu.memory_space<vmem>>, vector<16xf32>,
        %get3A_1364 = vector.shape_cast %get3A_1363 : vector<16xf32> to vector<16xf32>
        %bitcast_convert_type3A_1365 = tpu.bitcast %get3A_1364 : vector<16xf32> -> vector<16xi32>
        %ge3A_1366 = arith.cmpi sge, %bitcast_convert_type3A_1365, %or3A_705 : vector<16xi32>
        %select_n3A_1367 = arith.select %ge3A_1366, %broadcast_in_dim3A_13, %broadcast_in_dim3A_9 : vector<16xi1>, vector<16xi32>
        %add3A_1368 = arith.addi %add3A_1332, %select_n3A_1367 : vector<16xi32>
        scf.yield %add3A_1359, %add3A_1368, %add3A_1341, %add3A_1350 : vector<16xi32>, vector<16xi32>, vector<16xi32>, vector<16xi32>
      }
      %scan3A_711 = arith.constant 125 : i32
      %add3A_712 = arith.addi %scan3A_710#0, %scan3A_710#1 : vector<16xi32>
      %add3A_713 = arith.addi %scan3A_710#2, %scan3A_710#3 : vector<16xi32>
      %add3A_714 = arith.addi %add3A_712, %add3A_713 : vector<16xi32>
      %iota3A_715 = tpu.iota {dimensions = array<i32: 0>} : vector<16xi32>
      %add3A_716 = arith.constant 1 : i32
      %add3A_717 = vector.broadcast %add3A_716 : i32 to vector<16xi32>
      %add3A_718 = arith.addi %iota3A_715, %add3A_717 : vector<16xi32>
      %and3A_719 = arith.constant 15 : i32
      %and3A_720 = vector.broadcast %and3A_719 : i32 to vector<16xi32>
      %and3A_721 = arith.andi %add3A_718, %and3A_720 : vector<16xi32>
      %broadcast_in_dim3A_722 = vector.shape_cast %and3A_721 : vector<16xi32> to vector<16x1xi32>
      %gather3A_723 = vector.shape_cast %broadcast_in_dim3A_722 : vector<16x1xi32> to vector<16xi32>
      %gather3A_724 = tpu.dynamic_gather %add3A_714[%gather3A_723] in [0] : vector<16xi32>, vector<16xi32> -> vector<16xi32>
      %add3A_725 = arith.addi %add3A_714, %gather3A_724 : vector<16xi32>
      %iota3A_726 = tpu.iota {dimensions = array<i32: 0>} : vector<16xi32>
      %add3A_727 = arith.constant 2 : i32
      %add3A_728 = vector.broadcast %add3A_727 : i32 to vector<16xi32>
      %add3A_729 = arith.addi %iota3A_726, %add3A_728 : vector<16xi32>
      %and3A_730 = arith.constant 15 : i32
      %and3A_731 = vector.broadcast %and3A_730 : i32 to vector<16xi32>
      %and3A_732 = arith.andi %add3A_729, %and3A_731 : vector<16xi32>
      %broadcast_in_dim3A_733 = vector.shape_cast %and3A_732 : vector<16xi32> to vector<16x1xi32>
      %gather3A_734 = vector.shape_cast %broadcast_in_dim3A_733 : vector<16x1xi32> to vector<16xi32>
      %gather3A_735 = tpu.dynamic_gather %add3A_725[%gather3A_734] in [0] : vector<16xi32>, vector<16xi32> -> vector<16xi32>
      %add3A_736 = arith.addi %add3A_725, %gather3A_735 : vector<16xi32>
      %iota3A_737 = tpu.iota {dimensions = array<i32: 0>} : vector<16xi32>
      %add3A_738 = arith.constant 4 : i32
      %add3A_739 = vector.broadcast %add3A_738 : i32 to vector<16xi32>
      %add3A_740 = arith.addi %iota3A_737, %add3A_739 : vector<16xi32>
      %and3A_741 = arith.constant 15 : i32
      %and3A_742 = vector.broadcast %and3A_741 : i32 to vector<16xi32>
      %and3A_743 = arith.andi %add3A_740, %and3A_742 : vector<16xi32>
      %broadcast_in_dim3A_744 = vector.shape_cast %and3A_743 : vector<16xi32> to vector<16x1xi32>
      %gather3A_745 = vector.shape_cast %broadcast_in_dim3A_744 : vector<16x1xi32> to vector<16xi32>
      %gather3A_746 = tpu.dynamic_gather %add3A_736[%gather3A_745] in [0] : vector<16xi32>, vector<16xi32> -> vector<16xi32>
      %add3A_747 = arith.addi %add3A_736, %gather3A_746 : vector<16xi32>
      %iota3A_748 = tpu.iota {dimensions = array<i32: 0>} : vector<16xi32>
      %add3A_749 = arith.constant 8 : i32
      %add3A_750 = vector.broadcast %add3A_749 : i32 to vector<16xi32>
      %add3A_751 = arith.addi %iota3A_748, %add3A_750 : vector<16xi32>
      %and3A_752 = arith.constant 15 : i32
      %and3A_753 = vector.broadcast %and3A_752 : i32 to vector<16xi32>
      %and3A_754 = arith.andi %add3A_751, %and3A_753 : vector<16xi32>
      %broadcast_in_dim3A_755 = vector.shape_cast %and3A_754 : vector<16xi32> to vector<16x1xi32>
      %gather3A_756 = vector.shape_cast %broadcast_in_dim3A_755 : vector<16x1xi32> to vector<16xi32>
      %gather3A_757 = tpu.dynamic_gather %add3A_747[%gather3A_756] in [0] : vector<16xi32>, vector<16xi32> -> vector<16xi32>
      %add3A_758 = arith.addi %add3A_747, %gather3A_757 : vector<16xi32>
      %ge3A_759 = arith.cmpi sge, %add3A_758, %get3A_8 : vector<16xi32>
      %select_n3A_760 = arith.select %ge3A_759, %or3A_705, %select_n3A_702 : vector<16xi1>, vector<16xi32>
      %broadcast_in_dim3A_761 = arith.constant 131072 : i32
      %broadcast_in_dim3A_762 = vector.broadcast %broadcast_in_dim3A_761 : i32 to vector<16xi32>
      %or3A_763 = arith.ori %select_n3A_760, %broadcast_in_dim3A_762 : vector<16xi32>
      %scan3A_764 = arith.constant 0 : i32
      %scan3A_765 = arith.constant 125 : i32
      %scan3A_766 = arith.addi %scan3A_764, %scan3A_765 : i32
      %scan3A_767 = arith.constant 1 : i32
      %scan3A_768:4 = scf.for %scan3A_1272 = %scan3A_764 to %scan3A_766 step %scan3A_767 iter_args(%scan3A_1273 = %broadcast_in_dim3A_9, %scan3A_1274 = %broadcast_in_dim3A_9, %scan3A_1275 = %broadcast_in_dim3A_9, %scan3A_1276 = %broadcast_in_dim3A_9) -> (vector<16xi32>, vector<16xi32>, vector<16xi32>, vector<16xi32>)  : i32 {
        %mul3A_1277 = arith.constant 160 : i32
        %mul3A_1278 = arith.muli %scan3A_1272, %mul3A_1277 : i32
        %add3A_1279 = arith.constant 0 : i32
        %add3A_1280 = arith.addi %mul3A_1278, %add3A_1279 : i32
        %get3A_1281 = arith.index_cast %add3A_1280 : i32 to index
        %get3A_1282 = tpu.vector_load %arg5[%get3A_1281] {strides = array<i32>} : memref<20000xf32, #tpu.memory_space<vmem>>, vector<16xf32>,
        %get3A_1283 = vector.shape_cast %get3A_1282 : vector<16xf32> to vector<16xf32>
        %bitcast_convert_type3A_1284 = tpu.bitcast %get3A_1283 : vector<16xf32> -> vector<16xi32>
        %ge3A_1285 = arith.cmpi sge, %bitcast_convert_type3A_1284, %or3A_763 : vector<16xi32>
        %select_n3A_1286 = arith.select %ge3A_1285, %broadcast_in_dim3A_13, %broadcast_in_dim3A_9 : vector<16xi1>, vector<16xi32>
        %add3A_1287 = arith.addi %scan3A_1273, %select_n3A_1286 : vector<16xi32>
        %add3A_1288 = arith.constant 16 : i32
        %add3A_1289 = arith.addi %mul3A_1278, %add3A_1288 : i32
        %get3A_1290 = arith.index_cast %add3A_1289 : i32 to index
        %get3A_1291 = tpu.vector_load %arg5[%get3A_1290] {strides = array<i32>} : memref<20000xf32, #tpu.memory_space<vmem>>, vector<16xf32>,
        %get3A_1292 = vector.shape_cast %get3A_1291 : vector<16xf32> to vector<16xf32>
        %bitcast_convert_type3A_1293 = tpu.bitcast %get3A_1292 : vector<16xf32> -> vector<16xi32>
        %ge3A_1294 = arith.cmpi sge, %bitcast_convert_type3A_1293, %or3A_763 : vector<16xi32>
        %select_n3A_1295 = arith.select %ge3A_1294, %broadcast_in_dim3A_13, %broadcast_in_dim3A_9 : vector<16xi1>, vector<16xi32>
        %add3A_1296 = arith.addi %scan3A_1274, %select_n3A_1295 : vector<16xi32>
        %add3A_1297 = arith.constant 32 : i32
        %add3A_1298 = arith.addi %mul3A_1278, %add3A_1297 : i32
        %get3A_1299 = arith.index_cast %add3A_1298 : i32 to index
        %get3A_1300 = tpu.vector_load %arg5[%get3A_1299] {strides = array<i32>} : memref<20000xf32, #tpu.memory_space<vmem>>, vector<16xf32>,
        %get3A_1301 = vector.shape_cast %get3A_1300 : vector<16xf32> to vector<16xf32>
        %bitcast_convert_type3A_1302 = tpu.bitcast %get3A_1301 : vector<16xf32> -> vector<16xi32>
        %ge3A_1303 = arith.cmpi sge, %bitcast_convert_type3A_1302, %or3A_763 : vector<16xi32>
        %select_n3A_1304 = arith.select %ge3A_1303, %broadcast_in_dim3A_13, %broadcast_in_dim3A_9 : vector<16xi1>, vector<16xi32>
        %add3A_1305 = arith.addi %scan3A_1275, %select_n3A_1304 : vector<16xi32>
        %add3A_1306 = arith.constant 48 : i32
        %add3A_1307 = arith.addi %mul3A_1278, %add3A_1306 : i32
        %get3A_1308 = arith.index_cast %add3A_1307 : i32 to index
        %get3A_1309 = tpu.vector_load %arg5[%get3A_1308] {strides = array<i32>} : memref<20000xf32, #tpu.memory_space<vmem>>, vector<16xf32>,
        %get3A_1310 = vector.shape_cast %get3A_1309 : vector<16xf32> to vector<16xf32>
        %bitcast_convert_type3A_1311 = tpu.bitcast %get3A_1310 : vector<16xf32> -> vector<16xi32>
        %ge3A_1312 = arith.cmpi sge, %bitcast_convert_type3A_1311, %or3A_763 : vector<16xi32>
        %select_n3A_1313 = arith.select %ge3A_1312, %broadcast_in_dim3A_13, %broadcast_in_dim3A_9 : vector<16xi1>, vector<16xi32>
        %add3A_1314 = arith.addi %scan3A_1276, %select_n3A_1313 : vector<16xi32>
        %add3A_1315 = arith.constant 64 : i32
        %add3A_1316 = arith.addi %mul3A_1278, %add3A_1315 : i32
        %get3A_1317 = arith.index_cast %add3A_1316 : i32 to index
        %get3A_1318 = tpu.vector_load %arg5[%get3A_1317] {strides = array<i32>} : memref<20000xf32, #tpu.memory_space<vmem>>, vector<16xf32>,
        %get3A_1319 = vector.shape_cast %get3A_1318 : vector<16xf32> to vector<16xf32>
        %bitcast_convert_type3A_1320 = tpu.bitcast %get3A_1319 : vector<16xf32> -> vector<16xi32>
        %ge3A_1321 = arith.cmpi sge, %bitcast_convert_type3A_1320, %or3A_763 : vector<16xi32>
        %select_n3A_1322 = arith.select %ge3A_1321, %broadcast_in_dim3A_13, %broadcast_in_dim3A_9 : vector<16xi1>, vector<16xi32>
        %add3A_1323 = arith.addi %add3A_1287, %select_n3A_1322 : vector<16xi32>
        %add3A_1324 = arith.constant 80 : i32
        %add3A_1325 = arith.addi %mul3A_1278, %add3A_1324 : i32
        %get3A_1326 = arith.index_cast %add3A_1325 : i32 to index
        %get3A_1327 = tpu.vector_load %arg5[%get3A_1326] {strides = array<i32>} : memref<20000xf32, #tpu.memory_space<vmem>>, vector<16xf32>,
        %get3A_1328 = vector.shape_cast %get3A_1327 : vector<16xf32> to vector<16xf32>
        %bitcast_convert_type3A_1329 = tpu.bitcast %get3A_1328 : vector<16xf32> -> vector<16xi32>
        %ge3A_1330 = arith.cmpi sge, %bitcast_convert_type3A_1329, %or3A_763 : vector<16xi32>
        %select_n3A_1331 = arith.select %ge3A_1330, %broadcast_in_dim3A_13, %broadcast_in_dim3A_9 : vector<16xi1>, vector<16xi32>
        %add3A_1332 = arith.addi %add3A_1296, %select_n3A_1331 : vector<16xi32>
        %add3A_1333 = arith.constant 96 : i32
        %add3A_1334 = arith.addi %mul3A_1278, %add3A_1333 : i32
        %get3A_1335 = arith.index_cast %add3A_1334 : i32 to index
        %get3A_1336 = tpu.vector_load %arg5[%get3A_1335] {strides = array<i32>} : memref<20000xf32, #tpu.memory_space<vmem>>, vector<16xf32>,
        %get3A_1337 = vector.shape_cast %get3A_1336 : vector<16xf32> to vector<16xf32>
        %bitcast_convert_type3A_1338 = tpu.bitcast %get3A_1337 : vector<16xf32> -> vector<16xi32>
        %ge3A_1339 = arith.cmpi sge, %bitcast_convert_type3A_1338, %or3A_763 : vector<16xi32>
        %select_n3A_1340 = arith.select %ge3A_1339, %broadcast_in_dim3A_13, %broadcast_in_dim3A_9 : vector<16xi1>, vector<16xi32>
        %add3A_1341 = arith.addi %add3A_1305, %select_n3A_1340 : vector<16xi32>
        %add3A_1342 = arith.constant 112 : i32
        %add3A_1343 = arith.addi %mul3A_1278, %add3A_1342 : i32
        %get3A_1344 = arith.index_cast %add3A_1343 : i32 to index
        %get3A_1345 = tpu.vector_load %arg5[%get3A_1344] {strides = array<i32>} : memref<20000xf32, #tpu.memory_space<vmem>>, vector<16xf32>,
        %get3A_1346 = vector.shape_cast %get3A_1345 : vector<16xf32> to vector<16xf32>
        %bitcast_convert_type3A_1347 = tpu.bitcast %get3A_1346 : vector<16xf32> -> vector<16xi32>
        %ge3A_1348 = arith.cmpi sge, %bitcast_convert_type3A_1347, %or3A_763 : vector<16xi32>
        %select_n3A_1349 = arith.select %ge3A_1348, %broadcast_in_dim3A_13, %broadcast_in_dim3A_9 : vector<16xi1>, vector<16xi32>
        %add3A_1350 = arith.addi %add3A_1314, %select_n3A_1349 : vector<16xi32>
        %add3A_1351 = arith.constant 128 : i32
        %add3A_1352 = arith.addi %mul3A_1278, %add3A_1351 : i32
        %get3A_1353 = arith.index_cast %add3A_1352 : i32 to index
        %get3A_1354 = tpu.vector_load %arg5[%get3A_1353] {strides = array<i32>} : memref<20000xf32, #tpu.memory_space<vmem>>, vector<16xf32>,
        %get3A_1355 = vector.shape_cast %get3A_1354 : vector<16xf32> to vector<16xf32>
        %bitcast_convert_type3A_1356 = tpu.bitcast %get3A_1355 : vector<16xf32> -> vector<16xi32>
        %ge3A_1357 = arith.cmpi sge, %bitcast_convert_type3A_1356, %or3A_763 : vector<16xi32>
        %select_n3A_1358 = arith.select %ge3A_1357, %broadcast_in_dim3A_13, %broadcast_in_dim3A_9 : vector<16xi1>, vector<16xi32>
        %add3A_1359 = arith.addi %add3A_1323, %select_n3A_1358 : vector<16xi32>
        %add3A_1360 = arith.constant 144 : i32
        %add3A_1361 = arith.addi %mul3A_1278, %add3A_1360 : i32
        %get3A_1362 = arith.index_cast %add3A_1361 : i32 to index
        %get3A_1363 = tpu.vector_load %arg5[%get3A_1362] {strides = array<i32>} : memref<20000xf32, #tpu.memory_space<vmem>>, vector<16xf32>,
        %get3A_1364 = vector.shape_cast %get3A_1363 : vector<16xf32> to vector<16xf32>
        %bitcast_convert_type3A_1365 = tpu.bitcast %get3A_1364 : vector<16xf32> -> vector<16xi32>
        %ge3A_1366 = arith.cmpi sge, %bitcast_convert_type3A_1365, %or3A_763 : vector<16xi32>
        %select_n3A_1367 = arith.select %ge3A_1366, %broadcast_in_dim3A_13, %broadcast_in_dim3A_9 : vector<16xi1>, vector<16xi32>
        %add3A_1368 = arith.addi %add3A_1332, %select_n3A_1367 : vector<16xi32>
        scf.yield %add3A_1359, %add3A_1368, %add3A_1341, %add3A_1350 : vector<16xi32>, vector<16xi32>, vector<16xi32>, vector<16xi32>
      }
      %scan3A_769 = arith.constant 125 : i32
      %add3A_770 = arith.addi %scan3A_768#0, %scan3A_768#1 : vector<16xi32>
      %add3A_771 = arith.addi %scan3A_768#2, %scan3A_768#3 : vector<16xi32>
      %add3A_772 = arith.addi %add3A_770, %add3A_771 : vector<16xi32>
      %iota3A_773 = tpu.iota {dimensions = array<i32: 0>} : vector<16xi32>
      %add3A_774 = arith.constant 1 : i32
      %add3A_775 = vector.broadcast %add3A_774 : i32 to vector<16xi32>
      %add3A_776 = arith.addi %iota3A_773, %add3A_775 : vector<16xi32>
      %and3A_777 = arith.constant 15 : i32
      %and3A_778 = vector.broadcast %and3A_777 : i32 to vector<16xi32>
      %and3A_779 = arith.andi %add3A_776, %and3A_778 : vector<16xi32>
      %broadcast_in_dim3A_780 = vector.shape_cast %and3A_779 : vector<16xi32> to vector<16x1xi32>
      %gather3A_781 = vector.shape_cast %broadcast_in_dim3A_780 : vector<16x1xi32> to vector<16xi32>
      %gather3A_782 = tpu.dynamic_gather %add3A_772[%gather3A_781] in [0] : vector<16xi32>, vector<16xi32> -> vector<16xi32>
      %add3A_783 = arith.addi %add3A_772, %gather3A_782 : vector<16xi32>
      %iota3A_784 = tpu.iota {dimensions = array<i32: 0>} : vector<16xi32>
      %add3A_785 = arith.constant 2 : i32
      %add3A_786 = vector.broadcast %add3A_785 : i32 to vector<16xi32>
      %add3A_787 = arith.addi %iota3A_784, %add3A_786 : vector<16xi32>
      %and3A_788 = arith.constant 15 : i32
      %and3A_789 = vector.broadcast %and3A_788 : i32 to vector<16xi32>
      %and3A_790 = arith.andi %add3A_787, %and3A_789 : vector<16xi32>
      %broadcast_in_dim3A_791 = vector.shape_cast %and3A_790 : vector<16xi32> to vector<16x1xi32>
      %gather3A_792 = vector.shape_cast %broadcast_in_dim3A_791 : vector<16x1xi32> to vector<16xi32>
      %gather3A_793 = tpu.dynamic_gather %add3A_783[%gather3A_792] in [0] : vector<16xi32>, vector<16xi32> -> vector<16xi32>
      %add3A_794 = arith.addi %add3A_783, %gather3A_793 : vector<16xi32>
      %iota3A_795 = tpu.iota {dimensions = array<i32: 0>} : vector<16xi32>
      %add3A_796 = arith.constant 4 : i32
      %add3A_797 = vector.broadcast %add3A_796 : i32 to vector<16xi32>
      %add3A_798 = arith.addi %iota3A_795, %add3A_797 : vector<16xi32>
      %and3A_799 = arith.constant 15 : i32
      %and3A_800 = vector.broadcast %and3A_799 : i32 to vector<16xi32>
      %and3A_801 = arith.andi %add3A_798, %and3A_800 : vector<16xi32>
      %broadcast_in_dim3A_802 = vector.shape_cast %and3A_801 : vector<16xi32> to vector<16x1xi32>
      %gather3A_803 = vector.shape_cast %broadcast_in_dim3A_802 : vector<16x1xi32> to vector<16xi32>
      %gather3A_804 = tpu.dynamic_gather %add3A_794[%gather3A_803] in [0] : vector<16xi32>, vector<16xi32> -> vector<16xi32>
      %add3A_805 = arith.addi %add3A_794, %gather3A_804 : vector<16xi32>
      %iota3A_806 = tpu.iota {dimensions = array<i32: 0>} : vector<16xi32>
      %add3A_807 = arith.constant 8 : i32
      %add3A_808 = vector.broadcast %add3A_807 : i32 to vector<16xi32>
      %add3A_809 = arith.addi %iota3A_806, %add3A_808 : vector<16xi32>
      %and3A_810 = arith.constant 15 : i32
      %and3A_811 = vector.broadcast %and3A_810 : i32 to vector<16xi32>
      %and3A_812 = arith.andi %add3A_809, %and3A_811 : vector<16xi32>
      %broadcast_in_dim3A_813 = vector.shape_cast %and3A_812 : vector<16xi32> to vector<16x1xi32>
      %gather3A_814 = vector.shape_cast %broadcast_in_dim3A_813 : vector<16x1xi32> to vector<16xi32>
      %gather3A_815 = tpu.dynamic_gather %add3A_805[%gather3A_814] in [0] : vector<16xi32>, vector<16xi32> -> vector<16xi32>
      %add3A_816 = arith.addi %add3A_805, %gather3A_815 : vector<16xi32>
      %ge3A_817 = arith.cmpi sge, %add3A_816, %get3A_8 : vector<16xi32>
      %select_n3A_818 = arith.select %ge3A_817, %or3A_763, %select_n3A_760 : vector<16xi1>, vector<16xi32>
      %broadcast_in_dim3A_819 = arith.constant 65536 : i32
      %broadcast_in_dim3A_820 = vector.broadcast %broadcast_in_dim3A_819 : i32 to vector<16xi32>
      %or3A_821 = arith.ori %select_n3A_818, %broadcast_in_dim3A_820 : vector<16xi32>
      %scan3A_822 = arith.constant 0 : i32
      %scan3A_823 = arith.constant 125 : i32
      %scan3A_824 = arith.addi %scan3A_822, %scan3A_823 : i32
      %scan3A_825 = arith.constant 1 : i32
      %scan3A_826:4 = scf.for %scan3A_1272 = %scan3A_822 to %scan3A_824 step %scan3A_825 iter_args(%scan3A_1273 = %broadcast_in_dim3A_9, %scan3A_1274 = %broadcast_in_dim3A_9, %scan3A_1275 = %broadcast_in_dim3A_9, %scan3A_1276 = %broadcast_in_dim3A_9) -> (vector<16xi32>, vector<16xi32>, vector<16xi32>, vector<16xi32>)  : i32 {
        %mul3A_1277 = arith.constant 160 : i32
        %mul3A_1278 = arith.muli %scan3A_1272, %mul3A_1277 : i32
        %add3A_1279 = arith.constant 0 : i32
        %add3A_1280 = arith.addi %mul3A_1278, %add3A_1279 : i32
        %get3A_1281 = arith.index_cast %add3A_1280 : i32 to index
        %get3A_1282 = tpu.vector_load %arg5[%get3A_1281] {strides = array<i32>} : memref<20000xf32, #tpu.memory_space<vmem>>, vector<16xf32>,
        %get3A_1283 = vector.shape_cast %get3A_1282 : vector<16xf32> to vector<16xf32>
        %bitcast_convert_type3A_1284 = tpu.bitcast %get3A_1283 : vector<16xf32> -> vector<16xi32>
        %ge3A_1285 = arith.cmpi sge, %bitcast_convert_type3A_1284, %or3A_821 : vector<16xi32>
        %select_n3A_1286 = arith.select %ge3A_1285, %broadcast_in_dim3A_13, %broadcast_in_dim3A_9 : vector<16xi1>, vector<16xi32>
        %add3A_1287 = arith.addi %scan3A_1273, %select_n3A_1286 : vector<16xi32>
        %add3A_1288 = arith.constant 16 : i32
        %add3A_1289 = arith.addi %mul3A_1278, %add3A_1288 : i32
        %get3A_1290 = arith.index_cast %add3A_1289 : i32 to index
        %get3A_1291 = tpu.vector_load %arg5[%get3A_1290] {strides = array<i32>} : memref<20000xf32, #tpu.memory_space<vmem>>, vector<16xf32>,
        %get3A_1292 = vector.shape_cast %get3A_1291 : vector<16xf32> to vector<16xf32>
        %bitcast_convert_type3A_1293 = tpu.bitcast %get3A_1292 : vector<16xf32> -> vector<16xi32>
        %ge3A_1294 = arith.cmpi sge, %bitcast_convert_type3A_1293, %or3A_821 : vector<16xi32>
        %select_n3A_1295 = arith.select %ge3A_1294, %broadcast_in_dim3A_13, %broadcast_in_dim3A_9 : vector<16xi1>, vector<16xi32>
        %add3A_1296 = arith.addi %scan3A_1274, %select_n3A_1295 : vector<16xi32>
        %add3A_1297 = arith.constant 32 : i32
        %add3A_1298 = arith.addi %mul3A_1278, %add3A_1297 : i32
        %get3A_1299 = arith.index_cast %add3A_1298 : i32 to index
        %get3A_1300 = tpu.vector_load %arg5[%get3A_1299] {strides = array<i32>} : memref<20000xf32, #tpu.memory_space<vmem>>, vector<16xf32>,
        %get3A_1301 = vector.shape_cast %get3A_1300 : vector<16xf32> to vector<16xf32>
        %bitcast_convert_type3A_1302 = tpu.bitcast %get3A_1301 : vector<16xf32> -> vector<16xi32>
        %ge3A_1303 = arith.cmpi sge, %bitcast_convert_type3A_1302, %or3A_821 : vector<16xi32>
        %select_n3A_1304 = arith.select %ge3A_1303, %broadcast_in_dim3A_13, %broadcast_in_dim3A_9 : vector<16xi1>, vector<16xi32>
        %add3A_1305 = arith.addi %scan3A_1275, %select_n3A_1304 : vector<16xi32>
        %add3A_1306 = arith.constant 48 : i32
        %add3A_1307 = arith.addi %mul3A_1278, %add3A_1306 : i32
        %get3A_1308 = arith.index_cast %add3A_1307 : i32 to index
        %get3A_1309 = tpu.vector_load %arg5[%get3A_1308] {strides = array<i32>} : memref<20000xf32, #tpu.memory_space<vmem>>, vector<16xf32>,
        %get3A_1310 = vector.shape_cast %get3A_1309 : vector<16xf32> to vector<16xf32>
        %bitcast_convert_type3A_1311 = tpu.bitcast %get3A_1310 : vector<16xf32> -> vector<16xi32>
        %ge3A_1312 = arith.cmpi sge, %bitcast_convert_type3A_1311, %or3A_821 : vector<16xi32>
        %select_n3A_1313 = arith.select %ge3A_1312, %broadcast_in_dim3A_13, %broadcast_in_dim3A_9 : vector<16xi1>, vector<16xi32>
        %add3A_1314 = arith.addi %scan3A_1276, %select_n3A_1313 : vector<16xi32>
        %add3A_1315 = arith.constant 64 : i32
        %add3A_1316 = arith.addi %mul3A_1278, %add3A_1315 : i32
        %get3A_1317 = arith.index_cast %add3A_1316 : i32 to index
        %get3A_1318 = tpu.vector_load %arg5[%get3A_1317] {strides = array<i32>} : memref<20000xf32, #tpu.memory_space<vmem>>, vector<16xf32>,
        %get3A_1319 = vector.shape_cast %get3A_1318 : vector<16xf32> to vector<16xf32>
        %bitcast_convert_type3A_1320 = tpu.bitcast %get3A_1319 : vector<16xf32> -> vector<16xi32>
        %ge3A_1321 = arith.cmpi sge, %bitcast_convert_type3A_1320, %or3A_821 : vector<16xi32>
        %select_n3A_1322 = arith.select %ge3A_1321, %broadcast_in_dim3A_13, %broadcast_in_dim3A_9 : vector<16xi1>, vector<16xi32>
        %add3A_1323 = arith.addi %add3A_1287, %select_n3A_1322 : vector<16xi32>
        %add3A_1324 = arith.constant 80 : i32
        %add3A_1325 = arith.addi %mul3A_1278, %add3A_1324 : i32
        %get3A_1326 = arith.index_cast %add3A_1325 : i32 to index
        %get3A_1327 = tpu.vector_load %arg5[%get3A_1326] {strides = array<i32>} : memref<20000xf32, #tpu.memory_space<vmem>>, vector<16xf32>,
        %get3A_1328 = vector.shape_cast %get3A_1327 : vector<16xf32> to vector<16xf32>
        %bitcast_convert_type3A_1329 = tpu.bitcast %get3A_1328 : vector<16xf32> -> vector<16xi32>
        %ge3A_1330 = arith.cmpi sge, %bitcast_convert_type3A_1329, %or3A_821 : vector<16xi32>
        %select_n3A_1331 = arith.select %ge3A_1330, %broadcast_in_dim3A_13, %broadcast_in_dim3A_9 : vector<16xi1>, vector<16xi32>
        %add3A_1332 = arith.addi %add3A_1296, %select_n3A_1331 : vector<16xi32>
        %add3A_1333 = arith.constant 96 : i32
        %add3A_1334 = arith.addi %mul3A_1278, %add3A_1333 : i32
        %get3A_1335 = arith.index_cast %add3A_1334 : i32 to index
        %get3A_1336 = tpu.vector_load %arg5[%get3A_1335] {strides = array<i32>} : memref<20000xf32, #tpu.memory_space<vmem>>, vector<16xf32>,
        %get3A_1337 = vector.shape_cast %get3A_1336 : vector<16xf32> to vector<16xf32>
        %bitcast_convert_type3A_1338 = tpu.bitcast %get3A_1337 : vector<16xf32> -> vector<16xi32>
        %ge3A_1339 = arith.cmpi sge, %bitcast_convert_type3A_1338, %or3A_821 : vector<16xi32>
        %select_n3A_1340 = arith.select %ge3A_1339, %broadcast_in_dim3A_13, %broadcast_in_dim3A_9 : vector<16xi1>, vector<16xi32>
        %add3A_1341 = arith.addi %add3A_1305, %select_n3A_1340 : vector<16xi32>
        %add3A_1342 = arith.constant 112 : i32
        %add3A_1343 = arith.addi %mul3A_1278, %add3A_1342 : i32
        %get3A_1344 = arith.index_cast %add3A_1343 : i32 to index
        %get3A_1345 = tpu.vector_load %arg5[%get3A_1344] {strides = array<i32>} : memref<20000xf32, #tpu.memory_space<vmem>>, vector<16xf32>,
        %get3A_1346 = vector.shape_cast %get3A_1345 : vector<16xf32> to vector<16xf32>
        %bitcast_convert_type3A_1347 = tpu.bitcast %get3A_1346 : vector<16xf32> -> vector<16xi32>
        %ge3A_1348 = arith.cmpi sge, %bitcast_convert_type3A_1347, %or3A_821 : vector<16xi32>
        %select_n3A_1349 = arith.select %ge3A_1348, %broadcast_in_dim3A_13, %broadcast_in_dim3A_9 : vector<16xi1>, vector<16xi32>
        %add3A_1350 = arith.addi %add3A_1314, %select_n3A_1349 : vector<16xi32>
        %add3A_1351 = arith.constant 128 : i32
        %add3A_1352 = arith.addi %mul3A_1278, %add3A_1351 : i32
        %get3A_1353 = arith.index_cast %add3A_1352 : i32 to index
        %get3A_1354 = tpu.vector_load %arg5[%get3A_1353] {strides = array<i32>} : memref<20000xf32, #tpu.memory_space<vmem>>, vector<16xf32>,
        %get3A_1355 = vector.shape_cast %get3A_1354 : vector<16xf32> to vector<16xf32>
        %bitcast_convert_type3A_1356 = tpu.bitcast %get3A_1355 : vector<16xf32> -> vector<16xi32>
        %ge3A_1357 = arith.cmpi sge, %bitcast_convert_type3A_1356, %or3A_821 : vector<16xi32>
        %select_n3A_1358 = arith.select %ge3A_1357, %broadcast_in_dim3A_13, %broadcast_in_dim3A_9 : vector<16xi1>, vector<16xi32>
        %add3A_1359 = arith.addi %add3A_1323, %select_n3A_1358 : vector<16xi32>
        %add3A_1360 = arith.constant 144 : i32
        %add3A_1361 = arith.addi %mul3A_1278, %add3A_1360 : i32
        %get3A_1362 = arith.index_cast %add3A_1361 : i32 to index
        %get3A_1363 = tpu.vector_load %arg5[%get3A_1362] {strides = array<i32>} : memref<20000xf32, #tpu.memory_space<vmem>>, vector<16xf32>,
        %get3A_1364 = vector.shape_cast %get3A_1363 : vector<16xf32> to vector<16xf32>
        %bitcast_convert_type3A_1365 = tpu.bitcast %get3A_1364 : vector<16xf32> -> vector<16xi32>
        %ge3A_1366 = arith.cmpi sge, %bitcast_convert_type3A_1365, %or3A_821 : vector<16xi32>
        %select_n3A_1367 = arith.select %ge3A_1366, %broadcast_in_dim3A_13, %broadcast_in_dim3A_9 : vector<16xi1>, vector<16xi32>
        %add3A_1368 = arith.addi %add3A_1332, %select_n3A_1367 : vector<16xi32>
        scf.yield %add3A_1359, %add3A_1368, %add3A_1341, %add3A_1350 : vector<16xi32>, vector<16xi32>, vector<16xi32>, vector<16xi32>
      }
      %scan3A_827 = arith.constant 125 : i32
      %add3A_828 = arith.addi %scan3A_826#0, %scan3A_826#1 : vector<16xi32>
      %add3A_829 = arith.addi %scan3A_826#2, %scan3A_826#3 : vector<16xi32>
      %add3A_830 = arith.addi %add3A_828, %add3A_829 : vector<16xi32>
      %iota3A_831 = tpu.iota {dimensions = array<i32: 0>} : vector<16xi32>
      %add3A_832 = arith.constant 1 : i32
      %add3A_833 = vector.broadcast %add3A_832 : i32 to vector<16xi32>
      %add3A_834 = arith.addi %iota3A_831, %add3A_833 : vector<16xi32>
      %and3A_835 = arith.constant 15 : i32
      %and3A_836 = vector.broadcast %and3A_835 : i32 to vector<16xi32>
      %and3A_837 = arith.andi %add3A_834, %and3A_836 : vector<16xi32>
      %broadcast_in_dim3A_838 = vector.shape_cast %and3A_837 : vector<16xi32> to vector<16x1xi32>
      %gather3A_839 = vector.shape_cast %broadcast_in_dim3A_838 : vector<16x1xi32> to vector<16xi32>
      %gather3A_840 = tpu.dynamic_gather %add3A_830[%gather3A_839] in [0] : vector<16xi32>, vector<16xi32> -> vector<16xi32>
      %add3A_841 = arith.addi %add3A_830, %gather3A_840 : vector<16xi32>
      %iota3A_842 = tpu.iota {dimensions = array<i32: 0>} : vector<16xi32>
      %add3A_843 = arith.constant 2 : i32
      %add3A_844 = vector.broadcast %add3A_843 : i32 to vector<16xi32>
      %add3A_845 = arith.addi %iota3A_842, %add3A_844 : vector<16xi32>
      %and3A_846 = arith.constant 15 : i32
      %and3A_847 = vector.broadcast %and3A_846 : i32 to vector<16xi32>
      %and3A_848 = arith.andi %add3A_845, %and3A_847 : vector<16xi32>
      %broadcast_in_dim3A_849 = vector.shape_cast %and3A_848 : vector<16xi32> to vector<16x1xi32>
      %gather3A_850 = vector.shape_cast %broadcast_in_dim3A_849 : vector<16x1xi32> to vector<16xi32>
      %gather3A_851 = tpu.dynamic_gather %add3A_841[%gather3A_850] in [0] : vector<16xi32>, vector<16xi32> -> vector<16xi32>
      %add3A_852 = arith.addi %add3A_841, %gather3A_851 : vector<16xi32>
      %iota3A_853 = tpu.iota {dimensions = array<i32: 0>} : vector<16xi32>
      %add3A_854 = arith.constant 4 : i32
      %add3A_855 = vector.broadcast %add3A_854 : i32 to vector<16xi32>
      %add3A_856 = arith.addi %iota3A_853, %add3A_855 : vector<16xi32>
      %and3A_857 = arith.constant 15 : i32
      %and3A_858 = vector.broadcast %and3A_857 : i32 to vector<16xi32>
      %and3A_859 = arith.andi %add3A_856, %and3A_858 : vector<16xi32>
      %broadcast_in_dim3A_860 = vector.shape_cast %and3A_859 : vector<16xi32> to vector<16x1xi32>
      %gather3A_861 = vector.shape_cast %broadcast_in_dim3A_860 : vector<16x1xi32> to vector<16xi32>
      %gather3A_862 = tpu.dynamic_gather %add3A_852[%gather3A_861] in [0] : vector<16xi32>, vector<16xi32> -> vector<16xi32>
      %add3A_863 = arith.addi %add3A_852, %gather3A_862 : vector<16xi32>
      %iota3A_864 = tpu.iota {dimensions = array<i32: 0>} : vector<16xi32>
      %add3A_865 = arith.constant 8 : i32
      %add3A_866 = vector.broadcast %add3A_865 : i32 to vector<16xi32>
      %add3A_867 = arith.addi %iota3A_864, %add3A_866 : vector<16xi32>
      %and3A_868 = arith.constant 15 : i32
      %and3A_869 = vector.broadcast %and3A_868 : i32 to vector<16xi32>
      %and3A_870 = arith.andi %add3A_867, %and3A_869 : vector<16xi32>
      %broadcast_in_dim3A_871 = vector.shape_cast %and3A_870 : vector<16xi32> to vector<16x1xi32>
      %gather3A_872 = vector.shape_cast %broadcast_in_dim3A_871 : vector<16x1xi32> to vector<16xi32>
      %gather3A_873 = tpu.dynamic_gather %add3A_863[%gather3A_872] in [0] : vector<16xi32>, vector<16xi32> -> vector<16xi32>
      %add3A_874 = arith.addi %add3A_863, %gather3A_873 : vector<16xi32>
      %ge3A_875 = arith.cmpi sge, %add3A_874, %get3A_8 : vector<16xi32>
      %select_n3A_876 = arith.select %ge3A_875, %or3A_821, %select_n3A_818 : vector<16xi1>, vector<16xi32>
      %broadcast_in_dim3A_877 = arith.constant 32768 : i32
      %broadcast_in_dim3A_878 = vector.broadcast %broadcast_in_dim3A_877 : i32 to vector<16xi32>
      %or3A_879 = arith.ori %select_n3A_876, %broadcast_in_dim3A_878 : vector<16xi32>
      %scan3A_880 = arith.constant 0 : i32
      %scan3A_881 = arith.constant 125 : i32
      %scan3A_882 = arith.addi %scan3A_880, %scan3A_881 : i32
      %scan3A_883 = arith.constant 1 : i32
      %scan3A_884:4 = scf.for %scan3A_1272 = %scan3A_880 to %scan3A_882 step %scan3A_883 iter_args(%scan3A_1273 = %broadcast_in_dim3A_9, %scan3A_1274 = %broadcast_in_dim3A_9, %scan3A_1275 = %broadcast_in_dim3A_9, %scan3A_1276 = %broadcast_in_dim3A_9) -> (vector<16xi32>, vector<16xi32>, vector<16xi32>, vector<16xi32>)  : i32 {
        %mul3A_1277 = arith.constant 160 : i32
        %mul3A_1278 = arith.muli %scan3A_1272, %mul3A_1277 : i32
        %add3A_1279 = arith.constant 0 : i32
        %add3A_1280 = arith.addi %mul3A_1278, %add3A_1279 : i32
        %get3A_1281 = arith.index_cast %add3A_1280 : i32 to index
        %get3A_1282 = tpu.vector_load %arg5[%get3A_1281] {strides = array<i32>} : memref<20000xf32, #tpu.memory_space<vmem>>, vector<16xf32>,
        %get3A_1283 = vector.shape_cast %get3A_1282 : vector<16xf32> to vector<16xf32>
        %bitcast_convert_type3A_1284 = tpu.bitcast %get3A_1283 : vector<16xf32> -> vector<16xi32>
        %ge3A_1285 = arith.cmpi sge, %bitcast_convert_type3A_1284, %or3A_879 : vector<16xi32>
        %select_n3A_1286 = arith.select %ge3A_1285, %broadcast_in_dim3A_13, %broadcast_in_dim3A_9 : vector<16xi1>, vector<16xi32>
        %add3A_1287 = arith.addi %scan3A_1273, %select_n3A_1286 : vector<16xi32>
        %add3A_1288 = arith.constant 16 : i32
        %add3A_1289 = arith.addi %mul3A_1278, %add3A_1288 : i32
        %get3A_1290 = arith.index_cast %add3A_1289 : i32 to index
        %get3A_1291 = tpu.vector_load %arg5[%get3A_1290] {strides = array<i32>} : memref<20000xf32, #tpu.memory_space<vmem>>, vector<16xf32>,
        %get3A_1292 = vector.shape_cast %get3A_1291 : vector<16xf32> to vector<16xf32>
        %bitcast_convert_type3A_1293 = tpu.bitcast %get3A_1292 : vector<16xf32> -> vector<16xi32>
        %ge3A_1294 = arith.cmpi sge, %bitcast_convert_type3A_1293, %or3A_879 : vector<16xi32>
        %select_n3A_1295 = arith.select %ge3A_1294, %broadcast_in_dim3A_13, %broadcast_in_dim3A_9 : vector<16xi1>, vector<16xi32>
        %add3A_1296 = arith.addi %scan3A_1274, %select_n3A_1295 : vector<16xi32>
        %add3A_1297 = arith.constant 32 : i32
        %add3A_1298 = arith.addi %mul3A_1278, %add3A_1297 : i32
        %get3A_1299 = arith.index_cast %add3A_1298 : i32 to index
        %get3A_1300 = tpu.vector_load %arg5[%get3A_1299] {strides = array<i32>} : memref<20000xf32, #tpu.memory_space<vmem>>, vector<16xf32>,
        %get3A_1301 = vector.shape_cast %get3A_1300 : vector<16xf32> to vector<16xf32>
        %bitcast_convert_type3A_1302 = tpu.bitcast %get3A_1301 : vector<16xf32> -> vector<16xi32>
        %ge3A_1303 = arith.cmpi sge, %bitcast_convert_type3A_1302, %or3A_879 : vector<16xi32>
        %select_n3A_1304 = arith.select %ge3A_1303, %broadcast_in_dim3A_13, %broadcast_in_dim3A_9 : vector<16xi1>, vector<16xi32>
        %add3A_1305 = arith.addi %scan3A_1275, %select_n3A_1304 : vector<16xi32>
        %add3A_1306 = arith.constant 48 : i32
        %add3A_1307 = arith.addi %mul3A_1278, %add3A_1306 : i32
        %get3A_1308 = arith.index_cast %add3A_1307 : i32 to index
        %get3A_1309 = tpu.vector_load %arg5[%get3A_1308] {strides = array<i32>} : memref<20000xf32, #tpu.memory_space<vmem>>, vector<16xf32>,
        %get3A_1310 = vector.shape_cast %get3A_1309 : vector<16xf32> to vector<16xf32>
        %bitcast_convert_type3A_1311 = tpu.bitcast %get3A_1310 : vector<16xf32> -> vector<16xi32>
        %ge3A_1312 = arith.cmpi sge, %bitcast_convert_type3A_1311, %or3A_879 : vector<16xi32>
        %select_n3A_1313 = arith.select %ge3A_1312, %broadcast_in_dim3A_13, %broadcast_in_dim3A_9 : vector<16xi1>, vector<16xi32>
        %add3A_1314 = arith.addi %scan3A_1276, %select_n3A_1313 : vector<16xi32>
        %add3A_1315 = arith.constant 64 : i32
        %add3A_1316 = arith.addi %mul3A_1278, %add3A_1315 : i32
        %get3A_1317 = arith.index_cast %add3A_1316 : i32 to index
        %get3A_1318 = tpu.vector_load %arg5[%get3A_1317] {strides = array<i32>} : memref<20000xf32, #tpu.memory_space<vmem>>, vector<16xf32>,
        %get3A_1319 = vector.shape_cast %get3A_1318 : vector<16xf32> to vector<16xf32>
        %bitcast_convert_type3A_1320 = tpu.bitcast %get3A_1319 : vector<16xf32> -> vector<16xi32>
        %ge3A_1321 = arith.cmpi sge, %bitcast_convert_type3A_1320, %or3A_879 : vector<16xi32>
        %select_n3A_1322 = arith.select %ge3A_1321, %broadcast_in_dim3A_13, %broadcast_in_dim3A_9 : vector<16xi1>, vector<16xi32>
        %add3A_1323 = arith.addi %add3A_1287, %select_n3A_1322 : vector<16xi32>
        %add3A_1324 = arith.constant 80 : i32
        %add3A_1325 = arith.addi %mul3A_1278, %add3A_1324 : i32
        %get3A_1326 = arith.index_cast %add3A_1325 : i32 to index
        %get3A_1327 = tpu.vector_load %arg5[%get3A_1326] {strides = array<i32>} : memref<20000xf32, #tpu.memory_space<vmem>>, vector<16xf32>,
        %get3A_1328 = vector.shape_cast %get3A_1327 : vector<16xf32> to vector<16xf32>
        %bitcast_convert_type3A_1329 = tpu.bitcast %get3A_1328 : vector<16xf32> -> vector<16xi32>
        %ge3A_1330 = arith.cmpi sge, %bitcast_convert_type3A_1329, %or3A_879 : vector<16xi32>
        %select_n3A_1331 = arith.select %ge3A_1330, %broadcast_in_dim3A_13, %broadcast_in_dim3A_9 : vector<16xi1>, vector<16xi32>
        %add3A_1332 = arith.addi %add3A_1296, %select_n3A_1331 : vector<16xi32>
        %add3A_1333 = arith.constant 96 : i32
        %add3A_1334 = arith.addi %mul3A_1278, %add3A_1333 : i32
        %get3A_1335 = arith.index_cast %add3A_1334 : i32 to index
        %get3A_1336 = tpu.vector_load %arg5[%get3A_1335] {strides = array<i32>} : memref<20000xf32, #tpu.memory_space<vmem>>, vector<16xf32>,
        %get3A_1337 = vector.shape_cast %get3A_1336 : vector<16xf32> to vector<16xf32>
        %bitcast_convert_type3A_1338 = tpu.bitcast %get3A_1337 : vector<16xf32> -> vector<16xi32>
        %ge3A_1339 = arith.cmpi sge, %bitcast_convert_type3A_1338, %or3A_879 : vector<16xi32>
        %select_n3A_1340 = arith.select %ge3A_1339, %broadcast_in_dim3A_13, %broadcast_in_dim3A_9 : vector<16xi1>, vector<16xi32>
        %add3A_1341 = arith.addi %add3A_1305, %select_n3A_1340 : vector<16xi32>
        %add3A_1342 = arith.constant 112 : i32
        %add3A_1343 = arith.addi %mul3A_1278, %add3A_1342 : i32
        %get3A_1344 = arith.index_cast %add3A_1343 : i32 to index
        %get3A_1345 = tpu.vector_load %arg5[%get3A_1344] {strides = array<i32>} : memref<20000xf32, #tpu.memory_space<vmem>>, vector<16xf32>,
        %get3A_1346 = vector.shape_cast %get3A_1345 : vector<16xf32> to vector<16xf32>
        %bitcast_convert_type3A_1347 = tpu.bitcast %get3A_1346 : vector<16xf32> -> vector<16xi32>
        %ge3A_1348 = arith.cmpi sge, %bitcast_convert_type3A_1347, %or3A_879 : vector<16xi32>
        %select_n3A_1349 = arith.select %ge3A_1348, %broadcast_in_dim3A_13, %broadcast_in_dim3A_9 : vector<16xi1>, vector<16xi32>
        %add3A_1350 = arith.addi %add3A_1314, %select_n3A_1349 : vector<16xi32>
        %add3A_1351 = arith.constant 128 : i32
        %add3A_1352 = arith.addi %mul3A_1278, %add3A_1351 : i32
        %get3A_1353 = arith.index_cast %add3A_1352 : i32 to index
        %get3A_1354 = tpu.vector_load %arg5[%get3A_1353] {strides = array<i32>} : memref<20000xf32, #tpu.memory_space<vmem>>, vector<16xf32>,
        %get3A_1355 = vector.shape_cast %get3A_1354 : vector<16xf32> to vector<16xf32>
        %bitcast_convert_type3A_1356 = tpu.bitcast %get3A_1355 : vector<16xf32> -> vector<16xi32>
        %ge3A_1357 = arith.cmpi sge, %bitcast_convert_type3A_1356, %or3A_879 : vector<16xi32>
        %select_n3A_1358 = arith.select %ge3A_1357, %broadcast_in_dim3A_13, %broadcast_in_dim3A_9 : vector<16xi1>, vector<16xi32>
        %add3A_1359 = arith.addi %add3A_1323, %select_n3A_1358 : vector<16xi32>
        %add3A_1360 = arith.constant 144 : i32
        %add3A_1361 = arith.addi %mul3A_1278, %add3A_1360 : i32
        %get3A_1362 = arith.index_cast %add3A_1361 : i32 to index
        %get3A_1363 = tpu.vector_load %arg5[%get3A_1362] {strides = array<i32>} : memref<20000xf32, #tpu.memory_space<vmem>>, vector<16xf32>,
        %get3A_1364 = vector.shape_cast %get3A_1363 : vector<16xf32> to vector<16xf32>
        %bitcast_convert_type3A_1365 = tpu.bitcast %get3A_1364 : vector<16xf32> -> vector<16xi32>
        %ge3A_1366 = arith.cmpi sge, %bitcast_convert_type3A_1365, %or3A_879 : vector<16xi32>
        %select_n3A_1367 = arith.select %ge3A_1366, %broadcast_in_dim3A_13, %broadcast_in_dim3A_9 : vector<16xi1>, vector<16xi32>
        %add3A_1368 = arith.addi %add3A_1332, %select_n3A_1367 : vector<16xi32>
        scf.yield %add3A_1359, %add3A_1368, %add3A_1341, %add3A_1350 : vector<16xi32>, vector<16xi32>, vector<16xi32>, vector<16xi32>
      }
      %scan3A_885 = arith.constant 125 : i32
      %add3A_886 = arith.addi %scan3A_884#0, %scan3A_884#1 : vector<16xi32>
      %add3A_887 = arith.addi %scan3A_884#2, %scan3A_884#3 : vector<16xi32>
      %add3A_888 = arith.addi %add3A_886, %add3A_887 : vector<16xi32>
      %iota3A_889 = tpu.iota {dimensions = array<i32: 0>} : vector<16xi32>
      %add3A_890 = arith.constant 1 : i32
      %add3A_891 = vector.broadcast %add3A_890 : i32 to vector<16xi32>
      %add3A_892 = arith.addi %iota3A_889, %add3A_891 : vector<16xi32>
      %and3A_893 = arith.constant 15 : i32
      %and3A_894 = vector.broadcast %and3A_893 : i32 to vector<16xi32>
      %and3A_895 = arith.andi %add3A_892, %and3A_894 : vector<16xi32>
      %broadcast_in_dim3A_896 = vector.shape_cast %and3A_895 : vector<16xi32> to vector<16x1xi32>
      %gather3A_897 = vector.shape_cast %broadcast_in_dim3A_896 : vector<16x1xi32> to vector<16xi32>
      %gather3A_898 = tpu.dynamic_gather %add3A_888[%gather3A_897] in [0] : vector<16xi32>, vector<16xi32> -> vector<16xi32>
      %add3A_899 = arith.addi %add3A_888, %gather3A_898 : vector<16xi32>
      %iota3A_900 = tpu.iota {dimensions = array<i32: 0>} : vector<16xi32>
      %add3A_901 = arith.constant 2 : i32
      %add3A_902 = vector.broadcast %add3A_901 : i32 to vector<16xi32>
      %add3A_903 = arith.addi %iota3A_900, %add3A_902 : vector<16xi32>
      %and3A_904 = arith.constant 15 : i32
      %and3A_905 = vector.broadcast %and3A_904 : i32 to vector<16xi32>
      %and3A_906 = arith.andi %add3A_903, %and3A_905 : vector<16xi32>
      %broadcast_in_dim3A_907 = vector.shape_cast %and3A_906 : vector<16xi32> to vector<16x1xi32>
      %gather3A_908 = vector.shape_cast %broadcast_in_dim3A_907 : vector<16x1xi32> to vector<16xi32>
      %gather3A_909 = tpu.dynamic_gather %add3A_899[%gather3A_908] in [0] : vector<16xi32>, vector<16xi32> -> vector<16xi32>
      %add3A_910 = arith.addi %add3A_899, %gather3A_909 : vector<16xi32>
      %iota3A_911 = tpu.iota {dimensions = array<i32: 0>} : vector<16xi32>
      %add3A_912 = arith.constant 4 : i32
      %add3A_913 = vector.broadcast %add3A_912 : i32 to vector<16xi32>
      %add3A_914 = arith.addi %iota3A_911, %add3A_913 : vector<16xi32>
      %and3A_915 = arith.constant 15 : i32
      %and3A_916 = vector.broadcast %and3A_915 : i32 to vector<16xi32>
      %and3A_917 = arith.andi %add3A_914, %and3A_916 : vector<16xi32>
      %broadcast_in_dim3A_918 = vector.shape_cast %and3A_917 : vector<16xi32> to vector<16x1xi32>
      %gather3A_919 = vector.shape_cast %broadcast_in_dim3A_918 : vector<16x1xi32> to vector<16xi32>
      %gather3A_920 = tpu.dynamic_gather %add3A_910[%gather3A_919] in [0] : vector<16xi32>, vector<16xi32> -> vector<16xi32>
      %add3A_921 = arith.addi %add3A_910, %gather3A_920 : vector<16xi32>
      %iota3A_922 = tpu.iota {dimensions = array<i32: 0>} : vector<16xi32>
      %add3A_923 = arith.constant 8 : i32
      %add3A_924 = vector.broadcast %add3A_923 : i32 to vector<16xi32>
      %add3A_925 = arith.addi %iota3A_922, %add3A_924 : vector<16xi32>
      %and3A_926 = arith.constant 15 : i32
      %and3A_927 = vector.broadcast %and3A_926 : i32 to vector<16xi32>
      %and3A_928 = arith.andi %add3A_925, %and3A_927 : vector<16xi32>
      %broadcast_in_dim3A_929 = vector.shape_cast %and3A_928 : vector<16xi32> to vector<16x1xi32>
      %gather3A_930 = vector.shape_cast %broadcast_in_dim3A_929 : vector<16x1xi32> to vector<16xi32>
      %gather3A_931 = tpu.dynamic_gather %add3A_921[%gather3A_930] in [0] : vector<16xi32>, vector<16xi32> -> vector<16xi32>
      %add3A_932 = arith.addi %add3A_921, %gather3A_931 : vector<16xi32>
      %ge3A_933 = arith.cmpi sge, %add3A_932, %get3A_8 : vector<16xi32>
      %select_n3A_934 = arith.select %ge3A_933, %or3A_879, %select_n3A_876 : vector<16xi1>, vector<16xi32>
      %broadcast_in_dim3A_935 = arith.constant 16384 : i32
      %broadcast_in_dim3A_936 = vector.broadcast %broadcast_in_dim3A_935 : i32 to vector<16xi32>
      %or3A_937 = arith.ori %select_n3A_934, %broadcast_in_dim3A_936 : vector<16xi32>
      %scan3A_938 = arith.constant 0 : i32
      %scan3A_939 = arith.constant 125 : i32
      %scan3A_940 = arith.addi %scan3A_938, %scan3A_939 : i32
      %scan3A_941 = arith.constant 1 : i32
      %scan3A_942:4 = scf.for %scan3A_1272 = %scan3A_938 to %scan3A_940 step %scan3A_941 iter_args(%scan3A_1273 = %broadcast_in_dim3A_9, %scan3A_1274 = %broadcast_in_dim3A_9, %scan3A_1275 = %broadcast_in_dim3A_9, %scan3A_1276 = %broadcast_in_dim3A_9) -> (vector<16xi32>, vector<16xi32>, vector<16xi32>, vector<16xi32>)  : i32 {
        %mul3A_1277 = arith.constant 160 : i32
        %mul3A_1278 = arith.muli %scan3A_1272, %mul3A_1277 : i32
        %add3A_1279 = arith.constant 0 : i32
        %add3A_1280 = arith.addi %mul3A_1278, %add3A_1279 : i32
        %get3A_1281 = arith.index_cast %add3A_1280 : i32 to index
        %get3A_1282 = tpu.vector_load %arg5[%get3A_1281] {strides = array<i32>} : memref<20000xf32, #tpu.memory_space<vmem>>, vector<16xf32>,
        %get3A_1283 = vector.shape_cast %get3A_1282 : vector<16xf32> to vector<16xf32>
        %bitcast_convert_type3A_1284 = tpu.bitcast %get3A_1283 : vector<16xf32> -> vector<16xi32>
        %ge3A_1285 = arith.cmpi sge, %bitcast_convert_type3A_1284, %or3A_937 : vector<16xi32>
        %select_n3A_1286 = arith.select %ge3A_1285, %broadcast_in_dim3A_13, %broadcast_in_dim3A_9 : vector<16xi1>, vector<16xi32>
        %add3A_1287 = arith.addi %scan3A_1273, %select_n3A_1286 : vector<16xi32>
        %add3A_1288 = arith.constant 16 : i32
        %add3A_1289 = arith.addi %mul3A_1278, %add3A_1288 : i32
        %get3A_1290 = arith.index_cast %add3A_1289 : i32 to index
        %get3A_1291 = tpu.vector_load %arg5[%get3A_1290] {strides = array<i32>} : memref<20000xf32, #tpu.memory_space<vmem>>, vector<16xf32>,
        %get3A_1292 = vector.shape_cast %get3A_1291 : vector<16xf32> to vector<16xf32>
        %bitcast_convert_type3A_1293 = tpu.bitcast %get3A_1292 : vector<16xf32> -> vector<16xi32>
        %ge3A_1294 = arith.cmpi sge, %bitcast_convert_type3A_1293, %or3A_937 : vector<16xi32>
        %select_n3A_1295 = arith.select %ge3A_1294, %broadcast_in_dim3A_13, %broadcast_in_dim3A_9 : vector<16xi1>, vector<16xi32>
        %add3A_1296 = arith.addi %scan3A_1274, %select_n3A_1295 : vector<16xi32>
        %add3A_1297 = arith.constant 32 : i32
        %add3A_1298 = arith.addi %mul3A_1278, %add3A_1297 : i32
        %get3A_1299 = arith.index_cast %add3A_1298 : i32 to index
        %get3A_1300 = tpu.vector_load %arg5[%get3A_1299] {strides = array<i32>} : memref<20000xf32, #tpu.memory_space<vmem>>, vector<16xf32>,
        %get3A_1301 = vector.shape_cast %get3A_1300 : vector<16xf32> to vector<16xf32>
        %bitcast_convert_type3A_1302 = tpu.bitcast %get3A_1301 : vector<16xf32> -> vector<16xi32>
        %ge3A_1303 = arith.cmpi sge, %bitcast_convert_type3A_1302, %or3A_937 : vector<16xi32>
        %select_n3A_1304 = arith.select %ge3A_1303, %broadcast_in_dim3A_13, %broadcast_in_dim3A_9 : vector<16xi1>, vector<16xi32>
        %add3A_1305 = arith.addi %scan3A_1275, %select_n3A_1304 : vector<16xi32>
        %add3A_1306 = arith.constant 48 : i32
        %add3A_1307 = arith.addi %mul3A_1278, %add3A_1306 : i32
        %get3A_1308 = arith.index_cast %add3A_1307 : i32 to index
        %get3A_1309 = tpu.vector_load %arg5[%get3A_1308] {strides = array<i32>} : memref<20000xf32, #tpu.memory_space<vmem>>, vector<16xf32>,
        %get3A_1310 = vector.shape_cast %get3A_1309 : vector<16xf32> to vector<16xf32>
        %bitcast_convert_type3A_1311 = tpu.bitcast %get3A_1310 : vector<16xf32> -> vector<16xi32>
        %ge3A_1312 = arith.cmpi sge, %bitcast_convert_type3A_1311, %or3A_937 : vector<16xi32>
        %select_n3A_1313 = arith.select %ge3A_1312, %broadcast_in_dim3A_13, %broadcast_in_dim3A_9 : vector<16xi1>, vector<16xi32>
        %add3A_1314 = arith.addi %scan3A_1276, %select_n3A_1313 : vector<16xi32>
        %add3A_1315 = arith.constant 64 : i32
        %add3A_1316 = arith.addi %mul3A_1278, %add3A_1315 : i32
        %get3A_1317 = arith.index_cast %add3A_1316 : i32 to index
        %get3A_1318 = tpu.vector_load %arg5[%get3A_1317] {strides = array<i32>} : memref<20000xf32, #tpu.memory_space<vmem>>, vector<16xf32>,
        %get3A_1319 = vector.shape_cast %get3A_1318 : vector<16xf32> to vector<16xf32>
        %bitcast_convert_type3A_1320 = tpu.bitcast %get3A_1319 : vector<16xf32> -> vector<16xi32>
        %ge3A_1321 = arith.cmpi sge, %bitcast_convert_type3A_1320, %or3A_937 : vector<16xi32>
        %select_n3A_1322 = arith.select %ge3A_1321, %broadcast_in_dim3A_13, %broadcast_in_dim3A_9 : vector<16xi1>, vector<16xi32>
        %add3A_1323 = arith.addi %add3A_1287, %select_n3A_1322 : vector<16xi32>
        %add3A_1324 = arith.constant 80 : i32
        %add3A_1325 = arith.addi %mul3A_1278, %add3A_1324 : i32
        %get3A_1326 = arith.index_cast %add3A_1325 : i32 to index
        %get3A_1327 = tpu.vector_load %arg5[%get3A_1326] {strides = array<i32>} : memref<20000xf32, #tpu.memory_space<vmem>>, vector<16xf32>,
        %get3A_1328 = vector.shape_cast %get3A_1327 : vector<16xf32> to vector<16xf32>
        %bitcast_convert_type3A_1329 = tpu.bitcast %get3A_1328 : vector<16xf32> -> vector<16xi32>
        %ge3A_1330 = arith.cmpi sge, %bitcast_convert_type3A_1329, %or3A_937 : vector<16xi32>
        %select_n3A_1331 = arith.select %ge3A_1330, %broadcast_in_dim3A_13, %broadcast_in_dim3A_9 : vector<16xi1>, vector<16xi32>
        %add3A_1332 = arith.addi %add3A_1296, %select_n3A_1331 : vector<16xi32>
        %add3A_1333 = arith.constant 96 : i32
        %add3A_1334 = arith.addi %mul3A_1278, %add3A_1333 : i32
        %get3A_1335 = arith.index_cast %add3A_1334 : i32 to index
        %get3A_1336 = tpu.vector_load %arg5[%get3A_1335] {strides = array<i32>} : memref<20000xf32, #tpu.memory_space<vmem>>, vector<16xf32>,
        %get3A_1337 = vector.shape_cast %get3A_1336 : vector<16xf32> to vector<16xf32>
        %bitcast_convert_type3A_1338 = tpu.bitcast %get3A_1337 : vector<16xf32> -> vector<16xi32>
        %ge3A_1339 = arith.cmpi sge, %bitcast_convert_type3A_1338, %or3A_937 : vector<16xi32>
        %select_n3A_1340 = arith.select %ge3A_1339, %broadcast_in_dim3A_13, %broadcast_in_dim3A_9 : vector<16xi1>, vector<16xi32>
        %add3A_1341 = arith.addi %add3A_1305, %select_n3A_1340 : vector<16xi32>
        %add3A_1342 = arith.constant 112 : i32
        %add3A_1343 = arith.addi %mul3A_1278, %add3A_1342 : i32
        %get3A_1344 = arith.index_cast %add3A_1343 : i32 to index
        %get3A_1345 = tpu.vector_load %arg5[%get3A_1344] {strides = array<i32>} : memref<20000xf32, #tpu.memory_space<vmem>>, vector<16xf32>,
        %get3A_1346 = vector.shape_cast %get3A_1345 : vector<16xf32> to vector<16xf32>
        %bitcast_convert_type3A_1347 = tpu.bitcast %get3A_1346 : vector<16xf32> -> vector<16xi32>
        %ge3A_1348 = arith.cmpi sge, %bitcast_convert_type3A_1347, %or3A_937 : vector<16xi32>
        %select_n3A_1349 = arith.select %ge3A_1348, %broadcast_in_dim3A_13, %broadcast_in_dim3A_9 : vector<16xi1>, vector<16xi32>
        %add3A_1350 = arith.addi %add3A_1314, %select_n3A_1349 : vector<16xi32>
        %add3A_1351 = arith.constant 128 : i32
        %add3A_1352 = arith.addi %mul3A_1278, %add3A_1351 : i32
        %get3A_1353 = arith.index_cast %add3A_1352 : i32 to index
        %get3A_1354 = tpu.vector_load %arg5[%get3A_1353] {strides = array<i32>} : memref<20000xf32, #tpu.memory_space<vmem>>, vector<16xf32>,
        %get3A_1355 = vector.shape_cast %get3A_1354 : vector<16xf32> to vector<16xf32>
        %bitcast_convert_type3A_1356 = tpu.bitcast %get3A_1355 : vector<16xf32> -> vector<16xi32>
        %ge3A_1357 = arith.cmpi sge, %bitcast_convert_type3A_1356, %or3A_937 : vector<16xi32>
        %select_n3A_1358 = arith.select %ge3A_1357, %broadcast_in_dim3A_13, %broadcast_in_dim3A_9 : vector<16xi1>, vector<16xi32>
        %add3A_1359 = arith.addi %add3A_1323, %select_n3A_1358 : vector<16xi32>
        %add3A_1360 = arith.constant 144 : i32
        %add3A_1361 = arith.addi %mul3A_1278, %add3A_1360 : i32
        %get3A_1362 = arith.index_cast %add3A_1361 : i32 to index
        %get3A_1363 = tpu.vector_load %arg5[%get3A_1362] {strides = array<i32>} : memref<20000xf32, #tpu.memory_space<vmem>>, vector<16xf32>,
        %get3A_1364 = vector.shape_cast %get3A_1363 : vector<16xf32> to vector<16xf32>
        %bitcast_convert_type3A_1365 = tpu.bitcast %get3A_1364 : vector<16xf32> -> vector<16xi32>
        %ge3A_1366 = arith.cmpi sge, %bitcast_convert_type3A_1365, %or3A_937 : vector<16xi32>
        %select_n3A_1367 = arith.select %ge3A_1366, %broadcast_in_dim3A_13, %broadcast_in_dim3A_9 : vector<16xi1>, vector<16xi32>
        %add3A_1368 = arith.addi %add3A_1332, %select_n3A_1367 : vector<16xi32>
        scf.yield %add3A_1359, %add3A_1368, %add3A_1341, %add3A_1350 : vector<16xi32>, vector<16xi32>, vector<16xi32>, vector<16xi32>
      }
      %scan3A_943 = arith.constant 125 : i32
      %add3A_944 = arith.addi %scan3A_942#0, %scan3A_942#1 : vector<16xi32>
      %add3A_945 = arith.addi %scan3A_942#2, %scan3A_942#3 : vector<16xi32>
      %add3A_946 = arith.addi %add3A_944, %add3A_945 : vector<16xi32>
      %iota3A_947 = tpu.iota {dimensions = array<i32: 0>} : vector<16xi32>
      %add3A_948 = arith.constant 1 : i32
      %add3A_949 = vector.broadcast %add3A_948 : i32 to vector<16xi32>
      %add3A_950 = arith.addi %iota3A_947, %add3A_949 : vector<16xi32>
      %and3A_951 = arith.constant 15 : i32
      %and3A_952 = vector.broadcast %and3A_951 : i32 to vector<16xi32>
      %and3A_953 = arith.andi %add3A_950, %and3A_952 : vector<16xi32>
      %broadcast_in_dim3A_954 = vector.shape_cast %and3A_953 : vector<16xi32> to vector<16x1xi32>
      %gather3A_955 = vector.shape_cast %broadcast_in_dim3A_954 : vector<16x1xi32> to vector<16xi32>
      %gather3A_956 = tpu.dynamic_gather %add3A_946[%gather3A_955] in [0] : vector<16xi32>, vector<16xi32> -> vector<16xi32>
      %add3A_957 = arith.addi %add3A_946, %gather3A_956 : vector<16xi32>
      %iota3A_958 = tpu.iota {dimensions = array<i32: 0>} : vector<16xi32>
      %add3A_959 = arith.constant 2 : i32
      %add3A_960 = vector.broadcast %add3A_959 : i32 to vector<16xi32>
      %add3A_961 = arith.addi %iota3A_958, %add3A_960 : vector<16xi32>
      %and3A_962 = arith.constant 15 : i32
      %and3A_963 = vector.broadcast %and3A_962 : i32 to vector<16xi32>
      %and3A_964 = arith.andi %add3A_961, %and3A_963 : vector<16xi32>
      %broadcast_in_dim3A_965 = vector.shape_cast %and3A_964 : vector<16xi32> to vector<16x1xi32>
      %gather3A_966 = vector.shape_cast %broadcast_in_dim3A_965 : vector<16x1xi32> to vector<16xi32>
      %gather3A_967 = tpu.dynamic_gather %add3A_957[%gather3A_966] in [0] : vector<16xi32>, vector<16xi32> -> vector<16xi32>
      %add3A_968 = arith.addi %add3A_957, %gather3A_967 : vector<16xi32>
      %iota3A_969 = tpu.iota {dimensions = array<i32: 0>} : vector<16xi32>
      %add3A_970 = arith.constant 4 : i32
      %add3A_971 = vector.broadcast %add3A_970 : i32 to vector<16xi32>
      %add3A_972 = arith.addi %iota3A_969, %add3A_971 : vector<16xi32>
      %and3A_973 = arith.constant 15 : i32
      %and3A_974 = vector.broadcast %and3A_973 : i32 to vector<16xi32>
      %and3A_975 = arith.andi %add3A_972, %and3A_974 : vector<16xi32>
      %broadcast_in_dim3A_976 = vector.shape_cast %and3A_975 : vector<16xi32> to vector<16x1xi32>
      %gather3A_977 = vector.shape_cast %broadcast_in_dim3A_976 : vector<16x1xi32> to vector<16xi32>
      %gather3A_978 = tpu.dynamic_gather %add3A_968[%gather3A_977] in [0] : vector<16xi32>, vector<16xi32> -> vector<16xi32>
      %add3A_979 = arith.addi %add3A_968, %gather3A_978 : vector<16xi32>
      %iota3A_980 = tpu.iota {dimensions = array<i32: 0>} : vector<16xi32>
      %add3A_981 = arith.constant 8 : i32
      %add3A_982 = vector.broadcast %add3A_981 : i32 to vector<16xi32>
      %add3A_983 = arith.addi %iota3A_980, %add3A_982 : vector<16xi32>
      %and3A_984 = arith.constant 15 : i32
      %and3A_985 = vector.broadcast %and3A_984 : i32 to vector<16xi32>
      %and3A_986 = arith.andi %add3A_983, %and3A_985 : vector<16xi32>
      %broadcast_in_dim3A_987 = vector.shape_cast %and3A_986 : vector<16xi32> to vector<16x1xi32>
      %gather3A_988 = vector.shape_cast %broadcast_in_dim3A_987 : vector<16x1xi32> to vector<16xi32>
      %gather3A_989 = tpu.dynamic_gather %add3A_979[%gather3A_988] in [0] : vector<16xi32>, vector<16xi32> -> vector<16xi32>
      %add3A_990 = arith.addi %add3A_979, %gather3A_989 : vector<16xi32>
      %ge3A_991 = arith.cmpi sge, %add3A_990, %get3A_8 : vector<16xi32>
      %select_n3A_992 = arith.select %ge3A_991, %or3A_937, %select_n3A_934 : vector<16xi1>, vector<16xi32>
      %broadcast_in_dim3A_993 = arith.constant 8192 : i32
      %broadcast_in_dim3A_994 = vector.broadcast %broadcast_in_dim3A_993 : i32 to vector<16xi32>
      %or3A_995 = arith.ori %select_n3A_992, %broadcast_in_dim3A_994 : vector<16xi32>
      %scan3A_996 = arith.constant 0 : i32
      %scan3A_997 = arith.constant 125 : i32
      %scan3A_998 = arith.addi %scan3A_996, %scan3A_997 : i32
      %scan3A_999 = arith.constant 1 : i32
      %scan3A_1000:4 = scf.for %scan3A_1272 = %scan3A_996 to %scan3A_998 step %scan3A_999 iter_args(%scan3A_1273 = %broadcast_in_dim3A_9, %scan3A_1274 = %broadcast_in_dim3A_9, %scan3A_1275 = %broadcast_in_dim3A_9, %scan3A_1276 = %broadcast_in_dim3A_9) -> (vector<16xi32>, vector<16xi32>, vector<16xi32>, vector<16xi32>)  : i32 {
        %mul3A_1277 = arith.constant 160 : i32
        %mul3A_1278 = arith.muli %scan3A_1272, %mul3A_1277 : i32
        %add3A_1279 = arith.constant 0 : i32
        %add3A_1280 = arith.addi %mul3A_1278, %add3A_1279 : i32
        %get3A_1281 = arith.index_cast %add3A_1280 : i32 to index
        %get3A_1282 = tpu.vector_load %arg5[%get3A_1281] {strides = array<i32>} : memref<20000xf32, #tpu.memory_space<vmem>>, vector<16xf32>,
        %get3A_1283 = vector.shape_cast %get3A_1282 : vector<16xf32> to vector<16xf32>
        %bitcast_convert_type3A_1284 = tpu.bitcast %get3A_1283 : vector<16xf32> -> vector<16xi32>
        %ge3A_1285 = arith.cmpi sge, %bitcast_convert_type3A_1284, %or3A_995 : vector<16xi32>
        %select_n3A_1286 = arith.select %ge3A_1285, %broadcast_in_dim3A_13, %broadcast_in_dim3A_9 : vector<16xi1>, vector<16xi32>
        %add3A_1287 = arith.addi %scan3A_1273, %select_n3A_1286 : vector<16xi32>
        %add3A_1288 = arith.constant 16 : i32
        %add3A_1289 = arith.addi %mul3A_1278, %add3A_1288 : i32
        %get3A_1290 = arith.index_cast %add3A_1289 : i32 to index
        %get3A_1291 = tpu.vector_load %arg5[%get3A_1290] {strides = array<i32>} : memref<20000xf32, #tpu.memory_space<vmem>>, vector<16xf32>,
        %get3A_1292 = vector.shape_cast %get3A_1291 : vector<16xf32> to vector<16xf32>
        %bitcast_convert_type3A_1293 = tpu.bitcast %get3A_1292 : vector<16xf32> -> vector<16xi32>
        %ge3A_1294 = arith.cmpi sge, %bitcast_convert_type3A_1293, %or3A_995 : vector<16xi32>
        %select_n3A_1295 = arith.select %ge3A_1294, %broadcast_in_dim3A_13, %broadcast_in_dim3A_9 : vector<16xi1>, vector<16xi32>
        %add3A_1296 = arith.addi %scan3A_1274, %select_n3A_1295 : vector<16xi32>
        %add3A_1297 = arith.constant 32 : i32
        %add3A_1298 = arith.addi %mul3A_1278, %add3A_1297 : i32
        %get3A_1299 = arith.index_cast %add3A_1298 : i32 to index
        %get3A_1300 = tpu.vector_load %arg5[%get3A_1299] {strides = array<i32>} : memref<20000xf32, #tpu.memory_space<vmem>>, vector<16xf32>,
        %get3A_1301 = vector.shape_cast %get3A_1300 : vector<16xf32> to vector<16xf32>
        %bitcast_convert_type3A_1302 = tpu.bitcast %get3A_1301 : vector<16xf32> -> vector<16xi32>
        %ge3A_1303 = arith.cmpi sge, %bitcast_convert_type3A_1302, %or3A_995 : vector<16xi32>
        %select_n3A_1304 = arith.select %ge3A_1303, %broadcast_in_dim3A_13, %broadcast_in_dim3A_9 : vector<16xi1>, vector<16xi32>
        %add3A_1305 = arith.addi %scan3A_1275, %select_n3A_1304 : vector<16xi32>
        %add3A_1306 = arith.constant 48 : i32
        %add3A_1307 = arith.addi %mul3A_1278, %add3A_1306 : i32
        %get3A_1308 = arith.index_cast %add3A_1307 : i32 to index
        %get3A_1309 = tpu.vector_load %arg5[%get3A_1308] {strides = array<i32>} : memref<20000xf32, #tpu.memory_space<vmem>>, vector<16xf32>,
        %get3A_1310 = vector.shape_cast %get3A_1309 : vector<16xf32> to vector<16xf32>
        %bitcast_convert_type3A_1311 = tpu.bitcast %get3A_1310 : vector<16xf32> -> vector<16xi32>
        %ge3A_1312 = arith.cmpi sge, %bitcast_convert_type3A_1311, %or3A_995 : vector<16xi32>
        %select_n3A_1313 = arith.select %ge3A_1312, %broadcast_in_dim3A_13, %broadcast_in_dim3A_9 : vector<16xi1>, vector<16xi32>
        %add3A_1314 = arith.addi %scan3A_1276, %select_n3A_1313 : vector<16xi32>
        %add3A_1315 = arith.constant 64 : i32
        %add3A_1316 = arith.addi %mul3A_1278, %add3A_1315 : i32
        %get3A_1317 = arith.index_cast %add3A_1316 : i32 to index
        %get3A_1318 = tpu.vector_load %arg5[%get3A_1317] {strides = array<i32>} : memref<20000xf32, #tpu.memory_space<vmem>>, vector<16xf32>,
        %get3A_1319 = vector.shape_cast %get3A_1318 : vector<16xf32> to vector<16xf32>
        %bitcast_convert_type3A_1320 = tpu.bitcast %get3A_1319 : vector<16xf32> -> vector<16xi32>
        %ge3A_1321 = arith.cmpi sge, %bitcast_convert_type3A_1320, %or3A_995 : vector<16xi32>
        %select_n3A_1322 = arith.select %ge3A_1321, %broadcast_in_dim3A_13, %broadcast_in_dim3A_9 : vector<16xi1>, vector<16xi32>
        %add3A_1323 = arith.addi %add3A_1287, %select_n3A_1322 : vector<16xi32>
        %add3A_1324 = arith.constant 80 : i32
        %add3A_1325 = arith.addi %mul3A_1278, %add3A_1324 : i32
        %get3A_1326 = arith.index_cast %add3A_1325 : i32 to index
        %get3A_1327 = tpu.vector_load %arg5[%get3A_1326] {strides = array<i32>} : memref<20000xf32, #tpu.memory_space<vmem>>, vector<16xf32>,
        %get3A_1328 = vector.shape_cast %get3A_1327 : vector<16xf32> to vector<16xf32>
        %bitcast_convert_type3A_1329 = tpu.bitcast %get3A_1328 : vector<16xf32> -> vector<16xi32>
        %ge3A_1330 = arith.cmpi sge, %bitcast_convert_type3A_1329, %or3A_995 : vector<16xi32>
        %select_n3A_1331 = arith.select %ge3A_1330, %broadcast_in_dim3A_13, %broadcast_in_dim3A_9 : vector<16xi1>, vector<16xi32>
        %add3A_1332 = arith.addi %add3A_1296, %select_n3A_1331 : vector<16xi32>
        %add3A_1333 = arith.constant 96 : i32
        %add3A_1334 = arith.addi %mul3A_1278, %add3A_1333 : i32
        %get3A_1335 = arith.index_cast %add3A_1334 : i32 to index
        %get3A_1336 = tpu.vector_load %arg5[%get3A_1335] {strides = array<i32>} : memref<20000xf32, #tpu.memory_space<vmem>>, vector<16xf32>,
        %get3A_1337 = vector.shape_cast %get3A_1336 : vector<16xf32> to vector<16xf32>
        %bitcast_convert_type3A_1338 = tpu.bitcast %get3A_1337 : vector<16xf32> -> vector<16xi32>
        %ge3A_1339 = arith.cmpi sge, %bitcast_convert_type3A_1338, %or3A_995 : vector<16xi32>
        %select_n3A_1340 = arith.select %ge3A_1339, %broadcast_in_dim3A_13, %broadcast_in_dim3A_9 : vector<16xi1>, vector<16xi32>
        %add3A_1341 = arith.addi %add3A_1305, %select_n3A_1340 : vector<16xi32>
        %add3A_1342 = arith.constant 112 : i32
        %add3A_1343 = arith.addi %mul3A_1278, %add3A_1342 : i32
        %get3A_1344 = arith.index_cast %add3A_1343 : i32 to index
        %get3A_1345 = tpu.vector_load %arg5[%get3A_1344] {strides = array<i32>} : memref<20000xf32, #tpu.memory_space<vmem>>, vector<16xf32>,
        %get3A_1346 = vector.shape_cast %get3A_1345 : vector<16xf32> to vector<16xf32>
        %bitcast_convert_type3A_1347 = tpu.bitcast %get3A_1346 : vector<16xf32> -> vector<16xi32>
        %ge3A_1348 = arith.cmpi sge, %bitcast_convert_type3A_1347, %or3A_995 : vector<16xi32>
        %select_n3A_1349 = arith.select %ge3A_1348, %broadcast_in_dim3A_13, %broadcast_in_dim3A_9 : vector<16xi1>, vector<16xi32>
        %add3A_1350 = arith.addi %add3A_1314, %select_n3A_1349 : vector<16xi32>
        %add3A_1351 = arith.constant 128 : i32
        %add3A_1352 = arith.addi %mul3A_1278, %add3A_1351 : i32
        %get3A_1353 = arith.index_cast %add3A_1352 : i32 to index
        %get3A_1354 = tpu.vector_load %arg5[%get3A_1353] {strides = array<i32>} : memref<20000xf32, #tpu.memory_space<vmem>>, vector<16xf32>,
        %get3A_1355 = vector.shape_cast %get3A_1354 : vector<16xf32> to vector<16xf32>
        %bitcast_convert_type3A_1356 = tpu.bitcast %get3A_1355 : vector<16xf32> -> vector<16xi32>
        %ge3A_1357 = arith.cmpi sge, %bitcast_convert_type3A_1356, %or3A_995 : vector<16xi32>
        %select_n3A_1358 = arith.select %ge3A_1357, %broadcast_in_dim3A_13, %broadcast_in_dim3A_9 : vector<16xi1>, vector<16xi32>
        %add3A_1359 = arith.addi %add3A_1323, %select_n3A_1358 : vector<16xi32>
        %add3A_1360 = arith.constant 144 : i32
        %add3A_1361 = arith.addi %mul3A_1278, %add3A_1360 : i32
        %get3A_1362 = arith.index_cast %add3A_1361 : i32 to index
        %get3A_1363 = tpu.vector_load %arg5[%get3A_1362] {strides = array<i32>} : memref<20000xf32, #tpu.memory_space<vmem>>, vector<16xf32>,
        %get3A_1364 = vector.shape_cast %get3A_1363 : vector<16xf32> to vector<16xf32>
        %bitcast_convert_type3A_1365 = tpu.bitcast %get3A_1364 : vector<16xf32> -> vector<16xi32>
        %ge3A_1366 = arith.cmpi sge, %bitcast_convert_type3A_1365, %or3A_995 : vector<16xi32>
        %select_n3A_1367 = arith.select %ge3A_1366, %broadcast_in_dim3A_13, %broadcast_in_dim3A_9 : vector<16xi1>, vector<16xi32>
        %add3A_1368 = arith.addi %add3A_1332, %select_n3A_1367 : vector<16xi32>
        scf.yield %add3A_1359, %add3A_1368, %add3A_1341, %add3A_1350 : vector<16xi32>, vector<16xi32>, vector<16xi32>, vector<16xi32>
      }
      %scan3A_1001 = arith.constant 125 : i32
      %add3A_1002 = arith.addi %scan3A_1000#0, %scan3A_1000#1 : vector<16xi32>
      %add3A_1003 = arith.addi %scan3A_1000#2, %scan3A_1000#3 : vector<16xi32>
      %add3A_1004 = arith.addi %add3A_1002, %add3A_1003 : vector<16xi32>
      %iota3A_1005 = tpu.iota {dimensions = array<i32: 0>} : vector<16xi32>
      %add3A_1006 = arith.constant 1 : i32
      %add3A_1007 = vector.broadcast %add3A_1006 : i32 to vector<16xi32>
      %add3A_1008 = arith.addi %iota3A_1005, %add3A_1007 : vector<16xi32>
      %and3A_1009 = arith.constant 15 : i32
      %and3A_1010 = vector.broadcast %and3A_1009 : i32 to vector<16xi32>
      %and3A_1011 = arith.andi %add3A_1008, %and3A_1010 : vector<16xi32>
      %broadcast_in_dim3A_1012 = vector.shape_cast %and3A_1011 : vector<16xi32> to vector<16x1xi32>
      %gather3A_1013 = vector.shape_cast %broadcast_in_dim3A_1012 : vector<16x1xi32> to vector<16xi32>
      %gather3A_1014 = tpu.dynamic_gather %add3A_1004[%gather3A_1013] in [0] : vector<16xi32>, vector<16xi32> -> vector<16xi32>
      %add3A_1015 = arith.addi %add3A_1004, %gather3A_1014 : vector<16xi32>
      %iota3A_1016 = tpu.iota {dimensions = array<i32: 0>} : vector<16xi32>
      %add3A_1017 = arith.constant 2 : i32
      %add3A_1018 = vector.broadcast %add3A_1017 : i32 to vector<16xi32>
      %add3A_1019 = arith.addi %iota3A_1016, %add3A_1018 : vector<16xi32>
      %and3A_1020 = arith.constant 15 : i32
      %and3A_1021 = vector.broadcast %and3A_1020 : i32 to vector<16xi32>
      %and3A_1022 = arith.andi %add3A_1019, %and3A_1021 : vector<16xi32>
      %broadcast_in_dim3A_1023 = vector.shape_cast %and3A_1022 : vector<16xi32> to vector<16x1xi32>
      %gather3A_1024 = vector.shape_cast %broadcast_in_dim3A_1023 : vector<16x1xi32> to vector<16xi32>
      %gather3A_1025 = tpu.dynamic_gather %add3A_1015[%gather3A_1024] in [0] : vector<16xi32>, vector<16xi32> -> vector<16xi32>
      %add3A_1026 = arith.addi %add3A_1015, %gather3A_1025 : vector<16xi32>
      %iota3A_1027 = tpu.iota {dimensions = array<i32: 0>} : vector<16xi32>
      %add3A_1028 = arith.constant 4 : i32
      %add3A_1029 = vector.broadcast %add3A_1028 : i32 to vector<16xi32>
      %add3A_1030 = arith.addi %iota3A_1027, %add3A_1029 : vector<16xi32>
      %and3A_1031 = arith.constant 15 : i32
      %and3A_1032 = vector.broadcast %and3A_1031 : i32 to vector<16xi32>
      %and3A_1033 = arith.andi %add3A_1030, %and3A_1032 : vector<16xi32>
      %broadcast_in_dim3A_1034 = vector.shape_cast %and3A_1033 : vector<16xi32> to vector<16x1xi32>
      %gather3A_1035 = vector.shape_cast %broadcast_in_dim3A_1034 : vector<16x1xi32> to vector<16xi32>
      %gather3A_1036 = tpu.dynamic_gather %add3A_1026[%gather3A_1035] in [0] : vector<16xi32>, vector<16xi32> -> vector<16xi32>
      %add3A_1037 = arith.addi %add3A_1026, %gather3A_1036 : vector<16xi32>
      %iota3A_1038 = tpu.iota {dimensions = array<i32: 0>} : vector<16xi32>
      %add3A_1039 = arith.constant 8 : i32
      %add3A_1040 = vector.broadcast %add3A_1039 : i32 to vector<16xi32>
      %add3A_1041 = arith.addi %iota3A_1038, %add3A_1040 : vector<16xi32>
      %and3A_1042 = arith.constant 15 : i32
      %and3A_1043 = vector.broadcast %and3A_1042 : i32 to vector<16xi32>
      %and3A_1044 = arith.andi %add3A_1041, %and3A_1043 : vector<16xi32>
      %broadcast_in_dim3A_1045 = vector.shape_cast %and3A_1044 : vector<16xi32> to vector<16x1xi32>
      %gather3A_1046 = vector.shape_cast %broadcast_in_dim3A_1045 : vector<16x1xi32> to vector<16xi32>
      %gather3A_1047 = tpu.dynamic_gather %add3A_1037[%gather3A_1046] in [0] : vector<16xi32>, vector<16xi32> -> vector<16xi32>
      %add3A_1048 = arith.addi %add3A_1037, %gather3A_1047 : vector<16xi32>
      %ge3A_1049 = arith.cmpi sge, %add3A_1048, %get3A_8 : vector<16xi32>
      %select_n3A_1050 = arith.select %ge3A_1049, %or3A_995, %select_n3A_992 : vector<16xi1>, vector<16xi32>
      %broadcast_in_dim3A_1051 = arith.constant 4096 : i32
      %broadcast_in_dim3A_1052 = vector.broadcast %broadcast_in_dim3A_1051 : i32 to vector<16xi32>
      %or3A_1053 = arith.ori %select_n3A_1050, %broadcast_in_dim3A_1052 : vector<16xi32>
      %scan3A_1054 = arith.constant 0 : i32
      %scan3A_1055 = arith.constant 125 : i32
      %scan3A_1056 = arith.addi %scan3A_1054, %scan3A_1055 : i32
      %scan3A_1057 = arith.constant 1 : i32
      %scan3A_1058:4 = scf.for %scan3A_1272 = %scan3A_1054 to %scan3A_1056 step %scan3A_1057 iter_args(%scan3A_1273 = %broadcast_in_dim3A_9, %scan3A_1274 = %broadcast_in_dim3A_9, %scan3A_1275 = %broadcast_in_dim3A_9, %scan3A_1276 = %broadcast_in_dim3A_9) -> (vector<16xi32>, vector<16xi32>, vector<16xi32>, vector<16xi32>)  : i32 {
        %mul3A_1277 = arith.constant 160 : i32
        %mul3A_1278 = arith.muli %scan3A_1272, %mul3A_1277 : i32
        %add3A_1279 = arith.constant 0 : i32
        %add3A_1280 = arith.addi %mul3A_1278, %add3A_1279 : i32
        %get3A_1281 = arith.index_cast %add3A_1280 : i32 to index
        %get3A_1282 = tpu.vector_load %arg5[%get3A_1281] {strides = array<i32>} : memref<20000xf32, #tpu.memory_space<vmem>>, vector<16xf32>,
        %get3A_1283 = vector.shape_cast %get3A_1282 : vector<16xf32> to vector<16xf32>
        %bitcast_convert_type3A_1284 = tpu.bitcast %get3A_1283 : vector<16xf32> -> vector<16xi32>
        %ge3A_1285 = arith.cmpi sge, %bitcast_convert_type3A_1284, %or3A_1053 : vector<16xi32>
        %select_n3A_1286 = arith.select %ge3A_1285, %broadcast_in_dim3A_13, %broadcast_in_dim3A_9 : vector<16xi1>, vector<16xi32>
        %add3A_1287 = arith.addi %scan3A_1273, %select_n3A_1286 : vector<16xi32>
        %add3A_1288 = arith.constant 16 : i32
        %add3A_1289 = arith.addi %mul3A_1278, %add3A_1288 : i32
        %get3A_1290 = arith.index_cast %add3A_1289 : i32 to index
        %get3A_1291 = tpu.vector_load %arg5[%get3A_1290] {strides = array<i32>} : memref<20000xf32, #tpu.memory_space<vmem>>, vector<16xf32>,
        %get3A_1292 = vector.shape_cast %get3A_1291 : vector<16xf32> to vector<16xf32>
        %bitcast_convert_type3A_1293 = tpu.bitcast %get3A_1292 : vector<16xf32> -> vector<16xi32>
        %ge3A_1294 = arith.cmpi sge, %bitcast_convert_type3A_1293, %or3A_1053 : vector<16xi32>
        %select_n3A_1295 = arith.select %ge3A_1294, %broadcast_in_dim3A_13, %broadcast_in_dim3A_9 : vector<16xi1>, vector<16xi32>
        %add3A_1296 = arith.addi %scan3A_1274, %select_n3A_1295 : vector<16xi32>
        %add3A_1297 = arith.constant 32 : i32
        %add3A_1298 = arith.addi %mul3A_1278, %add3A_1297 : i32
        %get3A_1299 = arith.index_cast %add3A_1298 : i32 to index
        %get3A_1300 = tpu.vector_load %arg5[%get3A_1299] {strides = array<i32>} : memref<20000xf32, #tpu.memory_space<vmem>>, vector<16xf32>,
        %get3A_1301 = vector.shape_cast %get3A_1300 : vector<16xf32> to vector<16xf32>
        %bitcast_convert_type3A_1302 = tpu.bitcast %get3A_1301 : vector<16xf32> -> vector<16xi32>
        %ge3A_1303 = arith.cmpi sge, %bitcast_convert_type3A_1302, %or3A_1053 : vector<16xi32>
        %select_n3A_1304 = arith.select %ge3A_1303, %broadcast_in_dim3A_13, %broadcast_in_dim3A_9 : vector<16xi1>, vector<16xi32>
        %add3A_1305 = arith.addi %scan3A_1275, %select_n3A_1304 : vector<16xi32>
        %add3A_1306 = arith.constant 48 : i32
        %add3A_1307 = arith.addi %mul3A_1278, %add3A_1306 : i32
        %get3A_1308 = arith.index_cast %add3A_1307 : i32 to index
        %get3A_1309 = tpu.vector_load %arg5[%get3A_1308] {strides = array<i32>} : memref<20000xf32, #tpu.memory_space<vmem>>, vector<16xf32>,
        %get3A_1310 = vector.shape_cast %get3A_1309 : vector<16xf32> to vector<16xf32>
        %bitcast_convert_type3A_1311 = tpu.bitcast %get3A_1310 : vector<16xf32> -> vector<16xi32>
        %ge3A_1312 = arith.cmpi sge, %bitcast_convert_type3A_1311, %or3A_1053 : vector<16xi32>
        %select_n3A_1313 = arith.select %ge3A_1312, %broadcast_in_dim3A_13, %broadcast_in_dim3A_9 : vector<16xi1>, vector<16xi32>
        %add3A_1314 = arith.addi %scan3A_1276, %select_n3A_1313 : vector<16xi32>
        %add3A_1315 = arith.constant 64 : i32
        %add3A_1316 = arith.addi %mul3A_1278, %add3A_1315 : i32
        %get3A_1317 = arith.index_cast %add3A_1316 : i32 to index
        %get3A_1318 = tpu.vector_load %arg5[%get3A_1317] {strides = array<i32>} : memref<20000xf32, #tpu.memory_space<vmem>>, vector<16xf32>,
        %get3A_1319 = vector.shape_cast %get3A_1318 : vector<16xf32> to vector<16xf32>
        %bitcast_convert_type3A_1320 = tpu.bitcast %get3A_1319 : vector<16xf32> -> vector<16xi32>
        %ge3A_1321 = arith.cmpi sge, %bitcast_convert_type3A_1320, %or3A_1053 : vector<16xi32>
        %select_n3A_1322 = arith.select %ge3A_1321, %broadcast_in_dim3A_13, %broadcast_in_dim3A_9 : vector<16xi1>, vector<16xi32>
        %add3A_1323 = arith.addi %add3A_1287, %select_n3A_1322 : vector<16xi32>
        %add3A_1324 = arith.constant 80 : i32
        %add3A_1325 = arith.addi %mul3A_1278, %add3A_1324 : i32
        %get3A_1326 = arith.index_cast %add3A_1325 : i32 to index
        %get3A_1327 = tpu.vector_load %arg5[%get3A_1326] {strides = array<i32>} : memref<20000xf32, #tpu.memory_space<vmem>>, vector<16xf32>,
        %get3A_1328 = vector.shape_cast %get3A_1327 : vector<16xf32> to vector<16xf32>
        %bitcast_convert_type3A_1329 = tpu.bitcast %get3A_1328 : vector<16xf32> -> vector<16xi32>
        %ge3A_1330 = arith.cmpi sge, %bitcast_convert_type3A_1329, %or3A_1053 : vector<16xi32>
        %select_n3A_1331 = arith.select %ge3A_1330, %broadcast_in_dim3A_13, %broadcast_in_dim3A_9 : vector<16xi1>, vector<16xi32>
        %add3A_1332 = arith.addi %add3A_1296, %select_n3A_1331 : vector<16xi32>
        %add3A_1333 = arith.constant 96 : i32
        %add3A_1334 = arith.addi %mul3A_1278, %add3A_1333 : i32
        %get3A_1335 = arith.index_cast %add3A_1334 : i32 to index
        %get3A_1336 = tpu.vector_load %arg5[%get3A_1335] {strides = array<i32>} : memref<20000xf32, #tpu.memory_space<vmem>>, vector<16xf32>,
        %get3A_1337 = vector.shape_cast %get3A_1336 : vector<16xf32> to vector<16xf32>
        %bitcast_convert_type3A_1338 = tpu.bitcast %get3A_1337 : vector<16xf32> -> vector<16xi32>
        %ge3A_1339 = arith.cmpi sge, %bitcast_convert_type3A_1338, %or3A_1053 : vector<16xi32>
        %select_n3A_1340 = arith.select %ge3A_1339, %broadcast_in_dim3A_13, %broadcast_in_dim3A_9 : vector<16xi1>, vector<16xi32>
        %add3A_1341 = arith.addi %add3A_1305, %select_n3A_1340 : vector<16xi32>
        %add3A_1342 = arith.constant 112 : i32
        %add3A_1343 = arith.addi %mul3A_1278, %add3A_1342 : i32
        %get3A_1344 = arith.index_cast %add3A_1343 : i32 to index
        %get3A_1345 = tpu.vector_load %arg5[%get3A_1344] {strides = array<i32>} : memref<20000xf32, #tpu.memory_space<vmem>>, vector<16xf32>,
        %get3A_1346 = vector.shape_cast %get3A_1345 : vector<16xf32> to vector<16xf32>
        %bitcast_convert_type3A_1347 = tpu.bitcast %get3A_1346 : vector<16xf32> -> vector<16xi32>
        %ge3A_1348 = arith.cmpi sge, %bitcast_convert_type3A_1347, %or3A_1053 : vector<16xi32>
        %select_n3A_1349 = arith.select %ge3A_1348, %broadcast_in_dim3A_13, %broadcast_in_dim3A_9 : vector<16xi1>, vector<16xi32>
        %add3A_1350 = arith.addi %add3A_1314, %select_n3A_1349 : vector<16xi32>
        %add3A_1351 = arith.constant 128 : i32
        %add3A_1352 = arith.addi %mul3A_1278, %add3A_1351 : i32
        %get3A_1353 = arith.index_cast %add3A_1352 : i32 to index
        %get3A_1354 = tpu.vector_load %arg5[%get3A_1353] {strides = array<i32>} : memref<20000xf32, #tpu.memory_space<vmem>>, vector<16xf32>,
        %get3A_1355 = vector.shape_cast %get3A_1354 : vector<16xf32> to vector<16xf32>
        %bitcast_convert_type3A_1356 = tpu.bitcast %get3A_1355 : vector<16xf32> -> vector<16xi32>
        %ge3A_1357 = arith.cmpi sge, %bitcast_convert_type3A_1356, %or3A_1053 : vector<16xi32>
        %select_n3A_1358 = arith.select %ge3A_1357, %broadcast_in_dim3A_13, %broadcast_in_dim3A_9 : vector<16xi1>, vector<16xi32>
        %add3A_1359 = arith.addi %add3A_1323, %select_n3A_1358 : vector<16xi32>
        %add3A_1360 = arith.constant 144 : i32
        %add3A_1361 = arith.addi %mul3A_1278, %add3A_1360 : i32
        %get3A_1362 = arith.index_cast %add3A_1361 : i32 to index
        %get3A_1363 = tpu.vector_load %arg5[%get3A_1362] {strides = array<i32>} : memref<20000xf32, #tpu.memory_space<vmem>>, vector<16xf32>,
        %get3A_1364 = vector.shape_cast %get3A_1363 : vector<16xf32> to vector<16xf32>
        %bitcast_convert_type3A_1365 = tpu.bitcast %get3A_1364 : vector<16xf32> -> vector<16xi32>
        %ge3A_1366 = arith.cmpi sge, %bitcast_convert_type3A_1365, %or3A_1053 : vector<16xi32>
        %select_n3A_1367 = arith.select %ge3A_1366, %broadcast_in_dim3A_13, %broadcast_in_dim3A_9 : vector<16xi1>, vector<16xi32>
        %add3A_1368 = arith.addi %add3A_1332, %select_n3A_1367 : vector<16xi32>
        scf.yield %add3A_1359, %add3A_1368, %add3A_1341, %add3A_1350 : vector<16xi32>, vector<16xi32>, vector<16xi32>, vector<16xi32>
      }
      %scan3A_1059 = arith.constant 125 : i32
      %add3A_1060 = arith.addi %scan3A_1058#0, %scan3A_1058#1 : vector<16xi32>
      %add3A_1061 = arith.addi %scan3A_1058#2, %scan3A_1058#3 : vector<16xi32>
      %add3A_1062 = arith.addi %add3A_1060, %add3A_1061 : vector<16xi32>
      %iota3A_1063 = tpu.iota {dimensions = array<i32: 0>} : vector<16xi32>
      %add3A_1064 = arith.constant 1 : i32
      %add3A_1065 = vector.broadcast %add3A_1064 : i32 to vector<16xi32>
      %add3A_1066 = arith.addi %iota3A_1063, %add3A_1065 : vector<16xi32>
      %and3A_1067 = arith.constant 15 : i32
      %and3A_1068 = vector.broadcast %and3A_1067 : i32 to vector<16xi32>
      %and3A_1069 = arith.andi %add3A_1066, %and3A_1068 : vector<16xi32>
      %broadcast_in_dim3A_1070 = vector.shape_cast %and3A_1069 : vector<16xi32> to vector<16x1xi32>
      %gather3A_1071 = vector.shape_cast %broadcast_in_dim3A_1070 : vector<16x1xi32> to vector<16xi32>
      %gather3A_1072 = tpu.dynamic_gather %add3A_1062[%gather3A_1071] in [0] : vector<16xi32>, vector<16xi32> -> vector<16xi32>
      %add3A_1073 = arith.addi %add3A_1062, %gather3A_1072 : vector<16xi32>
      %iota3A_1074 = tpu.iota {dimensions = array<i32: 0>} : vector<16xi32>
      %add3A_1075 = arith.constant 2 : i32
      %add3A_1076 = vector.broadcast %add3A_1075 : i32 to vector<16xi32>
      %add3A_1077 = arith.addi %iota3A_1074, %add3A_1076 : vector<16xi32>
      %and3A_1078 = arith.constant 15 : i32
      %and3A_1079 = vector.broadcast %and3A_1078 : i32 to vector<16xi32>
      %and3A_1080 = arith.andi %add3A_1077, %and3A_1079 : vector<16xi32>
      %broadcast_in_dim3A_1081 = vector.shape_cast %and3A_1080 : vector<16xi32> to vector<16x1xi32>
      %gather3A_1082 = vector.shape_cast %broadcast_in_dim3A_1081 : vector<16x1xi32> to vector<16xi32>
      %gather3A_1083 = tpu.dynamic_gather %add3A_1073[%gather3A_1082] in [0] : vector<16xi32>, vector<16xi32> -> vector<16xi32>
      %add3A_1084 = arith.addi %add3A_1073, %gather3A_1083 : vector<16xi32>
      %iota3A_1085 = tpu.iota {dimensions = array<i32: 0>} : vector<16xi32>
      %add3A_1086 = arith.constant 4 : i32
      %add3A_1087 = vector.broadcast %add3A_1086 : i32 to vector<16xi32>
      %add3A_1088 = arith.addi %iota3A_1085, %add3A_1087 : vector<16xi32>
      %and3A_1089 = arith.constant 15 : i32
      %and3A_1090 = vector.broadcast %and3A_1089 : i32 to vector<16xi32>
      %and3A_1091 = arith.andi %add3A_1088, %and3A_1090 : vector<16xi32>
      %broadcast_in_dim3A_1092 = vector.shape_cast %and3A_1091 : vector<16xi32> to vector<16x1xi32>
      %gather3A_1093 = vector.shape_cast %broadcast_in_dim3A_1092 : vector<16x1xi32> to vector<16xi32>
      %gather3A_1094 = tpu.dynamic_gather %add3A_1084[%gather3A_1093] in [0] : vector<16xi32>, vector<16xi32> -> vector<16xi32>
      %add3A_1095 = arith.addi %add3A_1084, %gather3A_1094 : vector<16xi32>
      %iota3A_1096 = tpu.iota {dimensions = array<i32: 0>} : vector<16xi32>
      %add3A_1097 = arith.constant 8 : i32
      %add3A_1098 = vector.broadcast %add3A_1097 : i32 to vector<16xi32>
      %add3A_1099 = arith.addi %iota3A_1096, %add3A_1098 : vector<16xi32>
      %and3A_1100 = arith.constant 15 : i32
      %and3A_1101 = vector.broadcast %and3A_1100 : i32 to vector<16xi32>
      %and3A_1102 = arith.andi %add3A_1099, %and3A_1101 : vector<16xi32>
      %broadcast_in_dim3A_1103 = vector.shape_cast %and3A_1102 : vector<16xi32> to vector<16x1xi32>
      %gather3A_1104 = vector.shape_cast %broadcast_in_dim3A_1103 : vector<16x1xi32> to vector<16xi32>
      %gather3A_1105 = tpu.dynamic_gather %add3A_1095[%gather3A_1104] in [0] : vector<16xi32>, vector<16xi32> -> vector<16xi32>
      %add3A_1106 = arith.addi %add3A_1095, %gather3A_1105 : vector<16xi32>
      %ge3A_1107 = arith.cmpi sge, %add3A_1106, %get3A_8 : vector<16xi32>
      %select_n3A_1108 = arith.select %ge3A_1107, %or3A_1053, %select_n3A_1050 : vector<16xi1>, vector<16xi32>
      %broadcast_in_dim3A_1109 = arith.constant 2048 : i32
      %broadcast_in_dim3A_1110 = vector.broadcast %broadcast_in_dim3A_1109 : i32 to vector<16xi32>
      %or3A_1111 = arith.ori %select_n3A_1108, %broadcast_in_dim3A_1110 : vector<16xi32>
      %scan3A_1112 = arith.constant 0 : i32
      %scan3A_1113 = arith.constant 125 : i32
      %scan3A_1114 = arith.addi %scan3A_1112, %scan3A_1113 : i32
      %scan3A_1115 = arith.constant 1 : i32
      %scan3A_1116:4 = scf.for %scan3A_1272 = %scan3A_1112 to %scan3A_1114 step %scan3A_1115 iter_args(%scan3A_1273 = %broadcast_in_dim3A_9, %scan3A_1274 = %broadcast_in_dim3A_9, %scan3A_1275 = %broadcast_in_dim3A_9, %scan3A_1276 = %broadcast_in_dim3A_9) -> (vector<16xi32>, vector<16xi32>, vector<16xi32>, vector<16xi32>)  : i32 {
        %mul3A_1277 = arith.constant 160 : i32
        %mul3A_1278 = arith.muli %scan3A_1272, %mul3A_1277 : i32
        %add3A_1279 = arith.constant 0 : i32
        %add3A_1280 = arith.addi %mul3A_1278, %add3A_1279 : i32
        %get3A_1281 = arith.index_cast %add3A_1280 : i32 to index
        %get3A_1282 = tpu.vector_load %arg5[%get3A_1281] {strides = array<i32>} : memref<20000xf32, #tpu.memory_space<vmem>>, vector<16xf32>,
        %get3A_1283 = vector.shape_cast %get3A_1282 : vector<16xf32> to vector<16xf32>
        %bitcast_convert_type3A_1284 = tpu.bitcast %get3A_1283 : vector<16xf32> -> vector<16xi32>
        %ge3A_1285 = arith.cmpi sge, %bitcast_convert_type3A_1284, %or3A_1111 : vector<16xi32>
        %select_n3A_1286 = arith.select %ge3A_1285, %broadcast_in_dim3A_13, %broadcast_in_dim3A_9 : vector<16xi1>, vector<16xi32>
        %add3A_1287 = arith.addi %scan3A_1273, %select_n3A_1286 : vector<16xi32>
        %add3A_1288 = arith.constant 16 : i32
        %add3A_1289 = arith.addi %mul3A_1278, %add3A_1288 : i32
        %get3A_1290 = arith.index_cast %add3A_1289 : i32 to index
        %get3A_1291 = tpu.vector_load %arg5[%get3A_1290] {strides = array<i32>} : memref<20000xf32, #tpu.memory_space<vmem>>, vector<16xf32>,
        %get3A_1292 = vector.shape_cast %get3A_1291 : vector<16xf32> to vector<16xf32>
        %bitcast_convert_type3A_1293 = tpu.bitcast %get3A_1292 : vector<16xf32> -> vector<16xi32>
        %ge3A_1294 = arith.cmpi sge, %bitcast_convert_type3A_1293, %or3A_1111 : vector<16xi32>
        %select_n3A_1295 = arith.select %ge3A_1294, %broadcast_in_dim3A_13, %broadcast_in_dim3A_9 : vector<16xi1>, vector<16xi32>
        %add3A_1296 = arith.addi %scan3A_1274, %select_n3A_1295 : vector<16xi32>
        %add3A_1297 = arith.constant 32 : i32
        %add3A_1298 = arith.addi %mul3A_1278, %add3A_1297 : i32
        %get3A_1299 = arith.index_cast %add3A_1298 : i32 to index
        %get3A_1300 = tpu.vector_load %arg5[%get3A_1299] {strides = array<i32>} : memref<20000xf32, #tpu.memory_space<vmem>>, vector<16xf32>,
        %get3A_1301 = vector.shape_cast %get3A_1300 : vector<16xf32> to vector<16xf32>
        %bitcast_convert_type3A_1302 = tpu.bitcast %get3A_1301 : vector<16xf32> -> vector<16xi32>
        %ge3A_1303 = arith.cmpi sge, %bitcast_convert_type3A_1302, %or3A_1111 : vector<16xi32>
        %select_n3A_1304 = arith.select %ge3A_1303, %broadcast_in_dim3A_13, %broadcast_in_dim3A_9 : vector<16xi1>, vector<16xi32>
        %add3A_1305 = arith.addi %scan3A_1275, %select_n3A_1304 : vector<16xi32>
        %add3A_1306 = arith.constant 48 : i32
        %add3A_1307 = arith.addi %mul3A_1278, %add3A_1306 : i32
        %get3A_1308 = arith.index_cast %add3A_1307 : i32 to index
        %get3A_1309 = tpu.vector_load %arg5[%get3A_1308] {strides = array<i32>} : memref<20000xf32, #tpu.memory_space<vmem>>, vector<16xf32>,
        %get3A_1310 = vector.shape_cast %get3A_1309 : vector<16xf32> to vector<16xf32>
        %bitcast_convert_type3A_1311 = tpu.bitcast %get3A_1310 : vector<16xf32> -> vector<16xi32>
        %ge3A_1312 = arith.cmpi sge, %bitcast_convert_type3A_1311, %or3A_1111 : vector<16xi32>
        %select_n3A_1313 = arith.select %ge3A_1312, %broadcast_in_dim3A_13, %broadcast_in_dim3A_9 : vector<16xi1>, vector<16xi32>
        %add3A_1314 = arith.addi %scan3A_1276, %select_n3A_1313 : vector<16xi32>
        %add3A_1315 = arith.constant 64 : i32
        %add3A_1316 = arith.addi %mul3A_1278, %add3A_1315 : i32
        %get3A_1317 = arith.index_cast %add3A_1316 : i32 to index
        %get3A_1318 = tpu.vector_load %arg5[%get3A_1317] {strides = array<i32>} : memref<20000xf32, #tpu.memory_space<vmem>>, vector<16xf32>,
        %get3A_1319 = vector.shape_cast %get3A_1318 : vector<16xf32> to vector<16xf32>
        %bitcast_convert_type3A_1320 = tpu.bitcast %get3A_1319 : vector<16xf32> -> vector<16xi32>
        %ge3A_1321 = arith.cmpi sge, %bitcast_convert_type3A_1320, %or3A_1111 : vector<16xi32>
        %select_n3A_1322 = arith.select %ge3A_1321, %broadcast_in_dim3A_13, %broadcast_in_dim3A_9 : vector<16xi1>, vector<16xi32>
        %add3A_1323 = arith.addi %add3A_1287, %select_n3A_1322 : vector<16xi32>
        %add3A_1324 = arith.constant 80 : i32
        %add3A_1325 = arith.addi %mul3A_1278, %add3A_1324 : i32
        %get3A_1326 = arith.index_cast %add3A_1325 : i32 to index
        %get3A_1327 = tpu.vector_load %arg5[%get3A_1326] {strides = array<i32>} : memref<20000xf32, #tpu.memory_space<vmem>>, vector<16xf32>,
        %get3A_1328 = vector.shape_cast %get3A_1327 : vector<16xf32> to vector<16xf32>
        %bitcast_convert_type3A_1329 = tpu.bitcast %get3A_1328 : vector<16xf32> -> vector<16xi32>
        %ge3A_1330 = arith.cmpi sge, %bitcast_convert_type3A_1329, %or3A_1111 : vector<16xi32>
        %select_n3A_1331 = arith.select %ge3A_1330, %broadcast_in_dim3A_13, %broadcast_in_dim3A_9 : vector<16xi1>, vector<16xi32>
        %add3A_1332 = arith.addi %add3A_1296, %select_n3A_1331 : vector<16xi32>
        %add3A_1333 = arith.constant 96 : i32
        %add3A_1334 = arith.addi %mul3A_1278, %add3A_1333 : i32
        %get3A_1335 = arith.index_cast %add3A_1334 : i32 to index
        %get3A_1336 = tpu.vector_load %arg5[%get3A_1335] {strides = array<i32>} : memref<20000xf32, #tpu.memory_space<vmem>>, vector<16xf32>,
        %get3A_1337 = vector.shape_cast %get3A_1336 : vector<16xf32> to vector<16xf32>
        %bitcast_convert_type3A_1338 = tpu.bitcast %get3A_1337 : vector<16xf32> -> vector<16xi32>
        %ge3A_1339 = arith.cmpi sge, %bitcast_convert_type3A_1338, %or3A_1111 : vector<16xi32>
        %select_n3A_1340 = arith.select %ge3A_1339, %broadcast_in_dim3A_13, %broadcast_in_dim3A_9 : vector<16xi1>, vector<16xi32>
        %add3A_1341 = arith.addi %add3A_1305, %select_n3A_1340 : vector<16xi32>
        %add3A_1342 = arith.constant 112 : i32
        %add3A_1343 = arith.addi %mul3A_1278, %add3A_1342 : i32
        %get3A_1344 = arith.index_cast %add3A_1343 : i32 to index
        %get3A_1345 = tpu.vector_load %arg5[%get3A_1344] {strides = array<i32>} : memref<20000xf32, #tpu.memory_space<vmem>>, vector<16xf32>,
        %get3A_1346 = vector.shape_cast %get3A_1345 : vector<16xf32> to vector<16xf32>
        %bitcast_convert_type3A_1347 = tpu.bitcast %get3A_1346 : vector<16xf32> -> vector<16xi32>
        %ge3A_1348 = arith.cmpi sge, %bitcast_convert_type3A_1347, %or3A_1111 : vector<16xi32>
        %select_n3A_1349 = arith.select %ge3A_1348, %broadcast_in_dim3A_13, %broadcast_in_dim3A_9 : vector<16xi1>, vector<16xi32>
        %add3A_1350 = arith.addi %add3A_1314, %select_n3A_1349 : vector<16xi32>
        %add3A_1351 = arith.constant 128 : i32
        %add3A_1352 = arith.addi %mul3A_1278, %add3A_1351 : i32
        %get3A_1353 = arith.index_cast %add3A_1352 : i32 to index
        %get3A_1354 = tpu.vector_load %arg5[%get3A_1353] {strides = array<i32>} : memref<20000xf32, #tpu.memory_space<vmem>>, vector<16xf32>,
        %get3A_1355 = vector.shape_cast %get3A_1354 : vector<16xf32> to vector<16xf32>
        %bitcast_convert_type3A_1356 = tpu.bitcast %get3A_1355 : vector<16xf32> -> vector<16xi32>
        %ge3A_1357 = arith.cmpi sge, %bitcast_convert_type3A_1356, %or3A_1111 : vector<16xi32>
        %select_n3A_1358 = arith.select %ge3A_1357, %broadcast_in_dim3A_13, %broadcast_in_dim3A_9 : vector<16xi1>, vector<16xi32>
        %add3A_1359 = arith.addi %add3A_1323, %select_n3A_1358 : vector<16xi32>
        %add3A_1360 = arith.constant 144 : i32
        %add3A_1361 = arith.addi %mul3A_1278, %add3A_1360 : i32
        %get3A_1362 = arith.index_cast %add3A_1361 : i32 to index
        %get3A_1363 = tpu.vector_load %arg5[%get3A_1362] {strides = array<i32>} : memref<20000xf32, #tpu.memory_space<vmem>>, vector<16xf32>,
        %get3A_1364 = vector.shape_cast %get3A_1363 : vector<16xf32> to vector<16xf32>
        %bitcast_convert_type3A_1365 = tpu.bitcast %get3A_1364 : vector<16xf32> -> vector<16xi32>
        %ge3A_1366 = arith.cmpi sge, %bitcast_convert_type3A_1365, %or3A_1111 : vector<16xi32>
        %select_n3A_1367 = arith.select %ge3A_1366, %broadcast_in_dim3A_13, %broadcast_in_dim3A_9 : vector<16xi1>, vector<16xi32>
        %add3A_1368 = arith.addi %add3A_1332, %select_n3A_1367 : vector<16xi32>
        scf.yield %add3A_1359, %add3A_1368, %add3A_1341, %add3A_1350 : vector<16xi32>, vector<16xi32>, vector<16xi32>, vector<16xi32>
      }
      %scan3A_1117 = arith.constant 125 : i32
      %add3A_1118 = arith.addi %scan3A_1116#0, %scan3A_1116#1 : vector<16xi32>
      %add3A_1119 = arith.addi %scan3A_1116#2, %scan3A_1116#3 : vector<16xi32>
      %add3A_1120 = arith.addi %add3A_1118, %add3A_1119 : vector<16xi32>
      %iota3A_1121 = tpu.iota {dimensions = array<i32: 0>} : vector<16xi32>
      %add3A_1122 = arith.constant 1 : i32
      %add3A_1123 = vector.broadcast %add3A_1122 : i32 to vector<16xi32>
      %add3A_1124 = arith.addi %iota3A_1121, %add3A_1123 : vector<16xi32>
      %and3A_1125 = arith.constant 15 : i32
      %and3A_1126 = vector.broadcast %and3A_1125 : i32 to vector<16xi32>
      %and3A_1127 = arith.andi %add3A_1124, %and3A_1126 : vector<16xi32>
      %broadcast_in_dim3A_1128 = vector.shape_cast %and3A_1127 : vector<16xi32> to vector<16x1xi32>
      %gather3A_1129 = vector.shape_cast %broadcast_in_dim3A_1128 : vector<16x1xi32> to vector<16xi32>
      %gather3A_1130 = tpu.dynamic_gather %add3A_1120[%gather3A_1129] in [0] : vector<16xi32>, vector<16xi32> -> vector<16xi32>
      %add3A_1131 = arith.addi %add3A_1120, %gather3A_1130 : vector<16xi32>
      %iota3A_1132 = tpu.iota {dimensions = array<i32: 0>} : vector<16xi32>
      %add3A_1133 = arith.constant 2 : i32
      %add3A_1134 = vector.broadcast %add3A_1133 : i32 to vector<16xi32>
      %add3A_1135 = arith.addi %iota3A_1132, %add3A_1134 : vector<16xi32>
      %and3A_1136 = arith.constant 15 : i32
      %and3A_1137 = vector.broadcast %and3A_1136 : i32 to vector<16xi32>
      %and3A_1138 = arith.andi %add3A_1135, %and3A_1137 : vector<16xi32>
      %broadcast_in_dim3A_1139 = vector.shape_cast %and3A_1138 : vector<16xi32> to vector<16x1xi32>
      %gather3A_1140 = vector.shape_cast %broadcast_in_dim3A_1139 : vector<16x1xi32> to vector<16xi32>
      %gather3A_1141 = tpu.dynamic_gather %add3A_1131[%gather3A_1140] in [0] : vector<16xi32>, vector<16xi32> -> vector<16xi32>
      %add3A_1142 = arith.addi %add3A_1131, %gather3A_1141 : vector<16xi32>
      %iota3A_1143 = tpu.iota {dimensions = array<i32: 0>} : vector<16xi32>
      %add3A_1144 = arith.constant 4 : i32
      %add3A_1145 = vector.broadcast %add3A_1144 : i32 to vector<16xi32>
      %add3A_1146 = arith.addi %iota3A_1143, %add3A_1145 : vector<16xi32>
      %and3A_1147 = arith.constant 15 : i32
      %and3A_1148 = vector.broadcast %and3A_1147 : i32 to vector<16xi32>
      %and3A_1149 = arith.andi %add3A_1146, %and3A_1148 : vector<16xi32>
      %broadcast_in_dim3A_1150 = vector.shape_cast %and3A_1149 : vector<16xi32> to vector<16x1xi32>
      %gather3A_1151 = vector.shape_cast %broadcast_in_dim3A_1150 : vector<16x1xi32> to vector<16xi32>
      %gather3A_1152 = tpu.dynamic_gather %add3A_1142[%gather3A_1151] in [0] : vector<16xi32>, vector<16xi32> -> vector<16xi32>
      %add3A_1153 = arith.addi %add3A_1142, %gather3A_1152 : vector<16xi32>
      %iota3A_1154 = tpu.iota {dimensions = array<i32: 0>} : vector<16xi32>
      %add3A_1155 = arith.constant 8 : i32
      %add3A_1156 = vector.broadcast %add3A_1155 : i32 to vector<16xi32>
      %add3A_1157 = arith.addi %iota3A_1154, %add3A_1156 : vector<16xi32>
      %and3A_1158 = arith.constant 15 : i32
      %and3A_1159 = vector.broadcast %and3A_1158 : i32 to vector<16xi32>
      %and3A_1160 = arith.andi %add3A_1157, %and3A_1159 : vector<16xi32>
      %broadcast_in_dim3A_1161 = vector.shape_cast %and3A_1160 : vector<16xi32> to vector<16x1xi32>
      %gather3A_1162 = vector.shape_cast %broadcast_in_dim3A_1161 : vector<16x1xi32> to vector<16xi32>
      %gather3A_1163 = tpu.dynamic_gather %add3A_1153[%gather3A_1162] in [0] : vector<16xi32>, vector<16xi32> -> vector<16xi32>
      %add3A_1164 = arith.addi %add3A_1153, %gather3A_1163 : vector<16xi32>
      %ge3A_1165 = arith.cmpi sge, %add3A_1164, %get3A_8 : vector<16xi32>
      %select_n3A_1166 = arith.select %ge3A_1165, %or3A_1111, %select_n3A_1108 : vector<16xi1>, vector<16xi32>
      %scan3A_1167 = arith.constant 0 : i32
      %scan3A_1168 = arith.constant 125 : i32
      %scan3A_1169 = arith.addi %scan3A_1167, %scan3A_1168 : i32
      %scan3A_1170 = arith.constant 1 : i32
      %scan3A_1171:4 = scf.for %scan3A_1272 = %scan3A_1167 to %scan3A_1169 step %scan3A_1170 iter_args(%scan3A_1273 = %broadcast_in_dim3A_9, %scan3A_1274 = %broadcast_in_dim3A_9, %scan3A_1275 = %broadcast_in_dim3A_11, %scan3A_1276 = %broadcast_in_dim3A_11) -> (vector<16xi32>, vector<16xi32>, vector<16xf32>, vector<16xf32>)  : i32 {
        %mul3A_1277 = arith.constant 160 : i32
        %mul3A_1278 = arith.muli %scan3A_1272, %mul3A_1277 : i32
        %add3A_1279 = arith.constant 0 : i32
        %add3A_1280 = arith.addi %mul3A_1278, %add3A_1279 : i32
        %get3A_1281 = arith.index_cast %add3A_1280 : i32 to index
        %get3A_1282 = tpu.vector_load %arg5[%get3A_1281] {strides = array<i32>} : memref<20000xf32, #tpu.memory_space<vmem>>, vector<16xf32>,
        %get3A_1283 = vector.shape_cast %get3A_1282 : vector<16xf32> to vector<16xf32>
        %bitcast_convert_type3A_1284 = tpu.bitcast %get3A_1283 : vector<16xf32> -> vector<16xi32>
        %gt3A_1285 = arith.cmpi sgt, %bitcast_convert_type3A_1284, %select_n3A_1166 : vector<16xi32>
        %select_n3A_1286 = arith.select %gt3A_1285, %broadcast_in_dim3A_13, %broadcast_in_dim3A_9 : vector<16xi1>, vector<16xi32>
        %add3A_1287 = arith.addi %scan3A_1273, %select_n3A_1286 : vector<16xi32>
        %select_n3A_1288 = arith.select %gt3A_1285, %get3A_1283, %broadcast_in_dim3A_11 : vector<16xi1>, vector<16xf32>
        %add3A_1289 = arith.addf %scan3A_1275, %select_n3A_1288 : vector<16xf32>
        %add3A_1290 = arith.constant 16 : i32
        %add3A_1291 = arith.addi %mul3A_1278, %add3A_1290 : i32
        %get3A_1292 = arith.index_cast %add3A_1291 : i32 to index
        %get3A_1293 = tpu.vector_load %arg5[%get3A_1292] {strides = array<i32>} : memref<20000xf32, #tpu.memory_space<vmem>>, vector<16xf32>,
        %get3A_1294 = vector.shape_cast %get3A_1293 : vector<16xf32> to vector<16xf32>
        %bitcast_convert_type3A_1295 = tpu.bitcast %get3A_1294 : vector<16xf32> -> vector<16xi32>
        %gt3A_1296 = arith.cmpi sgt, %bitcast_convert_type3A_1295, %select_n3A_1166 : vector<16xi32>
        %select_n3A_1297 = arith.select %gt3A_1296, %broadcast_in_dim3A_13, %broadcast_in_dim3A_9 : vector<16xi1>, vector<16xi32>
        %add3A_1298 = arith.addi %scan3A_1274, %select_n3A_1297 : vector<16xi32>
        %select_n3A_1299 = arith.select %gt3A_1296, %get3A_1294, %broadcast_in_dim3A_11 : vector<16xi1>, vector<16xf32>
        %add3A_1300 = arith.addf %scan3A_1276, %select_n3A_1299 : vector<16xf32>
        %add3A_1301 = arith.constant 32 : i32
        %add3A_1302 = arith.addi %mul3A_1278, %add3A_1301 : i32
        %get3A_1303 = arith.index_cast %add3A_1302 : i32 to index
        %get3A_1304 = tpu.vector_load %arg5[%get3A_1303] {strides = array<i32>} : memref<20000xf32, #tpu.memory_space<vmem>>, vector<16xf32>,
        %get3A_1305 = vector.shape_cast %get3A_1304 : vector<16xf32> to vector<16xf32>
        %bitcast_convert_type3A_1306 = tpu.bitcast %get3A_1305 : vector<16xf32> -> vector<16xi32>
        %gt3A_1307 = arith.cmpi sgt, %bitcast_convert_type3A_1306, %select_n3A_1166 : vector<16xi32>
        %select_n3A_1308 = arith.select %gt3A_1307, %broadcast_in_dim3A_13, %broadcast_in_dim3A_9 : vector<16xi1>, vector<16xi32>
        %add3A_1309 = arith.addi %add3A_1287, %select_n3A_1308 : vector<16xi32>
        %select_n3A_1310 = arith.select %gt3A_1307, %get3A_1305, %broadcast_in_dim3A_11 : vector<16xi1>, vector<16xf32>
        %add3A_1311 = arith.addf %add3A_1289, %select_n3A_1310 : vector<16xf32>
        %add3A_1312 = arith.constant 48 : i32
        %add3A_1313 = arith.addi %mul3A_1278, %add3A_1312 : i32
        %get3A_1314 = arith.index_cast %add3A_1313 : i32 to index
        %get3A_1315 = tpu.vector_load %arg5[%get3A_1314] {strides = array<i32>} : memref<20000xf32, #tpu.memory_space<vmem>>, vector<16xf32>,
        %get3A_1316 = vector.shape_cast %get3A_1315 : vector<16xf32> to vector<16xf32>
        %bitcast_convert_type3A_1317 = tpu.bitcast %get3A_1316 : vector<16xf32> -> vector<16xi32>
        %gt3A_1318 = arith.cmpi sgt, %bitcast_convert_type3A_1317, %select_n3A_1166 : vector<16xi32>
        %select_n3A_1319 = arith.select %gt3A_1318, %broadcast_in_dim3A_13, %broadcast_in_dim3A_9 : vector<16xi1>, vector<16xi32>
        %add3A_1320 = arith.addi %add3A_1298, %select_n3A_1319 : vector<16xi32>
        %select_n3A_1321 = arith.select %gt3A_1318, %get3A_1316, %broadcast_in_dim3A_11 : vector<16xi1>, vector<16xf32>
        %add3A_1322 = arith.addf %add3A_1300, %select_n3A_1321 : vector<16xf32>
        %add3A_1323 = arith.constant 64 : i32
        %add3A_1324 = arith.addi %mul3A_1278, %add3A_1323 : i32
        %get3A_1325 = arith.index_cast %add3A_1324 : i32 to index
        %get3A_1326 = tpu.vector_load %arg5[%get3A_1325] {strides = array<i32>} : memref<20000xf32, #tpu.memory_space<vmem>>, vector<16xf32>,
        %get3A_1327 = vector.shape_cast %get3A_1326 : vector<16xf32> to vector<16xf32>
        %bitcast_convert_type3A_1328 = tpu.bitcast %get3A_1327 : vector<16xf32> -> vector<16xi32>
        %gt3A_1329 = arith.cmpi sgt, %bitcast_convert_type3A_1328, %select_n3A_1166 : vector<16xi32>
        %select_n3A_1330 = arith.select %gt3A_1329, %broadcast_in_dim3A_13, %broadcast_in_dim3A_9 : vector<16xi1>, vector<16xi32>
        %add3A_1331 = arith.addi %add3A_1309, %select_n3A_1330 : vector<16xi32>
        %select_n3A_1332 = arith.select %gt3A_1329, %get3A_1327, %broadcast_in_dim3A_11 : vector<16xi1>, vector<16xf32>
        %add3A_1333 = arith.addf %add3A_1311, %select_n3A_1332 : vector<16xf32>
        %add3A_1334 = arith.constant 80 : i32
        %add3A_1335 = arith.addi %mul3A_1278, %add3A_1334 : i32
        %get3A_1336 = arith.index_cast %add3A_1335 : i32 to index
        %get3A_1337 = tpu.vector_load %arg5[%get3A_1336] {strides = array<i32>} : memref<20000xf32, #tpu.memory_space<vmem>>, vector<16xf32>,
        %get3A_1338 = vector.shape_cast %get3A_1337 : vector<16xf32> to vector<16xf32>
        %bitcast_convert_type3A_1339 = tpu.bitcast %get3A_1338 : vector<16xf32> -> vector<16xi32>
        %gt3A_1340 = arith.cmpi sgt, %bitcast_convert_type3A_1339, %select_n3A_1166 : vector<16xi32>
        %select_n3A_1341 = arith.select %gt3A_1340, %broadcast_in_dim3A_13, %broadcast_in_dim3A_9 : vector<16xi1>, vector<16xi32>
        %add3A_1342 = arith.addi %add3A_1320, %select_n3A_1341 : vector<16xi32>
        %select_n3A_1343 = arith.select %gt3A_1340, %get3A_1338, %broadcast_in_dim3A_11 : vector<16xi1>, vector<16xf32>
        %add3A_1344 = arith.addf %add3A_1322, %select_n3A_1343 : vector<16xf32>
        %add3A_1345 = arith.constant 96 : i32
        %add3A_1346 = arith.addi %mul3A_1278, %add3A_1345 : i32
        %get3A_1347 = arith.index_cast %add3A_1346 : i32 to index
        %get3A_1348 = tpu.vector_load %arg5[%get3A_1347] {strides = array<i32>} : memref<20000xf32, #tpu.memory_space<vmem>>, vector<16xf32>,
        %get3A_1349 = vector.shape_cast %get3A_1348 : vector<16xf32> to vector<16xf32>
        %bitcast_convert_type3A_1350 = tpu.bitcast %get3A_1349 : vector<16xf32> -> vector<16xi32>
        %gt3A_1351 = arith.cmpi sgt, %bitcast_convert_type3A_1350, %select_n3A_1166 : vector<16xi32>
        %select_n3A_1352 = arith.select %gt3A_1351, %broadcast_in_dim3A_13, %broadcast_in_dim3A_9 : vector<16xi1>, vector<16xi32>
        %add3A_1353 = arith.addi %add3A_1331, %select_n3A_1352 : vector<16xi32>
        %select_n3A_1354 = arith.select %gt3A_1351, %get3A_1349, %broadcast_in_dim3A_11 : vector<16xi1>, vector<16xf32>
        %add3A_1355 = arith.addf %add3A_1333, %select_n3A_1354 : vector<16xf32>
        %add3A_1356 = arith.constant 112 : i32
        %add3A_1357 = arith.addi %mul3A_1278, %add3A_1356 : i32
        %get3A_1358 = arith.index_cast %add3A_1357 : i32 to index
        %get3A_1359 = tpu.vector_load %arg5[%get3A_1358] {strides = array<i32>} : memref<20000xf32, #tpu.memory_space<vmem>>, vector<16xf32>,
        %get3A_1360 = vector.shape_cast %get3A_1359 : vector<16xf32> to vector<16xf32>
        %bitcast_convert_type3A_1361 = tpu.bitcast %get3A_1360 : vector<16xf32> -> vector<16xi32>
        %gt3A_1362 = arith.cmpi sgt, %bitcast_convert_type3A_1361, %select_n3A_1166 : vector<16xi32>
        %select_n3A_1363 = arith.select %gt3A_1362, %broadcast_in_dim3A_13, %broadcast_in_dim3A_9 : vector<16xi1>, vector<16xi32>
        %add3A_1364 = arith.addi %add3A_1342, %select_n3A_1363 : vector<16xi32>
        %select_n3A_1365 = arith.select %gt3A_1362, %get3A_1360, %broadcast_in_dim3A_11 : vector<16xi1>, vector<16xf32>
        %add3A_1366 = arith.addf %add3A_1344, %select_n3A_1365 : vector<16xf32>
        %add3A_1367 = arith.constant 128 : i32
        %add3A_1368 = arith.addi %mul3A_1278, %add3A_1367 : i32
        %get3A_1369 = arith.index_cast %add3A_1368 : i32 to index
        %get3A_1370 = tpu.vector_load %arg5[%get3A_1369] {strides = array<i32>} : memref<20000xf32, #tpu.memory_space<vmem>>, vector<16xf32>,
        %get3A_1371 = vector.shape_cast %get3A_1370 : vector<16xf32> to vector<16xf32>
        %bitcast_convert_type3A_1372 = tpu.bitcast %get3A_1371 : vector<16xf32> -> vector<16xi32>
        %gt3A_1373 = arith.cmpi sgt, %bitcast_convert_type3A_1372, %select_n3A_1166 : vector<16xi32>
        %select_n3A_1374 = arith.select %gt3A_1373, %broadcast_in_dim3A_13, %broadcast_in_dim3A_9 : vector<16xi1>, vector<16xi32>
        %add3A_1375 = arith.addi %add3A_1353, %select_n3A_1374 : vector<16xi32>
        %select_n3A_1376 = arith.select %gt3A_1373, %get3A_1371, %broadcast_in_dim3A_11 : vector<16xi1>, vector<16xf32>
        %add3A_1377 = arith.addf %add3A_1355, %select_n3A_1376 : vector<16xf32>
        %add3A_1378 = arith.constant 144 : i32
        %add3A_1379 = arith.addi %mul3A_1278, %add3A_1378 : i32
        %get3A_1380 = arith.index_cast %add3A_1379 : i32 to index
        %get3A_1381 = tpu.vector_load %arg5[%get3A_1380] {strides = array<i32>} : memref<20000xf32, #tpu.memory_space<vmem>>, vector<16xf32>,
        %get3A_1382 = vector.shape_cast %get3A_1381 : vector<16xf32> to vector<16xf32>
        %bitcast_convert_type3A_1383 = tpu.bitcast %get3A_1382 : vector<16xf32> -> vector<16xi32>
        %gt3A_1384 = arith.cmpi sgt, %bitcast_convert_type3A_1383, %select_n3A_1166 : vector<16xi32>
        %select_n3A_1385 = arith.select %gt3A_1384, %broadcast_in_dim3A_13, %broadcast_in_dim3A_9 : vector<16xi1>, vector<16xi32>
        %add3A_1386 = arith.addi %add3A_1364, %select_n3A_1385 : vector<16xi32>
        %select_n3A_1387 = arith.select %gt3A_1384, %get3A_1382, %broadcast_in_dim3A_11 : vector<16xi1>, vector<16xf32>
        %add3A_1388 = arith.addf %add3A_1366, %select_n3A_1387 : vector<16xf32>
        scf.yield %add3A_1375, %add3A_1386, %add3A_1377, %add3A_1388 : vector<16xi32>, vector<16xi32>, vector<16xf32>, vector<16xf32>
      }
      %scan3A_1172 = arith.constant 125 : i32
      %add3A_1173 = arith.addi %scan3A_1171#0, %scan3A_1171#1 : vector<16xi32>
      %add3A_1174 = arith.addf %scan3A_1171#2, %scan3A_1171#3 : vector<16xf32>
      %iota3A_1175 = tpu.iota {dimensions = array<i32: 0>} : vector<16xi32>
      %add3A_1176 = arith.constant 1 : i32
      %add3A_1177 = vector.broadcast %add3A_1176 : i32 to vector<16xi32>
      %add3A_1178 = arith.addi %iota3A_1175, %add3A_1177 : vector<16xi32>
      %and3A_1179 = arith.constant 15 : i32
      %and3A_1180 = vector.broadcast %and3A_1179 : i32 to vector<16xi32>
      %and3A_1181 = arith.andi %add3A_1178, %and3A_1180 : vector<16xi32>
      %broadcast_in_dim3A_1182 = vector.shape_cast %and3A_1181 : vector<16xi32> to vector<16x1xi32>
      %gather3A_1183 = vector.shape_cast %broadcast_in_dim3A_1182 : vector<16x1xi32> to vector<16xi32>
      %gather3A_1184 = tpu.dynamic_gather %add3A_1173[%gather3A_1183] in [0] : vector<16xi32>, vector<16xi32> -> vector<16xi32>
      %add3A_1185 = arith.addi %add3A_1173, %gather3A_1184 : vector<16xi32>
      %iota3A_1186 = tpu.iota {dimensions = array<i32: 0>} : vector<16xi32>
      %add3A_1187 = arith.constant 2 : i32
      %add3A_1188 = vector.broadcast %add3A_1187 : i32 to vector<16xi32>
      %add3A_1189 = arith.addi %iota3A_1186, %add3A_1188 : vector<16xi32>
      %and3A_1190 = arith.constant 15 : i32
      %and3A_1191 = vector.broadcast %and3A_1190 : i32 to vector<16xi32>
      %and3A_1192 = arith.andi %add3A_1189, %and3A_1191 : vector<16xi32>
      %broadcast_in_dim3A_1193 = vector.shape_cast %and3A_1192 : vector<16xi32> to vector<16x1xi32>
      %gather3A_1194 = vector.shape_cast %broadcast_in_dim3A_1193 : vector<16x1xi32> to vector<16xi32>
      %gather3A_1195 = tpu.dynamic_gather %add3A_1185[%gather3A_1194] in [0] : vector<16xi32>, vector<16xi32> -> vector<16xi32>
      %add3A_1196 = arith.addi %add3A_1185, %gather3A_1195 : vector<16xi32>
      %iota3A_1197 = tpu.iota {dimensions = array<i32: 0>} : vector<16xi32>
      %add3A_1198 = arith.constant 4 : i32
      %add3A_1199 = vector.broadcast %add3A_1198 : i32 to vector<16xi32>
      %add3A_1200 = arith.addi %iota3A_1197, %add3A_1199 : vector<16xi32>
      %and3A_1201 = arith.constant 15 : i32
      %and3A_1202 = vector.broadcast %and3A_1201 : i32 to vector<16xi32>
      %and3A_1203 = arith.andi %add3A_1200, %and3A_1202 : vector<16xi32>
      %broadcast_in_dim3A_1204 = vector.shape_cast %and3A_1203 : vector<16xi32> to vector<16x1xi32>
      %gather3A_1205 = vector.shape_cast %broadcast_in_dim3A_1204 : vector<16x1xi32> to vector<16xi32>
      %gather3A_1206 = tpu.dynamic_gather %add3A_1196[%gather3A_1205] in [0] : vector<16xi32>, vector<16xi32> -> vector<16xi32>
      %add3A_1207 = arith.addi %add3A_1196, %gather3A_1206 : vector<16xi32>
      %iota3A_1208 = tpu.iota {dimensions = array<i32: 0>} : vector<16xi32>
      %add3A_1209 = arith.constant 8 : i32
      %add3A_1210 = vector.broadcast %add3A_1209 : i32 to vector<16xi32>
      %add3A_1211 = arith.addi %iota3A_1208, %add3A_1210 : vector<16xi32>
      %and3A_1212 = arith.constant 15 : i32
      %and3A_1213 = vector.broadcast %and3A_1212 : i32 to vector<16xi32>
      %and3A_1214 = arith.andi %add3A_1211, %and3A_1213 : vector<16xi32>
      %broadcast_in_dim3A_1215 = vector.shape_cast %and3A_1214 : vector<16xi32> to vector<16x1xi32>
      %gather3A_1216 = vector.shape_cast %broadcast_in_dim3A_1215 : vector<16x1xi32> to vector<16xi32>
      %gather3A_1217 = tpu.dynamic_gather %add3A_1207[%gather3A_1216] in [0] : vector<16xi32>, vector<16xi32> -> vector<16xi32>
      %add3A_1218 = arith.addi %add3A_1207, %gather3A_1217 : vector<16xi32>
      %iota3A_1219 = tpu.iota {dimensions = array<i32: 0>} : vector<16xi32>
      %add3A_1220 = arith.constant 1 : i32
      %add3A_1221 = vector.broadcast %add3A_1220 : i32 to vector<16xi32>
      %add3A_1222 = arith.addi %iota3A_1219, %add3A_1221 : vector<16xi32>
      %and3A_1223 = arith.constant 15 : i32
      %and3A_1224 = vector.broadcast %and3A_1223 : i32 to vector<16xi32>
      %and3A_1225 = arith.andi %add3A_1222, %and3A_1224 : vector<16xi32>
      %broadcast_in_dim3A_1226 = vector.shape_cast %and3A_1225 : vector<16xi32> to vector<16x1xi32>
      %gather3A_1227 = vector.shape_cast %broadcast_in_dim3A_1226 : vector<16x1xi32> to vector<16xi32>
      %gather3A_1228 = tpu.dynamic_gather %add3A_1174[%gather3A_1227] in [0] : vector<16xf32>, vector<16xi32> -> vector<16xf32>
      %add3A_1229 = arith.addf %add3A_1174, %gather3A_1228 : vector<16xf32>
      %iota3A_1230 = tpu.iota {dimensions = array<i32: 0>} : vector<16xi32>
      %add3A_1231 = arith.constant 2 : i32
      %add3A_1232 = vector.broadcast %add3A_1231 : i32 to vector<16xi32>
      %add3A_1233 = arith.addi %iota3A_1230, %add3A_1232 : vector<16xi32>
      %and3A_1234 = arith.constant 15 : i32
      %and3A_1235 = vector.broadcast %and3A_1234 : i32 to vector<16xi32>
      %and3A_1236 = arith.andi %add3A_1233, %and3A_1235 : vector<16xi32>
      %broadcast_in_dim3A_1237 = vector.shape_cast %and3A_1236 : vector<16xi32> to vector<16x1xi32>
      %gather3A_1238 = vector.shape_cast %broadcast_in_dim3A_1237 : vector<16x1xi32> to vector<16xi32>
      %gather3A_1239 = tpu.dynamic_gather %add3A_1229[%gather3A_1238] in [0] : vector<16xf32>, vector<16xi32> -> vector<16xf32>
      %add3A_1240 = arith.addf %add3A_1229, %gather3A_1239 : vector<16xf32>
      %iota3A_1241 = tpu.iota {dimensions = array<i32: 0>} : vector<16xi32>
      %add3A_1242 = arith.constant 4 : i32
      %add3A_1243 = vector.broadcast %add3A_1242 : i32 to vector<16xi32>
      %add3A_1244 = arith.addi %iota3A_1241, %add3A_1243 : vector<16xi32>
      %and3A_1245 = arith.constant 15 : i32
      %and3A_1246 = vector.broadcast %and3A_1245 : i32 to vector<16xi32>
      %and3A_1247 = arith.andi %add3A_1244, %and3A_1246 : vector<16xi32>
      %broadcast_in_dim3A_1248 = vector.shape_cast %and3A_1247 : vector<16xi32> to vector<16x1xi32>
      %gather3A_1249 = vector.shape_cast %broadcast_in_dim3A_1248 : vector<16x1xi32> to vector<16xi32>
      %gather3A_1250 = tpu.dynamic_gather %add3A_1240[%gather3A_1249] in [0] : vector<16xf32>, vector<16xi32> -> vector<16xf32>
      %add3A_1251 = arith.addf %add3A_1240, %gather3A_1250 : vector<16xf32>
      %iota3A_1252 = tpu.iota {dimensions = array<i32: 0>} : vector<16xi32>
      %add3A_1253 = arith.constant 8 : i32
      %add3A_1254 = vector.broadcast %add3A_1253 : i32 to vector<16xi32>
      %add3A_1255 = arith.addi %iota3A_1252, %add3A_1254 : vector<16xi32>
      %and3A_1256 = arith.constant 15 : i32
      %and3A_1257 = vector.broadcast %and3A_1256 : i32 to vector<16xi32>
      %and3A_1258 = arith.andi %add3A_1255, %and3A_1257 : vector<16xi32>
      %broadcast_in_dim3A_1259 = vector.shape_cast %and3A_1258 : vector<16xi32> to vector<16x1xi32>
      %gather3A_1260 = vector.shape_cast %broadcast_in_dim3A_1259 : vector<16x1xi32> to vector<16xi32>
      %gather3A_1261 = tpu.dynamic_gather %add3A_1251[%gather3A_1260] in [0] : vector<16xf32>, vector<16xi32> -> vector<16xf32>
      %add3A_1262 = arith.addf %add3A_1251, %gather3A_1261 : vector<16xf32>
      %bitcast_convert_type3A = tpu.bitcast %select_n3A_1166 : vector<16xi32> -> vector<16xf32>
      %sub3A = arith.subi %get3A_8, %add3A_1218 : vector<16xi32>
      %convert_element_type3A_1263 = arith.sitofp %sub3A : vector<16xi32> to vector<16xf32>
      %mul3A_1264 = arith.mulf %convert_element_type3A_1263, %bitcast_convert_type3A : vector<16xf32>
      %add3A_1265 = arith.addf %add3A_1262, %mul3A_1264 : vector<16xf32>
      %gt3A = arith.cmpi sgt, %get3A_8, %broadcast_in_dim3A_9 : vector<16xi32>
      %select_n3A_1266 = arith.select %gt3A, %add3A_1265, %broadcast_in_dim3A_11 : vector<16xi1>, vector<16xf32>
      %swap3A = arith.constant 0 : index
      %swap3A_1267 = tpu.vector_load %arg6[%swap3A] {strides = array<i32>} : memref<16xf32, #tpu.memory_space<vmem>>, vector<16xf32>,
      %swap3A_1268 = vector.shape_cast %swap3A_1267 : vector<16xf32> to vector<16xf32>
      %swap3A_1269 = vector.shape_cast %select_n3A_1266 : vector<16xf32> to vector<16xf32>
      tpu.vector_store %arg6[%swap3A], %swap3A_1269 {strides = array<i32>} : memref<16xf32, #tpu.memory_space<vmem>>, vector<16xf32>,
      %mul3A_1270 = arith.constant 16 : i32
      %mul3A_1271 = arith.muli %add3A, %mul3A_1270 : i32
      "tpu.region"() ({
        %run_scoped3A = tpu.sem_alloc : memref<!tpu.dma_semaphore, #tpu.memory_space<semaphore_mem>>
        %dma_start3A = tpu.memref_slice %arg4[%mul3A_1271] : memref<256xf32, #tpu.memory_space<hbm>> -> memref<16xf32, #tpu.memory_space<hbm>>
        %dma_start3A_1272 = tpu.memref_slice %arg4[%mul3A_1271] : memref<256xf32, #tpu.memory_space<hbm>> -> memref<16xf32, #tpu.memory_space<hbm>>
        tpu.enqueue_dma source(%arg6 : memref<16xf32, #tpu.memory_space<vmem>>) target(%dma_start3A_1272 : memref<16xf32, #tpu.memory_space<hbm>>) target_semaphore(%run_scoped3A : memref<!tpu.dma_semaphore, #tpu.memory_space<semaphore_mem>>)
        %dma_wait3A = tpu.memref_slice %arg4[%mul3A_1271] : memref<256xf32, #tpu.memory_space<hbm>> -> memref<16xf32, #tpu.memory_space<hbm>>
        %dma_wait3A_1273 = tpu.memref_slice %arg4[%mul3A_1271] : memref<256xf32, #tpu.memory_space<hbm>> -> memref<16xf32, #tpu.memory_space<hbm>>
        tpu.wait_dma2 semaphore(%run_scoped3A : memref<!tpu.dma_semaphore, #tpu.memory_space<semaphore_mem>>) src(%arg6 : memref<16xf32, #tpu.memory_space<vmem>>) dst(%dma_wait3A_1273 : memref<16xf32, #tpu.memory_space<hbm>>)
        tpu.yield
      }) : () -> ()
    } else {
    }
    return
  }
}

module attributes {stable_mosaic.version = 14 : i64} {
  func.func @_match_body(%arg0: i32, %arg1: memref<1x4x20000xf32, #tpu.memory_space<vmem>>, %arg2: memref<8x20000xf32, #tpu.memory_space<vmem>>, %arg3: memref<1x50x4xf32, #tpu.memory_space<vmem>>, %arg4: memref<1x4x50xf32, #tpu.memory_space<vmem>>, %arg5: memref<1x1x50xi32, #tpu.memory_space<vmem>>, %arg6: memref<1x1x20000xf32, #tpu.memory_space<vmem>>, %arg7: memref<1x1x8xf32, #tpu.memory_space<vmem>>) attributes {dimension_semantics = [#tpu.dimension_semantics<arbitrary>], iteration_bounds = array<i64: 16>, scalar_prefetch = 0 : i64, scratch_operands = 0 : i64, tpu.core_type = #tpu.core_type<tc>, window_params = [{transform_indices = @transform_0, window_bounds = array<i64: 1, 4, 20000>}, {pipeline_mode = #tpu.pipeline_mode<synchronous>, transform_indices = @transform_1, window_bounds = array<i64: 8, 20000>}, {transform_indices = @transform_2, window_bounds = array<i64: 1, 50, 4>}, {transform_indices = @transform_3, window_bounds = array<i64: 1, 4, 50>}, {transform_indices = @transform_4, window_bounds = array<i64: 1, 1, 50>}, {transform_indices = @transform_5, window_bounds = array<i64: 1, 1, 20000>}, {transform_indices = @transform_6, window_bounds = array<i64: 1, 1, 8>}]} {
    %get3A = arith.constant 0 : index
    %get3A_0 = arith.constant 0 : index
    %get3A_1 = vector.load %arg2[%get3A, %get3A_0] : memref<8x20000xf32, #tpu.memory_space<vmem>>, vector<1x20000xf32>
    %get3A_2 = arith.constant 1 : index
    %get3A_3 = arith.constant 0 : index
    %get3A_4 = vector.load %arg2[%get3A_2, %get3A_3] : memref<8x20000xf32, #tpu.memory_space<vmem>>, vector<1x20000xf32>
    %get3A_5 = arith.constant 2 : index
    %get3A_6 = arith.constant 0 : index
    %get3A_7 = vector.load %arg2[%get3A_5, %get3A_6] : memref<8x20000xf32, #tpu.memory_space<vmem>>, vector<1x20000xf32>
    %get3A_8 = arith.constant 3 : index
    %get3A_9 = arith.constant 0 : index
    %get3A_10 = vector.load %arg2[%get3A_8, %get3A_9] : memref<8x20000xf32, #tpu.memory_space<vmem>>, vector<1x20000xf32>
    %get3A_11 = arith.constant 0 : index
    %get3A_12 = arith.constant 0 : index
    %get3A_13 = arith.constant 0 : index
    %get3A_14 = vector.load %arg3[%get3A_11, %get3A_12, %get3A_13] : memref<1x50x4xf32, #tpu.memory_space<vmem>>, vector<1x50x4xf32>
    %get3A_15 = vector.shape_cast %get3A_14 : vector<1x50x4xf32> to vector<50x4xf32>
    %slice3A = vector.extract_strided_slice %get3A_15 {offsets = [0, 0], sizes = [50, 1], strides = [1, 1]} : vector<50x4xf32> to vector<50x1xf32>
    %slice3A_16 = vector.extract_strided_slice %get3A_15 {offsets = [0, 1], sizes = [50, 1], strides = [1, 1]} : vector<50x4xf32> to vector<50x1xf32>
    %slice3A_17 = vector.extract_strided_slice %get3A_15 {offsets = [0, 2], sizes = [50, 1], strides = [1, 1]} : vector<50x4xf32> to vector<50x1xf32>
    %slice3A_18 = vector.extract_strided_slice %get3A_15 {offsets = [0, 3], sizes = [50, 1], strides = [1, 1]} : vector<50x4xf32> to vector<50x1xf32>
    %max3A = vector.broadcast %get3A_1 : vector<1x20000xf32> to vector<50x20000xf32>
    %max3A_19 = vector.broadcast %slice3A : vector<50x1xf32> to vector<50x20000xf32>
    %max3A_20 = arith.maximumf %max3A, %max3A_19 : vector<50x20000xf32>
    %max3A_21 = vector.broadcast %get3A_4 : vector<1x20000xf32> to vector<50x20000xf32>
    %max3A_22 = vector.broadcast %slice3A_16 : vector<50x1xf32> to vector<50x20000xf32>
    %max3A_23 = arith.maximumf %max3A_21, %max3A_22 : vector<50x20000xf32>
    %min3A = vector.broadcast %get3A_7 : vector<1x20000xf32> to vector<50x20000xf32>
    %min3A_24 = vector.broadcast %slice3A_17 : vector<50x1xf32> to vector<50x20000xf32>
    %min3A_25 = arith.minimumf %min3A, %min3A_24 : vector<50x20000xf32>
    %min3A_26 = vector.broadcast %get3A_10 : vector<1x20000xf32> to vector<50x20000xf32>
    %min3A_27 = vector.broadcast %slice3A_18 : vector<50x1xf32> to vector<50x20000xf32>
    %min3A_28 = arith.minimumf %min3A_26, %min3A_27 : vector<50x20000xf32>
    %sub3A = arith.subf %min3A_25, %max3A_20 : vector<50x20000xf32>
    %jit3A = arith.constant 0.000000e+00 : f32
    %max3A_29 = vector.broadcast %jit3A : f32 to vector<50x20000xf32>
    %max3A_30 = arith.maximumf %max3A_29, %sub3A : vector<50x20000xf32>
    %sub3A_31 = arith.subf %min3A_28, %max3A_23 : vector<50x20000xf32>
    %jit3A_32 = arith.constant 0.000000e+00 : f32
    %max3A_33 = vector.broadcast %jit3A_32 : f32 to vector<50x20000xf32>
    %max3A_34 = arith.maximumf %max3A_33, %sub3A_31 : vector<50x20000xf32>
    %mul3A = arith.mulf %max3A_30, %max3A_34 : vector<50x20000xf32>
    %sub3A_35 = arith.subf %get3A_7, %get3A_1 : vector<1x20000xf32>
    %sub3A_36 = arith.subf %get3A_10, %get3A_4 : vector<1x20000xf32>
    %mul3A_37 = arith.mulf %sub3A_35, %sub3A_36 : vector<1x20000xf32>
    %sub3A_38 = arith.subf %slice3A_17, %slice3A : vector<50x1xf32>
    %sub3A_39 = arith.subf %slice3A_18, %slice3A_16 : vector<50x1xf32>
    %mul3A_40 = arith.mulf %sub3A_38, %sub3A_39 : vector<50x1xf32>
    %add3A = vector.broadcast %mul3A_37 : vector<1x20000xf32> to vector<50x20000xf32>
    %add3A_41 = vector.broadcast %mul3A_40 : vector<50x1xf32> to vector<50x20000xf32>
    %add3A_42 = arith.addf %add3A, %add3A_41 : vector<50x20000xf32>
    %sub3A_43 = arith.subf %add3A_42, %mul3A : vector<50x20000xf32>
    %div3A = arith.divf %mul3A, %sub3A_43 : vector<50x20000xf32>
    %reduce_max3A = arith.constant dense<0xFF800000> : vector<20000xf32>
    %reduce_max3A_44 = vector.multi_reduction <maximumf>, %div3A, %reduce_max3A [0] : vector<50x20000xf32> to vector<20000xf32>
    %broadcast_in_dim3A = vector.shape_cast %reduce_max3A_44 : vector<20000xf32> to vector<1x20000xf32>
    %reduce_max3A_45 = arith.constant dense<0xFF800000> : vector<50xf32>
    %reduce_max3A_46 = vector.multi_reduction <maximumf>, %div3A, %reduce_max3A_45 [1] : vector<50x20000xf32> to vector<50xf32>
    %broadcast_in_dim3A_47 = vector.shape_cast %reduce_max3A_46 : vector<50xf32> to vector<50x1xf32>
    %iota3A = tpu.iota {dimensions = array<i32: 0>} : vector<50x20000xi32>
    %eq3A = vector.broadcast %broadcast_in_dim3A_47 : vector<50x1xf32> to vector<50x20000xf32>
    %eq3A_48 = arith.cmpf oeq, %div3A, %eq3A : vector<50x20000xf32>
    %jit3A_49 = arith.constant -1 : i32
    %broadcast_in_dim3A_50 = vector.broadcast %jit3A_49 : i32 to vector<50x20000xi32>
    %select_n3A = arith.select %eq3A_48, %iota3A, %broadcast_in_dim3A_50 : vector<50x20000xi1>, vector<50x20000xi32>
    %reduce_max3A_51 = arith.constant dense<-2147483648> : vector<20000xi32>
    %reduce_max3A_52 = vector.multi_reduction <maxsi>, %select_n3A, %reduce_max3A_51 [0] : vector<50x20000xi32> to vector<20000xi32>
    %broadcast_in_dim3A_53 = vector.shape_cast %reduce_max3A_52 : vector<20000xi32> to vector<1x20000xi32>
    %ge3A = arith.constant 0 : i32
    %ge3A_54 = vector.broadcast %ge3A : i32 to vector<1x20000xi32>
    %ge3A_55 = arith.cmpi sge, %broadcast_in_dim3A_53, %ge3A_54 : vector<1x20000xi32>
    %jit3A_56 = arith.constant 2.000000e+00 : f32
    %broadcast_in_dim3A_57 = vector.broadcast %jit3A_56 : f32 to vector<1x20000xf32>
    %select_n3A_58 = arith.select %ge3A_55, %broadcast_in_dim3A_57, %broadcast_in_dim3A : vector<1x20000xi1>, vector<1x20000xf32>
    %eq3A_59 = vector.broadcast %broadcast_in_dim3A_53 : vector<1x20000xi32> to vector<50x20000xi32>
    %eq3A_60 = arith.cmpi eq, %iota3A, %eq3A_59 : vector<50x20000xi32>
    %convert_element_type3A = arith.extui %eq3A_60 : vector<50x20000xi1> to vector<50x20000xi32>
    %convert_element_type3A_61 = arith.sitofp %convert_element_type3A : vector<50x20000xi32> to vector<50x20000xf32>
    %eq3A_62 = vector.broadcast %select_n3A_58 : vector<1x20000xf32> to vector<50x20000xf32>
    %eq3A_63 = arith.cmpf oeq, %div3A, %eq3A_62 : vector<50x20000xf32>
    %convert_element_type3A_64 = arith.extui %eq3A_63 : vector<50x20000xi1> to vector<50x20000xi32>
    %convert_element_type3A_65 = arith.sitofp %convert_element_type3A_64 : vector<50x20000xi32> to vector<50x20000xf32>
    %broadcast_in_dim3A_66 = vector.shape_cast %ge3A_55 : vector<1x20000xi1> to vector<1x20000xi1>
    %broadcast_in_dim3A_67 = vector.broadcast %broadcast_in_dim3A_66 : vector<1x20000xi1> to vector<50x20000xi1>
    %select_n3A_68 = arith.select %broadcast_in_dim3A_67, %convert_element_type3A_61, %convert_element_type3A_65 : vector<50x20000xi1>, vector<50x20000xf32>
    %get3A_69 = arith.constant 0 : index
    %get3A_70 = arith.constant 0 : index
    %get3A_71 = arith.constant 0 : index
    %get3A_72 = vector.load %arg5[%get3A_69, %get3A_70, %get3A_71] : memref<1x1x50xi32, #tpu.memory_space<vmem>>, vector<1x1x50xi32>
    %get3A_73 = vector.shape_cast %get3A_72 : vector<1x1x50xi32> to vector<1x50xi32>
    %convert_element_type3A_74 = arith.sitofp %get3A_73 : vector<1x50xi32> to vector<1x50xf32>
    %get3A_75 = arith.constant 0 : index
    %get3A_76 = arith.constant 0 : index
    %get3A_77 = arith.constant 0 : index
    %get3A_78 = vector.load %arg4[%get3A_75, %get3A_76, %get3A_77] : memref<1x4x50xf32, #tpu.memory_space<vmem>>, vector<1x4x50xf32>
    %get3A_79 = vector.shape_cast %get3A_78 : vector<1x4x50xf32> to vector<4x50xf32>
    %concatenate3A = tpu.concatenate %get3A_79, %convert_element_type3A_74 in 0 : vector<4x50xf32>, vector<1x50xf32> -> vector<5x50xf32>
    %dot_general3A = arith.constant dense<0.000000e+00> : vector<5x20000xf32>
    %dot_general3A_80 = tpu.matmul %concatenate3A, %select_n3A_68, %dot_general3A {dimension_numbers = #tpu.dot_dimension_numbers<[1], [0], [0], [1], [0, 0, 1, 1], [], []>, transpose_lhs_hint = false} : vector<5x50xf32>, vector<50x20000xf32>, vector<5x20000xf32> -> vector<5x20000xf32>
    %slice3A_81 = vector.extract_strided_slice %dot_general3A_80 {offsets = [0, 0], sizes = [1, 20000], strides = [1, 1]} : vector<5x20000xf32> to vector<1x20000xf32>
    %slice3A_82 = vector.extract_strided_slice %dot_general3A_80 {offsets = [1, 0], sizes = [1, 20000], strides = [1, 1]} : vector<5x20000xf32> to vector<1x20000xf32>
    %slice3A_83 = vector.extract_strided_slice %dot_general3A_80 {offsets = [2, 0], sizes = [1, 20000], strides = [1, 1]} : vector<5x20000xf32> to vector<1x20000xf32>
    %slice3A_84 = vector.extract_strided_slice %dot_general3A_80 {offsets = [3, 0], sizes = [1, 20000], strides = [1, 1]} : vector<5x20000xf32> to vector<1x20000xf32>
    %lt3A = arith.constant 5.000000e-01 : f32
    %lt3A_85 = vector.broadcast %lt3A : f32 to vector<1x20000xf32>
    %lt3A_86 = arith.cmpf olt, %select_n3A_58, %lt3A_85 : vector<1x20000xf32>
    %slice3A_87 = vector.extract_strided_slice %dot_general3A_80 {offsets = [4, 0], sizes = [1, 20000], strides = [1, 1]} : vector<5x20000xf32> to vector<1x20000xf32>
    %jit3A_88 = arith.constant 0.000000e+00 : f32
    %broadcast_in_dim3A_89 = vector.broadcast %jit3A_88 : f32 to vector<1x20000xf32>
    %select_n3A_90 = arith.select %lt3A_86, %broadcast_in_dim3A_89, %slice3A_87 : vector<1x20000xi1>, vector<1x20000xf32>
    %gt3A = arith.constant 0.000000e+00 : f32
    %gt3A_91 = vector.broadcast %gt3A : f32 to vector<1x20000xf32>
    %gt3A_92 = arith.cmpf ogt, %select_n3A_90, %gt3A_91 : vector<1x20000xf32>
    %convert_element_type3A_93 = arith.extui %gt3A_92 : vector<1x20000xi1> to vector<1x20000xi32>
    %reduce_sum3A = vector.shape_cast %convert_element_type3A_93 : vector<1x20000xi32> to vector<1x1x20000xi32>
    %reduce_sum3A_94 = arith.constant dense<0> : vector<1xi32>
    %reduce_sum3A_95 = vector.multi_reduction <add>, %reduce_sum3A, %reduce_sum3A_94 [1, 2] : vector<1x1x20000xi32> to vector<1xi32>
    %reduce_sum3A_96 = vector.shape_cast %reduce_sum3A_95 : vector<1xi32> to vector<1x1x1xi32>
    %reduce_sum3A_97 = vector.extract %reduce_sum3A_96[0, 0, 0] : i32 from vector<1x1x1xi32>
    %sub3A_98 = arith.subf %get3A_7, %get3A_1 : vector<1x20000xf32>
    %sub3A_99 = arith.subf %get3A_10, %get3A_4 : vector<1x20000xf32>
    %add3A_100 = arith.addf %get3A_1, %get3A_7 : vector<1x20000xf32>
    %mul3A_101 = arith.constant 5.000000e-01 : f32
    %mul3A_102 = vector.broadcast %mul3A_101 : f32 to vector<1x20000xf32>
    %mul3A_103 = arith.mulf %add3A_100, %mul3A_102 : vector<1x20000xf32>
    %add3A_104 = arith.addf %get3A_4, %get3A_10 : vector<1x20000xf32>
    %mul3A_105 = arith.constant 5.000000e-01 : f32
    %mul3A_106 = vector.broadcast %mul3A_105 : f32 to vector<1x20000xf32>
    %mul3A_107 = arith.mulf %add3A_104, %mul3A_106 : vector<1x20000xf32>
    %add3A_108 = arith.addf %slice3A_81, %slice3A_83 : vector<1x20000xf32>
    %mul3A_109 = arith.constant 5.000000e-01 : f32
    %mul3A_110 = vector.broadcast %mul3A_109 : f32 to vector<1x20000xf32>
    %mul3A_111 = arith.mulf %add3A_108, %mul3A_110 : vector<1x20000xf32>
    %sub3A_112 = arith.subf %mul3A_111, %mul3A_103 : vector<1x20000xf32>
    %mul3A_113 = arith.constant 1.000000e-01 : f32
    %mul3A_114 = vector.broadcast %mul3A_113 : f32 to vector<1x20000xf32>
    %mul3A_115 = arith.mulf %mul3A_114, %sub3A_98 : vector<1x20000xf32>
    %div3A_116 = arith.divf %sub3A_112, %mul3A_115 : vector<1x20000xf32>
    %add3A_117 = arith.addf %slice3A_82, %slice3A_84 : vector<1x20000xf32>
    %mul3A_118 = arith.constant 5.000000e-01 : f32
    %mul3A_119 = vector.broadcast %mul3A_118 : f32 to vector<1x20000xf32>
    %mul3A_120 = arith.mulf %add3A_117, %mul3A_119 : vector<1x20000xf32>
    %sub3A_121 = arith.subf %mul3A_120, %mul3A_107 : vector<1x20000xf32>
    %mul3A_122 = arith.constant 1.000000e-01 : f32
    %mul3A_123 = vector.broadcast %mul3A_122 : f32 to vector<1x20000xf32>
    %mul3A_124 = arith.mulf %mul3A_123, %sub3A_99 : vector<1x20000xf32>
    %div3A_125 = arith.divf %sub3A_121, %mul3A_124 : vector<1x20000xf32>
    %sub3A_126 = arith.subf %slice3A_83, %slice3A_81 : vector<1x20000xf32>
    %div3A_127 = arith.divf %sub3A_126, %sub3A_98 : vector<1x20000xf32>
    %log3A = math.log %div3A_127 : vector<1x20000xf32>
    %div3A_128 = arith.constant 2.000000e-01 : f32
    %div3A_129 = vector.broadcast %div3A_128 : f32 to vector<1x20000xf32>
    %div3A_130 = arith.divf %log3A, %div3A_129 : vector<1x20000xf32>
    %sub3A_131 = arith.subf %slice3A_84, %slice3A_82 : vector<1x20000xf32>
    %div3A_132 = arith.divf %sub3A_131, %sub3A_99 : vector<1x20000xf32>
    %log3A_133 = math.log %div3A_132 : vector<1x20000xf32>
    %div3A_134 = arith.constant 2.000000e-01 : f32
    %div3A_135 = vector.broadcast %div3A_134 : f32 to vector<1x20000xf32>
    %div3A_136 = arith.divf %log3A_133, %div3A_135 : vector<1x20000xf32>
    %get3A_137 = arith.constant 0 : index
    %get3A_138 = arith.constant 0 : index
    %get3A_139 = arith.constant 0 : index
    %get3A_140 = vector.load %arg1[%get3A_137, %get3A_138, %get3A_139] : memref<1x4x20000xf32, #tpu.memory_space<vmem>>, vector<1x4x20000xf32>
    %get3A_141 = vector.shape_cast %get3A_140 : vector<1x4x20000xf32> to vector<4x20000xf32>
    %slice3A_142 = vector.extract_strided_slice %get3A_141 {offsets = [0, 0], sizes = [1, 20000], strides = [1, 1]} : vector<4x20000xf32> to vector<1x20000xf32>
    %sub3A_143 = arith.subf %slice3A_142, %div3A_116 : vector<1x20000xf32>
    %abs3A = math.absf %sub3A_143 : vector<1x20000xf32>
    %lt3A_144 = arith.constant 1.000000e+00 : f32
    %lt3A_145 = vector.broadcast %lt3A_144 : f32 to vector<1x20000xf32>
    %lt3A_146 = arith.cmpf olt, %abs3A, %lt3A_145 : vector<1x20000xf32>
    %mul3A_147 = arith.constant 5.000000e-01 : f32
    %mul3A_148 = vector.broadcast %mul3A_147 : f32 to vector<1x20000xf32>
    %mul3A_149 = arith.mulf %mul3A_148, %abs3A : vector<1x20000xf32>
    %mul3A_150 = arith.mulf %mul3A_149, %abs3A : vector<1x20000xf32>
    %sub3A_151 = arith.constant 5.000000e-01 : f32
    %sub3A_152 = vector.broadcast %sub3A_151 : f32 to vector<1x20000xf32>
    %sub3A_153 = arith.subf %abs3A, %sub3A_152 : vector<1x20000xf32>
    %select_n3A_154 = arith.select %lt3A_146, %mul3A_150, %sub3A_153 : vector<1x20000xi1>, vector<1x20000xf32>
    %slice3A_155 = vector.extract_strided_slice %get3A_141 {offsets = [1, 0], sizes = [1, 20000], strides = [1, 1]} : vector<4x20000xf32> to vector<1x20000xf32>
    %sub3A_156 = arith.subf %slice3A_155, %div3A_125 : vector<1x20000xf32>
    %abs3A_157 = math.absf %sub3A_156 : vector<1x20000xf32>
    %lt3A_158 = arith.constant 1.000000e+00 : f32
    %lt3A_159 = vector.broadcast %lt3A_158 : f32 to vector<1x20000xf32>
    %lt3A_160 = arith.cmpf olt, %abs3A_157, %lt3A_159 : vector<1x20000xf32>
    %mul3A_161 = arith.constant 5.000000e-01 : f32
    %mul3A_162 = vector.broadcast %mul3A_161 : f32 to vector<1x20000xf32>
    %mul3A_163 = arith.mulf %mul3A_162, %abs3A_157 : vector<1x20000xf32>
    %mul3A_164 = arith.mulf %mul3A_163, %abs3A_157 : vector<1x20000xf32>
    %sub3A_165 = arith.constant 5.000000e-01 : f32
    %sub3A_166 = vector.broadcast %sub3A_165 : f32 to vector<1x20000xf32>
    %sub3A_167 = arith.subf %abs3A_157, %sub3A_166 : vector<1x20000xf32>
    %select_n3A_168 = arith.select %lt3A_160, %mul3A_164, %sub3A_167 : vector<1x20000xi1>, vector<1x20000xf32>
    %add3A_169 = arith.addf %select_n3A_154, %select_n3A_168 : vector<1x20000xf32>
    %slice3A_170 = vector.extract_strided_slice %get3A_141 {offsets = [2, 0], sizes = [1, 20000], strides = [1, 1]} : vector<4x20000xf32> to vector<1x20000xf32>
    %sub3A_171 = arith.subf %slice3A_170, %div3A_130 : vector<1x20000xf32>
    %abs3A_172 = math.absf %sub3A_171 : vector<1x20000xf32>
    %lt3A_173 = arith.constant 1.000000e+00 : f32
    %lt3A_174 = vector.broadcast %lt3A_173 : f32 to vector<1x20000xf32>
    %lt3A_175 = arith.cmpf olt, %abs3A_172, %lt3A_174 : vector<1x20000xf32>
    %mul3A_176 = arith.constant 5.000000e-01 : f32
    %mul3A_177 = vector.broadcast %mul3A_176 : f32 to vector<1x20000xf32>
    %mul3A_178 = arith.mulf %mul3A_177, %abs3A_172 : vector<1x20000xf32>
    %mul3A_179 = arith.mulf %mul3A_178, %abs3A_172 : vector<1x20000xf32>
    %sub3A_180 = arith.constant 5.000000e-01 : f32
    %sub3A_181 = vector.broadcast %sub3A_180 : f32 to vector<1x20000xf32>
    %sub3A_182 = arith.subf %abs3A_172, %sub3A_181 : vector<1x20000xf32>
    %select_n3A_183 = arith.select %lt3A_175, %mul3A_179, %sub3A_182 : vector<1x20000xi1>, vector<1x20000xf32>
    %add3A_184 = arith.addf %add3A_169, %select_n3A_183 : vector<1x20000xf32>
    %slice3A_185 = vector.extract_strided_slice %get3A_141 {offsets = [3, 0], sizes = [1, 20000], strides = [1, 1]} : vector<4x20000xf32> to vector<1x20000xf32>
    %sub3A_186 = arith.subf %slice3A_185, %div3A_136 : vector<1x20000xf32>
    %abs3A_187 = math.absf %sub3A_186 : vector<1x20000xf32>
    %lt3A_188 = arith.constant 1.000000e+00 : f32
    %lt3A_189 = vector.broadcast %lt3A_188 : f32 to vector<1x20000xf32>
    %lt3A_190 = arith.cmpf olt, %abs3A_187, %lt3A_189 : vector<1x20000xf32>
    %mul3A_191 = arith.constant 5.000000e-01 : f32
    %mul3A_192 = vector.broadcast %mul3A_191 : f32 to vector<1x20000xf32>
    %mul3A_193 = arith.mulf %mul3A_192, %abs3A_187 : vector<1x20000xf32>
    %mul3A_194 = arith.mulf %mul3A_193, %abs3A_187 : vector<1x20000xf32>
    %sub3A_195 = arith.constant 5.000000e-01 : f32
    %sub3A_196 = vector.broadcast %sub3A_195 : f32 to vector<1x20000xf32>
    %sub3A_197 = arith.subf %abs3A_187, %sub3A_196 : vector<1x20000xf32>
    %select_n3A_198 = arith.select %lt3A_190, %mul3A_194, %sub3A_197 : vector<1x20000xi1>, vector<1x20000xf32>
    %add3A_199 = arith.addf %add3A_184, %select_n3A_198 : vector<1x20000xf32>
    %jit3A_200 = arith.constant 0.000000e+00 : f32
    %broadcast_in_dim3A_201 = vector.broadcast %jit3A_200 : f32 to vector<1x20000xf32>
    %select_n3A_202 = arith.select %gt3A_92, %add3A_199, %broadcast_in_dim3A_201 : vector<1x20000xi1>, vector<1x20000xf32>
    %reduce_sum3A_203 = vector.shape_cast %select_n3A_202 : vector<1x20000xf32> to vector<1x1x20000xf32>
    %reduce_sum3A_204 = arith.constant dense<0.000000e+00> : vector<1xf32>
    %reduce_sum3A_205 = vector.multi_reduction <add>, %reduce_sum3A_203, %reduce_sum3A_204 [1, 2] : vector<1x1x20000xf32> to vector<1xf32>
    %reduce_sum3A_206 = vector.shape_cast %reduce_sum3A_205 : vector<1xf32> to vector<1x1x1xf32>
    %reduce_sum3A_207 = vector.extract %reduce_sum3A_206[0, 0, 0] : f32 from vector<1x1x1xf32>
    %swap3A = arith.constant 0 : index
    %swap3A_208 = arith.constant 0 : index
    %swap3A_209 = arith.constant 0 : index
    %swap3A_210 = vector.load %arg6[%swap3A, %swap3A_208, %swap3A_209] : memref<1x1x20000xf32, #tpu.memory_space<vmem>>, vector<1x1x20000xf32>
    %swap3A_211 = vector.shape_cast %swap3A_210 : vector<1x1x20000xf32> to vector<1x20000xf32>
    %swap3A_212 = vector.shape_cast %select_n3A_90 : vector<1x20000xf32> to vector<1x1x20000xf32>
    tpu.vector_store %arg6[%swap3A, %swap3A_208, %swap3A_209], %swap3A_212 {strides = array<i32>} : memref<1x1x20000xf32, #tpu.memory_space<vmem>>, vector<1x1x20000xf32>,
    %iota3A_213 = tpu.iota {dimensions = array<i32: 1>} : vector<1x8xi32>
    %eq3A_214 = arith.constant 0 : i32
    %eq3A_215 = vector.broadcast %eq3A_214 : i32 to vector<1x8xi32>
    %eq3A_216 = arith.cmpi eq, %iota3A_213, %eq3A_215 : vector<1x8xi32>
    %eq3A_217 = arith.constant 2 : i32
    %eq3A_218 = vector.broadcast %eq3A_217 : i32 to vector<1x8xi32>
    %eq3A_219 = arith.cmpi eq, %iota3A_213, %eq3A_218 : vector<1x8xi32>
    %convert_element_type3A_220 = arith.sitofp %reduce_sum3A_97 : i32 to f32
    %jit3A_221 = arith.constant 0.000000e+00 : f32
    %broadcast_in_dim3A_222 = vector.broadcast %convert_element_type3A_220 : f32 to vector<1x8xf32>
    %broadcast_in_dim3A_223 = vector.broadcast %jit3A_221 : f32 to vector<1x8xf32>
    %select_n3A_224 = arith.select %eq3A_219, %broadcast_in_dim3A_222, %broadcast_in_dim3A_223 : vector<1x8xi1>, vector<1x8xf32>
    %broadcast_in_dim3A_225 = vector.broadcast %reduce_sum3A_207 : f32 to vector<1x8xf32>
    %select_n3A_226 = arith.select %eq3A_216, %broadcast_in_dim3A_225, %select_n3A_224 : vector<1x8xi1>, vector<1x8xf32>
    %swap3A_227 = arith.constant 0 : index
    %swap3A_228 = arith.constant 0 : index
    %swap3A_229 = arith.constant 0 : index
    %swap3A_230 = vector.load %arg7[%swap3A_227, %swap3A_228, %swap3A_229] : memref<1x1x8xf32, #tpu.memory_space<vmem>>, vector<1x1x8xf32>
    %swap3A_231 = vector.shape_cast %swap3A_230 : vector<1x1x8xf32> to vector<1x8xf32>
    %swap3A_232 = vector.shape_cast %select_n3A_226 : vector<1x8xf32> to vector<1x1x8xf32>
    tpu.vector_store %arg7[%swap3A_227, %swap3A_228, %swap3A_229], %swap3A_232 {strides = array<i32>} : memref<1x1x8xf32, #tpu.memory_space<vmem>>, vector<1x1x8xf32>,
    return
  }
  func.func @transform_0(%arg0: i32) -> (i32, i32, i32) {
    %c0_i32 = arith.constant 0 : i32
    %c0_i32_0 = arith.constant 0 : i32
    %c0_i32_1 = arith.constant 0 : i32
    return %arg0, %c0_i32, %c0_i32_0 : i32, i32, i32
  }
  func.func @transform_1(%arg0: i32) -> (i32, i32) {
    %c0_i32 = arith.constant 0 : i32
    %c0_i32_0 = arith.constant 0 : i32
    %c0_i32_1 = arith.constant 0 : i32
    return %c0_i32, %c0_i32_0 : i32, i32
  }
  func.func @transform_2(%arg0: i32) -> (i32, i32, i32) {
    %c0_i32 = arith.constant 0 : i32
    %c0_i32_0 = arith.constant 0 : i32
    %c0_i32_1 = arith.constant 0 : i32
    return %arg0, %c0_i32, %c0_i32_0 : i32, i32, i32
  }
  func.func @transform_3(%arg0: i32) -> (i32, i32, i32) {
    %c0_i32 = arith.constant 0 : i32
    %c0_i32_0 = arith.constant 0 : i32
    %c0_i32_1 = arith.constant 0 : i32
    return %arg0, %c0_i32, %c0_i32_0 : i32, i32, i32
  }
  func.func @transform_4(%arg0: i32) -> (i32, i32, i32) {
    %c0_i32 = arith.constant 0 : i32
    %c0_i32_0 = arith.constant 0 : i32
    %c0_i32_1 = arith.constant 0 : i32
    return %arg0, %c0_i32, %c0_i32_0 : i32, i32, i32
  }
  func.func @transform_5(%arg0: i32) -> (i32, i32, i32) {
    %c0_i32 = arith.constant 0 : i32
    %c0_i32_0 = arith.constant 0 : i32
    %c0_i32_1 = arith.constant 0 : i32
    return %arg0, %c0_i32, %c0_i32_0 : i32, i32, i32
  }
  func.func @transform_6(%arg0: i32) -> (i32, i32, i32) {
    %c0_i32 = arith.constant 0 : i32
    %c0_i32_0 = arith.constant 0 : i32
    %c0_i32_1 = arith.constant 0 : i32
    return %arg0, %c0_i32, %c0_i32_0 : i32, i32, i32
  }
}

module attributes {stable_mosaic.version = 14 : i64} {
  func.func @_ce_body(%arg0: i32, %arg1: memref<1x21x20000xf32, #tpu.memory_space<vmem>>, %arg2: memref<1x1x20000xf32, #tpu.memory_space<vmem>>, %arg3: memref<1x1x20000xf32, #tpu.memory_space<vmem>>, %arg4: memref<1x1x8xf32, #tpu.memory_space<vmem>>) attributes {dimension_semantics = [#tpu.dimension_semantics<arbitrary>], iteration_bounds = array<i64: 16>, scalar_prefetch = 0 : i64, scratch_operands = 0 : i64, tpu.core_type = #tpu.core_type<tc>, window_params = [{transform_indices = @transform_0, window_bounds = array<i64: 1, 21, 20000>}, {transform_indices = @transform_1, window_bounds = array<i64: 1, 1, 20000>}, {transform_indices = @transform_2, window_bounds = array<i64: 1, 1, 20000>}, {transform_indices = @transform_3, window_bounds = array<i64: 1, 1, 8>}]} {
    %get3A = arith.constant 0 : index
    %get3A_0 = arith.constant 0 : index
    %get3A_1 = arith.constant 0 : index
    %get3A_2 = vector.load %arg1[%get3A, %get3A_0, %get3A_1] : memref<1x21x20000xf32, #tpu.memory_space<vmem>>, vector<1x21x20000xf32>
    %get3A_3 = vector.shape_cast %get3A_2 : vector<1x21x20000xf32> to vector<21x20000xf32>
    %get3A_4 = arith.constant 0 : index
    %get3A_5 = arith.constant 0 : index
    %get3A_6 = arith.constant 0 : index
    %get3A_7 = vector.load %arg2[%get3A_4, %get3A_5, %get3A_6] : memref<1x1x20000xf32, #tpu.memory_space<vmem>>, vector<1x1x20000xf32>
    %get3A_8 = vector.shape_cast %get3A_7 : vector<1x1x20000xf32> to vector<1x20000xf32>
    %gt3A = arith.constant 0.000000e+00 : f32
    %gt3A_9 = vector.broadcast %gt3A : f32 to vector<1x20000xf32>
    %gt3A_10 = arith.cmpf ogt, %get3A_8, %gt3A_9 : vector<1x20000xf32>
    %exp3A = math.exp %get3A_3 : vector<21x20000xf32>
    %reduce_sum3A = arith.constant dense<0.000000e+00> : vector<20000xf32>
    %reduce_sum3A_11 = vector.multi_reduction <add>, %exp3A, %reduce_sum3A [0] : vector<21x20000xf32> to vector<20000xf32>
    %broadcast_in_dim3A = vector.shape_cast %reduce_sum3A_11 : vector<20000xf32> to vector<1x20000xf32>
    %log3A = math.log %broadcast_in_dim3A : vector<1x20000xf32>
    %iota3A = tpu.iota {dimensions = array<i32: 0>} : vector<21x20000xi32>
    %convert_element_type3A = arith.fptosi %get3A_8 : vector<1x20000xf32> to vector<1x20000xi32>
    %eq3A = vector.broadcast %convert_element_type3A : vector<1x20000xi32> to vector<21x20000xi32>
    %eq3A_12 = arith.cmpi eq, %iota3A, %eq3A : vector<21x20000xi32>
    %jit3A = arith.constant 0.000000e+00 : f32
    %broadcast_in_dim3A_13 = vector.broadcast %jit3A : f32 to vector<21x20000xf32>
    %select_n3A = arith.select %eq3A_12, %get3A_3, %broadcast_in_dim3A_13 : vector<21x20000xi1>, vector<21x20000xf32>
    %reduce_sum3A_14 = arith.constant dense<0.000000e+00> : vector<20000xf32>
    %reduce_sum3A_15 = vector.multi_reduction <add>, %select_n3A, %reduce_sum3A_14 [0] : vector<21x20000xf32> to vector<20000xf32>
    %broadcast_in_dim3A_16 = vector.shape_cast %reduce_sum3A_15 : vector<20000xf32> to vector<1x20000xf32>
    %sub3A = arith.subf %log3A, %broadcast_in_dim3A_16 : vector<1x20000xf32>
    %jit3A_17 = arith.constant 0.000000e+00 : f32
    %broadcast_in_dim3A_18 = vector.broadcast %jit3A_17 : f32 to vector<1x20000xf32>
    %select_n3A_19 = arith.select %gt3A_10, %sub3A, %broadcast_in_dim3A_18 : vector<1x20000xi1>, vector<1x20000xf32>
    %reduce_sum3A_20 = vector.shape_cast %select_n3A_19 : vector<1x20000xf32> to vector<1x1x20000xf32>
    %reduce_sum3A_21 = arith.constant dense<0.000000e+00> : vector<1xf32>
    %reduce_sum3A_22 = vector.multi_reduction <add>, %reduce_sum3A_20, %reduce_sum3A_21 [1, 2] : vector<1x1x20000xf32> to vector<1xf32>
    %reduce_sum3A_23 = vector.shape_cast %reduce_sum3A_22 : vector<1xf32> to vector<1x1x1xf32>
    %reduce_sum3A_24 = vector.extract %reduce_sum3A_23[0, 0, 0] : f32 from vector<1x1x1xf32>
    %jit3A_25 = arith.constant 0.000000e+00 : f32
    %broadcast_in_dim3A_26 = vector.broadcast %jit3A_25 : f32 to vector<1x20000xf32>
    %select_n3A_27 = arith.select %gt3A_10, %broadcast_in_dim3A_26, %sub3A : vector<1x20000xi1>, vector<1x20000xf32>
    %swap3A = arith.constant 0 : index
    %swap3A_28 = arith.constant 0 : index
    %swap3A_29 = arith.constant 0 : index
    %swap3A_30 = vector.load %arg3[%swap3A, %swap3A_28, %swap3A_29] : memref<1x1x20000xf32, #tpu.memory_space<vmem>>, vector<1x1x20000xf32>
    %swap3A_31 = vector.shape_cast %swap3A_30 : vector<1x1x20000xf32> to vector<1x20000xf32>
    %swap3A_32 = vector.shape_cast %select_n3A_27 : vector<1x20000xf32> to vector<1x1x20000xf32>
    tpu.vector_store %arg3[%swap3A, %swap3A_28, %swap3A_29], %swap3A_32 {strides = array<i32>} : memref<1x1x20000xf32, #tpu.memory_space<vmem>>, vector<1x1x20000xf32>,
    %iota3A_33 = tpu.iota {dimensions = array<i32: 1>} : vector<1x8xi32>
    %eq3A_34 = arith.constant 1 : i32
    %eq3A_35 = vector.broadcast %eq3A_34 : i32 to vector<1x8xi32>
    %eq3A_36 = arith.cmpi eq, %iota3A_33, %eq3A_35 : vector<1x8xi32>
    %jit3A_37 = arith.constant 0.000000e+00 : f32
    %broadcast_in_dim3A_38 = vector.broadcast %reduce_sum3A_24 : f32 to vector<1x8xf32>
    %broadcast_in_dim3A_39 = vector.broadcast %jit3A_37 : f32 to vector<1x8xf32>
    %select_n3A_40 = arith.select %eq3A_36, %broadcast_in_dim3A_38, %broadcast_in_dim3A_39 : vector<1x8xi1>, vector<1x8xf32>
    %swap3A_41 = arith.constant 0 : index
    %swap3A_42 = arith.constant 0 : index
    %swap3A_43 = arith.constant 0 : index
    %swap3A_44 = vector.load %arg4[%swap3A_41, %swap3A_42, %swap3A_43] : memref<1x1x8xf32, #tpu.memory_space<vmem>>, vector<1x1x8xf32>
    %swap3A_45 = vector.shape_cast %swap3A_44 : vector<1x1x8xf32> to vector<1x8xf32>
    %swap3A_46 = vector.shape_cast %select_n3A_40 : vector<1x8xf32> to vector<1x1x8xf32>
    tpu.vector_store %arg4[%swap3A_41, %swap3A_42, %swap3A_43], %swap3A_46 {strides = array<i32>} : memref<1x1x8xf32, #tpu.memory_space<vmem>>, vector<1x1x8xf32>,
    return
  }
  func.func @transform_0(%arg0: i32) -> (i32, i32, i32) {
    %c0_i32 = arith.constant 0 : i32
    %c0_i32_0 = arith.constant 0 : i32
    %c0_i32_1 = arith.constant 0 : i32
    return %arg0, %c0_i32, %c0_i32_0 : i32, i32, i32
  }
  func.func @transform_1(%arg0: i32) -> (i32, i32, i32) {
    %c0_i32 = arith.constant 0 : i32
    %c0_i32_0 = arith.constant 0 : i32
    %c0_i32_1 = arith.constant 0 : i32
    return %arg0, %c0_i32, %c0_i32_0 : i32, i32, i32
  }
  func.func @transform_2(%arg0: i32) -> (i32, i32, i32) {
    %c0_i32 = arith.constant 0 : i32
    %c0_i32_0 = arith.constant 0 : i32
    %c0_i32_1 = arith.constant 0 : i32
    return %arg0, %c0_i32, %c0_i32_0 : i32, i32, i32
  }
  func.func @transform_3(%arg0: i32) -> (i32, i32, i32) {
    %c0_i32 = arith.constant 0 : i32
    %c0_i32_0 = arith.constant 0 : i32
    %c0_i32_1 = arith.constant 0 : i32
    return %arg0, %c0_i32, %c0_i32_0 : i32, i32, i32
  }
}

</mosaic_0001>

<sc_bundles>
// kernel: kernel.5.cloned.1.call-start
scs
__scs_entry_jumppad:
0x0: {  	(pc) =	sbr.rel $0x88, $3  }
0x1: {  	(tag) =	ssettag $0x0;
	lr =	simm.s32 $0x1  }
0x2: {  	[smem:$0x3F9C] =	sst lr;
	_ =	strace $0xD0000000  }
0x3: {  	_ = 	snop  }
0x4: {  	_ = 	snop  }
0x5: {  	_ = 	snop  }
0x6: {  	_ = 	snop  }
0x7: {  	_ = 	snop  }
__scs_overlays_trampoline_lowered:
0x8: {  	[smem:$0x3FAB] =	sst s0  }
0x9: {  	[smem:$0x3FAC] =	sst s1  }
0xa: {  	[smem:$0x3FAD] =	sst s2  }
0xb: {  	[smem:$0x3FAE] =	sst s3  }
0xc: {  	[smem:$0x3FAF] =	sst s4  }
0xd: {  	[smem:$0x3FB0] =	sst s5  }
0xe: {  	[smem:$0x3FB1] =	sst s6  }
0xf: {  	[smem:$0x3FB2] =	sst s7  }
0x10: {  	[smem:$0x3FB3] =	sst s8  }
0x11: {  	[smem:$0x3FB4] =	sst s9;
	s0 =	simm.s32 @!p0 $0x0  }
0x12: {  	s1 =	sld [smem:$0x3F9A];
	s0 =	simm.s32 @p0 $0x1  }
0x13: {  	[smem:$0x3FB5] =	sst s0;
	s0 =	simm.s32 @!p1 $0x0  }
0x14: {  	s2 =	sld [smem:$0x3F99];
	s0 =	simm.s32 @p1 $0x1  }
0x15: {  	[smem:$0x3FB6] =	sst s0;
	s0 =	simm.s32 @!p2 $0x0  }
0x16: {  	s3 =	sld [smem:$0x3FDB];
	s0 =	simm.s32 @p2 $0x1  }
0x17: {  	s4 =	simm.s32 $0x1BF5;
	[smem:$0x3FB8] =	sst s0  }
0x18: {  	s0 =	sld [smem:$0x3F9B];
	_ =	swait.ge [sflag:s4], $0x0  }
0x19: {  	s7 =	sld [smem:$0x3F9C]  }
0x1a: {  	s8 =	sadd.s32 $0xFFFFE003, lr  }
0x1b: {  	s9 =	sadd.s32 $0xFFFFFEF7, lr;
	s5 =	simm.s32 $0xFFFFFFFF;
	p2 =	slt.u32 s8, $0xFFFFF086  }
0x1c: {  	p1 =	slt.u32 s9, $0xF7A;
	s5 =	simm.s32 @!p2 $0x0  }
0x1d: {  	s5 =	simm.s32 @p1 $0x1;
	p0 =	seq.s32 s7, s2  }
0x1e: {  	s7 =	smul.u32 @!p0 $0xF7A, s2;
	p2 =	seq.s32 @!p0 s5, $0x0  }
0x1f: {  	s9 =	smul.u32 $0xF7A, s1;
	s8 =	simm.s32 @!p0 $0x1BF5;
	p2 =	por !p2, p0  }
0x20: {  	[sflag:s8] =	ssyncset.s32 @!p0 $0xFFFFF086;
	s6 =	sadd.s32 @!p0 s3, s7;
	s7 =	simm.s32 @!p0 $0x108  }
0x21: {  	s3 =	sadd.s32 s3, s9;
	s6 =	sadd.s32 @!p0 $0x88, s6;
	s7 =	simm.s32 @p2 $0x1082  }
0x22: {  	[simem:s7], [sflag:s8] =	dma.local @!p0 [hbm:s6], $0xF7A  }
0x23: {  	s9 =	sor.u32 $0xD0000000, s2;
	s6 =	simm.s32 $0x108;
	_ =	swait.ge @!p0 [sflag:s8], $0x0  }
0x24: {  	s3 =	sadd.s32 $0x88, s3;
	s6 =	simm.s32 @!p1 $0x1082;
	[sflag:s4] =	ssyncset.s32 $0xFFFFF086  }
0x25: {  	[simem:s6], [sflag:s4] =	dma.local [hbm:s3], $0xF7A  }
0x26: {  	[smem:$0x3F9C] =	sst s1;
	(tag) =	ssettag s2;
	_ =	strace s9  }
0x27: {  	s1 =	sld [smem:$0x3FAC]  }
0x28: {  	s2 =	sld [smem:$0x3FAD]  }
0x29: {  	s4 =	sld [smem:$0x3FAF]  }
0x2a: {  	p0 =	seq.s32 s5, $0x0;
	s5 =	sld [smem:$0x3FB0]  }
0x2b: {  	s6 =	sld [smem:$0x3FB1]  }
0x2c: {  	s7 =	sld [smem:$0x3FB2]  }
0x2d: {  	s3 =	simm.s32 $0x108;
	s8 =	sld [smem:$0x3FB3]  }
0x2e: {  	s3 =	simm.s32 @!p0 $0x1082;
	s9 =	sld [smem:$0x3FB4]  }
0x2f: {  	lr =	sadd.s32 s0, s3;
	s0 =	sld [smem:$0x3FAB]  }
0x30: {  	s3 =	sld [smem:$0x3FAE]  }
0x31: {  	[smem:$0x3FB7] =	sst s10  }
0x32: {  	s10 =	sld [smem:$0x3FB5];
	_ =	sdelay $0x3  }
0x33: {  	p0 =	seq.s32 s10, $0x1;
	s10 =	sld [smem:$0x3FB7];
	_ =	sdelay $0x3  }
0x34: {  	[smem:$0x3FB7] =	sst s10  }
0x35: {  	s10 =	sld [smem:$0x3FB6];
	_ =	sdelay $0x3  }
0x36: {  	p1 =	seq.s32 s10, $0x1;
	s10 =	sld [smem:$0x3FB7];
	_ =	sdelay $0x3  }
0x37: {  	[smem:$0x3FB7] =	sst s10  }
0x38: {  	s10 =	sld [smem:$0x3FB8]  }
0x39: {  	_ = 	snop;
	(pc) =	sbr.ind lr, $3  }
0x3a: {  	_ = 	snop  }
0x3b: {  	_ = 	snop  }
0x3c: {  	p2 =	seq.s32 s10, $0x1;
	s10 =	sld [smem:$0x3FB7]  }
0x3d: {  	_ =	shalt  }
0x3e: {  	_ =	shalt  }
0x3f: {  	_ =	shalt  }
0x40: {  	_ =	shalt  }
0x41: {  	_ =	shalt  }
0x42: {  	_ =	shalt  }
0x43: {  	_ =	shalt  }
0x44: {  	_ =	shalt  }
0x45: {  	_ =	shalt  }
0x46: {  	_ =	shalt  }
0x47: {  	_ =	shalt  }
0x48: {  	_ =	shalt  }
0x49: {  	_ =	shalt  }
0x4a: {  	_ =	shalt  }
0x4b: {  	_ =	shalt  }
0x4c: {  	_ =	shalt  }
0x4d: {  	_ =	shalt  }
0x4e: {  	_ =	shalt  }
0x4f: {  	_ =	shalt  }
0x50: {  	_ =	shalt  }
0x51: {  	_ =	shalt  }
0x52: {  	_ =	shalt  }
0x53: {  	_ =	shalt  }
0x54: {  	_ =	shalt  }
0x55: {  	_ =	shalt  }
0x56: {  	_ =	shalt  }
0x57: {  	_ =	shalt  }
0x58: {  	_ =	shalt  }
0x59: {  	_ =	shalt  }
0x5a: {  	_ =	shalt  }
0x5b: {  	_ =	shalt  }
0x5c: {  	_ =	shalt  }
0x5d: {  	_ =	shalt  }
0x5e: {  	_ =	shalt  }
0x5f: {  	_ =	shalt  }
0x60: {  	_ =	shalt  }
0x61: {  	_ =	shalt  }
0x62: {  	_ =	shalt  }
0x63: {  	_ =	shalt  }
0x64: {  	_ =	shalt  }
0x65: {  	_ =	shalt  }
0x66: {  	_ =	shalt  }
0x67: {  	_ =	shalt  }
0x68: {  	_ =	shalt  }
0x69: {  	_ =	shalt  }
0x6a: {  	_ =	shalt  }
0x6b: {  	_ =	shalt  }
0x6c: {  	_ =	shalt  }
0x6d: {  	_ =	shalt  }
0x6e: {  	_ =	shalt  }
0x6f: {  	_ =	shalt  }
0x70: {  	_ =	shalt  }
0x71: {  	_ =	shalt  }
0x72: {  	_ =	shalt  }
0x73: {  	_ =	shalt  }
0x74: {  	_ =	shalt  }
0x75: {  	_ =	shalt  }
0x76: {  	_ =	shalt  }
0x77: {  	_ =	shalt  }
0x78: {  	_ =	shalt  }
0x79: {  	_ =	shalt  }
0x7a: {  	_ =	shalt  }
0x7b: {  	_ =	shalt  }
0x7c: {  	_ =	shalt  }
0x7d: {  	_ =	shalt  }
0x7e: {  	_ =	shalt  }
0x7f: {  	_ =	shalt  }
0x80: {  	_ =	shalt  }
0x81: {  	_ =	shalt  }
0x82: {  	_ =	shalt  }
0x83: {  	_ =	shalt  }
0x84: {  	_ =	shalt  }
0x85: {  	_ =	shalt  }
0x86: {  	_ =	shalt  }
0x87: {  	_ =	shalt  }
.Lfunc_end0:
.L_simem_size_0:
called_computation_lowered:
.L_overlay_start_0:
0x88: {  	s2 =	sld [smem:$0x3FD9]  }
0x89: {  	s3 =	sld [smem:$0x3FFE];
	_ =	sdelay $0x1  }
0x8a: {  	s1 =	srdreg.scid  }
0x8b: {  	s0 =	sand.u32 $0x1, s1  }
0x8c: {  	s16 =	sshll.u32 s0, $0xA;
	s2 =	sadd.s32 s3, s2  }
0x8d: {  	s2 =	sadd.s32 s2, s16  }
0x8e: {  	[smem:$0x3FC3] =	sst s2  }
0x8f: {  	_ = 	snop  }
0x90: {  	(tm) =	ssettm $0x1  }
0x91: {  	s17 =	sld [smem:$0x3FFB];
	_ =	sdelay $0x3  }
0x92: {  	_ =	strace s17  }
0x93: {  	s2 =	sld [smem:$0x3FFC];
	_ =	sdelay $0x3  }
0x94: {  	_ =	strace s2  }
0x95: {  	s2 =	sld [smem:$0x3FFD];
	_ =	sdelay $0x3  }
0x96: {  	_ =	strace s2  }
0x97: {  	_ =	strace $0x8FFFFFFF  }
0x98: {  	s18 =	sld [smem:$0x3FDB];
	_ =	sdelay $0x1  }
0x99: {  	s19 =	simm.s32 $_scs_section_size  }
0x9a: {  	s4 =	simm.s32 $_size__tile_overlayer_lowered;
	s5 =	simm.s32 $_tile_overlayer_lowered  }
0x9b: {  	s22 =	simm.s32 $0x1BFF;
	s21 =	sshll.u32 s5, $0x1;
	s2 =	sadd.s32 s19, s18  }
0x9c: {  	s6 =	simm.s32 $0x0;
	s20 =	sshll.u32 s4, $0x1;
	s4 =	sadd.s32 s21, s2  }
0x9d: {  	[timem:s6], [sflag:s22] =	dma.local [hbm:s4], s20  }
0x9e: {  	_ =	swait.ge [sflag:s22], s20  }
0x9f: {  	s3 =	ssub.s32 $0x0, s20;
	[sflag:s22] =	ssyncset.done $0x0  }
0xa0: {  	[sflag:s22] =	ssyncadd.s32 s3;
	_ =	sdelay $0x1  }
0xa1: {  	s23 =	simm.s32 $0x1B8B  }
0xa2: {  	_ =	swait.ge [sflag:s23], $0x1  }
0xa3: {  	[sflag:s23] =	ssyncset.done $0x0  }
0xa4: {  	s25 =	simm.s32 $0x1B8E;
	s24 =	sld [smem:$0x3FFE];
	[sflag:s23] =	ssyncadd.s32 $0xFFFFFFFF  }
0xa5: {  	s26 =	simm.s32 $execute0_lowered;
	[smem:$0x3FD2] =	sst s25  }
0xa6: {  	s4 =	sshll.u32 s26, $0x1;
	_ =	strace $0x80000046;
	[dreg:$0x1] =	wrdreg $0xFFFFFFFF  }
0xa7: {  	s28 =	simm.s32 $_size_execute0_lowered;
	s2 =	sadd.s32 s2, s4;
	[dreg:$0x0] =	wrdreg $0x0  }
0xa8: {  	s4 =	sshll.u32 s28, $0x1;
	[dreg:$0x2] =	wrdreg s2  }
0xa9: {  	[dreg:$0x3] =	wrdreg s4  }
0xaa: {  	[dreg:$0x4] =	wrdreg $0xC0  }
0xab: {  	_ =	task [dreg:s6], $0x5FFFF  }
0xac: {  	[dreg:$0x1] =	wrdreg $0xFFFFFFFF  }
0xad: {  	[dreg:$0x0] =	wrdreg $0x60  }
0xae: {  	[dreg:$0x2] =	wrdreg s24  }
0xaf: {  	[dreg:$0x3] =	wrdreg $0x9  }
0xb0: {  	_ =	task.clear_ibuf [dreg:s6], $0x4FFFF;
	_ =	strace $0x90000046  }
0xb1: {  	s29 =	simm.s32 $0x9;
	_ =	strace $0x80000048  }
0xb2: {  	_ =	swait.ge [sflag:s29], $0x1  }
0xb3: {  	[sflag:s29] =	ssyncadd.s32 $0xFFFFFFFF  }
0xb4: {  	_ =	strace $0x90000048  }
0xb5: {  	_ =	sfence  }
0xb6: {  	s30 =	sld [smem:$0x0];
	_ =	sdelay $0x2  }
0xb7: {  	s31 =	sshll.u32 s1, $0xD;
	s1 =	sshrl.u32 s1, $0x2  }
0xb8: {  	s3 =	sand.u32 $0x4000, s31;
	s1 =	sadd.s32 s1, s30  }
0xb9: {  	s0 =	sor.u32 s3, s0;
	s1 =	sshll.u32 s1, $0x11  }
0xba: {  	s0 =	sor.u32 s1, s0  }
0xbb: {  	s0 =	sadd.s32 $0x8F2B, s0  }
0xbc: {  	[sflag:s0] =	ssyncadd.remote.s32 $0x1  }
0xbd: {  	_ =	sfence.sel $0xFFFF  }
0xbe: {  	[dreg:$0x0] =	wrdreg $0xFFFFFFFF;
	(pc) =	sbr.abs _section_cstart, $3  }
0xbf: {  	[dreg:$0x1] =	wrdreg $0xFFFFFFFF  }
0xc0: {  	_ =	task.clear_ibuf [dreg:s6], $0x2FFFF;
	_ =	strace $0x9FFFFFFF  }
0xc1: {  	(tm) =	ssettm $0x7FFFFFFF  }
tec
execute0_lowered:
.L_overlay_start_1:
0x0: {  	(tag) =	ssettag $0x1  }
0x1: {  	s1 =	stileid.u32  }
0x2: {  	p0 =	sgt.u32 s1, $0x7  }
.Ltmp0:
0x3: {  	_ = 	snop;
	(pc) =	sbr.rel @p0 .LBB2_45-.Ltmp0, $4  }
0x4: {  	_ = 	snop  }
0x5: {  	s4 =	rddreg [dreg:$0x0];
	s2 =	simm.s32 $0x0  }
0x6: {  	[smem:$0x7FF] =	sst s2  }
0x7: {  	s0 =	rddreg [dreg:$0x1];
	_ =	strace $0x80000047  }
0x8: {  	v0 =	vimm.s32 $0xFEDCBA9;
	v1 =	vimm.s32 $0x87654321  }
0x9: {  	v2 =	vimm.s32 $0x10FEDCBA;
	v3 =	vimm.s32 $0x98765432;
	v4 =	vimm.s32 $0x3210FEDC  }
0xa: {  	v5 =	vimm.s32 $0xBA987654;
	v6 =	vimm.s32 $0xFEDCBA98;
	v7 =	vimm.s32 $0x76543210  }
0xb: {  	v0 =	vunpack.c.l.s4.s8 v0;
	v1 =	vunpack.c.l.s4.s8 v1;
	v2 =	vunpack.c.l.s4.s8 v2  }
0xc: {  	s3 =	srdreg.scid;
	v3 =	vunpack.c.l.s4.s8 v3;
	v4 =	vunpack.c.l.s4.s8 v4;
	v5 =	vunpack.c.l.s4.s8 v5  }
0xd: {  	s5 =	sshll.u32 s1, $0x1;
	s3 =	sand.u32 $0x1, s3;
	v6 =	vunpack.c.l.s4.s8 v6;
	v7 =	vunpack.c.l.s4.s8 v7;
	v0 =	vunpack.c.0.s8.s32 v0  }
0xe: {  	s8 =	sadd.s32 $0x200, s4;
	s9 =	simm.s32 $0x4E80;
	s5 =	sor.u32 s3, s5;
	v1 =	vunpack.c.0.s8.s32 v1;
	v2 =	vunpack.c.0.s8.s32 v2;
	v3 =	vunpack.c.0.s8.s32 v3  }
0xf: {  	s10 =	simm.s32 $0x0;
	s7 =	ssub.s32 $0x2, s3;
	s6 =	sshll.u32 s5, $0x1;
	v4 =	vunpack.c.0.s8.s32 v4;
	v5 =	vunpack.c.0.s8.s32 v5;
	v6 =	vunpack.c.0.s8.s32 v6  }
0x10: {  	s31 =	sshrl.u32 s7, $0x1;
	s5 =	smul.u32 $0x9C4, s5;
	v7 =	vunpack.c.0.s8.s32 v7;
	s3 =	sadd.s32 s4, s6;
	v0 =	vcombine.low v1, v0  }
0x11: {  	s6 =	ssub.s32 s7, s31;
	s7 =	simm.s32 $0x1;
	s4 =	sadd.s32 $0xA000, s3;
	v1 =	vcombine.low v3, v2;
	v2 =	vcombine.low v5, v4;
	v4 =	vand.u32 $0xF, v6  }
0x12: {  	s5 =	sadd.s32 s8, s5;
	s6 =	smax.u32 s6, $0x1;
	s8 =	simm.s32 $0x4F00;
	v3 =	vimm.s32 $0x0;
	v5 =	vimm.s32 $0x40000000;
	v4 =	vcombine.low v4, v7  }
.LBB2_2:
0x13: {  	s11 =	simm.s32 $0x0  }
0x14: {  	[tilespmem:s11], [sflag:$0x1] =	stream.linear.gather [hbm4b:s5+s11], $0x4E20, $0x38;
	[tilespmem:$0x4F80] =	vst v63  }
0x15: {  	_ =	swait.ge [sflag:s7], $0x4E20  }
0x16: {  	[sflag:s7] =	ssyncset.done $0x0  }
0x17: {  	[sflag:s7] =	ssyncadd.s32 $0xFFFFB1E0  }
0x18: {  	[tilespmem:s8], [sflag:$0x1] =	stream.linear.gather [hbm4b:s3+s11], $0x10, $0x38;
	[tilespmem:$0x4F80] =	vst v63  }
0x19: {  	_ =	swait.ge [sflag:s7], $0x10  }
0x1a: {  	[sflag:s7] =	ssyncset.done $0x0  }
0x1b: {  	[sflag:s7] =	ssyncadd.s32 $0xFFFFFFF0  }
0x1c: {  	s12 =	simm.s32 $0x50;
	v6 =	vld [tilespmem:$0x4F00]  }
0x1d: {  	s11 =	sand.u32 $0x7FE0, s11;
	v7 =	vld [tilespmem:s12+$0xFFFFFFB0]  }
0x1e: {  	v8 =	vld [tilespmem:s11+$0x80]  }
0x1f: {  	v10 =	vld [tilespmem:s12+$0x20]  }
0x20: {  	v11 =	vld [tilespmem:s12+$0xFFFFFFE0]  }
0x21: {  	v9 =	vld [tilespmem:s12+$0x0]  }
0x22: {  	v14 =	vld [tilespmem:s12+$0xFFFFFFC0]  }
0x23: {  	s31 =	simm.s32 $0xF0;
	v16 =	vld [tilespmem:s12+$0x40]  }
0x24: {  	v20 =	vld [tilespmem:s31+$0x20]  }
0x25: {  	vm0 =	vgt.s32 v7, $0x3FFFFFFF;
	v7 =	vld [tilespmem:s12+$0xFFFFFFF0];
	vm1 =	vgt.s32 v10, $0x3FFFFFFF;
	vm2 =	vgt.s32 v11, $0x3FFFFFFF  }
0x26: {  	v12 =	vld [tilespmem:s12+$0xFFFFFFD0];
	vm3 =	vgt.s32 v8, $0x3FFFFFFF;
	v13 =	vsel vm0, $0x1, v3;
	vm0 =	vgt.s32 v9, $0x3FFFFFFF  }
0x27: {  	v9 =	vld [tilespmem:s12+$0x10];
	v11 =	vsel vm1, $0x1, v3;
	v15 =	vsel vm2, $0x1, v3;
	v18 =	vsel vm3, $0x1, v3  }
0x28: {  	s30 =	simm.s32 $0xA0;
	v8 =	vld [tilespmem:s31+$0xFFFFFFB0];
	vm1 =	vgt.s32 v14, $0x3FFFFFFF;
	vm3 =	vgt.s32 v16, $0x3FFFFFFF;
	v13 =	vadd.s32 v13, v3  }
0x29: {  	s11 =	sand.u32 $0x7FE0, s30;
	v21 =	vld [tilespmem:s31+$0xFFFFFFE0];
	v10 =	vsel vm0, $0x1, v3;
	v14 =	vadd.s32 v15, v3;
	v15 =	vsel vm1, $0x1, v3  }
0x2a: {  	v17 =	vld [tilespmem:s11+$0x80];
	vm1 =	vgt.s32 v20, $0x3FFFFFFF;
	v16 =	vsel vm3, $0x1, v3;
	vm0 =	vgt.s32 v7, $0x3FFFFFFF  }
0x2b: {  	v19 =	vld [tilespmem:s31+$0x0];
	v7 =	vsel vm0, $0x1, v3;
	vm0 =	vgt.s32 v12, $0x3FFFFFFF;
	v12 =	vadd.s32 v15, v3  }
0x2c: {  	vm2 =	vgt.s32 v9, $0x3FFFFFFF;
	v9 =	vadd.s32 v11, v14;
	v14 =	vld [tilespmem:s31+$0x10];
	v13 =	vadd.s32 v7, v13  }
0x2d: {  	v15 =	vsel vm0, $0x1, v3;
	vm0 =	vgt.s32 v8, $0x3FFFFFFF;
	v8 =	vadd.s32 v18, v13;
	v13 =	vld [tilespmem:s31+$0xFFFFFFF0]  }
0x2e: {  	vm3 =	vgt.s32 v21, $0x3FFFFFFF;
	v12 =	vadd.s32 v10, v12;
	v18 =	vadd.s32 v15, v3;
	v15 =	vld [tilespmem:s31+$0xFFFFFFC0]  }
0x2f: {  	v7 =	vld [tilespmem:s31+$0xFFFFFFD0];
	v11 =	vsel vm2, $0x1, v3;
	vm2 =	vgt.s32 v17, $0x3FFFFFFF;
	v10 =	vsel vm0, $0x1, v3  }
0x30: {  	s11 =	simm.s32 $0x140;
	s12 =	simm.s32 $0x190;
	vm0 =	vgt.s32 v19, $0x3FFFFFFF;
	v10 =	vadd.s32 v10, v8;
	v8 =	vld [tilespmem:s31+$0x40];
	v11 =	vadd.s32 v11, v18  }
.LBB2_3:
0x31: {  	v17 =	vld [tilespmem:s12+$0xFFFFFFB0];
	s13 =	sand.u32 $0x7FE0, s11;
	p0 =	sne.s32 s11, $0x4D80;
	s11 =	sadd.s32 $0xA0, s11;
	v18 =	vsel vm0, $0x1, v3;
	v19 =	vsel vm1, $0x1, v3;
	v12 =	vadd.s32 v16, v12  }
0x32: {  	v16 =	vsel vm3, $0x1, v3;
	v20 =	vld [tilespmem:s13+$0x80];
	vm0 =	vgt.s32 v13, $0x3FFFFFFF;
	v13 =	vsel vm2, $0x1, v3  }
0x33: {  	v9 =	vadd.s32 v16, v9;
	v21 =	vld [tilespmem:s12+$0x0];
	vm1 =	vgt.s32 v15, $0x3FFFFFFF;
	v15 =	vsel vm0, $0x1, v3  }
0x34: {  	vm0 =	vgt.s32 v7, $0x3FFFFFFF;
	v16 =	vld [tilespmem:s12+$0x20];
	v22 =	vsel vm1, $0x1, v3;
	v10 =	vadd.s32 v15, v10  }
0x35: {  	v15 =	vsel vm0, $0x1, v3;
	v23 =	vld [tilespmem:s12+$0xFFFFFFE0];
	v12 =	vadd.s32 v22, v12;
	vm2 =	vgt.s32 v14, $0x3FFFFFFF  }
.Ltmp1:
0x36: {  	v10 =	vadd.s32 v13, v10;
	vm0 =	vgt.s32 v17, $0x3FFFFFFF;
	v7 =	vld [tilespmem:s12+$0xFFFFFFD0];
	v12 =	vadd.s32 v18, v12;
	(pc) =	sbr.rel @p0 .LBB2_3-.Ltmp1, $4  }
0x37: {  	v9 =	vadd.s32 v19, v9;
	v11 =	vadd.s32 v15, v11;
	v14 =	vsel vm0, $0x1, v3;
	v13 =	vld [tilespmem:s12+$0xFFFFFFF0]  }
0x38: {  	vm3 =	vgt.s32 v8, $0x3FFFFFFF;
	v10 =	vadd.s32 v14, v10;
	v15 =	vld [tilespmem:s12+$0xFFFFFFC0];
	vm0 =	vgt.s32 v21, $0x3FFFFFFF  }
0x39: {  	v17 =	vsel vm2, $0x1, v3;
	vm1 =	vgt.s32 v16, $0x3FFFFFFF;
	v8 =	vld [tilespmem:s12+$0x40];
	v16 =	vsel vm3, $0x1, v3  }
0x3a: {  	vm2 =	vgt.s32 v20, $0x3FFFFFFF;
	v11 =	vadd.s32 v17, v11;
	vm3 =	vgt.s32 v23, $0x3FFFFFFF;
	v14 =	vld [tilespmem:s12+$0x10];
	s12 =	sadd.s32 $0xA0, s12  }
0x3b: {  	v17 =	vsel vm0, $0x1, v3;
	v18 =	vsel vm1, $0x1, v3;
	v12 =	vadd.s32 v16, v12  }
0x3c: {  	v16 =	vsel vm3, $0x1, v3;
	vm0 =	vgt.s32 v13, $0x3FFFFFFF;
	v13 =	vsel vm2, $0x1, v3  }
0x3d: {  	vm1 =	vgt.s32 v15, $0x3FFFFFFF;
	v15 =	vsel vm0, $0x1, v3;
	vm0 =	vgt.s32 v7, $0x3FFFFFFF  }
0x3e: {  	v19 =	vsel vm1, $0x1, v3;
	v7 =	vadd.s32 v15, v10;
	vm1 =	vgt.s32 v8, $0x3FFFFFFF  }
0x3f: {  	v10 =	vadd.s32 v19, v12;
	v12 =	vsel vm0, $0x1, v3;
	vm0 =	vgt.s32 v14, $0x3FFFFFFF  }
0x40: {  	v7 =	vadd.s32 v13, v7;
	v8 =	vadd.s32 v17, v10;
	v10 =	vsel vm1, $0x1, v3  }
0x41: {  	v11 =	vadd.s32 v12, v11;
	v12 =	vsel vm0, $0x1, v3;
	v8 =	vadd.s32 v10, v8  }
0x42: {  	v9 =	vadd.s32 v16, v9;
	v10 =	vadd.s32 v12, v11;
	v7 =	vadd.s32 v7, v8  }
0x43: {  	v8 =	vadd.s32 v18, v9;
	v7 =	vadd.s32 v10, v7  }
0x44: {  	v7 =	vadd.s32 v8, v7  }
0x45: {  	v8 =	vperm.xlane v7, v0;
	_ =	sdelay $0x1  }
0x46: {  	v7 =	vadd.s32 v7, v8  }
0x47: {  	v8 =	vperm.xlane v7, v1;
	_ =	sdelay $0x1  }
0x48: {  	v7 =	vadd.s32 v8, v7  }
0x49: {  	s12 =	simm.s32 $0x50;
	v8 =	vperm.xlane v7, v2  }
0x4a: {  	v13 =	vld [tilespmem:s12+$0xFFFFFFE0]  }
0x4b: {  	v11 =	vld [tilespmem:s12+$0x0];
	v7 =	vadd.s32 v8, v7  }
0x4c: {  	s11 =	simm.s32 $0x0;
	v12 =	vld [tilespmem:s12+$0x20];
	v8 =	vperm.xlane v7, v4  }
0x4d: {  	s11 =	sand.u32 $0x7FE0, s11;
	v9 =	vld [tilespmem:s12+$0xFFFFFFB0]  }
0x4e: {  	v10 =	vld [tilespmem:s11+$0x80];
	v7 =	vadd.s32 v8, v7  }
0x4f: {  	v17 =	vld [tilespmem:s12+$0xFFFFFFC0];
	vm0 =	vlt.s32 v7, v6  }
0x50: {  	s31 =	simm.s32 $0xF0;
	v18 =	vld [tilespmem:s12+$0x40];
	v7 =	vsel vm0, $0x0, v5  }
0x51: {  	v16 =	vimm.s32 $0x0;
	v24 =	vld [tilespmem:s31+$0xFFFFFFE0];
	v8 =	vor.u32 $0x20000000, v7  }
0x52: {  	vm0 =	vge.s32 v9, v8;
	v9 =	vld [tilespmem:s12+$0xFFFFFFF0];
	vm1 =	vge.s32 v12, v8;
	vm2 =	vge.s32 v13, v8  }
0x53: {  	v14 =	vld [tilespmem:s12+$0xFFFFFFD0];
	vm3 =	vge.s32 v10, v8;
	v15 =	vsel vm0, $0x1, v3;
	vm0 =	vge.s32 v11, v8  }
0x54: {  	v11 =	vld [tilespmem:s12+$0x10];
	v13 =	vsel vm1, $0x1, v3;
	v20 =	vsel vm2, $0x1, v3;
	v21 =	vsel vm3, $0x1, v3  }
0x55: {  	s30 =	simm.s32 $0xA0;
	v10 =	vld [tilespmem:s31+$0xFFFFFFB0];
	vm1 =	vge.s32 v17, v8;
	vm3 =	vge.s32 v18, v8;
	v15 =	vadd.s32 v15, v16  }
0x56: {  	s11 =	sand.u32 $0x7FE0, s30;
	v12 =	vsel vm0, $0x1, v3;
	v17 =	vadd.s32 v20, v16;
	v20 =	vld [tilespmem:s31+$0x20];
	v23 =	vsel vm1, $0x1, v3  }
0x57: {  	v19 =	vld [tilespmem:s11+$0x80];
	v18 =	vsel vm3, $0x1, v3;
	vm3 =	vge.s32 v24, v8;
	vm0 =	vge.s32 v9, v8  }
0x58: {  	v22 =	vld [tilespmem:s31+$0x0];
	v9 =	vsel vm0, $0x1, v3;
	vm0 =	vge.s32 v14, v8;
	v14 =	vadd.s32 v23, v16  }
0x59: {  	vm2 =	vge.s32 v11, v8;
	v11 =	vadd.s32 v13, v17;
	v17 =	vld [tilespmem:s31+$0xFFFFFFC0];
	v15 =	vadd.s32 v9, v15  }
0x5a: {  	v62 =	vsel vm0, $0x1, v3;
	vm0 =	vge.s32 v10, v8;
	v10 =	vadd.s32 v21, v15;
	v15 =	vld [tilespmem:s31+$0xFFFFFFF0]  }
0x5b: {  	v9 =	vld [tilespmem:s31+$0xFFFFFFD0];
	v14 =	vadd.s32 v12, v14;
	vm1 =	vge.s32 v20, v8;
	v13 =	vsel vm2, $0x1, v3  }
0x5c: {  	vm2 =	vge.s32 v19, v8;
	v12 =	vsel vm0, $0x1, v3;
	v63 =	vadd.s32 v62, v16;
	v16 =	vld [tilespmem:s31+$0x10]  }
0x5d: {  	s11 =	simm.s32 $0x140;
	s12 =	simm.s32 $0x190;
	vm0 =	vge.s32 v22, v8;
	v12 =	vadd.s32 v12, v10;
	v10 =	vld [tilespmem:s31+$0x40];
	v13 =	vadd.s32 v13, v63  }
.LBB2_5:
0x5e: {  	v19 =	vld [tilespmem:s12+$0xFFFFFFB0];
	s13 =	sand.u32 $0x7FE0, s11;
	p0 =	sne.s32 s11, $0x4D80;
	s11 =	sadd.s32 $0xA0, s11;
	v20 =	vsel vm0, $0x1, v3;
	v21 =	vsel vm1, $0x1, v3;
	v14 =	vadd.s32 v18, v14  }
0x5f: {  	v18 =	vsel vm3, $0x1, v3;
	v22 =	vld [tilespmem:s13+$0x80];
	vm0 =	vge.s32 v15, v8;
	v15 =	vsel vm2, $0x1, v3  }
0x60: {  	v11 =	vadd.s32 v18, v11;
	v23 =	vld [tilespmem:s12+$0x0];
	vm1 =	vge.s32 v17, v8;
	v17 =	vsel vm0, $0x1, v3  }
0x61: {  	vm0 =	vge.s32 v9, v8;
	v18 =	vld [tilespmem:s12+$0x20];
	v24 =	vsel vm1, $0x1, v3;
	v12 =	vadd.s32 v17, v12  }
0x62: {  	v17 =	vsel vm0, $0x1, v3;
	v25 =	vld [tilespmem:s12+$0xFFFFFFE0];
	v14 =	vadd.s32 v24, v14;
	vm2 =	vge.s32 v16, v8  }
.Ltmp2:
0x63: {  	v12 =	vadd.s32 v15, v12;
	vm0 =	vge.s32 v19, v8;
	v9 =	vld [tilespmem:s12+$0xFFFFFFD0];
	v14 =	vadd.s32 v20, v14;
	(pc) =	sbr.rel @p0 .LBB2_5-.Ltmp2, $4  }
0x64: {  	v11 =	vadd.s32 v21, v11;
	v13 =	vadd.s32 v17, v13;
	v16 =	vsel vm0, $0x1, v3;
	v15 =	vld [tilespmem:s12+$0xFFFFFFF0]  }
0x65: {  	vm3 =	vge.s32 v10, v8;
	v12 =	vadd.s32 v16, v12;
	v17 =	vld [tilespmem:s12+$0xFFFFFFC0];
	vm0 =	vge.s32 v23, v8  }
0x66: {  	v19 =	vsel vm2, $0x1, v3;
	vm1 =	vge.s32 v18, v8;
	v10 =	vld [tilespmem:s12+$0x40];
	v18 =	vsel vm3, $0x1, v3  }
0x67: {  	vm2 =	vge.s32 v22, v8;
	v13 =	vadd.s32 v19, v13;
	vm3 =	vge.s32 v25, v8;
	v16 =	vld [tilespmem:s12+$0x10];
	s12 =	sadd.s32 $0xA0, s12  }
0x68: {  	v19 =	vsel vm0, $0x1, v3;
	v20 =	vsel vm1, $0x1, v3;
	v14 =	vadd.s32 v18, v14  }
0x69: {  	v18 =	vsel vm3, $0x1, v3;
	vm0 =	vge.s32 v15, v8;
	v15 =	vsel vm2, $0x1, v3  }
0x6a: {  	vm1 =	vge.s32 v17, v8;
	v17 =	vsel vm0, $0x1, v3;
	vm0 =	vge.s32 v9, v8  }
0x6b: {  	v21 =	vsel vm1, $0x1, v3;
	v9 =	vadd.s32 v17, v12;
	vm1 =	vge.s32 v10, v8  }
0x6c: {  	v12 =	vadd.s32 v21, v14;
	v14 =	vsel vm0, $0x1, v3;
	vm0 =	vge.s32 v16, v8  }
0x6d: {  	v9 =	vadd.s32 v15, v9;
	v10 =	vadd.s32 v19, v12;
	v12 =	vsel vm1, $0x1, v3  }
0x6e: {  	v13 =	vadd.s32 v14, v13;
	v14 =	vsel vm0, $0x1, v3;
	v10 =	vadd.s32 v12, v10  }
0x6f: {  	v11 =	vadd.s32 v18, v11;
	v12 =	vadd.s32 v14, v13;
	v9 =	vadd.s32 v9, v10  }
0x70: {  	v10 =	vadd.s32 v20, v11;
	v9 =	vadd.s32 v12, v9  }
0x71: {  	v9 =	vadd.s32 v10, v9  }
0x72: {  	v10 =	vperm.xlane v9, v0;
	_ =	sdelay $0x1  }
0x73: {  	v9 =	vadd.s32 v9, v10  }
0x74: {  	v10 =	vperm.xlane v9, v1;
	_ =	sdelay $0x1  }
0x75: {  	v9 =	vadd.s32 v10, v9  }
0x76: {  	v10 =	vperm.xlane v9, v2  }
0x77: {  	s31 =	simm.s32 $0xF0  }
0x78: {  	s12 =	simm.s32 $0x50;
	v22 =	vld [tilespmem:s31+$0x20];
	v9 =	vadd.s32 v10, v9  }
0x79: {  	s11 =	simm.s32 $0x0;
	v13 =	vld [tilespmem:s12+$0xFFFFFFE0];
	v10 =	vperm.xlane v9, v4  }
0x7a: {  	s11 =	sand.u32 $0x7FE0, s11;
	v11 =	vld [tilespmem:s12+$0xFFFFFFB0]  }
0x7b: {  	v12 =	vld [tilespmem:s11+$0x80];
	v9 =	vadd.s32 v10, v9  }
0x7c: {  	v10 =	vld [tilespmem:s12+$0x0];
	vm0 =	vlt.s32 v9, v6  }
0x7d: {  	v9 =	vld [tilespmem:s12+$0x20];
	v7 =	vsel vm0, v7, v8  }
0x7e: {  	v17 =	vld [tilespmem:s12+$0xFFFFFFC0];
	v8 =	vor.u32 $0x10000000, v7  }
0x7f: {  	vm0 =	vge.s32 v11, v8;
	v11 =	vld [tilespmem:s12+$0xFFFFFFF0]  }
0x80: {  	v18 =	vld [tilespmem:s12+$0x40];
	v16 =	vimm.s32 $0x0;
	vm2 =	vge.s32 v13, v8;
	vm3 =	vge.s32 v12, v8  }
0x81: {  	v14 =	vld [tilespmem:s12+$0xFFFFFFD0];
	v15 =	vsel vm0, $0x1, v3;
	vm0 =	vge.s32 v10, v8;
	v20 =	vsel vm2, $0x1, v3  }
0x82: {  	v15 =	vadd.s32 v15, v16;
	vm1 =	vge.s32 v9, v8;
	v9 =	vld [tilespmem:s12+$0x10];
	v12 =	vsel vm0, $0x1, v3  }
0x83: {  	s30 =	simm.s32 $0xA0;
	v10 =	vld [tilespmem:s31+$0xFFFFFFB0];
	v13 =	vsel vm1, $0x1, v3;
	vm1 =	vge.s32 v17, v8;
	v17 =	vadd.s32 v20, v16  }
0x84: {  	v62 =	vld [tilespmem:s31+$0x0];
	s11 =	sand.u32 $0x7FE0, s30;
	v23 =	vsel vm1, $0x1, v3;
	vm1 =	vge.s32 v22, v8;
	vm0 =	vge.s32 v11, v8  }
0x85: {  	v19 =	vld [tilespmem:s11+$0x80];
	v11 =	vsel vm3, $0x1, v3;
	vm3 =	vge.s32 v18, v8;
	v20 =	vsel vm0, $0x1, v3  }
0x86: {  	vm0 =	vge.s32 v14, v8;
	v14 =	vadd.s32 v23, v16;
	v15 =	vadd.s32 v20, v15;
	v20 =	vld [tilespmem:s31+$0xFFFFFFE0]  }
0x87: {  	v18 =	vsel vm3, $0x1, v3;
	v63 =	vsel vm0, $0x1, v3;
	vm2 =	vge.s32 v9, v8;
	v9 =	vld [tilespmem:s31+$0xFFFFFFD0]  }
0x88: {  	vm0 =	vge.s32 v10, v8;
	v14 =	vadd.s32 v12, v14;
	v10 =	vadd.s32 v11, v15;
	v15 =	vld [tilespmem:s31+$0xFFFFFFF0]  }
0x89: {  	v12 =	vsel vm0, $0x1, v3;
	v23 =	vadd.s32 v63, v16;
	v11 =	vadd.s32 v13, v17;
	v17 =	vld [tilespmem:s31+$0xFFFFFFC0]  }
0x8a: {  	vm0 =	vge.s32 v62, v8;
	v13 =	vsel vm2, $0x1, v3;
	v16 =	vld [tilespmem:s31+$0x10];
	vm2 =	vge.s32 v19, v8  }
0x8b: {  	s11 =	simm.s32 $0x140;
	s12 =	simm.s32 $0x190;
	v12 =	vadd.s32 v12, v10;
	v10 =	vld [tilespmem:s31+$0x40];
	v13 =	vadd.s32 v13, v23;
	vm3 =	vge.s32 v20, v8  }
.LBB2_7:
0x8c: {  	v19 =	vld [tilespmem:s12+$0xFFFFFFB0];
	s13 =	sand.u32 $0x7FE0, s11;
	p0 =	sne.s32 s11, $0x4D80;
	s11 =	sadd.s32 $0xA0, s11;
	v20 =	vsel vm0, $0x1, v3;
	v21 =	vsel vm1, $0x1, v3;
	v14 =	vadd.s32 v18, v14  }
0x8d: {  	v18 =	vsel vm3, $0x1, v3;
	v22 =	vld [tilespmem:s13+$0x80];
	vm0 =	vge.s32 v15, v8;
	v15 =	vsel vm2, $0x1, v3  }
0x8e: {  	v11 =	vadd.s32 v18, v11;
	v23 =	vld [tilespmem:s12+$0x0];
	vm1 =	vge.s32 v17, v8;
	v17 =	vsel vm0, $0x1, v3  }
0x8f: {  	vm0 =	vge.s32 v9, v8;
	v18 =	vld [tilespmem:s12+$0x20];
	v24 =	vsel vm1, $0x1, v3;
	v12 =	vadd.s32 v17, v12  }
0x90: {  	v17 =	vsel vm0, $0x1, v3;
	v25 =	vld [tilespmem:s12+$0xFFFFFFE0];
	v14 =	vadd.s32 v24, v14;
	vm2 =	vge.s32 v16, v8  }
.Ltmp3:
0x91: {  	v12 =	vadd.s32 v15, v12;
	vm0 =	vge.s32 v19, v8;
	v9 =	vld [tilespmem:s12+$0xFFFFFFD0];
	v14 =	vadd.s32 v20, v14;
	(pc) =	sbr.rel @p0 .LBB2_7-.Ltmp3, $4  }
0x92: {  	v11 =	vadd.s32 v21, v11;
	v13 =	vadd.s32 v17, v13;
	v16 =	vsel vm0, $0x1, v3;
	v15 =	vld [tilespmem:s12+$0xFFFFFFF0]  }
0x93: {  	vm3 =	vge.s32 v10, v8;
	v12 =	vadd.s32 v16, v12;
	v17 =	vld [tilespmem:s12+$0xFFFFFFC0];
	vm0 =	vge.s32 v23, v8  }
0x94: {  	v19 =	vsel vm2, $0x1, v3;
	vm1 =	vge.s32 v18, v8;
	v10 =	vld [tilespmem:s12+$0x40];
	v18 =	vsel vm3, $0x1, v3  }
0x95: {  	vm2 =	vge.s32 v22, v8;
	v13 =	vadd.s32 v19, v13;
	vm3 =	vge.s32 v25, v8;
	v16 =	vld [tilespmem:s12+$0x10];
	s12 =	sadd.s32 $0xA0, s12  }
0x96: {  	v19 =	vsel vm0, $0x1, v3;
	v20 =	vsel vm1, $0x1, v3;
	v14 =	vadd.s32 v18, v14  }
0x97: {  	v18 =	vsel vm3, $0x1, v3;
	vm0 =	vge.s32 v15, v8;
	v15 =	vsel vm2, $0x1, v3  }
0x98: {  	vm1 =	vge.s32 v17, v8;
	v17 =	vsel vm0, $0x1, v3;
	vm0 =	vge.s32 v9, v8  }
0x99: {  	v21 =	vsel vm1, $0x1, v3;
	v9 =	vadd.s32 v17, v12;
	vm1 =	vge.s32 v10, v8  }
0x9a: {  	v12 =	vadd.s32 v21, v14;
	v14 =	vsel vm0, $0x1, v3;
	vm0 =	vge.s32 v16, v8  }
0x9b: {  	v9 =	vadd.s32 v15, v9;
	v10 =	vadd.s32 v19, v12;
	v12 =	vsel vm1, $0x1, v3  }
0x9c: {  	v13 =	vadd.s32 v14, v13;
	v14 =	vsel vm0, $0x1, v3;
	v10 =	vadd.s32 v12, v10  }
0x9d: {  	v11 =	vadd.s32 v18, v11;
	v12 =	vadd.s32 v14, v13;
	v9 =	vadd.s32 v9, v10  }
0x9e: {  	v10 =	vadd.s32 v20, v11;
	v9 =	vadd.s32 v12, v9  }
0x9f: {  	v9 =	vadd.s32 v10, v9  }
0xa0: {  	v10 =	vperm.xlane v9, v0;
	_ =	sdelay $0x1  }
0xa1: {  	v9 =	vadd.s32 v9, v10  }
0xa2: {  	v10 =	vperm.xlane v9, v1;
	_ =	sdelay $0x1  }
0xa3: {  	v9 =	vadd.s32 v10, v9  }
0xa4: {  	v10 =	vperm.xlane v9, v2  }
0xa5: {  	s31 =	simm.s32 $0xF0  }
0xa6: {  	s12 =	simm.s32 $0x50;
	v22 =	vld [tilespmem:s31+$0x20];
	v9 =	vadd.s32 v10, v9  }
0xa7: {  	s11 =	simm.s32 $0x0;
	v13 =	vld [tilespmem:s12+$0xFFFFFFE0];
	v10 =	vperm.xlane v9, v4  }
0xa8: {  	s11 =	sand.u32 $0x7FE0, s11;
	v11 =	vld [tilespmem:s12+$0xFFFFFFB0]  }
0xa9: {  	v12 =	vld [tilespmem:s11+$0x80];
	v9 =	vadd.s32 v10, v9  }
0xaa: {  	v10 =	vld [tilespmem:s12+$0x0];
	vm0 =	vlt.s32 v9, v6  }
0xab: {  	v9 =	vld [tilespmem:s12+$0x20];
	v7 =	vsel vm0, v7, v8  }
0xac: {  	v17 =	vld [tilespmem:s12+$0xFFFFFFC0];
	v8 =	vor.u32 $0x8000000, v7  }
0xad: {  	vm0 =	vge.s32 v11, v8;
	v11 =	vld [tilespmem:s12+$0xFFFFFFF0]  }
0xae: {  	v18 =	vld [tilespmem:s12+$0x40];
	v16 =	vimm.s32 $0x0;
	vm2 =	vge.s32 v13, v8;
	vm3 =	vge.s32 v12, v8  }
0xaf: {  	v14 =	vld [tilespmem:s12+$0xFFFFFFD0];
	v15 =	vsel vm0, $0x1, v3;
	vm0 =	vge.s32 v10, v8;
	v20 =	vsel vm2, $0x1, v3  }
0xb0: {  	v15 =	vadd.s32 v15, v16;
	vm1 =	vge.s32 v9, v8;
	v9 =	vld [tilespmem:s12+$0x10];
	v12 =	vsel vm0, $0x1, v3  }
0xb1: {  	s30 =	simm.s32 $0xA0;
	v10 =	vld [tilespmem:s31+$0xFFFFFFB0];
	v13 =	vsel vm1, $0x1, v3;
	vm1 =	vge.s32 v17, v8;
	v17 =	vadd.s32 v20, v16  }
0xb2: {  	v62 =	vld [tilespmem:s31+$0x0];
	s11 =	sand.u32 $0x7FE0, s30;
	v23 =	vsel vm1, $0x1, v3;
	vm1 =	vge.s32 v22, v8;
	vm0 =	vge.s32 v11, v8  }
0xb3: {  	v19 =	vld [tilespmem:s11+$0x80];
	v11 =	vsel vm3, $0x1, v3;
	vm3 =	vge.s32 v18, v8;
	v20 =	vsel vm0, $0x1, v3  }
0xb4: {  	vm0 =	vge.s32 v14, v8;
	v14 =	vadd.s32 v23, v16;
	v15 =	vadd.s32 v20, v15;
	v20 =	vld [tilespmem:s31+$0xFFFFFFE0]  }
0xb5: {  	v18 =	vsel vm3, $0x1, v3;
	v63 =	vsel vm0, $0x1, v3;
	vm2 =	vge.s32 v9, v8;
	v9 =	vld [tilespmem:s31+$0xFFFFFFD0]  }
0xb6: {  	vm0 =	vge.s32 v10, v8;
	v14 =	vadd.s32 v12, v14;
	v10 =	vadd.s32 v11, v15;
	v15 =	vld [tilespmem:s31+$0xFFFFFFF0]  }
0xb7: {  	v12 =	vsel vm0, $0x1, v3;
	v23 =	vadd.s32 v63, v16;
	v11 =	vadd.s32 v13, v17;
	v17 =	vld [tilespmem:s31+$0xFFFFFFC0]  }
0xb8: {  	vm0 =	vge.s32 v62, v8;
	v13 =	vsel vm2, $0x1, v3;
	v16 =	vld [tilespmem:s31+$0x10];
	vm2 =	vge.s32 v19, v8  }
0xb9: {  	s11 =	simm.s32 $0x140;
	s12 =	simm.s32 $0x190;
	v12 =	vadd.s32 v12, v10;
	v10 =	vld [tilespmem:s31+$0x40];
	v13 =	vadd.s32 v13, v23;
	vm3 =	vge.s32 v20, v8  }
.LBB2_9:
0xba: {  	v19 =	vld [tilespmem:s12+$0xFFFFFFB0];
	s13 =	sand.u32 $0x7FE0, s11;
	p0 =	sne.s32 s11, $0x4D80;
	s11 =	sadd.s32 $0xA0, s11;
	v20 =	vsel vm0, $0x1, v3;
	v21 =	vsel vm1, $0x1, v3;
	v14 =	vadd.s32 v18, v14  }
0xbb: {  	v18 =	vsel vm3, $0x1, v3;
	v22 =	vld [tilespmem:s13+$0x80];
	vm0 =	vge.s32 v15, v8;
	v15 =	vsel vm2, $0x1, v3  }
0xbc: {  	v11 =	vadd.s32 v18, v11;
	v23 =	vld [tilespmem:s12+$0x0];
	vm1 =	vge.s32 v17, v8;
	v17 =	vsel vm0, $0x1, v3  }
0xbd: {  	vm0 =	vge.s32 v9, v8;
	v18 =	vld [tilespmem:s12+$0x20];
	v24 =	vsel vm1, $0x1, v3;
	v12 =	vadd.s32 v17, v12  }
0xbe: {  	v17 =	vsel vm0, $0x1, v3;
	v25 =	vld [tilespmem:s12+$0xFFFFFFE0];
	v14 =	vadd.s32 v24, v14;
	vm2 =	vge.s32 v16, v8  }
.Ltmp4:
0xbf: {  	v12 =	vadd.s32 v15, v12;
	vm0 =	vge.s32 v19, v8;
	v9 =	vld [tilespmem:s12+$0xFFFFFFD0];
	v14 =	vadd.s32 v20, v14;
	(pc) =	sbr.rel @p0 .LBB2_9-.Ltmp4, $4  }
0xc0: {  	v11 =	vadd.s32 v21, v11;
	v13 =	vadd.s32 v17, v13;
	v16 =	vsel vm0, $0x1, v3;
	v15 =	vld [tilespmem:s12+$0xFFFFFFF0]  }
0xc1: {  	vm3 =	vge.s32 v10, v8;
	v12 =	vadd.s32 v16, v12;
	v17 =	vld [tilespmem:s12+$0xFFFFFFC0];
	vm0 =	vge.s32 v23, v8  }
0xc2: {  	v19 =	vsel vm2, $0x1, v3;
	vm1 =	vge.s32 v18, v8;
	v10 =	vld [tilespmem:s12+$0x40];
	v18 =	vsel vm3, $0x1, v3  }
0xc3: {  	vm2 =	vge.s32 v22, v8;
	v13 =	vadd.s32 v19, v13;
	vm3 =	vge.s32 v25, v8;
	v16 =	vld [tilespmem:s12+$0x10];
	s12 =	sadd.s32 $0xA0, s12  }
0xc4: {  	v19 =	vsel vm0, $0x1, v3;
	v20 =	vsel vm1, $0x1, v3;
	v14 =	vadd.s32 v18, v14  }
0xc5: {  	v18 =	vsel vm3, $0x1, v3;
	vm0 =	vge.s32 v15, v8;
	v15 =	vsel vm2, $0x1, v3  }
0xc6: {  	vm1 =	vge.s32 v17, v8;
	v17 =	vsel vm0, $0x1, v3;
	vm0 =	vge.s32 v9, v8  }
0xc7: {  	v21 =	vsel vm1, $0x1, v3;
	v9 =	vadd.s32 v17, v12;
	vm1 =	vge.s32 v10, v8  }
0xc8: {  	v12 =	vadd.s32 v21, v14;
	v14 =	vsel vm0, $0x1, v3;
	vm0 =	vge.s32 v16, v8  }
0xc9: {  	v9 =	vadd.s32 v15, v9;
	v10 =	vadd.s32 v19, v12;
	v12 =	vsel vm1, $0x1, v3  }
0xca: {  	v13 =	vadd.s32 v14, v13;
	v14 =	vsel vm0, $0x1, v3;
	v10 =	vadd.s32 v12, v10  }
0xcb: {  	v11 =	vadd.s32 v18, v11;
	v12 =	vadd.s32 v14, v13;
	v9 =	vadd.s32 v9, v10  }
0xcc: {  	v10 =	vadd.s32 v20, v11;
	v9 =	vadd.s32 v12, v9  }
0xcd: {  	v9 =	vadd.s32 v10, v9  }
0xce: {  	v10 =	vperm.xlane v9, v0;
	_ =	sdelay $0x1  }
0xcf: {  	v9 =	vadd.s32 v9, v10  }
0xd0: {  	v10 =	vperm.xlane v9, v1;
	_ =	sdelay $0x1  }
0xd1: {  	v9 =	vadd.s32 v10, v9  }
0xd2: {  	v10 =	vperm.xlane v9, v2  }
0xd3: {  	s31 =	simm.s32 $0xF0  }
0xd4: {  	s12 =	simm.s32 $0x50;
	v22 =	vld [tilespmem:s31+$0x20];
	v9 =	vadd.s32 v10, v9  }
0xd5: {  	s11 =	simm.s32 $0x0;
	v13 =	vld [tilespmem:s12+$0xFFFFFFE0];
	v10 =	vperm.xlane v9, v4  }
0xd6: {  	s11 =	sand.u32 $0x7FE0, s11;
	v11 =	vld [tilespmem:s12+$0xFFFFFFB0]  }
0xd7: {  	v12 =	vld [tilespmem:s11+$0x80];
	v9 =	vadd.s32 v10, v9  }
0xd8: {  	v10 =	vld [tilespmem:s12+$0x0];
	vm0 =	vlt.s32 v9, v6  }
0xd9: {  	v9 =	vld [tilespmem:s12+$0x20];
	v7 =	vsel vm0, v7, v8  }
0xda: {  	v17 =	vld [tilespmem:s12+$0xFFFFFFC0];
	v8 =	vor.u32 $0x4000000, v7  }
0xdb: {  	vm0 =	vge.s32 v11, v8;
	v11 =	vld [tilespmem:s12+$0xFFFFFFF0]  }
0xdc: {  	v18 =	vld [tilespmem:s12+$0x40];
	v16 =	vimm.s32 $0x0;
	vm2 =	vge.s32 v13, v8;
	vm3 =	vge.s32 v12, v8  }
0xdd: {  	v14 =	vld [tilespmem:s12+$0xFFFFFFD0];
	v15 =	vsel vm0, $0x1, v3;
	vm0 =	vge.s32 v10, v8;
	v20 =	vsel vm2, $0x1, v3  }
0xde: {  	v15 =	vadd.s32 v15, v16;
	vm1 =	vge.s32 v9, v8;
	v9 =	vld [tilespmem:s12+$0x10];
	v12 =	vsel vm0, $0x1, v3  }
0xdf: {  	s30 =	simm.s32 $0xA0;
	v10 =	vld [tilespmem:s31+$0xFFFFFFB0];
	v13 =	vsel vm1, $0x1, v3;
	vm1 =	vge.s32 v17, v8;
	v17 =	vadd.s32 v20, v16  }
0xe0: {  	v62 =	vld [tilespmem:s31+$0x0];
	s11 =	sand.u32 $0x7FE0, s30;
	v23 =	vsel vm1, $0x1, v3;
	vm1 =	vge.s32 v22, v8;
	vm0 =	vge.s32 v11, v8  }
0xe1: {  	v19 =	vld [tilespmem:s11+$0x80];
	v11 =	vsel vm3, $0x1, v3;
	vm3 =	vge.s32 v18, v8;
	v20 =	vsel vm0, $0x1, v3  }
0xe2: {  	vm0 =	vge.s32 v14, v8;
	v14 =	vadd.s32 v23, v16;
	v15 =	vadd.s32 v20, v15;
	v20 =	vld [tilespmem:s31+$0xFFFFFFE0]  }
0xe3: {  	v18 =	vsel vm3, $0x1, v3;
	v63 =	vsel vm0, $0x1, v3;
	vm2 =	vge.s32 v9, v8;
	v9 =	vld [tilespmem:s31+$0xFFFFFFD0]  }
0xe4: {  	vm0 =	vge.s32 v10, v8;
	v14 =	vadd.s32 v12, v14;
	v10 =	vadd.s32 v11, v15;
	v15 =	vld [tilespmem:s31+$0xFFFFFFF0]  }
0xe5: {  	v12 =	vsel vm0, $0x1, v3;
	v23 =	vadd.s32 v63, v16;
	v11 =	vadd.s32 v13, v17;
	v17 =	vld [tilespmem:s31+$0xFFFFFFC0]  }
0xe6: {  	vm0 =	vge.s32 v62, v8;
	v13 =	vsel vm2, $0x1, v3;
	v16 =	vld [tilespmem:s31+$0x10];
	vm2 =	vge.s32 v19, v8  }
0xe7: {  	s11 =	simm.s32 $0x140;
	s12 =	simm.s32 $0x190;
	v12 =	vadd.s32 v12, v10;
	v10 =	vld [tilespmem:s31+$0x40];
	v13 =	vadd.s32 v13, v23;
	vm3 =	vge.s32 v20, v8  }
.LBB2_11:
0xe8: {  	v19 =	vld [tilespmem:s12+$0xFFFFFFB0];
	s13 =	sand.u32 $0x7FE0, s11;
	p0 =	sne.s32 s11, $0x4D80;
	s11 =	sadd.s32 $0xA0, s11;
	v20 =	vsel vm0, $0x1, v3;
	v21 =	vsel vm1, $0x1, v3;
	v14 =	vadd.s32 v18, v14  }
0xe9: {  	v18 =	vsel vm3, $0x1, v3;
	v22 =	vld [tilespmem:s13+$0x80];
	vm0 =	vge.s32 v15, v8;
	v15 =	vsel vm2, $0x1, v3  }
0xea: {  	v11 =	vadd.s32 v18, v11;
	v23 =	vld [tilespmem:s12+$0x0];
	vm1 =	vge.s32 v17, v8;
	v17 =	vsel vm0, $0x1, v3  }
0xeb: {  	vm0 =	vge.s32 v9, v8;
	v18 =	vld [tilespmem:s12+$0x20];
	v24 =	vsel vm1, $0x1, v3;
	v12 =	vadd.s32 v17, v12  }
0xec: {  	v17 =	vsel vm0, $0x1, v3;
	v25 =	vld [tilespmem:s12+$0xFFFFFFE0];
	v14 =	vadd.s32 v24, v14;
	vm2 =	vge.s32 v16, v8  }
.Ltmp5:
0xed: {  	v12 =	vadd.s32 v15, v12;
	vm0 =	vge.s32 v19, v8;
	v9 =	vld [tilespmem:s12+$0xFFFFFFD0];
	v14 =	vadd.s32 v20, v14;
	(pc) =	sbr.rel @p0 .LBB2_11-.Ltmp5, $4  }
0xee: {  	v11 =	vadd.s32 v21, v11;
	v13 =	vadd.s32 v17, v13;
	v16 =	vsel vm0, $0x1, v3;
	v15 =	vld [tilespmem:s12+$0xFFFFFFF0]  }
0xef: {  	vm3 =	vge.s32 v10, v8;
	v12 =	vadd.s32 v16, v12;
	v17 =	vld [tilespmem:s12+$0xFFFFFFC0];
	vm0 =	vge.s32 v23, v8  }
0xf0: {  	v19 =	vsel vm2, $0x1, v3;
	vm1 =	vge.s32 v18, v8;
	v10 =	vld [tilespmem:s12+$0x40];
	v18 =	vsel vm3, $0x1, v3  }
0xf1: {  	vm2 =	vge.s32 v22, v8;
	v13 =	vadd.s32 v19, v13;
	vm3 =	vge.s32 v25, v8;
	v16 =	vld [tilespmem:s12+$0x10];
	s12 =	sadd.s32 $0xA0, s12  }
0xf2: {  	v19 =	vsel vm0, $0x1, v3;
	v20 =	vsel vm1, $0x1, v3;
	v14 =	vadd.s32 v18, v14  }
0xf3: {  	v18 =	vsel vm3, $0x1, v3;
	vm0 =	vge.s32 v15, v8;
	v15 =	vsel vm2, $0x1, v3  }
0xf4: {  	vm1 =	vge.s32 v17, v8;
	v17 =	vsel vm0, $0x1, v3;
	vm0 =	vge.s32 v9, v8  }
0xf5: {  	v21 =	vsel vm1, $0x1, v3;
	v9 =	vadd.s32 v17, v12;
	vm1 =	vge.s32 v10, v8  }
0xf6: {  	v12 =	vadd.s32 v21, v14;
	v14 =	vsel vm0, $0x1, v3;
	vm0 =	vge.s32 v16, v8  }
0xf7: {  	v9 =	vadd.s32 v15, v9;
	v10 =	vadd.s32 v19, v12;
	v12 =	vsel vm1, $0x1, v3  }
0xf8: {  	v13 =	vadd.s32 v14, v13;
	v14 =	vsel vm0, $0x1, v3;
	v10 =	vadd.s32 v12, v10  }
0xf9: {  	v11 =	vadd.s32 v18, v11;
	v12 =	vadd.s32 v14, v13;
	v9 =	vadd.s32 v9, v10  }
0xfa: {  	v10 =	vadd.s32 v20, v11;
	v9 =	vadd.s32 v12, v9  }
0xfb: {  	v9 =	vadd.s32 v10, v9  }
0xfc: {  	v10 =	vperm.xlane v9, v0;
	_ =	sdelay $0x1  }
0xfd: {  	v9 =	vadd.s32 v9, v10  }
0xfe: {  	v10 =	vperm.xlane v9, v1;
	_ =	sdelay $0x1  }
0xff: {  	v9 =	vadd.s32 v10, v9  }
0x100: {  	v10 =	vperm.xlane v9, v2  }
0x101: {  	s31 =	simm.s32 $0xF0  }
0x102: {  	s12 =	simm.s32 $0x50;
	v22 =	vld [tilespmem:s31+$0x20];
	v9 =	vadd.s32 v10, v9  }
0x103: {  	s11 =	simm.s32 $0x0;
	v13 =	vld [tilespmem:s12+$0xFFFFFFE0];
	v10 =	vperm.xlane v9, v4  }
0x104: {  	s11 =	sand.u32 $0x7FE0, s11;
	v11 =	vld [tilespmem:s12+$0xFFFFFFB0]  }
0x105: {  	v12 =	vld [tilespmem:s11+$0x80];
	v9 =	vadd.s32 v10, v9  }
0x106: {  	v10 =	vld [tilespmem:s12+$0x0];
	vm0 =	vlt.s32 v9, v6  }
0x107: {  	v9 =	vld [tilespmem:s12+$0x20];
	v7 =	vsel vm0, v7, v8  }
0x108: {  	v17 =	vld [tilespmem:s12+$0xFFFFFFC0];
	v8 =	vor.u32 $0x2000000, v7  }
0x109: {  	vm0 =	vge.s32 v11, v8;
	v11 =	vld [tilespmem:s12+$0xFFFFFFF0]  }
0x10a: {  	v18 =	vld [tilespmem:s12+$0x40];
	v16 =	vimm.s32 $0x0;
	vm2 =	vge.s32 v13, v8;
	vm3 =	vge.s32 v12, v8  }
0x10b: {  	v14 =	vld [tilespmem:s12+$0xFFFFFFD0];
	v15 =	vsel vm0, $0x1, v3;
	vm0 =	vge.s32 v10, v8;
	v20 =	vsel vm2, $0x1, v3  }
0x10c: {  	v15 =	vadd.s32 v15, v16;
	vm1 =	vge.s32 v9, v8;
	v9 =	vld [tilespmem:s12+$0x10];
	v12 =	vsel vm0, $0x1, v3  }
0x10d: {  	s30 =	simm.s32 $0xA0;
	v10 =	vld [tilespmem:s31+$0xFFFFFFB0];
	v13 =	vsel vm1, $0x1, v3;
	vm1 =	vge.s32 v17, v8;
	v17 =	vadd.s32 v20, v16  }
0x10e: {  	v62 =	vld [tilespmem:s31+$0x0];
	s11 =	sand.u32 $0x7FE0, s30;
	v23 =	vsel vm1, $0x1, v3;
	vm1 =	vge.s32 v22, v8;
	vm0 =	vge.s32 v11, v8  }
0x10f: {  	v19 =	vld [tilespmem:s11+$0x80];
	v11 =	vsel vm3, $0x1, v3;
	vm3 =	vge.s32 v18, v8;
	v20 =	vsel vm0, $0x1, v3  }
0x110: {  	vm0 =	vge.s32 v14, v8;
	v14 =	vadd.s32 v23, v16;
	v15 =	vadd.s32 v20, v15;
	v20 =	vld [tilespmem:s31+$0xFFFFFFE0]  }
0x111: {  	v18 =	vsel vm3, $0x1, v3;
	v63 =	vsel vm0, $0x1, v3;
	vm2 =	vge.s32 v9, v8;
	v9 =	vld [tilespmem:s31+$0xFFFFFFD0]  }
0x112: {  	vm0 =	vge.s32 v10, v8;
	v14 =	vadd.s32 v12, v14;
	v10 =	vadd.s32 v11, v15;
	v15 =	vld [tilespmem:s31+$0xFFFFFFF0]  }
0x113: {  	v12 =	vsel vm0, $0x1, v3;
	v23 =	vadd.s32 v63, v16;
	v11 =	vadd.s32 v13, v17;
	v17 =	vld [tilespmem:s31+$0xFFFFFFC0]  }
0x114: {  	vm0 =	vge.s32 v62, v8;
	v13 =	vsel vm2, $0x1, v3;
	v16 =	vld [tilespmem:s31+$0x10];
	vm2 =	vge.s32 v19, v8  }
0x115: {  	s11 =	simm.s32 $0x140;
	s12 =	simm.s32 $0x190;
	v12 =	vadd.s32 v12, v10;
	v10 =	vld [tilespmem:s31+$0x40];
	v13 =	vadd.s32 v13, v23;
	vm3 =	vge.s32 v20, v8  }
.LBB2_13:
0x116: {  	v19 =	vld [tilespmem:s12+$0xFFFFFFB0];
	s13 =	sand.u32 $0x7FE0, s11;
	p0 =	sne.s32 s11, $0x4D80;
	s11 =	sadd.s32 $0xA0, s11;
	v20 =	vsel vm0, $0x1, v3;
	v21 =	vsel vm1, $0x1, v3;
	v14 =	vadd.s32 v18, v14  }
0x117: {  	v18 =	vsel vm3, $0x1, v3;
	v22 =	vld [tilespmem:s13+$0x80];
	vm0 =	vge.s32 v15, v8;
	v15 =	vsel vm2, $0x1, v3  }
0x118: {  	v11 =	vadd.s32 v18, v11;
	v23 =	vld [tilespmem:s12+$0x0];
	vm1 =	vge.s32 v17, v8;
	v17 =	vsel vm0, $0x1, v3  }
0x119: {  	vm0 =	vge.s32 v9, v8;
	v18 =	vld [tilespmem:s12+$0x20];
	v24 =	vsel vm1, $0x1, v3;
	v12 =	vadd.s32 v17, v12  }
0x11a: {  	v17 =	vsel vm0, $0x1, v3;
	v25 =	vld [tilespmem:s12+$0xFFFFFFE0];
	v14 =	vadd.s32 v24, v14;
	vm2 =	vge.s32 v16, v8  }
.Ltmp6:
0x11b: {  	v12 =	vadd.s32 v15, v12;
	vm0 =	vge.s32 v19, v8;
	v9 =	vld [tilespmem:s12+$0xFFFFFFD0];
	v14 =	vadd.s32 v20, v14;
	(pc) =	sbr.rel @p0 .LBB2_13-.Ltmp6, $4  }
0x11c: {  	v11 =	vadd.s32 v21, v11;
	v13 =	vadd.s32 v17, v13;
	v16 =	vsel vm0, $0x1, v3;
	v15 =	vld [tilespmem:s12+$0xFFFFFFF0]  }
0x11d: {  	vm3 =	vge.s32 v10, v8;
	v12 =	vadd.s32 v16, v12;
	v17 =	vld [tilespmem:s12+$0xFFFFFFC0];
	vm0 =	vge.s32 v23, v8  }
0x11e: {  	v19 =	vsel vm2, $0x1, v3;
	vm1 =	vge.s32 v18, v8;
	v10 =	vld [tilespmem:s12+$0x40];
	v18 =	vsel vm3, $0x1, v3  }
0x11f: {  	vm2 =	vge.s32 v22, v8;
	v13 =	vadd.s32 v19, v13;
	vm3 =	vge.s32 v25, v8;
	v16 =	vld [tilespmem:s12+$0x10];
	s12 =	sadd.s32 $0xA0, s12  }
0x120: {  	v19 =	vsel vm0, $0x1, v3;
	v20 =	vsel vm1, $0x1, v3;
	v14 =	vadd.s32 v18, v14  }
0x121: {  	v18 =	vsel vm3, $0x1, v3;
	vm0 =	vge.s32 v15, v8;
	v15 =	vsel vm2, $0x1, v3  }
0x122: {  	vm1 =	vge.s32 v17, v8;
	v17 =	vsel vm0, $0x1, v3;
	vm0 =	vge.s32 v9, v8  }
0x123: {  	v21 =	vsel vm1, $0x1, v3;
	v9 =	vadd.s32 v17, v12;
	vm1 =	vge.s32 v10, v8  }
0x124: {  	v12 =	vadd.s32 v21, v14;
	v14 =	vsel vm0, $0x1, v3;
	vm0 =	vge.s32 v16, v8  }
0x125: {  	v9 =	vadd.s32 v15, v9;
	v10 =	vadd.s32 v19, v12;
	v12 =	vsel vm1, $0x1, v3  }
0x126: {  	v13 =	vadd.s32 v14, v13;
	v14 =	vsel vm0, $0x1, v3;
	v10 =	vadd.s32 v12, v10  }
0x127: {  	v11 =	vadd.s32 v18, v11;
	v12 =	vadd.s32 v14, v13;
	v9 =	vadd.s32 v9, v10  }
0x128: {  	v10 =	vadd.s32 v20, v11;
	v9 =	vadd.s32 v12, v9  }
0x129: {  	v9 =	vadd.s32 v10, v9  }
0x12a: {  	v10 =	vperm.xlane v9, v0;
	_ =	sdelay $0x1  }
0x12b: {  	v9 =	vadd.s32 v9, v10  }
0x12c: {  	v10 =	vperm.xlane v9, v1;
	_ =	sdelay $0x1  }
0x12d: {  	v9 =	vadd.s32 v10, v9  }
0x12e: {  	v10 =	vperm.xlane v9, v2  }
0x12f: {  	s31 =	simm.s32 $0xF0  }
0x130: {  	s12 =	simm.s32 $0x50;
	v22 =	vld [tilespmem:s31+$0x20];
	v9 =	vadd.s32 v10, v9  }
0x131: {  	s11 =	simm.s32 $0x0;
	v13 =	vld [tilespmem:s12+$0xFFFFFFE0];
	v10 =	vperm.xlane v9, v4  }
0x132: {  	s11 =	sand.u32 $0x7FE0, s11;
	v11 =	vld [tilespmem:s12+$0xFFFFFFB0]  }
0x133: {  	v12 =	vld [tilespmem:s11+$0x80];
	v9 =	vadd.s32 v10, v9  }
0x134: {  	v10 =	vld [tilespmem:s12+$0x0];
	vm0 =	vlt.s32 v9, v6  }
0x135: {  	v9 =	vld [tilespmem:s12+$0x20];
	v7 =	vsel vm0, v7, v8  }
0x136: {  	v17 =	vld [tilespmem:s12+$0xFFFFFFC0];
	v8 =	vor.u32 $0x1000000, v7  }
0x137: {  	vm0 =	vge.s32 v11, v8;
	v11 =	vld [tilespmem:s12+$0xFFFFFFF0]  }
0x138: {  	v18 =	vld [tilespmem:s12+$0x40];
	v16 =	vimm.s32 $0x0;
	vm2 =	vge.s32 v13, v8;
	vm3 =	vge.s32 v12, v8  }
0x139: {  	v14 =	vld [tilespmem:s12+$0xFFFFFFD0];
	v15 =	vsel vm0, $0x1, v3;
	vm0 =	vge.s32 v10, v8;
	v20 =	vsel vm2, $0x1, v3  }
0x13a: {  	v15 =	vadd.s32 v15, v16;
	vm1 =	vge.s32 v9, v8;
	v9 =	vld [tilespmem:s12+$0x10];
	v12 =	vsel vm0, $0x1, v3  }
0x13b: {  	s30 =	simm.s32 $0xA0;
	v10 =	vld [tilespmem:s31+$0xFFFFFFB0];
	v13 =	vsel vm1, $0x1, v3;
	vm1 =	vge.s32 v17, v8;
	v17 =	vadd.s32 v20, v16  }
0x13c: {  	v62 =	vld [tilespmem:s31+$0x0];
	s11 =	sand.u32 $0x7FE0, s30;
	v23 =	vsel vm1, $0x1, v3;
	vm1 =	vge.s32 v22, v8;
	vm0 =	vge.s32 v11, v8  }
0x13d: {  	v19 =	vld [tilespmem:s11+$0x80];
	v11 =	vsel vm3, $0x1, v3;
	vm3 =	vge.s32 v18, v8;
	v20 =	vsel vm0, $0x1, v3  }
0x13e: {  	vm0 =	vge.s32 v14, v8;
	v14 =	vadd.s32 v23, v16;
	v15 =	vadd.s32 v20, v15;
	v20 =	vld [tilespmem:s31+$0xFFFFFFE0]  }
0x13f: {  	v18 =	vsel vm3, $0x1, v3;
	v63 =	vsel vm0, $0x1, v3;
	vm2 =	vge.s32 v9, v8;
	v9 =	vld [tilespmem:s31+$0xFFFFFFD0]  }
0x140: {  	vm0 =	vge.s32 v10, v8;
	v14 =	vadd.s32 v12, v14;
	v10 =	vadd.s32 v11, v15;
	v15 =	vld [tilespmem:s31+$0xFFFFFFF0]  }
0x141: {  	v12 =	vsel vm0, $0x1, v3;
	v23 =	vadd.s32 v63, v16;
	v11 =	vadd.s32 v13, v17;
	v17 =	vld [tilespmem:s31+$0xFFFFFFC0]  }
0x142: {  	vm0 =	vge.s32 v62, v8;
	v13 =	vsel vm2, $0x1, v3;
	v16 =	vld [tilespmem:s31+$0x10];
	vm2 =	vge.s32 v19, v8  }
0x143: {  	s11 =	simm.s32 $0x140;
	s12 =	simm.s32 $0x190;
	v12 =	vadd.s32 v12, v10;
	v10 =	vld [tilespmem:s31+$0x40];
	v13 =	vadd.s32 v13, v23;
	vm3 =	vge.s32 v20, v8  }
.LBB2_15:
0x144: {  	v19 =	vld [tilespmem:s12+$0xFFFFFFB0];
	s13 =	sand.u32 $0x7FE0, s11;
	p0 =	sne.s32 s11, $0x4D80;
	s11 =	sadd.s32 $0xA0, s11;
	v20 =	vsel vm0, $0x1, v3;
	v21 =	vsel vm1, $0x1, v3;
	v14 =	vadd.s32 v18, v14  }
0x145: {  	v18 =	vsel vm3, $0x1, v3;
	v22 =	vld [tilespmem:s13+$0x80];
	vm0 =	vge.s32 v15, v8;
	v15 =	vsel vm2, $0x1, v3  }
0x146: {  	v11 =	vadd.s32 v18, v11;
	v23 =	vld [tilespmem:s12+$0x0];
	vm1 =	vge.s32 v17, v8;
	v17 =	vsel vm0, $0x1, v3  }
0x147: {  	vm0 =	vge.s32 v9, v8;
	v18 =	vld [tilespmem:s12+$0x20];
	v24 =	vsel vm1, $0x1, v3;
	v12 =	vadd.s32 v17, v12  }
0x148: {  	v17 =	vsel vm0, $0x1, v3;
	v25 =	vld [tilespmem:s12+$0xFFFFFFE0];
	v14 =	vadd.s32 v24, v14;
	vm2 =	vge.s32 v16, v8  }
.Ltmp7:
0x149: {  	v12 =	vadd.s32 v15, v12;
	vm0 =	vge.s32 v19, v8;
	v9 =	vld [tilespmem:s12+$0xFFFFFFD0];
	v14 =	vadd.s32 v20, v14;
	(pc) =	sbr.rel @p0 .LBB2_15-.Ltmp7, $4  }
0x14a: {  	v11 =	vadd.s32 v21, v11;
	v13 =	vadd.s32 v17, v13;
	v16 =	vsel vm0, $0x1, v3;
	v15 =	vld [tilespmem:s12+$0xFFFFFFF0]  }
0x14b: {  	vm3 =	vge.s32 v10, v8;
	v12 =	vadd.s32 v16, v12;
	v17 =	vld [tilespmem:s12+$0xFFFFFFC0];
	vm0 =	vge.s32 v23, v8  }
0x14c: {  	v19 =	vsel vm2, $0x1, v3;
	vm1 =	vge.s32 v18, v8;
	v10 =	vld [tilespmem:s12+$0x40];
	v18 =	vsel vm3, $0x1, v3  }
0x14d: {  	vm2 =	vge.s32 v22, v8;
	v13 =	vadd.s32 v19, v13;
	vm3 =	vge.s32 v25, v8;
	v16 =	vld [tilespmem:s12+$0x10];
	s12 =	sadd.s32 $0xA0, s12  }
0x14e: {  	v19 =	vsel vm0, $0x1, v3;
	v20 =	vsel vm1, $0x1, v3;
	v14 =	vadd.s32 v18, v14  }
0x14f: {  	v18 =	vsel vm3, $0x1, v3;
	vm0 =	vge.s32 v15, v8;
	v15 =	vsel vm2, $0x1, v3  }
0x150: {  	vm1 =	vge.s32 v17, v8;
	v17 =	vsel vm0, $0x1, v3;
	vm0 =	vge.s32 v9, v8  }
0x151: {  	v21 =	vsel vm1, $0x1, v3;
	v9 =	vadd.s32 v17, v12;
	vm1 =	vge.s32 v10, v8  }
0x152: {  	v12 =	vadd.s32 v21, v14;
	v14 =	vsel vm0, $0x1, v3;
	vm0 =	vge.s32 v16, v8  }
0x153: {  	v9 =	vadd.s32 v15, v9;
	v10 =	vadd.s32 v19, v12;
	v12 =	vsel vm1, $0x1, v3  }
0x154: {  	v13 =	vadd.s32 v14, v13;
	v14 =	vsel vm0, $0x1, v3;
	v10 =	vadd.s32 v12, v10  }
0x155: {  	v11 =	vadd.s32 v18, v11;
	v12 =	vadd.s32 v14, v13;
	v9 =	vadd.s32 v9, v10  }
0x156: {  	v10 =	vadd.s32 v20, v11;
	v9 =	vadd.s32 v12, v9  }
0x157: {  	v9 =	vadd.s32 v10, v9  }
0x158: {  	v10 =	vperm.xlane v9, v0;
	_ =	sdelay $0x1  }
0x159: {  	v9 =	vadd.s32 v9, v10  }
0x15a: {  	v10 =	vperm.xlane v9, v1;
	_ =	sdelay $0x1  }
0x15b: {  	v9 =	vadd.s32 v10, v9  }
0x15c: {  	v10 =	vperm.xlane v9, v2  }
0x15d: {  	s31 =	simm.s32 $0xF0  }
0x15e: {  	s12 =	simm.s32 $0x50;
	v22 =	vld [tilespmem:s31+$0x20];
	v9 =	vadd.s32 v10, v9  }
0x15f: {  	s11 =	simm.s32 $0x0;
	v13 =	vld [tilespmem:s12+$0xFFFFFFE0];
	v10 =	vperm.xlane v9, v4  }
0x160: {  	s11 =	sand.u32 $0x7FE0, s11;
	v11 =	vld [tilespmem:s12+$0xFFFFFFB0]  }
0x161: {  	v12 =	vld [tilespmem:s11+$0x80];
	v9 =	vadd.s32 v10, v9  }
0x162: {  	v10 =	vld [tilespmem:s12+$0x0];
	vm0 =	vlt.s32 v9, v6  }
0x163: {  	v9 =	vld [tilespmem:s12+$0x20];
	v7 =	vsel vm0, v7, v8  }
0x164: {  	v17 =	vld [tilespmem:s12+$0xFFFFFFC0];
	v8 =	vor.u32 $0x800000, v7  }
0x165: {  	vm0 =	vge.s32 v11, v8;
	v11 =	vld [tilespmem:s12+$0xFFFFFFF0]  }
0x166: {  	v18 =	vld [tilespmem:s12+$0x40];
	v16 =	vimm.s32 $0x0;
	vm2 =	vge.s32 v13, v8;
	vm3 =	vge.s32 v12, v8  }
0x167: {  	v14 =	vld [tilespmem:s12+$0xFFFFFFD0];
	v15 =	vsel vm0, $0x1, v3;
	vm0 =	vge.s32 v10, v8;
	v20 =	vsel vm2, $0x1, v3  }
0x168: {  	v15 =	vadd.s32 v15, v16;
	vm1 =	vge.s32 v9, v8;
	v9 =	vld [tilespmem:s12+$0x10];
	v12 =	vsel vm0, $0x1, v3  }
0x169: {  	s30 =	simm.s32 $0xA0;
	v10 =	vld [tilespmem:s31+$0xFFFFFFB0];
	v13 =	vsel vm1, $0x1, v3;
	vm1 =	vge.s32 v17, v8;
	v17 =	vadd.s32 v20, v16  }
0x16a: {  	v62 =	vld [tilespmem:s31+$0x0];
	s11 =	sand.u32 $0x7FE0, s30;
	v23 =	vsel vm1, $0x1, v3;
	vm1 =	vge.s32 v22, v8;
	vm0 =	vge.s32 v11, v8  }
0x16b: {  	v19 =	vld [tilespmem:s11+$0x80];
	v11 =	vsel vm3, $0x1, v3;
	vm3 =	vge.s32 v18, v8;
	v20 =	vsel vm0, $0x1, v3  }
0x16c: {  	vm0 =	vge.s32 v14, v8;
	v14 =	vadd.s32 v23, v16;
	v15 =	vadd.s32 v20, v15;
	v20 =	vld [tilespmem:s31+$0xFFFFFFE0]  }
0x16d: {  	v18 =	vsel vm3, $0x1, v3;
	v63 =	vsel vm0, $0x1, v3;
	vm2 =	vge.s32 v9, v8;
	v9 =	vld [tilespmem:s31+$0xFFFFFFD0]  }
0x16e: {  	vm0 =	vge.s32 v10, v8;
	v14 =	vadd.s32 v12, v14;
	v10 =	vadd.s32 v11, v15;
	v15 =	vld [tilespmem:s31+$0xFFFFFFF0]  }
0x16f: {  	v12 =	vsel vm0, $0x1, v3;
	v23 =	vadd.s32 v63, v16;
	v11 =	vadd.s32 v13, v17;
	v17 =	vld [tilespmem:s31+$0xFFFFFFC0]  }
0x170: {  	vm0 =	vge.s32 v62, v8;
	v13 =	vsel vm2, $0x1, v3;
	v16 =	vld [tilespmem:s31+$0x10];
	vm2 =	vge.s32 v19, v8  }
0x171: {  	s11 =	simm.s32 $0x140;
	s12 =	simm.s32 $0x190;
	v12 =	vadd.s32 v12, v10;
	v10 =	vld [tilespmem:s31+$0x40];
	v13 =	vadd.s32 v13, v23;
	vm3 =	vge.s32 v20, v8  }
.LBB2_17:
0x172: {  	v19 =	vld [tilespmem:s12+$0xFFFFFFB0];
	s13 =	sand.u32 $0x7FE0, s11;
	p0 =	sne.s32 s11, $0x4D80;
	s11 =	sadd.s32 $0xA0, s11;
	v20 =	vsel vm0, $0x1, v3;
	v21 =	vsel vm1, $0x1, v3;
	v14 =	vadd.s32 v18, v14  }
0x173: {  	v18 =	vsel vm3, $0x1, v3;
	v22 =	vld [tilespmem:s13+$0x80];
	vm0 =	vge.s32 v15, v8;
	v15 =	vsel vm2, $0x1, v3  }
0x174: {  	v11 =	vadd.s32 v18, v11;
	v23 =	vld [tilespmem:s12+$0x0];
	vm1 =	vge.s32 v17, v8;
	v17 =	vsel vm0, $0x1, v3  }
0x175: {  	vm0 =	vge.s32 v9, v8;
	v18 =	vld [tilespmem:s12+$0x20];
	v24 =	vsel vm1, $0x1, v3;
	v12 =	vadd.s32 v17, v12  }
0x176: {  	v17 =	vsel vm0, $0x1, v3;
	v25 =	vld [tilespmem:s12+$0xFFFFFFE0];
	v14 =	vadd.s32 v24, v14;
	vm2 =	vge.s32 v16, v8  }
.Ltmp8:
0x177: {  	v12 =	vadd.s32 v15, v12;
	vm0 =	vge.s32 v19, v8;
	v9 =	vld [tilespmem:s12+$0xFFFFFFD0];
	v14 =	vadd.s32 v20, v14;
	(pc) =	sbr.rel @p0 .LBB2_17-.Ltmp8, $4  }
0x178: {  	v11 =	vadd.s32 v21, v11;
	v13 =	vadd.s32 v17, v13;
	v16 =	vsel vm0, $0x1, v3;
	v15 =	vld [tilespmem:s12+$0xFFFFFFF0]  }
0x179: {  	vm3 =	vge.s32 v10, v8;
	v12 =	vadd.s32 v16, v12;
	v17 =	vld [tilespmem:s12+$0xFFFFFFC0];
	vm0 =	vge.s32 v23, v8  }
0x17a: {  	v19 =	vsel vm2, $0x1, v3;
	vm1 =	vge.s32 v18, v8;
	v10 =	vld [tilespmem:s12+$0x40];
	v18 =	vsel vm3, $0x1, v3  }
0x17b: {  	vm2 =	vge.s32 v22, v8;
	v13 =	vadd.s32 v19, v13;
	vm3 =	vge.s32 v25, v8;
	v16 =	vld [tilespmem:s12+$0x10];
	s12 =	sadd.s32 $0xA0, s12  }
0x17c: {  	v19 =	vsel vm0, $0x1, v3;
	v20 =	vsel vm1, $0x1, v3;
	v14 =	vadd.s32 v18, v14  }
0x17d: {  	v18 =	vsel vm3, $0x1, v3;
	vm0 =	vge.s32 v15, v8;
	v15 =	vsel vm2, $0x1, v3  }
0x17e: {  	vm1 =	vge.s32 v17, v8;
	v17 =	vsel vm0, $0x1, v3;
	vm0 =	vge.s32 v9, v8  }
0x17f: {  	v21 =	vsel vm1, $0x1, v3;
	v9 =	vadd.s32 v17, v12;
	vm1 =	vge.s32 v10, v8  }
0x180: {  	v12 =	vadd.s32 v21, v14;
	v14 =	vsel vm0, $0x1, v3;
	vm0 =	vge.s32 v16, v8  }
0x181: {  	v9 =	vadd.s32 v15, v9;
	v10 =	vadd.s32 v19, v12;
	v12 =	vsel vm1, $0x1, v3  }
0x182: {  	v13 =	vadd.s32 v14, v13;
	v14 =	vsel vm0, $0x1, v3;
	v10 =	vadd.s32 v12, v10  }
0x183: {  	v11 =	vadd.s32 v18, v11;
	v12 =	vadd.s32 v14, v13;
	v9 =	vadd.s32 v9, v10  }
0x184: {  	v10 =	vadd.s32 v20, v11;
	v9 =	vadd.s32 v12, v9  }
0x185: {  	v9 =	vadd.s32 v10, v9  }
0x186: {  	v10 =	vperm.xlane v9, v0;
	_ =	sdelay $0x1  }
0x187: {  	v9 =	vadd.s32 v9, v10  }
0x188: {  	v10 =	vperm.xlane v9, v1;
	_ =	sdelay $0x1  }
0x189: {  	v9 =	vadd.s32 v10, v9  }
0x18a: {  	v10 =	vperm.xlane v9, v2  }
0x18b: {  	s31 =	simm.s32 $0xF0  }
0x18c: {  	s12 =	simm.s32 $0x50;
	v22 =	vld [tilespmem:s31+$0x20];
	v9 =	vadd.s32 v10, v9  }
0x18d: {  	s11 =	simm.s32 $0x0;
	v13 =	vld [tilespmem:s12+$0xFFFFFFE0];
	v10 =	vperm.xlane v9, v4  }
0x18e: {  	s11 =	sand.u32 $0x7FE0, s11;
	v11 =	vld [tilespmem:s12+$0xFFFFFFB0]  }
0x18f: {  	v12 =	vld [tilespmem:s11+$0x80];
	v9 =	vadd.s32 v10, v9  }
0x190: {  	v10 =	vld [tilespmem:s12+$0x0];
	vm0 =	vlt.s32 v9, v6  }
0x191: {  	v9 =	vld [tilespmem:s12+$0x20];
	v7 =	vsel vm0, v7, v8  }
0x192: {  	v17 =	vld [tilespmem:s12+$0xFFFFFFC0];
	v8 =	vor.u32 $0x400000, v7  }
0x193: {  	vm0 =	vge.s32 v11, v8;
	v11 =	vld [tilespmem:s12+$0xFFFFFFF0]  }
0x194: {  	v18 =	vld [tilespmem:s12+$0x40];
	v16 =	vimm.s32 $0x0;
	vm2 =	vge.s32 v13, v8;
	vm3 =	vge.s32 v12, v8  }
0x195: {  	v14 =	vld [tilespmem:s12+$0xFFFFFFD0];
	v15 =	vsel vm0, $0x1, v3;
	vm0 =	vge.s32 v10, v8;
	v20 =	vsel vm2, $0x1, v3  }
0x196: {  	v15 =	vadd.s32 v15, v16;
	vm1 =	vge.s32 v9, v8;
	v9 =	vld [tilespmem:s12+$0x10];
	v12 =	vsel vm0, $0x1, v3  }
0x197: {  	s30 =	simm.s32 $0xA0;
	v10 =	vld [tilespmem:s31+$0xFFFFFFB0];
	v13 =	vsel vm1, $0x1, v3;
	vm1 =	vge.s32 v17, v8;
	v17 =	vadd.s32 v20, v16  }
0x198: {  	v62 =	vld [tilespmem:s31+$0x0];
	s11 =	sand.u32 $0x7FE0, s30;
	v23 =	vsel vm1, $0x1, v3;
	vm1 =	vge.s32 v22, v8;
	vm0 =	vge.s32 v11, v8  }
0x199: {  	v19 =	vld [tilespmem:s11+$0x80];
	v11 =	vsel vm3, $0x1, v3;
	vm3 =	vge.s32 v18, v8;
	v20 =	vsel vm0, $0x1, v3  }
0x19a: {  	vm0 =	vge.s32 v14, v8;
	v14 =	vadd.s32 v23, v16;
	v15 =	vadd.s32 v20, v15;
	v20 =	vld [tilespmem:s31+$0xFFFFFFE0]  }
0x19b: {  	v18 =	vsel vm3, $0x1, v3;
	v63 =	vsel vm0, $0x1, v3;
	vm2 =	vge.s32 v9, v8;
	v9 =	vld [tilespmem:s31+$0xFFFFFFD0]  }
0x19c: {  	vm0 =	vge.s32 v10, v8;
	v14 =	vadd.s32 v12, v14;
	v10 =	vadd.s32 v11, v15;
	v15 =	vld [tilespmem:s31+$0xFFFFFFF0]  }
0x19d: {  	v12 =	vsel vm0, $0x1, v3;
	v23 =	vadd.s32 v63, v16;
	v11 =	vadd.s32 v13, v17;
	v17 =	vld [tilespmem:s31+$0xFFFFFFC0]  }
0x19e: {  	vm0 =	vge.s32 v62, v8;
	v13 =	vsel vm2, $0x1, v3;
	v16 =	vld [tilespmem:s31+$0x10];
	vm2 =	vge.s32 v19, v8  }
0x19f: {  	s11 =	simm.s32 $0x140;
	s12 =	simm.s32 $0x190;
	v12 =	vadd.s32 v12, v10;
	v10 =	vld [tilespmem:s31+$0x40];
	v13 =	vadd.s32 v13, v23;
	vm3 =	vge.s32 v20, v8  }
.LBB2_19:
0x1a0: {  	v19 =	vld [tilespmem:s12+$0xFFFFFFB0];
	s13 =	sand.u32 $0x7FE0, s11;
	p0 =	sne.s32 s11, $0x4D80;
	s11 =	sadd.s32 $0xA0, s11;
	v20 =	vsel vm0, $0x1, v3;
	v21 =	vsel vm1, $0x1, v3;
	v14 =	vadd.s32 v18, v14  }
0x1a1: {  	v18 =	vsel vm3, $0x1, v3;
	v22 =	vld [tilespmem:s13+$0x80];
	vm0 =	vge.s32 v15, v8;
	v15 =	vsel vm2, $0x1, v3  }
0x1a2: {  	v11 =	vadd.s32 v18, v11;
	v23 =	vld [tilespmem:s12+$0x0];
	vm1 =	vge.s32 v17, v8;
	v17 =	vsel vm0, $0x1, v3  }
0x1a3: {  	vm0 =	vge.s32 v9, v8;
	v18 =	vld [tilespmem:s12+$0x20];
	v24 =	vsel vm1, $0x1, v3;
	v12 =	vadd.s32 v17, v12  }
0x1a4: {  	v17 =	vsel vm0, $0x1, v3;
	v25 =	vld [tilespmem:s12+$0xFFFFFFE0];
	v14 =	vadd.s32 v24, v14;
	vm2 =	vge.s32 v16, v8  }
.Ltmp9:
0x1a5: {  	v12 =	vadd.s32 v15, v12;
	vm0 =	vge.s32 v19, v8;
	v9 =	vld [tilespmem:s12+$0xFFFFFFD0];
	v14 =	vadd.s32 v20, v14;
	(pc) =	sbr.rel @p0 .LBB2_19-.Ltmp9, $4  }
0x1a6: {  	v11 =	vadd.s32 v21, v11;
	v13 =	vadd.s32 v17, v13;
	v16 =	vsel vm0, $0x1, v3;
	v15 =	vld [tilespmem:s12+$0xFFFFFFF0]  }
0x1a7: {  	vm3 =	vge.s32 v10, v8;
	v12 =	vadd.s32 v16, v12;
	v17 =	vld [tilespmem:s12+$0xFFFFFFC0];
	vm0 =	vge.s32 v23, v8  }
0x1a8: {  	v19 =	vsel vm2, $0x1, v3;
	vm1 =	vge.s32 v18, v8;
	v10 =	vld [tilespmem:s12+$0x40];
	v18 =	vsel vm3, $0x1, v3  }
0x1a9: {  	vm2 =	vge.s32 v22, v8;
	v13 =	vadd.s32 v19, v13;
	vm3 =	vge.s32 v25, v8;
	v16 =	vld [tilespmem:s12+$0x10];
	s12 =	sadd.s32 $0xA0, s12  }
0x1aa: {  	v19 =	vsel vm0, $0x1, v3;
	v20 =	vsel vm1, $0x1, v3;
	v14 =	vadd.s32 v18, v14  }
0x1ab: {  	v18 =	vsel vm3, $0x1, v3;
	vm0 =	vge.s32 v15, v8;
	v15 =	vsel vm2, $0x1, v3  }
0x1ac: {  	vm1 =	vge.s32 v17, v8;
	v17 =	vsel vm0, $0x1, v3;
	vm0 =	vge.s32 v9, v8  }
0x1ad: {  	v21 =	vsel vm1, $0x1, v3;
	v9 =	vadd.s32 v17, v12;
	vm1 =	vge.s32 v10, v8  }
0x1ae: {  	v12 =	vadd.s32 v21, v14;
	v14 =	vsel vm0, $0x1, v3;
	vm0 =	vge.s32 v16, v8  }
0x1af: {  	v9 =	vadd.s32 v15, v9;
	v10 =	vadd.s32 v19, v12;
	v12 =	vsel vm1, $0x1, v3  }
0x1b0: {  	v13 =	vadd.s32 v14, v13;
	v14 =	vsel vm0, $0x1, v3;
	v10 =	vadd.s32 v12, v10  }
0x1b1: {  	v11 =	vadd.s32 v18, v11;
	v12 =	vadd.s32 v14, v13;
	v9 =	vadd.s32 v9, v10  }
0x1b2: {  	v10 =	vadd.s32 v20, v11;
	v9 =	vadd.s32 v12, v9  }
0x1b3: {  	v9 =	vadd.s32 v10, v9  }
0x1b4: {  	v10 =	vperm.xlane v9, v0;
	_ =	sdelay $0x1  }
0x1b5: {  	v9 =	vadd.s32 v9, v10  }
0x1b6: {  	v10 =	vperm.xlane v9, v1;
	_ =	sdelay $0x1  }
0x1b7: {  	v9 =	vadd.s32 v10, v9  }
0x1b8: {  	v10 =	vperm.xlane v9, v2  }
0x1b9: {  	s31 =	simm.s32 $0xF0  }
0x1ba: {  	s12 =	simm.s32 $0x50;
	v22 =	vld [tilespmem:s31+$0x20];
	v9 =	vadd.s32 v10, v9  }
0x1bb: {  	s11 =	simm.s32 $0x0;
	v13 =	vld [tilespmem:s12+$0xFFFFFFE0];
	v10 =	vperm.xlane v9, v4  }
0x1bc: {  	s11 =	sand.u32 $0x7FE0, s11;
	v11 =	vld [tilespmem:s12+$0xFFFFFFB0]  }
0x1bd: {  	v12 =	vld [tilespmem:s11+$0x80];
	v9 =	vadd.s32 v10, v9  }
0x1be: {  	v10 =	vld [tilespmem:s12+$0x0];
	vm0 =	vlt.s32 v9, v6  }
0x1bf: {  	v9 =	vld [tilespmem:s12+$0x20];
	v7 =	vsel vm0, v7, v8  }
0x1c0: {  	v17 =	vld [tilespmem:s12+$0xFFFFFFC0];
	v8 =	vor.u32 $0x200000, v7  }
0x1c1: {  	vm0 =	vge.s32 v11, v8;
	v11 =	vld [tilespmem:s12+$0xFFFFFFF0]  }
0x1c2: {  	v18 =	vld [tilespmem:s12+$0x40];
	v16 =	vimm.s32 $0x0;
	vm2 =	vge.s32 v13, v8;
	vm3 =	vge.s32 v12, v8  }
0x1c3: {  	v14 =	vld [tilespmem:s12+$0xFFFFFFD0];
	v15 =	vsel vm0, $0x1, v3;
	vm0 =	vge.s32 v10, v8;
	v20 =	vsel vm2, $0x1, v3  }
0x1c4: {  	v15 =	vadd.s32 v15, v16;
	vm1 =	vge.s32 v9, v8;
	v9 =	vld [tilespmem:s12+$0x10];
	v12 =	vsel vm0, $0x1, v3  }
0x1c5: {  	s30 =	simm.s32 $0xA0;
	v10 =	vld [tilespmem:s31+$0xFFFFFFB0];
	v13 =	vsel vm1, $0x1, v3;
	vm1 =	vge.s32 v17, v8;
	v17 =	vadd.s32 v20, v16  }
0x1c6: {  	v62 =	vld [tilespmem:s31+$0x0];
	s11 =	sand.u32 $0x7FE0, s30;
	v23 =	vsel vm1, $0x1, v3;
	vm1 =	vge.s32 v22, v8;
	vm0 =	vge.s32 v11, v8  }
0x1c7: {  	v19 =	vld [tilespmem:s11+$0x80];
	v11 =	vsel vm3, $0x1, v3;
	vm3 =	vge.s32 v18, v8;
	v20 =	vsel vm0, $0x1, v3  }
0x1c8: {  	vm0 =	vge.s32 v14, v8;
	v14 =	vadd.s32 v23, v16;
	v15 =	vadd.s32 v20, v15;
	v20 =	vld [tilespmem:s31+$0xFFFFFFE0]  }
0x1c9: {  	v18 =	vsel vm3, $0x1, v3;
	v63 =	vsel vm0, $0x1, v3;
	vm2 =	vge.s32 v9, v8;
	v9 =	vld [tilespmem:s31+$0xFFFFFFD0]  }
0x1ca: {  	vm0 =	vge.s32 v10, v8;
	v14 =	vadd.s32 v12, v14;
	v10 =	vadd.s32 v11, v15;
	v15 =	vld [tilespmem:s31+$0xFFFFFFF0]  }
0x1cb: {  	v12 =	vsel vm0, $0x1, v3;
	v23 =	vadd.s32 v63, v16;
	v11 =	vadd.s32 v13, v17;
	v17 =	vld [tilespmem:s31+$0xFFFFFFC0]  }
0x1cc: {  	vm0 =	vge.s32 v62, v8;
	v13 =	vsel vm2, $0x1, v3;
	v16 =	vld [tilespmem:s31+$0x10];
	vm2 =	vge.s32 v19, v8  }
0x1cd: {  	s11 =	simm.s32 $0x140;
	s12 =	simm.s32 $0x190;
	v12 =	vadd.s32 v12, v10;
	v10 =	vld [tilespmem:s31+$0x40];
	v13 =	vadd.s32 v13, v23;
	vm3 =	vge.s32 v20, v8  }
.LBB2_21:
0x1ce: {  	v19 =	vld [tilespmem:s12+$0xFFFFFFB0];
	s13 =	sand.u32 $0x7FE0, s11;
	p0 =	sne.s32 s11, $0x4D80;
	s11 =	sadd.s32 $0xA0, s11;
	v20 =	vsel vm0, $0x1, v3;
	v21 =	vsel vm1, $0x1, v3;
	v14 =	vadd.s32 v18, v14  }
0x1cf: {  	v18 =	vsel vm3, $0x1, v3;
	v22 =	vld [tilespmem:s13+$0x80];
	vm0 =	vge.s32 v15, v8;
	v15 =	vsel vm2, $0x1, v3  }
0x1d0: {  	v11 =	vadd.s32 v18, v11;
	v23 =	vld [tilespmem:s12+$0x0];
	vm1 =	vge.s32 v17, v8;
	v17 =	vsel vm0, $0x1, v3  }
0x1d1: {  	vm0 =	vge.s32 v9, v8;
	v18 =	vld [tilespmem:s12+$0x20];
	v24 =	vsel vm1, $0x1, v3;
	v12 =	vadd.s32 v17, v12  }
0x1d2: {  	v17 =	vsel vm0, $0x1, v3;
	v25 =	vld [tilespmem:s12+$0xFFFFFFE0];
	v14 =	vadd.s32 v24, v14;
	vm2 =	vge.s32 v16, v8  }
.Ltmp10:
0x1d3: {  	v12 =	vadd.s32 v15, v12;
	vm0 =	vge.s32 v19, v8;
	v9 =	vld [tilespmem:s12+$0xFFFFFFD0];
	v14 =	vadd.s32 v20, v14;
	(pc) =	sbr.rel @p0 .LBB2_21-.Ltmp10, $4  }
0x1d4: {  	v11 =	vadd.s32 v21, v11;
	v13 =	vadd.s32 v17, v13;
	v16 =	vsel vm0, $0x1, v3;
	v15 =	vld [tilespmem:s12+$0xFFFFFFF0]  }
0x1d5: {  	vm3 =	vge.s32 v10, v8;
	v12 =	vadd.s32 v16, v12;
	v17 =	vld [tilespmem:s12+$0xFFFFFFC0];
	vm0 =	vge.s32 v23, v8  }
0x1d6: {  	v19 =	vsel vm2, $0x1, v3;
	vm1 =	vge.s32 v18, v8;
	v10 =	vld [tilespmem:s12+$0x40];
	v18 =	vsel vm3, $0x1, v3  }
0x1d7: {  	vm2 =	vge.s32 v22, v8;
	v13 =	vadd.s32 v19, v13;
	vm3 =	vge.s32 v25, v8;
	v16 =	vld [tilespmem:s12+$0x10];
	s12 =	sadd.s32 $0xA0, s12  }
0x1d8: {  	v19 =	vsel vm0, $0x1, v3;
	v20 =	vsel vm1, $0x1, v3;
	v14 =	vadd.s32 v18, v14  }
0x1d9: {  	v18 =	vsel vm3, $0x1, v3;
	vm0 =	vge.s32 v15, v8;
	v15 =	vsel vm2, $0x1, v3  }
0x1da: {  	vm1 =	vge.s32 v17, v8;
	v17 =	vsel vm0, $0x1, v3;
	vm0 =	vge.s32 v9, v8  }
0x1db: {  	v21 =	vsel vm1, $0x1, v3;
	v9 =	vadd.s32 v17, v12;
	vm1 =	vge.s32 v10, v8  }
0x1dc: {  	v12 =	vadd.s32 v21, v14;
	v14 =	vsel vm0, $0x1, v3;
	vm0 =	vge.s32 v16, v8  }
0x1dd: {  	v9 =	vadd.s32 v15, v9;
	v10 =	vadd.s32 v19, v12;
	v12 =	vsel vm1, $0x1, v3  }
0x1de: {  	v13 =	vadd.s32 v14, v13;
	v14 =	vsel vm0, $0x1, v3;
	v10 =	vadd.s32 v12, v10  }
0x1df: {  	v11 =	vadd.s32 v18, v11;
	v12 =	vadd.s32 v14, v13;
	v9 =	vadd.s32 v9, v10  }
0x1e0: {  	v10 =	vadd.s32 v20, v11;
	v9 =	vadd.s32 v12, v9  }
0x1e1: {  	v9 =	vadd.s32 v10, v9  }
0x1e2: {  	v10 =	vperm.xlane v9, v0;
	_ =	sdelay $0x1  }
0x1e3: {  	v9 =	vadd.s32 v9, v10  }
0x1e4: {  	v10 =	vperm.xlane v9, v1;
	_ =	sdelay $0x1  }
0x1e5: {  	v9 =	vadd.s32 v10, v9  }
0x1e6: {  	v10 =	vperm.xlane v9, v2  }
0x1e7: {  	s31 =	simm.s32 $0xF0  }
0x1e8: {  	s12 =	simm.s32 $0x50;
	v22 =	vld [tilespmem:s31+$0x20];
	v9 =	vadd.s32 v10, v9  }
0x1e9: {  	s11 =	simm.s32 $0x0;
	v13 =	vld [tilespmem:s12+$0xFFFFFFE0];
	v10 =	vperm.xlane v9, v4  }
0x1ea: {  	s11 =	sand.u32 $0x7FE0, s11;
	v11 =	vld [tilespmem:s12+$0xFFFFFFB0]  }
0x1eb: {  	v12 =	vld [tilespmem:s11+$0x80];
	v9 =	vadd.s32 v10, v9  }
0x1ec: {  	v10 =	vld [tilespmem:s12+$0x0];
	vm0 =	vlt.s32 v9, v6  }
0x1ed: {  	v9 =	vld [tilespmem:s12+$0x20];
	v7 =	vsel vm0, v7, v8  }
0x1ee: {  	v17 =	vld [tilespmem:s12+$0xFFFFFFC0];
	v8 =	vor.u32 $0x100000, v7  }
0x1ef: {  	vm0 =	vge.s32 v11, v8;
	v11 =	vld [tilespmem:s12+$0xFFFFFFF0]  }
0x1f0: {  	v18 =	vld [tilespmem:s12+$0x40];
	v16 =	vimm.s32 $0x0;
	vm2 =	vge.s32 v13, v8;
	vm3 =	vge.s32 v12, v8  }
0x1f1: {  	v14 =	vld [tilespmem:s12+$0xFFFFFFD0];
	v15 =	vsel vm0, $0x1, v3;
	vm0 =	vge.s32 v10, v8;
	v20 =	vsel vm2, $0x1, v3  }
0x1f2: {  	v15 =	vadd.s32 v15, v16;
	vm1 =	vge.s32 v9, v8;
	v9 =	vld [tilespmem:s12+$0x10];
	v12 =	vsel vm0, $0x1, v3  }
0x1f3: {  	s30 =	simm.s32 $0xA0;
	v10 =	vld [tilespmem:s31+$0xFFFFFFB0];
	v13 =	vsel vm1, $0x1, v3;
	vm1 =	vge.s32 v17, v8;
	v17 =	vadd.s32 v20, v16  }
0x1f4: {  	v62 =	vld [tilespmem:s31+$0x0];
	s11 =	sand.u32 $0x7FE0, s30;
	v23 =	vsel vm1, $0x1, v3;
	vm1 =	vge.s32 v22, v8;
	vm0 =	vge.s32 v11, v8  }
0x1f5: {  	v19 =	vld [tilespmem:s11+$0x80];
	v11 =	vsel vm3, $0x1, v3;
	vm3 =	vge.s32 v18, v8;
	v20 =	vsel vm0, $0x1, v3  }
0x1f6: {  	vm0 =	vge.s32 v14, v8;
	v14 =	vadd.s32 v23, v16;
	v15 =	vadd.s32 v20, v15;
	v20 =	vld [tilespmem:s31+$0xFFFFFFE0]  }
0x1f7: {  	v18 =	vsel vm3, $0x1, v3;
	v63 =	vsel vm0, $0x1, v3;
	vm2 =	vge.s32 v9, v8;
	v9 =	vld [tilespmem:s31+$0xFFFFFFD0]  }
0x1f8: {  	vm0 =	vge.s32 v10, v8;
	v14 =	vadd.s32 v12, v14;
	v10 =	vadd.s32 v11, v15;
	v15 =	vld [tilespmem:s31+$0xFFFFFFF0]  }
0x1f9: {  	v12 =	vsel vm0, $0x1, v3;
	v23 =	vadd.s32 v63, v16;
	v11 =	vadd.s32 v13, v17;
	v17 =	vld [tilespmem:s31+$0xFFFFFFC0]  }
0x1fa: {  	vm0 =	vge.s32 v62, v8;
	v13 =	vsel vm2, $0x1, v3;
	v16 =	vld [tilespmem:s31+$0x10];
	vm2 =	vge.s32 v19, v8  }
0x1fb: {  	s11 =	simm.s32 $0x140;
	s12 =	simm.s32 $0x190;
	v12 =	vadd.s32 v12, v10;
	v10 =	vld [tilespmem:s31+$0x40];
	v13 =	vadd.s32 v13, v23;
	vm3 =	vge.s32 v20, v8  }
.LBB2_23:
0x1fc: {  	v19 =	vld [tilespmem:s12+$0xFFFFFFB0];
	s13 =	sand.u32 $0x7FE0, s11;
	p0 =	sne.s32 s11, $0x4D80;
	s11 =	sadd.s32 $0xA0, s11;
	v20 =	vsel vm0, $0x1, v3;
	v21 =	vsel vm1, $0x1, v3;
	v14 =	vadd.s32 v18, v14  }
0x1fd: {  	v18 =	vsel vm3, $0x1, v3;
	v22 =	vld [tilespmem:s13+$0x80];
	vm0 =	vge.s32 v15, v8;
	v15 =	vsel vm2, $0x1, v3  }
0x1fe: {  	v11 =	vadd.s32 v18, v11;
	v23 =	vld [tilespmem:s12+$0x0];
	vm1 =	vge.s32 v17, v8;
	v17 =	vsel vm0, $0x1, v3  }
0x1ff: {  	vm0 =	vge.s32 v9, v8;
	v18 =	vld [tilespmem:s12+$0x20];
	v24 =	vsel vm1, $0x1, v3;
	v12 =	vadd.s32 v17, v12  }
0x200: {  	v17 =	vsel vm0, $0x1, v3;
	v25 =	vld [tilespmem:s12+$0xFFFFFFE0];
	v14 =	vadd.s32 v24, v14;
	vm2 =	vge.s32 v16, v8  }
.Ltmp11:
0x201: {  	v12 =	vadd.s32 v15, v12;
	vm0 =	vge.s32 v19, v8;
	v9 =	vld [tilespmem:s12+$0xFFFFFFD0];
	v14 =	vadd.s32 v20, v14;
	(pc) =	sbr.rel @p0 .LBB2_23-.Ltmp11, $4  }
0x202: {  	v11 =	vadd.s32 v21, v11;
	v13 =	vadd.s32 v17, v13;
	v16 =	vsel vm0, $0x1, v3;
	v15 =	vld [tilespmem:s12+$0xFFFFFFF0]  }
0x203: {  	vm3 =	vge.s32 v10, v8;
	v12 =	vadd.s32 v16, v12;
	v17 =	vld [tilespmem:s12+$0xFFFFFFC0];
	vm0 =	vge.s32 v23, v8  }
0x204: {  	v19 =	vsel vm2, $0x1, v3;
	vm1 =	vge.s32 v18, v8;
	v10 =	vld [tilespmem:s12+$0x40];
	v18 =	vsel vm3, $0x1, v3  }
0x205: {  	vm2 =	vge.s32 v22, v8;
	v13 =	vadd.s32 v19, v13;
	vm3 =	vge.s32 v25, v8;
	v16 =	vld [tilespmem:s12+$0x10];
	s12 =	sadd.s32 $0xA0, s12  }
0x206: {  	v19 =	vsel vm0, $0x1, v3;
	v20 =	vsel vm1, $0x1, v3;
	v14 =	vadd.s32 v18, v14  }
0x207: {  	v18 =	vsel vm3, $0x1, v3;
	vm0 =	vge.s32 v15, v8;
	v15 =	vsel vm2, $0x1, v3  }
0x208: {  	vm1 =	vge.s32 v17, v8;
	v17 =	vsel vm0, $0x1, v3;
	vm0 =	vge.s32 v9, v8  }
0x209: {  	v21 =	vsel vm1, $0x1, v3;
	v9 =	vadd.s32 v17, v12;
	vm1 =	vge.s32 v10, v8  }
0x20a: {  	v12 =	vadd.s32 v21, v14;
	v14 =	vsel vm0, $0x1, v3;
	vm0 =	vge.s32 v16, v8  }
0x20b: {  	v9 =	vadd.s32 v15, v9;
	v10 =	vadd.s32 v19, v12;
	v12 =	vsel vm1, $0x1, v3  }
0x20c: {  	v13 =	vadd.s32 v14, v13;
	v14 =	vsel vm0, $0x1, v3;
	v10 =	vadd.s32 v12, v10  }
0x20d: {  	v11 =	vadd.s32 v18, v11;
	v12 =	vadd.s32 v14, v13;
	v9 =	vadd.s32 v9, v10  }
0x20e: {  	v10 =	vadd.s32 v20, v11;
	v9 =	vadd.s32 v12, v9  }
0x20f: {  	v9 =	vadd.s32 v10, v9  }
0x210: {  	v10 =	vperm.xlane v9, v0;
	_ =	sdelay $0x1  }
0x211: {  	v9 =	vadd.s32 v9, v10  }
0x212: {  	v10 =	vperm.xlane v9, v1;
	_ =	sdelay $0x1  }
0x213: {  	v9 =	vadd.s32 v10, v9  }
0x214: {  	v10 =	vperm.xlane v9, v2  }
0x215: {  	s31 =	simm.s32 $0xF0  }
0x216: {  	s12 =	simm.s32 $0x50;
	v22 =	vld [tilespmem:s31+$0x20];
	v9 =	vadd.s32 v10, v9  }
0x217: {  	s11 =	simm.s32 $0x0;
	v13 =	vld [tilespmem:s12+$0xFFFFFFE0];
	v10 =	vperm.xlane v9, v4  }
0x218: {  	s11 =	sand.u32 $0x7FE0, s11;
	v11 =	vld [tilespmem:s12+$0xFFFFFFB0]  }
0x219: {  	v12 =	vld [tilespmem:s11+$0x80];
	v9 =	vadd.s32 v10, v9  }
0x21a: {  	v10 =	vld [tilespmem:s12+$0x0];
	vm0 =	vlt.s32 v9, v6  }
0x21b: {  	v9 =	vld [tilespmem:s12+$0x20];
	v7 =	vsel vm0, v7, v8  }
0x21c: {  	v17 =	vld [tilespmem:s12+$0xFFFFFFC0];
	v8 =	vor.u32 $0x80000, v7  }
0x21d: {  	vm0 =	vge.s32 v11, v8;
	v11 =	vld [tilespmem:s12+$0xFFFFFFF0]  }
0x21e: {  	v18 =	vld [tilespmem:s12+$0x40];
	v16 =	vimm.s32 $0x0;
	vm2 =	vge.s32 v13, v8;
	vm3 =	vge.s32 v12, v8  }
0x21f: {  	v14 =	vld [tilespmem:s12+$0xFFFFFFD0];
	v15 =	vsel vm0, $0x1, v3;
	vm0 =	vge.s32 v10, v8;
	v20 =	vsel vm2, $0x1, v3  }
0x220: {  	v15 =	vadd.s32 v15, v16;
	vm1 =	vge.s32 v9, v8;
	v9 =	vld [tilespmem:s12+$0x10];
	v12 =	vsel vm0, $0x1, v3  }
0x221: {  	s30 =	simm.s32 $0xA0;
	v10 =	vld [tilespmem:s31+$0xFFFFFFB0];
	v13 =	vsel vm1, $0x1, v3;
	vm1 =	vge.s32 v17, v8;
	v17 =	vadd.s32 v20, v16  }
0x222: {  	v62 =	vld [tilespmem:s31+$0x0];
	s11 =	sand.u32 $0x7FE0, s30;
	v23 =	vsel vm1, $0x1, v3;
	vm1 =	vge.s32 v22, v8;
	vm0 =	vge.s32 v11, v8  }
0x223: {  	v19 =	vld [tilespmem:s11+$0x80];
	v11 =	vsel vm3, $0x1, v3;
	vm3 =	vge.s32 v18, v8;
	v20 =	vsel vm0, $0x1, v3  }
0x224: {  	vm0 =	vge.s32 v14, v8;
	v14 =	vadd.s32 v23, v16;
	v15 =	vadd.s32 v20, v15;
	v20 =	vld [tilespmem:s31+$0xFFFFFFE0]  }
0x225: {  	v18 =	vsel vm3, $0x1, v3;
	v63 =	vsel vm0, $0x1, v3;
	vm2 =	vge.s32 v9, v8;
	v9 =	vld [tilespmem:s31+$0xFFFFFFD0]  }
0x226: {  	vm0 =	vge.s32 v10, v8;
	v14 =	vadd.s32 v12, v14;
	v10 =	vadd.s32 v11, v15;
	v15 =	vld [tilespmem:s31+$0xFFFFFFF0]  }
0x227: {  	v12 =	vsel vm0, $0x1, v3;
	v23 =	vadd.s32 v63, v16;
	v11 =	vadd.s32 v13, v17;
	v17 =	vld [tilespmem:s31+$0xFFFFFFC0]  }
0x228: {  	vm0 =	vge.s32 v62, v8;
	v13 =	vsel vm2, $0x1, v3;
	v16 =	vld [tilespmem:s31+$0x10];
	vm2 =	vge.s32 v19, v8  }
0x229: {  	s11 =	simm.s32 $0x140;
	s12 =	simm.s32 $0x190;
	v12 =	vadd.s32 v12, v10;
	v10 =	vld [tilespmem:s31+$0x40];
	v13 =	vadd.s32 v13, v23;
	vm3 =	vge.s32 v20, v8  }
.LBB2_25:
0x22a: {  	v19 =	vld [tilespmem:s12+$0xFFFFFFB0];
	s13 =	sand.u32 $0x7FE0, s11;
	p0 =	sne.s32 s11, $0x4D80;
	s11 =	sadd.s32 $0xA0, s11;
	v20 =	vsel vm0, $0x1, v3;
	v21 =	vsel vm1, $0x1, v3;
	v14 =	vadd.s32 v18, v14  }
0x22b: {  	v18 =	vsel vm3, $0x1, v3;
	v22 =	vld [tilespmem:s13+$0x80];
	vm0 =	vge.s32 v15, v8;
	v15 =	vsel vm2, $0x1, v3  }
0x22c: {  	v11 =	vadd.s32 v18, v11;
	v23 =	vld [tilespmem:s12+$0x0];
	vm1 =	vge.s32 v17, v8;
	v17 =	vsel vm0, $0x1, v3  }
0x22d: {  	vm0 =	vge.s32 v9, v8;
	v18 =	vld [tilespmem:s12+$0x20];
	v24 =	vsel vm1, $0x1, v3;
	v12 =	vadd.s32 v17, v12  }
0x22e: {  	v17 =	vsel vm0, $0x1, v3;
	v25 =	vld [tilespmem:s12+$0xFFFFFFE0];
	v14 =	vadd.s32 v24, v14;
	vm2 =	vge.s32 v16, v8  }
.Ltmp12:
0x22f: {  	v12 =	vadd.s32 v15, v12;
	vm0 =	vge.s32 v19, v8;
	v9 =	vld [tilespmem:s12+$0xFFFFFFD0];
	v14 =	vadd.s32 v20, v14;
	(pc) =	sbr.rel @p0 .LBB2_25-.Ltmp12, $4  }
0x230: {  	v11 =	vadd.s32 v21, v11;
	v13 =	vadd.s32 v17, v13;
	v16 =	vsel vm0, $0x1, v3;
	v15 =	vld [tilespmem:s12+$0xFFFFFFF0]  }
0x231: {  	vm3 =	vge.s32 v10, v8;
	v12 =	vadd.s32 v16, v12;
	v17 =	vld [tilespmem:s12+$0xFFFFFFC0];
	vm0 =	vge.s32 v23, v8  }
0x232: {  	v19 =	vsel vm2, $0x1, v3;
	vm1 =	vge.s32 v18, v8;
	v10 =	vld [tilespmem:s12+$0x40];
	v18 =	vsel vm3, $0x1, v3  }
0x233: {  	vm2 =	vge.s32 v22, v8;
	v13 =	vadd.s32 v19, v13;
	vm3 =	vge.s32 v25, v8;
	v16 =	vld [tilespmem:s12+$0x10];
	s12 =	sadd.s32 $0xA0, s12  }
0x234: {  	v19 =	vsel vm0, $0x1, v3;
	v20 =	vsel vm1, $0x1, v3;
	v14 =	vadd.s32 v18, v14  }
0x235: {  	v18 =	vsel vm3, $0x1, v3;
	vm0 =	vge.s32 v15, v8;
	v15 =	vsel vm2, $0x1, v3  }
0x236: {  	vm1 =	vge.s32 v17, v8;
	v17 =	vsel vm0, $0x1, v3;
	vm0 =	vge.s32 v9, v8  }
0x237: {  	v21 =	vsel vm1, $0x1, v3;
	v9 =	vadd.s32 v17, v12;
	vm1 =	vge.s32 v10, v8  }
0x238: {  	v12 =	vadd.s32 v21, v14;
	v14 =	vsel vm0, $0x1, v3;
	vm0 =	vge.s32 v16, v8  }
0x239: {  	v9 =	vadd.s32 v15, v9;
	v10 =	vadd.s32 v19, v12;
	v12 =	vsel vm1, $0x1, v3  }
0x23a: {  	v13 =	vadd.s32 v14, v13;
	v14 =	vsel vm0, $0x1, v3;
	v10 =	vadd.s32 v12, v10  }
0x23b: {  	v11 =	vadd.s32 v18, v11;
	v12 =	vadd.s32 v14, v13;
	v9 =	vadd.s32 v9, v10  }
0x23c: {  	v10 =	vadd.s32 v20, v11;
	v9 =	vadd.s32 v12, v9  }
0x23d: {  	v9 =	vadd.s32 v10, v9  }
0x23e: {  	v10 =	vperm.xlane v9, v0;
	_ =	sdelay $0x1  }
0x23f: {  	v9 =	vadd.s32 v9, v10  }
0x240: {  	v10 =	vperm.xlane v9, v1;
	_ =	sdelay $0x1  }
0x241: {  	v9 =	vadd.s32 v10, v9  }
0x242: {  	v10 =	vperm.xlane v9, v2  }
0x243: {  	s31 =	simm.s32 $0xF0  }
0x244: {  	s12 =	simm.s32 $0x50;
	v22 =	vld [tilespmem:s31+$0x20];
	v9 =	vadd.s32 v10, v9  }
0x245: {  	s11 =	simm.s32 $0x0;
	v13 =	vld [tilespmem:s12+$0xFFFFFFE0];
	v10 =	vperm.xlane v9, v4  }
0x246: {  	s11 =	sand.u32 $0x7FE0, s11;
	v11 =	vld [tilespmem:s12+$0xFFFFFFB0]  }
0x247: {  	v12 =	vld [tilespmem:s11+$0x80];
	v9 =	vadd.s32 v10, v9  }
0x248: {  	v10 =	vld [tilespmem:s12+$0x0];
	vm0 =	vlt.s32 v9, v6  }
0x249: {  	v9 =	vld [tilespmem:s12+$0x20];
	v7 =	vsel vm0, v7, v8  }
0x24a: {  	v17 =	vld [tilespmem:s12+$0xFFFFFFC0];
	v8 =	vor.u32 $0x40000, v7  }
0x24b: {  	vm0 =	vge.s32 v11, v8;
	v11 =	vld [tilespmem:s12+$0xFFFFFFF0]  }
0x24c: {  	v18 =	vld [tilespmem:s12+$0x40];
	v16 =	vimm.s32 $0x0;
	vm2 =	vge.s32 v13, v8;
	vm3 =	vge.s32 v12, v8  }
0x24d: {  	v14 =	vld [tilespmem:s12+$0xFFFFFFD0];
	v15 =	vsel vm0, $0x1, v3;
	vm0 =	vge.s32 v10, v8;
	v20 =	vsel vm2, $0x1, v3  }
0x24e: {  	v15 =	vadd.s32 v15, v16;
	vm1 =	vge.s32 v9, v8;
	v9 =	vld [tilespmem:s12+$0x10];
	v12 =	vsel vm0, $0x1, v3  }
0x24f: {  	s30 =	simm.s32 $0xA0;
	v10 =	vld [tilespmem:s31+$0xFFFFFFB0];
	v13 =	vsel vm1, $0x1, v3;
	vm1 =	vge.s32 v17, v8;
	v17 =	vadd.s32 v20, v16  }
0x250: {  	v62 =	vld [tilespmem:s31+$0x0];
	s11 =	sand.u32 $0x7FE0, s30;
	v23 =	vsel vm1, $0x1, v3;
	vm1 =	vge.s32 v22, v8;
	vm0 =	vge.s32 v11, v8  }
0x251: {  	v19 =	vld [tilespmem:s11+$0x80];
	v11 =	vsel vm3, $0x1, v3;
	vm3 =	vge.s32 v18, v8;
	v20 =	vsel vm0, $0x1, v3  }
0x252: {  	vm0 =	vge.s32 v14, v8;
	v14 =	vadd.s32 v23, v16;
	v15 =	vadd.s32 v20, v15;
	v20 =	vld [tilespmem:s31+$0xFFFFFFE0]  }
0x253: {  	v18 =	vsel vm3, $0x1, v3;
	v63 =	vsel vm0, $0x1, v3;
	vm2 =	vge.s32 v9, v8;
	v9 =	vld [tilespmem:s31+$0xFFFFFFD0]  }
0x254: {  	vm0 =	vge.s32 v10, v8;
	v14 =	vadd.s32 v12, v14;
	v10 =	vadd.s32 v11, v15;
	v15 =	vld [tilespmem:s31+$0xFFFFFFF0]  }
0x255: {  	v12 =	vsel vm0, $0x1, v3;
	v23 =	vadd.s32 v63, v16;
	v11 =	vadd.s32 v13, v17;
	v17 =	vld [tilespmem:s31+$0xFFFFFFC0]  }
0x256: {  	vm0 =	vge.s32 v62, v8;
	v13 =	vsel vm2, $0x1, v3;
	v16 =	vld [tilespmem:s31+$0x10];
	vm2 =	vge.s32 v19, v8  }
0x257: {  	s11 =	simm.s32 $0x140;
	s12 =	simm.s32 $0x190;
	v12 =	vadd.s32 v12, v10;
	v10 =	vld [tilespmem:s31+$0x40];
	v13 =	vadd.s32 v13, v23;
	vm3 =	vge.s32 v20, v8  }
.LBB2_27:
0x258: {  	v19 =	vld [tilespmem:s12+$0xFFFFFFB0];
	s13 =	sand.u32 $0x7FE0, s11;
	p0 =	sne.s32 s11, $0x4D80;
	s11 =	sadd.s32 $0xA0, s11;
	v20 =	vsel vm0, $0x1, v3;
	v21 =	vsel vm1, $0x1, v3;
	v14 =	vadd.s32 v18, v14  }
0x259: {  	v18 =	vsel vm3, $0x1, v3;
	v22 =	vld [tilespmem:s13+$0x80];
	vm0 =	vge.s32 v15, v8;
	v15 =	vsel vm2, $0x1, v3  }
0x25a: {  	v11 =	vadd.s32 v18, v11;
	v23 =	vld [tilespmem:s12+$0x0];
	vm1 =	vge.s32 v17, v8;
	v17 =	vsel vm0, $0x1, v3  }
0x25b: {  	vm0 =	vge.s32 v9, v8;
	v18 =	vld [tilespmem:s12+$0x20];
	v24 =	vsel vm1, $0x1, v3;
	v12 =	vadd.s32 v17, v12  }
0x25c: {  	v17 =	vsel vm0, $0x1, v3;
	v25 =	vld [tilespmem:s12+$0xFFFFFFE0];
	v14 =	vadd.s32 v24, v14;
	vm2 =	vge.s32 v16, v8  }
.Ltmp13:
0x25d: {  	v12 =	vadd.s32 v15, v12;
	vm0 =	vge.s32 v19, v8;
	v9 =	vld [tilespmem:s12+$0xFFFFFFD0];
	v14 =	vadd.s32 v20, v14;
	(pc) =	sbr.rel @p0 .LBB2_27-.Ltmp13, $4  }
0x25e: {  	v11 =	vadd.s32 v21, v11;
	v13 =	vadd.s32 v17, v13;
	v16 =	vsel vm0, $0x1, v3;
	v15 =	vld [tilespmem:s12+$0xFFFFFFF0]  }
0x25f: {  	vm3 =	vge.s32 v10, v8;
	v12 =	vadd.s32 v16, v12;
	v17 =	vld [tilespmem:s12+$0xFFFFFFC0];
	vm0 =	vge.s32 v23, v8  }
0x260: {  	v19 =	vsel vm2, $0x1, v3;
	vm1 =	vge.s32 v18, v8;
	v10 =	vld [tilespmem:s12+$0x40];
	v18 =	vsel vm3, $0x1, v3  }
0x261: {  	vm2 =	vge.s32 v22, v8;
	v13 =	vadd.s32 v19, v13;
	vm3 =	vge.s32 v25, v8;
	v16 =	vld [tilespmem:s12+$0x10];
	s12 =	sadd.s32 $0xA0, s12  }
0x262: {  	v19 =	vsel vm0, $0x1, v3;
	v20 =	vsel vm1, $0x1, v3;
	v14 =	vadd.s32 v18, v14  }
0x263: {  	v18 =	vsel vm3, $0x1, v3;
	vm0 =	vge.s32 v15, v8;
	v15 =	vsel vm2, $0x1, v3  }
0x264: {  	vm1 =	vge.s32 v17, v8;
	v17 =	vsel vm0, $0x1, v3;
	vm0 =	vge.s32 v9, v8  }
0x265: {  	v21 =	vsel vm1, $0x1, v3;
	v9 =	vadd.s32 v17, v12;
	vm1 =	vge.s32 v10, v8  }
0x266: {  	v12 =	vadd.s32 v21, v14;
	v14 =	vsel vm0, $0x1, v3;
	vm0 =	vge.s32 v16, v8  }
0x267: {  	v9 =	vadd.s32 v15, v9;
	v10 =	vadd.s32 v19, v12;
	v12 =	vsel vm1, $0x1, v3  }
0x268: {  	v13 =	vadd.s32 v14, v13;
	v14 =	vsel vm0, $0x1, v3;
	v10 =	vadd.s32 v12, v10  }
0x269: {  	v11 =	vadd.s32 v18, v11;
	v12 =	vadd.s32 v14, v13;
	v9 =	vadd.s32 v9, v10  }
0x26a: {  	v10 =	vadd.s32 v20, v11;
	v9 =	vadd.s32 v12, v9  }
0x26b: {  	v9 =	vadd.s32 v10, v9  }
0x26c: {  	v10 =	vperm.xlane v9, v0;
	_ =	sdelay $0x1  }
0x26d: {  	v9 =	vadd.s32 v9, v10  }
0x26e: {  	v10 =	vperm.xlane v9, v1;
	_ =	sdelay $0x1  }
0x26f: {  	v9 =	vadd.s32 v10, v9  }
0x270: {  	v10 =	vperm.xlane v9, v2  }
0x271: {  	s31 =	simm.s32 $0xF0  }
0x272: {  	s12 =	simm.s32 $0x50;
	v22 =	vld [tilespmem:s31+$0x20];
	v9 =	vadd.s32 v10, v9  }
0x273: {  	s11 =	simm.s32 $0x0;
	v13 =	vld [tilespmem:s12+$0xFFFFFFE0];
	v10 =	vperm.xlane v9, v4  }
0x274: {  	s11 =	sand.u32 $0x7FE0, s11;
	v11 =	vld [tilespmem:s12+$0xFFFFFFB0]  }
0x275: {  	v12 =	vld [tilespmem:s11+$0x80];
	v9 =	vadd.s32 v10, v9  }
0x276: {  	v10 =	vld [tilespmem:s12+$0x0];
	vm0 =	vlt.s32 v9, v6  }
0x277: {  	v9 =	vld [tilespmem:s12+$0x20];
	v7 =	vsel vm0, v7, v8  }
0x278: {  	v17 =	vld [tilespmem:s12+$0xFFFFFFC0];
	v8 =	vor.u32 $0x20000, v7  }
0x279: {  	vm0 =	vge.s32 v11, v8;
	v11 =	vld [tilespmem:s12+$0xFFFFFFF0]  }
0x27a: {  	v18 =	vld [tilespmem:s12+$0x40];
	v16 =	vimm.s32 $0x0;
	vm2 =	vge.s32 v13, v8;
	vm3 =	vge.s32 v12, v8  }
0x27b: {  	v14 =	vld [tilespmem:s12+$0xFFFFFFD0];
	v15 =	vsel vm0, $0x1, v3;
	vm0 =	vge.s32 v10, v8;
	v20 =	vsel vm2, $0x1, v3  }
0x27c: {  	v15 =	vadd.s32 v15, v16;
	vm1 =	vge.s32 v9, v8;
	v9 =	vld [tilespmem:s12+$0x10];
	v12 =	vsel vm0, $0x1, v3  }
0x27d: {  	s30 =	simm.s32 $0xA0;
	v10 =	vld [tilespmem:s31+$0xFFFFFFB0];
	v13 =	vsel vm1, $0x1, v3;
	vm1 =	vge.s32 v17, v8;
	v17 =	vadd.s32 v20, v16  }
0x27e: {  	v62 =	vld [tilespmem:s31+$0x0];
	s11 =	sand.u32 $0x7FE0, s30;
	v23 =	vsel vm1, $0x1, v3;
	vm1 =	vge.s32 v22, v8;
	vm0 =	vge.s32 v11, v8  }
0x27f: {  	v19 =	vld [tilespmem:s11+$0x80];
	v11 =	vsel vm3, $0x1, v3;
	vm3 =	vge.s32 v18, v8;
	v20 =	vsel vm0, $0x1, v3  }
0x280: {  	vm0 =	vge.s32 v14, v8;
	v14 =	vadd.s32 v23, v16;
	v15 =	vadd.s32 v20, v15;
	v20 =	vld [tilespmem:s31+$0xFFFFFFE0]  }
0x281: {  	v18 =	vsel vm3, $0x1, v3;
	v63 =	vsel vm0, $0x1, v3;
	vm2 =	vge.s32 v9, v8;
	v9 =	vld [tilespmem:s31+$0xFFFFFFD0]  }
0x282: {  	vm0 =	vge.s32 v10, v8;
	v14 =	vadd.s32 v12, v14;
	v10 =	vadd.s32 v11, v15;
	v15 =	vld [tilespmem:s31+$0xFFFFFFF0]  }
0x283: {  	v12 =	vsel vm0, $0x1, v3;
	v23 =	vadd.s32 v63, v16;
	v11 =	vadd.s32 v13, v17;
	v17 =	vld [tilespmem:s31+$0xFFFFFFC0]  }
0x284: {  	vm0 =	vge.s32 v62, v8;
	v13 =	vsel vm2, $0x1, v3;
	v16 =	vld [tilespmem:s31+$0x10];
	vm2 =	vge.s32 v19, v8  }
0x285: {  	s11 =	simm.s32 $0x140;
	s12 =	simm.s32 $0x190;
	v12 =	vadd.s32 v12, v10;
	v10 =	vld [tilespmem:s31+$0x40];
	v13 =	vadd.s32 v13, v23;
	vm3 =	vge.s32 v20, v8  }
.LBB2_29:
0x286: {  	v19 =	vld [tilespmem:s12+$0xFFFFFFB0];
	s13 =	sand.u32 $0x7FE0, s11;
	p0 =	sne.s32 s11, $0x4D80;
	s11 =	sadd.s32 $0xA0, s11;
	v20 =	vsel vm0, $0x1, v3;
	v21 =	vsel vm1, $0x1, v3;
	v14 =	vadd.s32 v18, v14  }
0x287: {  	v18 =	vsel vm3, $0x1, v3;
	v22 =	vld [tilespmem:s13+$0x80];
	vm0 =	vge.s32 v15, v8;
	v15 =	vsel vm2, $0x1, v3  }
0x288: {  	v11 =	vadd.s32 v18, v11;
	v23 =	vld [tilespmem:s12+$0x0];
	vm1 =	vge.s32 v17, v8;
	v17 =	vsel vm0, $0x1, v3  }
0x289: {  	vm0 =	vge.s32 v9, v8;
	v18 =	vld [tilespmem:s12+$0x20];
	v24 =	vsel vm1, $0x1, v3;
	v12 =	vadd.s32 v17, v12  }
0x28a: {  	v17 =	vsel vm0, $0x1, v3;
	v25 =	vld [tilespmem:s12+$0xFFFFFFE0];
	v14 =	vadd.s32 v24, v14;
	vm2 =	vge.s32 v16, v8  }
.Ltmp14:
0x28b: {  	v12 =	vadd.s32 v15, v12;
	vm0 =	vge.s32 v19, v8;
	v9 =	vld [tilespmem:s12+$0xFFFFFFD0];
	v14 =	vadd.s32 v20, v14;
	(pc) =	sbr.rel @p0 .LBB2_29-.Ltmp14, $4  }
0x28c: {  	v11 =	vadd.s32 v21, v11;
	v13 =	vadd.s32 v17, v13;
	v16 =	vsel vm0, $0x1, v3;
	v15 =	vld [tilespmem:s12+$0xFFFFFFF0]  }
0x28d: {  	vm3 =	vge.s32 v10, v8;
	v12 =	vadd.s32 v16, v12;
	v17 =	vld [tilespmem:s12+$0xFFFFFFC0];
	vm0 =	vge.s32 v23, v8  }
0x28e: {  	v19 =	vsel vm2, $0x1, v3;
	vm1 =	vge.s32 v18, v8;
	v10 =	vld [tilespmem:s12+$0x40];
	v18 =	vsel vm3, $0x1, v3  }
0x28f: {  	vm2 =	vge.s32 v22, v8;
	v13 =	vadd.s32 v19, v13;
	vm3 =	vge.s32 v25, v8;
	v16 =	vld [tilespmem:s12+$0x10];
	s12 =	sadd.s32 $0xA0, s12  }
0x290: {  	v19 =	vsel vm0, $0x1, v3;
	v20 =	vsel vm1, $0x1, v3;
	v14 =	vadd.s32 v18, v14  }
0x291: {  	v18 =	vsel vm3, $0x1, v3;
	vm0 =	vge.s32 v15, v8;
	v15 =	vsel vm2, $0x1, v3  }
0x292: {  	vm1 =	vge.s32 v17, v8;
	v17 =	vsel vm0, $0x1, v3;
	vm0 =	vge.s32 v9, v8  }
0x293: {  	v21 =	vsel vm1, $0x1, v3;
	v9 =	vadd.s32 v17, v12;
	vm1 =	vge.s32 v10, v8  }
0x294: {  	v12 =	vadd.s32 v21, v14;
	v14 =	vsel vm0, $0x1, v3;
	vm0 =	vge.s32 v16, v8  }
0x295: {  	v9 =	vadd.s32 v15, v9;
	v10 =	vadd.s32 v19, v12;
	v12 =	vsel vm1, $0x1, v3  }
0x296: {  	v13 =	vadd.s32 v14, v13;
	v14 =	vsel vm0, $0x1, v3;
	v10 =	vadd.s32 v12, v10  }
0x297: {  	v11 =	vadd.s32 v18, v11;
	v12 =	vadd.s32 v14, v13;
	v9 =	vadd.s32 v9, v10  }
0x298: {  	v10 =	vadd.s32 v20, v11;
	v9 =	vadd.s32 v12, v9  }
0x299: {  	v9 =	vadd.s32 v10, v9  }
0x29a: {  	v10 =	vperm.xlane v9, v0;
	_ =	sdelay $0x1  }
0x29b: {  	v9 =	vadd.s32 v9, v10  }
0x29c: {  	v10 =	vperm.xlane v9, v1;
	_ =	sdelay $0x1  }
0x29d: {  	v9 =	vadd.s32 v10, v9  }
0x29e: {  	v10 =	vperm.xlane v9, v2  }
0x29f: {  	s31 =	simm.s32 $0xF0  }
0x2a0: {  	s12 =	simm.s32 $0x50;
	v22 =	vld [tilespmem:s31+$0x20];
	v9 =	vadd.s32 v10, v9  }
0x2a1: {  	s11 =	simm.s32 $0x0;
	v13 =	vld [tilespmem:s12+$0xFFFFFFE0];
	v10 =	vperm.xlane v9, v4  }
0x2a2: {  	s11 =	sand.u32 $0x7FE0, s11;
	v11 =	vld [tilespmem:s12+$0xFFFFFFB0]  }
0x2a3: {  	v12 =	vld [tilespmem:s11+$0x80];
	v9 =	vadd.s32 v10, v9  }
0x2a4: {  	v10 =	vld [tilespmem:s12+$0x0];
	vm0 =	vlt.s32 v9, v6  }
0x2a5: {  	v9 =	vld [tilespmem:s12+$0x20];
	v7 =	vsel vm0, v7, v8  }
0x2a6: {  	v17 =	vld [tilespmem:s12+$0xFFFFFFC0];
	v8 =	vor.u32 $0x10000, v7  }
0x2a7: {  	vm0 =	vge.s32 v11, v8;
	v11 =	vld [tilespmem:s12+$0xFFFFFFF0]  }
0x2a8: {  	v18 =	vld [tilespmem:s12+$0x40];
	v16 =	vimm.s32 $0x0;
	vm2 =	vge.s32 v13, v8;
	vm3 =	vge.s32 v12, v8  }
0x2a9: {  	v14 =	vld [tilespmem:s12+$0xFFFFFFD0];
	v15 =	vsel vm0, $0x1, v3;
	vm0 =	vge.s32 v10, v8;
	v20 =	vsel vm2, $0x1, v3  }
0x2aa: {  	v15 =	vadd.s32 v15, v16;
	vm1 =	vge.s32 v9, v8;
	v9 =	vld [tilespmem:s12+$0x10];
	v12 =	vsel vm0, $0x1, v3  }
0x2ab: {  	s30 =	simm.s32 $0xA0;
	v10 =	vld [tilespmem:s31+$0xFFFFFFB0];
	v13 =	vsel vm1, $0x1, v3;
	vm1 =	vge.s32 v17, v8;
	v17 =	vadd.s32 v20, v16  }
0x2ac: {  	v62 =	vld [tilespmem:s31+$0x0];
	s11 =	sand.u32 $0x7FE0, s30;
	v23 =	vsel vm1, $0x1, v3;
	vm1 =	vge.s32 v22, v8;
	vm0 =	vge.s32 v11, v8  }
0x2ad: {  	v19 =	vld [tilespmem:s11+$0x80];
	v11 =	vsel vm3, $0x1, v3;
	vm3 =	vge.s32 v18, v8;
	v20 =	vsel vm0, $0x1, v3  }
0x2ae: {  	vm0 =	vge.s32 v14, v8;
	v14 =	vadd.s32 v23, v16;
	v15 =	vadd.s32 v20, v15;
	v20 =	vld [tilespmem:s31+$0xFFFFFFE0]  }
0x2af: {  	v18 =	vsel vm3, $0x1, v3;
	v63 =	vsel vm0, $0x1, v3;
	vm2 =	vge.s32 v9, v8;
	v9 =	vld [tilespmem:s31+$0xFFFFFFD0]  }
0x2b0: {  	vm0 =	vge.s32 v10, v8;
	v14 =	vadd.s32 v12, v14;
	v10 =	vadd.s32 v11, v15;
	v15 =	vld [tilespmem:s31+$0xFFFFFFF0]  }
0x2b1: {  	v12 =	vsel vm0, $0x1, v3;
	v23 =	vadd.s32 v63, v16;
	v11 =	vadd.s32 v13, v17;
	v17 =	vld [tilespmem:s31+$0xFFFFFFC0]  }
0x2b2: {  	vm0 =	vge.s32 v62, v8;
	v13 =	vsel vm2, $0x1, v3;
	v16 =	vld [tilespmem:s31+$0x10];
	vm2 =	vge.s32 v19, v8  }
0x2b3: {  	s11 =	simm.s32 $0x140;
	s12 =	simm.s32 $0x190;
	v12 =	vadd.s32 v12, v10;
	v10 =	vld [tilespmem:s31+$0x40];
	v13 =	vadd.s32 v13, v23;
	vm3 =	vge.s32 v20, v8  }
.LBB2_31:
0x2b4: {  	v19 =	vld [tilespmem:s12+$0xFFFFFFB0];
	s13 =	sand.u32 $0x7FE0, s11;
	p0 =	sne.s32 s11, $0x4D80;
	s11 =	sadd.s32 $0xA0, s11;
	v20 =	vsel vm0, $0x1, v3;
	v21 =	vsel vm1, $0x1, v3;
	v14 =	vadd.s32 v18, v14  }
0x2b5: {  	v18 =	vsel vm3, $0x1, v3;
	v22 =	vld [tilespmem:s13+$0x80];
	vm0 =	vge.s32 v15, v8;
	v15 =	vsel vm2, $0x1, v3  }
0x2b6: {  	v11 =	vadd.s32 v18, v11;
	v23 =	vld [tilespmem:s12+$0x0];
	vm1 =	vge.s32 v17, v8;
	v17 =	vsel vm0, $0x1, v3  }
0x2b7: {  	vm0 =	vge.s32 v9, v8;
	v18 =	vld [tilespmem:s12+$0x20];
	v24 =	vsel vm1, $0x1, v3;
	v12 =	vadd.s32 v17, v12  }
0x2b8: {  	v17 =	vsel vm0, $0x1, v3;
	v25 =	vld [tilespmem:s12+$0xFFFFFFE0];
	v14 =	vadd.s32 v24, v14;
	vm2 =	vge.s32 v16, v8  }
.Ltmp15:
0x2b9: {  	v12 =	vadd.s32 v15, v12;
	vm0 =	vge.s32 v19, v8;
	v9 =	vld [tilespmem:s12+$0xFFFFFFD0];
	v14 =	vadd.s32 v20, v14;
	(pc) =	sbr.rel @p0 .LBB2_31-.Ltmp15, $4  }
0x2ba: {  	v11 =	vadd.s32 v21, v11;
	v13 =	vadd.s32 v17, v13;
	v16 =	vsel vm0, $0x1, v3;
	v15 =	vld [tilespmem:s12+$0xFFFFFFF0]  }
0x2bb: {  	vm3 =	vge.s32 v10, v8;
	v12 =	vadd.s32 v16, v12;
	v17 =	vld [tilespmem:s12+$0xFFFFFFC0];
	vm0 =	vge.s32 v23, v8  }
0x2bc: {  	v19 =	vsel vm2, $0x1, v3;
	vm1 =	vge.s32 v18, v8;
	v10 =	vld [tilespmem:s12+$0x40];
	v18 =	vsel vm3, $0x1, v3  }
0x2bd: {  	vm2 =	vge.s32 v22, v8;
	v13 =	vadd.s32 v19, v13;
	vm3 =	vge.s32 v25, v8;
	v16 =	vld [tilespmem:s12+$0x10];
	s12 =	sadd.s32 $0xA0, s12  }
0x2be: {  	v19 =	vsel vm0, $0x1, v3;
	v20 =	vsel vm1, $0x1, v3;
	v14 =	vadd.s32 v18, v14  }
0x2bf: {  	v18 =	vsel vm3, $0x1, v3;
	vm0 =	vge.s32 v15, v8;
	v15 =	vsel vm2, $0x1, v3  }
0x2c0: {  	vm1 =	vge.s32 v17, v8;
	v17 =	vsel vm0, $0x1, v3;
	vm0 =	vge.s32 v9, v8  }
0x2c1: {  	v21 =	vsel vm1, $0x1, v3;
	v9 =	vadd.s32 v17, v12;
	vm1 =	vge.s32 v10, v8  }
0x2c2: {  	v12 =	vadd.s32 v21, v14;
	v14 =	vsel vm0, $0x1, v3;
	vm0 =	vge.s32 v16, v8  }
0x2c3: {  	v9 =	vadd.s32 v15, v9;
	v10 =	vadd.s32 v19, v12;
	v12 =	vsel vm1, $0x1, v3  }
0x2c4: {  	v13 =	vadd.s32 v14, v13;
	v14 =	vsel vm0, $0x1, v3;
	v10 =	vadd.s32 v12, v10  }
0x2c5: {  	v11 =	vadd.s32 v18, v11;
	v12 =	vadd.s32 v14, v13;
	v9 =	vadd.s32 v9, v10  }
0x2c6: {  	v10 =	vadd.s32 v20, v11;
	v9 =	vadd.s32 v12, v9  }
0x2c7: {  	v9 =	vadd.s32 v10, v9  }
0x2c8: {  	v10 =	vperm.xlane v9, v0;
	_ =	sdelay $0x1  }
0x2c9: {  	v9 =	vadd.s32 v9, v10  }
0x2ca: {  	v10 =	vperm.xlane v9, v1;
	_ =	sdelay $0x1  }
0x2cb: {  	v9 =	vadd.s32 v10, v9  }
0x2cc: {  	v10 =	vperm.xlane v9, v2  }
0x2cd: {  	s31 =	simm.s32 $0xF0  }
0x2ce: {  	s12 =	simm.s32 $0x50;
	v22 =	vld [tilespmem:s31+$0x20];
	v9 =	vadd.s32 v10, v9  }
0x2cf: {  	s11 =	simm.s32 $0x0;
	v13 =	vld [tilespmem:s12+$0xFFFFFFE0];
	v10 =	vperm.xlane v9, v4  }
0x2d0: {  	s11 =	sand.u32 $0x7FE0, s11;
	v11 =	vld [tilespmem:s12+$0xFFFFFFB0]  }
0x2d1: {  	v12 =	vld [tilespmem:s11+$0x80];
	v9 =	vadd.s32 v10, v9  }
0x2d2: {  	v10 =	vld [tilespmem:s12+$0x0];
	vm0 =	vlt.s32 v9, v6  }
0x2d3: {  	v9 =	vld [tilespmem:s12+$0x20];
	v7 =	vsel vm0, v7, v8  }
0x2d4: {  	v17 =	vld [tilespmem:s12+$0xFFFFFFC0];
	v8 =	vor.u32 $0x8000, v7  }
0x2d5: {  	vm0 =	vge.s32 v11, v8;
	v11 =	vld [tilespmem:s12+$0xFFFFFFF0]  }
0x2d6: {  	v18 =	vld [tilespmem:s12+$0x40];
	v16 =	vimm.s32 $0x0;
	vm2 =	vge.s32 v13, v8;
	vm3 =	vge.s32 v12, v8  }
0x2d7: {  	v14 =	vld [tilespmem:s12+$0xFFFFFFD0];
	v15 =	vsel vm0, $0x1, v3;
	vm0 =	vge.s32 v10, v8;
	v20 =	vsel vm2, $0x1, v3  }
0x2d8: {  	v15 =	vadd.s32 v15, v16;
	vm1 =	vge.s32 v9, v8;
	v9 =	vld [tilespmem:s12+$0x10];
	v12 =	vsel vm0, $0x1, v3  }
0x2d9: {  	s30 =	simm.s32 $0xA0;
	v10 =	vld [tilespmem:s31+$0xFFFFFFB0];
	v13 =	vsel vm1, $0x1, v3;
	vm1 =	vge.s32 v17, v8;
	v17 =	vadd.s32 v20, v16  }
0x2da: {  	v62 =	vld [tilespmem:s31+$0x0];
	s11 =	sand.u32 $0x7FE0, s30;
	v23 =	vsel vm1, $0x1, v3;
	vm1 =	vge.s32 v22, v8;
	vm0 =	vge.s32 v11, v8  }
0x2db: {  	v19 =	vld [tilespmem:s11+$0x80];
	v11 =	vsel vm3, $0x1, v3;
	vm3 =	vge.s32 v18, v8;
	v20 =	vsel vm0, $0x1, v3  }
0x2dc: {  	vm0 =	vge.s32 v14, v8;
	v14 =	vadd.s32 v23, v16;
	v15 =	vadd.s32 v20, v15;
	v20 =	vld [tilespmem:s31+$0xFFFFFFE0]  }
0x2dd: {  	v18 =	vsel vm3, $0x1, v3;
	v63 =	vsel vm0, $0x1, v3;
	vm2 =	vge.s32 v9, v8;
	v9 =	vld [tilespmem:s31+$0xFFFFFFD0]  }
0x2de: {  	vm0 =	vge.s32 v10, v8;
	v14 =	vadd.s32 v12, v14;
	v10 =	vadd.s32 v11, v15;
	v15 =	vld [tilespmem:s31+$0xFFFFFFF0]  }
0x2df: {  	v12 =	vsel vm0, $0x1, v3;
	v23 =	vadd.s32 v63, v16;
	v11 =	vadd.s32 v13, v17;
	v17 =	vld [tilespmem:s31+$0xFFFFFFC0]  }
0x2e0: {  	vm0 =	vge.s32 v62, v8;
	v13 =	vsel vm2, $0x1, v3;
	v16 =	vld [tilespmem:s31+$0x10];
	vm2 =	vge.s32 v19, v8  }
0x2e1: {  	s11 =	simm.s32 $0x140;
	s12 =	simm.s32 $0x190;
	v12 =	vadd.s32 v12, v10;
	v10 =	vld [tilespmem:s31+$0x40];
	v13 =	vadd.s32 v13, v23;
	vm3 =	vge.s32 v20, v8  }
.LBB2_33:
0x2e2: {  	v19 =	vld [tilespmem:s12+$0xFFFFFFB0];
	s13 =	sand.u32 $0x7FE0, s11;
	p0 =	sne.s32 s11, $0x4D80;
	s11 =	sadd.s32 $0xA0, s11;
	v20 =	vsel vm0, $0x1, v3;
	v21 =	vsel vm1, $0x1, v3;
	v14 =	vadd.s32 v18, v14  }
0x2e3: {  	v18 =	vsel vm3, $0x1, v3;
	v22 =	vld [tilespmem:s13+$0x80];
	vm0 =	vge.s32 v15, v8;
	v15 =	vsel vm2, $0x1, v3  }
0x2e4: {  	v11 =	vadd.s32 v18, v11;
	v23 =	vld [tilespmem:s12+$0x0];
	vm1 =	vge.s32 v17, v8;
	v17 =	vsel vm0, $0x1, v3  }
0x2e5: {  	vm0 =	vge.s32 v9, v8;
	v18 =	vld [tilespmem:s12+$0x20];
	v24 =	vsel vm1, $0x1, v3;
	v12 =	vadd.s32 v17, v12  }
0x2e6: {  	v17 =	vsel vm0, $0x1, v3;
	v25 =	vld [tilespmem:s12+$0xFFFFFFE0];
	v14 =	vadd.s32 v24, v14;
	vm2 =	vge.s32 v16, v8  }
.Ltmp16:
0x2e7: {  	v12 =	vadd.s32 v15, v12;
	vm0 =	vge.s32 v19, v8;
	v9 =	vld [tilespmem:s12+$0xFFFFFFD0];
	v14 =	vadd.s32 v20, v14;
	(pc) =	sbr.rel @p0 .LBB2_33-.Ltmp16, $4  }
0x2e8: {  	v11 =	vadd.s32 v21, v11;
	v13 =	vadd.s32 v17, v13;
	v16 =	vsel vm0, $0x1, v3;
	v15 =	vld [tilespmem:s12+$0xFFFFFFF0]  }
0x2e9: {  	vm3 =	vge.s32 v10, v8;
	v12 =	vadd.s32 v16, v12;
	v17 =	vld [tilespmem:s12+$0xFFFFFFC0];
	vm0 =	vge.s32 v23, v8  }
0x2ea: {  	v19 =	vsel vm2, $0x1, v3;
	vm1 =	vge.s32 v18, v8;
	v10 =	vld [tilespmem:s12+$0x40];
	v18 =	vsel vm3, $0x1, v3  }
0x2eb: {  	vm2 =	vge.s32 v22, v8;
	v13 =	vadd.s32 v19, v13;
	vm3 =	vge.s32 v25, v8;
	v16 =	vld [tilespmem:s12+$0x10];
	s12 =	sadd.s32 $0xA0, s12  }
0x2ec: {  	v19 =	vsel vm0, $0x1, v3;
	v20 =	vsel vm1, $0x1, v3;
	v14 =	vadd.s32 v18, v14  }
0x2ed: {  	v18 =	vsel vm3, $0x1, v3;
	vm0 =	vge.s32 v15, v8;
	v15 =	vsel vm2, $0x1, v3  }
0x2ee: {  	vm1 =	vge.s32 v17, v8;
	v17 =	vsel vm0, $0x1, v3;
	vm0 =	vge.s32 v9, v8  }
0x2ef: {  	v21 =	vsel vm1, $0x1, v3;
	v9 =	vadd.s32 v17, v12;
	vm1 =	vge.s32 v10, v8  }
0x2f0: {  	v12 =	vadd.s32 v21, v14;
	v14 =	vsel vm0, $0x1, v3;
	vm0 =	vge.s32 v16, v8  }
0x2f1: {  	v9 =	vadd.s32 v15, v9;
	v10 =	vadd.s32 v19, v12;
	v12 =	vsel vm1, $0x1, v3  }
0x2f2: {  	v13 =	vadd.s32 v14, v13;
	v14 =	vsel vm0, $0x1, v3;
	v10 =	vadd.s32 v12, v10  }
0x2f3: {  	v11 =	vadd.s32 v18, v11;
	v12 =	vadd.s32 v14, v13;
	v9 =	vadd.s32 v9, v10  }
0x2f4: {  	v10 =	vadd.s32 v20, v11;
	v9 =	vadd.s32 v12, v9  }
0x2f5: {  	v9 =	vadd.s32 v10, v9  }
0x2f6: {  	v10 =	vperm.xlane v9, v0;
	_ =	sdelay $0x1  }
0x2f7: {  	v9 =	vadd.s32 v9, v10  }
0x2f8: {  	v10 =	vperm.xlane v9, v1;
	_ =	sdelay $0x1  }
0x2f9: {  	v9 =	vadd.s32 v10, v9  }
0x2fa: {  	v10 =	vperm.xlane v9, v2  }
0x2fb: {  	s31 =	simm.s32 $0xF0  }
0x2fc: {  	s12 =	simm.s32 $0x50;
	v22 =	vld [tilespmem:s31+$0x20];
	v9 =	vadd.s32 v10, v9  }
0x2fd: {  	s11 =	simm.s32 $0x0;
	v13 =	vld [tilespmem:s12+$0xFFFFFFE0];
	v10 =	vperm.xlane v9, v4  }
0x2fe: {  	s11 =	sand.u32 $0x7FE0, s11;
	v11 =	vld [tilespmem:s12+$0xFFFFFFB0]  }
0x2ff: {  	v12 =	vld [tilespmem:s11+$0x80];
	v9 =	vadd.s32 v10, v9  }
0x300: {  	v10 =	vld [tilespmem:s12+$0x0];
	vm0 =	vlt.s32 v9, v6  }
0x301: {  	v9 =	vld [tilespmem:s12+$0x20];
	v7 =	vsel vm0, v7, v8  }
0x302: {  	v17 =	vld [tilespmem:s12+$0xFFFFFFC0];
	v8 =	vor.u32 $0x4000, v7  }
0x303: {  	vm0 =	vge.s32 v11, v8;
	v11 =	vld [tilespmem:s12+$0xFFFFFFF0]  }
0x304: {  	v18 =	vld [tilespmem:s12+$0x40];
	v16 =	vimm.s32 $0x0;
	vm2 =	vge.s32 v13, v8;
	vm3 =	vge.s32 v12, v8  }
0x305: {  	v14 =	vld [tilespmem:s12+$0xFFFFFFD0];
	v15 =	vsel vm0, $0x1, v3;
	vm0 =	vge.s32 v10, v8;
	v20 =	vsel vm2, $0x1, v3  }
0x306: {  	v15 =	vadd.s32 v15, v16;
	vm1 =	vge.s32 v9, v8;
	v9 =	vld [tilespmem:s12+$0x10];
	v12 =	vsel vm0, $0x1, v3  }
0x307: {  	s30 =	simm.s32 $0xA0;
	v10 =	vld [tilespmem:s31+$0xFFFFFFB0];
	v13 =	vsel vm1, $0x1, v3;
	vm1 =	vge.s32 v17, v8;
	v17 =	vadd.s32 v20, v16  }
0x308: {  	v62 =	vld [tilespmem:s31+$0x0];
	s11 =	sand.u32 $0x7FE0, s30;
	v23 =	vsel vm1, $0x1, v3;
	vm1 =	vge.s32 v22, v8;
	vm0 =	vge.s32 v11, v8  }
0x309: {  	v19 =	vld [tilespmem:s11+$0x80];
	v11 =	vsel vm3, $0x1, v3;
	vm3 =	vge.s32 v18, v8;
	v20 =	vsel vm0, $0x1, v3  }
0x30a: {  	vm0 =	vge.s32 v14, v8;
	v14 =	vadd.s32 v23, v16;
	v15 =	vadd.s32 v20, v15;
	v20 =	vld [tilespmem:s31+$0xFFFFFFE0]  }
0x30b: {  	v18 =	vsel vm3, $0x1, v3;
	v63 =	vsel vm0, $0x1, v3;
	vm2 =	vge.s32 v9, v8;
	v9 =	vld [tilespmem:s31+$0xFFFFFFD0]  }
0x30c: {  	vm0 =	vge.s32 v10, v8;
	v14 =	vadd.s32 v12, v14;
	v10 =	vadd.s32 v11, v15;
	v15 =	vld [tilespmem:s31+$0xFFFFFFF0]  }
0x30d: {  	v12 =	vsel vm0, $0x1, v3;
	v23 =	vadd.s32 v63, v16;
	v11 =	vadd.s32 v13, v17;
	v17 =	vld [tilespmem:s31+$0xFFFFFFC0]  }
0x30e: {  	vm0 =	vge.s32 v62, v8;
	v13 =	vsel vm2, $0x1, v3;
	v16 =	vld [tilespmem:s31+$0x10];
	vm2 =	vge.s32 v19, v8  }
0x30f: {  	s11 =	simm.s32 $0x140;
	s12 =	simm.s32 $0x190;
	v12 =	vadd.s32 v12, v10;
	v10 =	vld [tilespmem:s31+$0x40];
	v13 =	vadd.s32 v13, v23;
	vm3 =	vge.s32 v20, v8  }
.LBB2_35:
0x310: {  	v19 =	vld [tilespmem:s12+$0xFFFFFFB0];
	s13 =	sand.u32 $0x7FE0, s11;
	p0 =	sne.s32 s11, $0x4D80;
	s11 =	sadd.s32 $0xA0, s11;
	v20 =	vsel vm0, $0x1, v3;
	v21 =	vsel vm1, $0x1, v3;
	v14 =	vadd.s32 v18, v14  }
0x311: {  	v18 =	vsel vm3, $0x1, v3;
	v22 =	vld [tilespmem:s13+$0x80];
	vm0 =	vge.s32 v15, v8;
	v15 =	vsel vm2, $0x1, v3  }
0x312: {  	v11 =	vadd.s32 v18, v11;
	v23 =	vld [tilespmem:s12+$0x0];
	vm1 =	vge.s32 v17, v8;
	v17 =	vsel vm0, $0x1, v3  }
0x313: {  	vm0 =	vge.s32 v9, v8;
	v18 =	vld [tilespmem:s12+$0x20];
	v24 =	vsel vm1, $0x1, v3;
	v12 =	vadd.s32 v17, v12  }
0x314: {  	v17 =	vsel vm0, $0x1, v3;
	v25 =	vld [tilespmem:s12+$0xFFFFFFE0];
	v14 =	vadd.s32 v24, v14;
	vm2 =	vge.s32 v16, v8  }
.Ltmp17:
0x315: {  	v12 =	vadd.s32 v15, v12;
	vm0 =	vge.s32 v19, v8;
	v9 =	vld [tilespmem:s12+$0xFFFFFFD0];
	v14 =	vadd.s32 v20, v14;
	(pc) =	sbr.rel @p0 .LBB2_35-.Ltmp17, $4  }
0x316: {  	v11 =	vadd.s32 v21, v11;
	v13 =	vadd.s32 v17, v13;
	v16 =	vsel vm0, $0x1, v3;
	v15 =	vld [tilespmem:s12+$0xFFFFFFF0]  }
0x317: {  	vm3 =	vge.s32 v10, v8;
	v12 =	vadd.s32 v16, v12;
	v17 =	vld [tilespmem:s12+$0xFFFFFFC0];
	vm0 =	vge.s32 v23, v8  }
0x318: {  	v19 =	vsel vm2, $0x1, v3;
	vm1 =	vge.s32 v18, v8;
	v10 =	vld [tilespmem:s12+$0x40];
	v18 =	vsel vm3, $0x1, v3  }
0x319: {  	vm2 =	vge.s32 v22, v8;
	v13 =	vadd.s32 v19, v13;
	vm3 =	vge.s32 v25, v8;
	v16 =	vld [tilespmem:s12+$0x10];
	s12 =	sadd.s32 $0xA0, s12  }
0x31a: {  	v19 =	vsel vm0, $0x1, v3;
	v20 =	vsel vm1, $0x1, v3;
	v14 =	vadd.s32 v18, v14  }
0x31b: {  	v18 =	vsel vm3, $0x1, v3;
	vm0 =	vge.s32 v15, v8;
	v15 =	vsel vm2, $0x1, v3  }
0x31c: {  	vm1 =	vge.s32 v17, v8;
	v17 =	vsel vm0, $0x1, v3;
	vm0 =	vge.s32 v9, v8  }
0x31d: {  	v21 =	vsel vm1, $0x1, v3;
	v9 =	vadd.s32 v17, v12;
	vm1 =	vge.s32 v10, v8  }
0x31e: {  	v12 =	vadd.s32 v21, v14;
	v14 =	vsel vm0, $0x1, v3;
	vm0 =	vge.s32 v16, v8  }
0x31f: {  	v9 =	vadd.s32 v15, v9;
	v10 =	vadd.s32 v19, v12;
	v12 =	vsel vm1, $0x1, v3  }
0x320: {  	v13 =	vadd.s32 v14, v13;
	v14 =	vsel vm0, $0x1, v3;
	v10 =	vadd.s32 v12, v10  }
0x321: {  	v11 =	vadd.s32 v18, v11;
	v12 =	vadd.s32 v14, v13;
	v9 =	vadd.s32 v9, v10  }
0x322: {  	v10 =	vadd.s32 v20, v11;
	v9 =	vadd.s32 v12, v9  }
0x323: {  	v9 =	vadd.s32 v10, v9  }
0x324: {  	v10 =	vperm.xlane v9, v0;
	_ =	sdelay $0x1  }
0x325: {  	v9 =	vadd.s32 v9, v10  }
0x326: {  	v10 =	vperm.xlane v9, v1;
	_ =	sdelay $0x1  }
0x327: {  	v9 =	vadd.s32 v10, v9  }
0x328: {  	v10 =	vperm.xlane v9, v2  }
0x329: {  	s31 =	simm.s32 $0xF0  }
0x32a: {  	s12 =	simm.s32 $0x50;
	v22 =	vld [tilespmem:s31+$0x20];
	v9 =	vadd.s32 v10, v9  }
0x32b: {  	s11 =	simm.s32 $0x0;
	v13 =	vld [tilespmem:s12+$0xFFFFFFE0];
	v10 =	vperm.xlane v9, v4  }
0x32c: {  	s11 =	sand.u32 $0x7FE0, s11;
	v11 =	vld [tilespmem:s12+$0xFFFFFFB0]  }
0x32d: {  	v12 =	vld [tilespmem:s11+$0x80];
	v9 =	vadd.s32 v10, v9  }
0x32e: {  	v10 =	vld [tilespmem:s12+$0x0];
	vm0 =	vlt.s32 v9, v6  }
0x32f: {  	v9 =	vld [tilespmem:s12+$0x20];
	v7 =	vsel vm0, v7, v8  }
0x330: {  	v17 =	vld [tilespmem:s12+$0xFFFFFFC0];
	v8 =	vor.u32 $0x2000, v7  }
0x331: {  	vm0 =	vge.s32 v11, v8;
	v11 =	vld [tilespmem:s12+$0xFFFFFFF0]  }
0x332: {  	v18 =	vld [tilespmem:s12+$0x40];
	v16 =	vimm.s32 $0x0;
	vm2 =	vge.s32 v13, v8;
	vm3 =	vge.s32 v12, v8  }
0x333: {  	v14 =	vld [tilespmem:s12+$0xFFFFFFD0];
	v15 =	vsel vm0, $0x1, v3;
	vm0 =	vge.s32 v10, v8;
	v20 =	vsel vm2, $0x1, v3  }
0x334: {  	v15 =	vadd.s32 v15, v16;
	vm1 =	vge.s32 v9, v8;
	v9 =	vld [tilespmem:s12+$0x10];
	v12 =	vsel vm0, $0x1, v3  }
0x335: {  	s30 =	simm.s32 $0xA0;
	v10 =	vld [tilespmem:s31+$0xFFFFFFB0];
	v13 =	vsel vm1, $0x1, v3;
	vm1 =	vge.s32 v17, v8;
	v17 =	vadd.s32 v20, v16  }
0x336: {  	v62 =	vld [tilespmem:s31+$0x0];
	s11 =	sand.u32 $0x7FE0, s30;
	v23 =	vsel vm1, $0x1, v3;
	vm1 =	vge.s32 v22, v8;
	vm0 =	vge.s32 v11, v8  }
0x337: {  	v19 =	vld [tilespmem:s11+$0x80];
	v11 =	vsel vm3, $0x1, v3;
	vm3 =	vge.s32 v18, v8;
	v20 =	vsel vm0, $0x1, v3  }
0x338: {  	vm0 =	vge.s32 v14, v8;
	v14 =	vadd.s32 v23, v16;
	v15 =	vadd.s32 v20, v15;
	v20 =	vld [tilespmem:s31+$0xFFFFFFE0]  }
0x339: {  	v18 =	vsel vm3, $0x1, v3;
	v63 =	vsel vm0, $0x1, v3;
	vm2 =	vge.s32 v9, v8;
	v9 =	vld [tilespmem:s31+$0xFFFFFFD0]  }
0x33a: {  	vm0 =	vge.s32 v10, v8;
	v14 =	vadd.s32 v12, v14;
	v10 =	vadd.s32 v11, v15;
	v15 =	vld [tilespmem:s31+$0xFFFFFFF0]  }
0x33b: {  	v12 =	vsel vm0, $0x1, v3;
	v23 =	vadd.s32 v63, v16;
	v11 =	vadd.s32 v13, v17;
	v17 =	vld [tilespmem:s31+$0xFFFFFFC0]  }
0x33c: {  	vm0 =	vge.s32 v62, v8;
	v13 =	vsel vm2, $0x1, v3;
	v16 =	vld [tilespmem:s31+$0x10];
	vm2 =	vge.s32 v19, v8  }
0x33d: {  	s11 =	simm.s32 $0x140;
	s12 =	simm.s32 $0x190;
	v12 =	vadd.s32 v12, v10;
	v10 =	vld [tilespmem:s31+$0x40];
	v13 =	vadd.s32 v13, v23;
	vm3 =	vge.s32 v20, v8  }
.LBB2_37:
0x33e: {  	v19 =	vld [tilespmem:s12+$0xFFFFFFB0];
	s13 =	sand.u32 $0x7FE0, s11;
	p0 =	sne.s32 s11, $0x4D80;
	s11 =	sadd.s32 $0xA0, s11;
	v20 =	vsel vm0, $0x1, v3;
	v21 =	vsel vm1, $0x1, v3;
	v14 =	vadd.s32 v18, v14  }
0x33f: {  	v18 =	vsel vm3, $0x1, v3;
	v22 =	vld [tilespmem:s13+$0x80];
	vm0 =	vge.s32 v15, v8;
	v15 =	vsel vm2, $0x1, v3  }
0x340: {  	v11 =	vadd.s32 v18, v11;
	v23 =	vld [tilespmem:s12+$0x0];
	vm1 =	vge.s32 v17, v8;
	v17 =	vsel vm0, $0x1, v3  }
0x341: {  	vm0 =	vge.s32 v9, v8;
	v18 =	vld [tilespmem:s12+$0x20];
	v24 =	vsel vm1, $0x1, v3;
	v12 =	vadd.s32 v17, v12  }
0x342: {  	v17 =	vsel vm0, $0x1, v3;
	v25 =	vld [tilespmem:s12+$0xFFFFFFE0];
	v14 =	vadd.s32 v24, v14;
	vm2 =	vge.s32 v16, v8  }
.Ltmp18:
0x343: {  	v12 =	vadd.s32 v15, v12;
	vm0 =	vge.s32 v19, v8;
	v9 =	vld [tilespmem:s12+$0xFFFFFFD0];
	v14 =	vadd.s32 v20, v14;
	(pc) =	sbr.rel @p0 .LBB2_37-.Ltmp18, $4  }
0x344: {  	v11 =	vadd.s32 v21, v11;
	v13 =	vadd.s32 v17, v13;
	v16 =	vsel vm0, $0x1, v3;
	v15 =	vld [tilespmem:s12+$0xFFFFFFF0]  }
0x345: {  	vm3 =	vge.s32 v10, v8;
	v12 =	vadd.s32 v16, v12;
	v17 =	vld [tilespmem:s12+$0xFFFFFFC0];
	vm0 =	vge.s32 v23, v8  }
0x346: {  	v19 =	vsel vm2, $0x1, v3;
	vm1 =	vge.s32 v18, v8;
	v10 =	vld [tilespmem:s12+$0x40];
	v18 =	vsel vm3, $0x1, v3  }
0x347: {  	vm2 =	vge.s32 v22, v8;
	v13 =	vadd.s32 v19, v13;
	vm3 =	vge.s32 v25, v8;
	v16 =	vld [tilespmem:s12+$0x10];
	s12 =	sadd.s32 $0xA0, s12  }
0x348: {  	v19 =	vsel vm0, $0x1, v3;
	v20 =	vsel vm1, $0x1, v3;
	v14 =	vadd.s32 v18, v14  }
0x349: {  	v18 =	vsel vm3, $0x1, v3;
	vm0 =	vge.s32 v15, v8;
	v15 =	vsel vm2, $0x1, v3  }
0x34a: {  	vm1 =	vge.s32 v17, v8;
	v17 =	vsel vm0, $0x1, v3;
	vm0 =	vge.s32 v9, v8  }
0x34b: {  	v21 =	vsel vm1, $0x1, v3;
	v9 =	vadd.s32 v17, v12;
	vm1 =	vge.s32 v10, v8  }
0x34c: {  	v12 =	vadd.s32 v21, v14;
	v14 =	vsel vm0, $0x1, v3;
	vm0 =	vge.s32 v16, v8  }
0x34d: {  	v9 =	vadd.s32 v15, v9;
	v10 =	vadd.s32 v19, v12;
	v12 =	vsel vm1, $0x1, v3  }
0x34e: {  	v13 =	vadd.s32 v14, v13;
	v14 =	vsel vm0, $0x1, v3;
	v10 =	vadd.s32 v12, v10  }
0x34f: {  	v11 =	vadd.s32 v18, v11;
	v12 =	vadd.s32 v14, v13;
	v9 =	vadd.s32 v9, v10  }
0x350: {  	v10 =	vadd.s32 v20, v11;
	v9 =	vadd.s32 v12, v9  }
0x351: {  	v9 =	vadd.s32 v10, v9  }
0x352: {  	v10 =	vperm.xlane v9, v0;
	_ =	sdelay $0x1  }
0x353: {  	v9 =	vadd.s32 v9, v10  }
0x354: {  	v10 =	vperm.xlane v9, v1;
	_ =	sdelay $0x1  }
0x355: {  	v9 =	vadd.s32 v10, v9  }
0x356: {  	v10 =	vperm.xlane v9, v2  }
0x357: {  	s31 =	simm.s32 $0xF0  }
0x358: {  	s12 =	simm.s32 $0x50;
	v22 =	vld [tilespmem:s31+$0x20];
	v9 =	vadd.s32 v10, v9  }
0x359: {  	s11 =	simm.s32 $0x0;
	v13 =	vld [tilespmem:s12+$0xFFFFFFE0];
	v10 =	vperm.xlane v9, v4  }
0x35a: {  	s11 =	sand.u32 $0x7FE0, s11;
	v11 =	vld [tilespmem:s12+$0xFFFFFFB0]  }
0x35b: {  	v12 =	vld [tilespmem:s11+$0x80];
	v9 =	vadd.s32 v10, v9  }
0x35c: {  	v10 =	vld [tilespmem:s12+$0x0];
	vm0 =	vlt.s32 v9, v6  }
0x35d: {  	v9 =	vld [tilespmem:s12+$0x20];
	v7 =	vsel vm0, v7, v8  }
0x35e: {  	v17 =	vld [tilespmem:s12+$0xFFFFFFC0];
	v8 =	vor.u32 $0x1000, v7  }
0x35f: {  	vm0 =	vge.s32 v11, v8;
	v11 =	vld [tilespmem:s12+$0xFFFFFFF0]  }
0x360: {  	v18 =	vld [tilespmem:s12+$0x40];
	v16 =	vimm.s32 $0x0;
	vm2 =	vge.s32 v13, v8;
	vm3 =	vge.s32 v12, v8  }
0x361: {  	v14 =	vld [tilespmem:s12+$0xFFFFFFD0];
	v15 =	vsel vm0, $0x1, v3;
	vm0 =	vge.s32 v10, v8;
	v20 =	vsel vm2, $0x1, v3  }
0x362: {  	v15 =	vadd.s32 v15, v16;
	vm1 =	vge.s32 v9, v8;
	v9 =	vld [tilespmem:s12+$0x10];
	v12 =	vsel vm0, $0x1, v3  }
0x363: {  	s30 =	simm.s32 $0xA0;
	v10 =	vld [tilespmem:s31+$0xFFFFFFB0];
	v13 =	vsel vm1, $0x1, v3;
	vm1 =	vge.s32 v17, v8;
	v17 =	vadd.s32 v20, v16  }
0x364: {  	v62 =	vld [tilespmem:s31+$0x0];
	s11 =	sand.u32 $0x7FE0, s30;
	v23 =	vsel vm1, $0x1, v3;
	vm1 =	vge.s32 v22, v8;
	vm0 =	vge.s32 v11, v8  }
0x365: {  	v19 =	vld [tilespmem:s11+$0x80];
	v11 =	vsel vm3, $0x1, v3;
	vm3 =	vge.s32 v18, v8;
	v20 =	vsel vm0, $0x1, v3  }
0x366: {  	vm0 =	vge.s32 v14, v8;
	v14 =	vadd.s32 v23, v16;
	v15 =	vadd.s32 v20, v15;
	v20 =	vld [tilespmem:s31+$0xFFFFFFE0]  }
0x367: {  	v18 =	vsel vm3, $0x1, v3;
	v63 =	vsel vm0, $0x1, v3;
	vm2 =	vge.s32 v9, v8;
	v9 =	vld [tilespmem:s31+$0xFFFFFFD0]  }
0x368: {  	vm0 =	vge.s32 v10, v8;
	v14 =	vadd.s32 v12, v14;
	v10 =	vadd.s32 v11, v15;
	v15 =	vld [tilespmem:s31+$0xFFFFFFF0]  }
0x369: {  	v12 =	vsel vm0, $0x1, v3;
	v23 =	vadd.s32 v63, v16;
	v11 =	vadd.s32 v13, v17;
	v17 =	vld [tilespmem:s31+$0xFFFFFFC0]  }
0x36a: {  	vm0 =	vge.s32 v62, v8;
	v13 =	vsel vm2, $0x1, v3;
	v16 =	vld [tilespmem:s31+$0x10];
	vm2 =	vge.s32 v19, v8  }
0x36b: {  	s11 =	simm.s32 $0x140;
	s12 =	simm.s32 $0x190;
	v12 =	vadd.s32 v12, v10;
	v10 =	vld [tilespmem:s31+$0x40];
	v13 =	vadd.s32 v13, v23;
	vm3 =	vge.s32 v20, v8  }
.LBB2_39:
0x36c: {  	v19 =	vld [tilespmem:s12+$0xFFFFFFB0];
	s13 =	sand.u32 $0x7FE0, s11;
	p0 =	sne.s32 s11, $0x4D80;
	s11 =	sadd.s32 $0xA0, s11;
	v20 =	vsel vm0, $0x1, v3;
	v21 =	vsel vm1, $0x1, v3;
	v14 =	vadd.s32 v18, v14  }
0x36d: {  	v18 =	vsel vm3, $0x1, v3;
	v22 =	vld [tilespmem:s13+$0x80];
	vm0 =	vge.s32 v15, v8;
	v15 =	vsel vm2, $0x1, v3  }
0x36e: {  	v11 =	vadd.s32 v18, v11;
	v23 =	vld [tilespmem:s12+$0x0];
	vm1 =	vge.s32 v17, v8;
	v17 =	vsel vm0, $0x1, v3  }
0x36f: {  	vm0 =	vge.s32 v9, v8;
	v18 =	vld [tilespmem:s12+$0x20];
	v24 =	vsel vm1, $0x1, v3;
	v12 =	vadd.s32 v17, v12  }
0x370: {  	v17 =	vsel vm0, $0x1, v3;
	v25 =	vld [tilespmem:s12+$0xFFFFFFE0];
	v14 =	vadd.s32 v24, v14;
	vm2 =	vge.s32 v16, v8  }
.Ltmp19:
0x371: {  	v12 =	vadd.s32 v15, v12;
	vm0 =	vge.s32 v19, v8;
	v9 =	vld [tilespmem:s12+$0xFFFFFFD0];
	v14 =	vadd.s32 v20, v14;
	(pc) =	sbr.rel @p0 .LBB2_39-.Ltmp19, $4  }
0x372: {  	v11 =	vadd.s32 v21, v11;
	v13 =	vadd.s32 v17, v13;
	v16 =	vsel vm0, $0x1, v3;
	v15 =	vld [tilespmem:s12+$0xFFFFFFF0]  }
0x373: {  	vm3 =	vge.s32 v10, v8;
	v12 =	vadd.s32 v16, v12;
	v17 =	vld [tilespmem:s12+$0xFFFFFFC0];
	vm0 =	vge.s32 v23, v8  }
0x374: {  	v19 =	vsel vm2, $0x1, v3;
	vm1 =	vge.s32 v18, v8;
	v10 =	vld [tilespmem:s12+$0x40];
	v18 =	vsel vm3, $0x1, v3  }
0x375: {  	vm2 =	vge.s32 v22, v8;
	v13 =	vadd.s32 v19, v13;
	vm3 =	vge.s32 v25, v8;
	v16 =	vld [tilespmem:s12+$0x10];
	s12 =	sadd.s32 $0xA0, s12  }
0x376: {  	v19 =	vsel vm0, $0x1, v3;
	v20 =	vsel vm1, $0x1, v3;
	v14 =	vadd.s32 v18, v14  }
0x377: {  	v18 =	vsel vm3, $0x1, v3;
	vm0 =	vge.s32 v15, v8;
	v15 =	vsel vm2, $0x1, v3  }
0x378: {  	vm1 =	vge.s32 v17, v8;
	v17 =	vsel vm0, $0x1, v3;
	vm0 =	vge.s32 v9, v8  }
0x379: {  	v21 =	vsel vm1, $0x1, v3;
	v9 =	vadd.s32 v17, v12;
	vm1 =	vge.s32 v10, v8  }
0x37a: {  	v12 =	vadd.s32 v21, v14;
	v14 =	vsel vm0, $0x1, v3;
	vm0 =	vge.s32 v16, v8  }
0x37b: {  	v9 =	vadd.s32 v15, v9;
	v10 =	vadd.s32 v19, v12;
	v12 =	vsel vm1, $0x1, v3  }
0x37c: {  	v13 =	vadd.s32 v14, v13;
	v14 =	vsel vm0, $0x1, v3;
	v10 =	vadd.s32 v12, v10  }
0x37d: {  	v11 =	vadd.s32 v18, v11;
	v12 =	vadd.s32 v14, v13;
	v9 =	vadd.s32 v9, v10  }
0x37e: {  	v10 =	vadd.s32 v20, v11;
	v9 =	vadd.s32 v12, v9  }
0x37f: {  	v9 =	vadd.s32 v10, v9  }
0x380: {  	v10 =	vperm.xlane v9, v0;
	_ =	sdelay $0x1  }
0x381: {  	v9 =	vadd.s32 v9, v10  }
0x382: {  	v10 =	vperm.xlane v9, v1;
	_ =	sdelay $0x1  }
0x383: {  	v9 =	vadd.s32 v10, v9  }
0x384: {  	v10 =	vperm.xlane v9, v2  }
0x385: {  	s31 =	simm.s32 $0xF0  }
0x386: {  	s12 =	simm.s32 $0x50;
	v22 =	vld [tilespmem:s31+$0x20];
	v9 =	vadd.s32 v10, v9  }
0x387: {  	s11 =	simm.s32 $0x0;
	v13 =	vld [tilespmem:s12+$0xFFFFFFE0];
	v10 =	vperm.xlane v9, v4  }
0x388: {  	s11 =	sand.u32 $0x7FE0, s11;
	v11 =	vld [tilespmem:s12+$0xFFFFFFB0]  }
0x389: {  	v12 =	vld [tilespmem:s11+$0x80];
	v9 =	vadd.s32 v10, v9  }
0x38a: {  	v10 =	vld [tilespmem:s12+$0x0];
	vm0 =	vlt.s32 v9, v6  }
0x38b: {  	v9 =	vld [tilespmem:s12+$0x20];
	v7 =	vsel vm0, v7, v8  }
0x38c: {  	v17 =	vld [tilespmem:s12+$0xFFFFFFC0];
	v8 =	vor.u32 $0x800, v7  }
0x38d: {  	vm0 =	vge.s32 v11, v8;
	v11 =	vld [tilespmem:s12+$0xFFFFFFF0]  }
0x38e: {  	v18 =	vld [tilespmem:s12+$0x40];
	v16 =	vimm.s32 $0x0;
	vm2 =	vge.s32 v13, v8;
	vm3 =	vge.s32 v12, v8  }
0x38f: {  	v14 =	vld [tilespmem:s12+$0xFFFFFFD0];
	v15 =	vsel vm0, $0x1, v3;
	vm0 =	vge.s32 v10, v8;
	v20 =	vsel vm2, $0x1, v3  }
0x390: {  	v15 =	vadd.s32 v15, v16;
	vm1 =	vge.s32 v9, v8;
	v9 =	vld [tilespmem:s12+$0x10];
	v12 =	vsel vm0, $0x1, v3  }
0x391: {  	s30 =	simm.s32 $0xA0;
	v10 =	vld [tilespmem:s31+$0xFFFFFFB0];
	v13 =	vsel vm1, $0x1, v3;
	vm1 =	vge.s32 v17, v8;
	v17 =	vadd.s32 v20, v16  }
0x392: {  	v62 =	vld [tilespmem:s31+$0x0];
	s11 =	sand.u32 $0x7FE0, s30;
	v23 =	vsel vm1, $0x1, v3;
	vm1 =	vge.s32 v22, v8;
	vm0 =	vge.s32 v11, v8  }
0x393: {  	v19 =	vld [tilespmem:s11+$0x80];
	v11 =	vsel vm3, $0x1, v3;
	vm3 =	vge.s32 v18, v8;
	v20 =	vsel vm0, $0x1, v3  }
0x394: {  	vm0 =	vge.s32 v14, v8;
	v14 =	vadd.s32 v23, v16;
	v15 =	vadd.s32 v20, v15;
	v20 =	vld [tilespmem:s31+$0xFFFFFFE0]  }
0x395: {  	v18 =	vsel vm3, $0x1, v3;
	v63 =	vsel vm0, $0x1, v3;
	vm2 =	vge.s32 v9, v8;
	v9 =	vld [tilespmem:s31+$0xFFFFFFD0]  }
0x396: {  	vm0 =	vge.s32 v10, v8;
	v14 =	vadd.s32 v12, v14;
	v10 =	vadd.s32 v11, v15;
	v15 =	vld [tilespmem:s31+$0xFFFFFFF0]  }
0x397: {  	v12 =	vsel vm0, $0x1, v3;
	v23 =	vadd.s32 v63, v16;
	v11 =	vadd.s32 v13, v17;
	v17 =	vld [tilespmem:s31+$0xFFFFFFC0]  }
0x398: {  	vm0 =	vge.s32 v62, v8;
	v13 =	vsel vm2, $0x1, v3;
	v16 =	vld [tilespmem:s31+$0x10];
	vm2 =	vge.s32 v19, v8  }
0x399: {  	s11 =	simm.s32 $0x140;
	s12 =	simm.s32 $0x190;
	v12 =	vadd.s32 v12, v10;
	v10 =	vld [tilespmem:s31+$0x40];
	v13 =	vadd.s32 v13, v23;
	vm3 =	vge.s32 v20, v8  }
.LBB2_41:
0x39a: {  	v19 =	vld [tilespmem:s12+$0xFFFFFFB0];
	s13 =	sand.u32 $0x7FE0, s11;
	p0 =	sne.s32 s11, $0x4D80;
	s11 =	sadd.s32 $0xA0, s11;
	v20 =	vsel vm0, $0x1, v3;
	v21 =	vsel vm1, $0x1, v3;
	v14 =	vadd.s32 v18, v14  }
0x39b: {  	v18 =	vsel vm3, $0x1, v3;
	v22 =	vld [tilespmem:s13+$0x80];
	vm0 =	vge.s32 v15, v8;
	v15 =	vsel vm2, $0x1, v3  }
0x39c: {  	v11 =	vadd.s32 v18, v11;
	v23 =	vld [tilespmem:s12+$0x0];
	vm1 =	vge.s32 v17, v8;
	v17 =	vsel vm0, $0x1, v3  }
0x39d: {  	vm0 =	vge.s32 v9, v8;
	v18 =	vld [tilespmem:s12+$0x20];
	v24 =	vsel vm1, $0x1, v3;
	v12 =	vadd.s32 v17, v12  }
0x39e: {  	v17 =	vsel vm0, $0x1, v3;
	v25 =	vld [tilespmem:s12+$0xFFFFFFE0];
	v14 =	vadd.s32 v24, v14;
	vm2 =	vge.s32 v16, v8  }
.Ltmp20:
0x39f: {  	v12 =	vadd.s32 v15, v12;
	vm0 =	vge.s32 v19, v8;
	v9 =	vld [tilespmem:s12+$0xFFFFFFD0];
	v14 =	vadd.s32 v20, v14;
	(pc) =	sbr.rel @p0 .LBB2_41-.Ltmp20, $4  }
0x3a0: {  	v11 =	vadd.s32 v21, v11;
	v13 =	vadd.s32 v17, v13;
	v16 =	vsel vm0, $0x1, v3;
	v15 =	vld [tilespmem:s12+$0xFFFFFFF0]  }
0x3a1: {  	vm3 =	vge.s32 v10, v8;
	v12 =	vadd.s32 v16, v12;
	v17 =	vld [tilespmem:s12+$0xFFFFFFC0];
	vm0 =	vge.s32 v23, v8  }
0x3a2: {  	v19 =	vsel vm2, $0x1, v3;
	vm1 =	vge.s32 v18, v8;
	v10 =	vld [tilespmem:s12+$0x40];
	v18 =	vsel vm3, $0x1, v3  }
0x3a3: {  	vm2 =	vge.s32 v22, v8;
	v13 =	vadd.s32 v19, v13;
	vm3 =	vge.s32 v25, v8;
	v16 =	vld [tilespmem:s12+$0x10];
	s12 =	sadd.s32 $0xA0, s12  }
0x3a4: {  	v19 =	vsel vm0, $0x1, v3;
	v20 =	vsel vm1, $0x1, v3;
	v14 =	vadd.s32 v18, v14  }
0x3a5: {  	v18 =	vsel vm3, $0x1, v3;
	vm0 =	vge.s32 v15, v8;
	v15 =	vsel vm2, $0x1, v3  }
0x3a6: {  	vm1 =	vge.s32 v17, v8;
	v17 =	vsel vm0, $0x1, v3;
	vm0 =	vge.s32 v9, v8  }
0x3a7: {  	v21 =	vsel vm1, $0x1, v3;
	v9 =	vadd.s32 v17, v12;
	vm1 =	vge.s32 v10, v8  }
0x3a8: {  	v12 =	vadd.s32 v21, v14;
	v14 =	vsel vm0, $0x1, v3;
	vm0 =	vge.s32 v16, v8  }
0x3a9: {  	v9 =	vadd.s32 v15, v9;
	v10 =	vadd.s32 v19, v12;
	v12 =	vsel vm1, $0x1, v3  }
0x3aa: {  	v13 =	vadd.s32 v14, v13;
	v14 =	vsel vm0, $0x1, v3;
	v10 =	vadd.s32 v12, v10  }
0x3ab: {  	v11 =	vadd.s32 v18, v11;
	v12 =	vadd.s32 v14, v13;
	v9 =	vadd.s32 v9, v10  }
0x3ac: {  	v10 =	vadd.s32 v20, v11;
	v9 =	vadd.s32 v12, v9  }
0x3ad: {  	v9 =	vadd.s32 v10, v9  }
0x3ae: {  	v10 =	vperm.xlane v9, v0;
	_ =	sdelay $0x1  }
0x3af: {  	v9 =	vadd.s32 v9, v10  }
0x3b0: {  	v10 =	vperm.xlane v9, v1  }
0x3b1: {  	s11 =	simm.s32 $0x50  }
0x3b2: {  	v18 =	vld [tilespmem:s11+$0xFFFFFFB0];
	v9 =	vadd.s32 v10, v9  }
0x3b3: {  	v15 =	vld [tilespmem:s11+$0xFFFFFFE0];
	v10 =	vperm.xlane v9, v2  }
0x3b4: {  	v13 =	vld [tilespmem:s11+$0x40]  }
0x3b5: {  	s12 =	simm.s32 $0x0;
	v14 =	vld [tilespmem:s11+$0xFFFFFFF0];
	v10 =	vadd.s32 v10, v9  }
0x3b6: {  	s12 =	sand.u32 $0x7FE0, s12;
	v12 =	vld [tilespmem:s11+$0x10];
	v11 =	vperm.xlane v10, v4  }
0x3b7: {  	v9 =	vld [tilespmem:s12+$0x80]  }
0x3b8: {  	v11 =	vadd.s32 v11, v10;
	v10 =	vld [tilespmem:s11+$0x20]  }
0x3b9: {  	vm0 =	vlt.s32 v11, v6;
	v11 =	vld [tilespmem:s11+$0x0]  }
0x3ba: {  	v7 =	vsel vm0, v7, v8;
	v8 =	vld [tilespmem:s11+$0xFFFFFFD0]  }
0x3bb: {  	v20 =	vld [tilespmem:s11+$0xFFFFFFC0]  }
0x3bc: {  	v17 =	vimm.s32 $0x0;
	v21 =	vimm.f32 $0.0e+00;
	v16 =	vimm.s32 $0x0  }
0x3bd: {  	v19 =	vimm.f32 $0.0e+00;
	vm0 =	vlt.s32 v7, v9;
	vm5 =	vlt.s32 v7, v13  }
0x3be: {  	s12 =	simm.s32 $0xA0;
	vm2 =	vlt.s32 v7, v14;
	vm3 =	vlt.s32 v7, v12;
	vm1 =	vlt.s32 v7, v10  }
.LBB2_43:
0x3bf: {  	p0 =	sne.s32 s12, $0x4D80;
	vm6 =	vlt.s32 v7, v8;
	vm7 =	vlt.s32 v7, v15;
	vm4 =	vlt.s32 v7, v11  }
0x3c0: {  	vm8 =	vlt.s32 v7, v18;
	v22 =	vsel vm5, $0x1, v3;
	vm9 =	vlt.s32 v7, v20  }
0x3c1: {  	v23 =	vsel vm3, $0x1, v3;
	v24 =	vsel vm1, $0x1, v3;
	v25 =	vnsel vm5, $0x0, v13  }
0x3c2: {  	v26 =	vsel vm2, $0x1, v3;
	v28 =	vsel vm0, $0x1, v3;
	s11 =	sadd.s32 $0xA0, s11;
	v27 =	vsel vm4, $0x1, v3  }
0x3c3: {  	s13 =	sand.u32 $0x7FE0, s12;
	v31 =	vnsel vm3, $0x0, v12;
	v29 =	vsel vm6, $0x1, v3;
	v30 =	vsel vm7, $0x1, v3;
	v13 =	vld [tilespmem:s11+$0x40]  }
0x3c4: {  	v33 =	vsel vm8, $0x1, v3;
	v18 =	vnsel vm8, $0x0, v18;
	v20 =	vnsel vm9, $0x0, v20;
	v32 =	vld [tilespmem:s13+$0x80]  }
0x3c5: {  	v18 =	vadd.f32 v18, v19;
	v19 =	vsel vm9, $0x1, v3;
	v20 =	vadd.f32 v20, v21;
	v12 =	vld [tilespmem:s11+$0x10]  }
0x3c6: {  	v8 =	vnsel vm6, $0x0, v8;
	v15 =	vnsel vm7, $0x0, v15;
	v17 =	vadd.s32 v33, v17;
	v21 =	vld [tilespmem:s11+$0x20]  }
0x3c7: {  	v17 =	vadd.s32 v29, v17;
	v18 =	vadd.f32 v8, v18;
	v15 =	vadd.f32 v15, v20;
	v33 =	vld [tilespmem:s11+$0xFFFFFFF0]  }
0x3c8: {  	v14 =	vnsel vm2, $0x0, v14;
	v17 =	vadd.s32 v26, v17;
	v20 =	vnsel vm4, $0x0, v11;
	v11 =	vld [tilespmem:s11+$0x0]  }
0x3c9: {  	v16 =	vadd.s32 v19, v16;
	v29 =	vadd.f32 v14, v18;
	v19 =	vadd.f32 v20, v15;
	v8 =	vld [tilespmem:s11+$0xFFFFFFD0]  }
0x3ca: {  	v16 =	vadd.s32 v30, v16;
	v17 =	vadd.s32 v23, v17;
	v20 =	vnsel vm1, $0x0, v10;
	v15 =	vld [tilespmem:s11+$0xFFFFFFE0]  }
.Ltmp21:
0x3cb: {  	v16 =	vadd.s32 v27, v16;
	v23 =	vadd.f32 v31, v29;
	v26 =	vadd.f32 v20, v19;
	v18 =	vld [tilespmem:s11+$0xFFFFFFB0];
	v10 =	vmovc v21;
	(pc) =	sbr.rel @p0 .LBB2_43-.Ltmp21, $4  }
0x3cc: {  	v16 =	vadd.s32 v24, v16;
	v17 =	vadd.s32 v28, v17;
	v19 =	vnsel vm0, $0x0, v9;
	v9 =	vmovc v32;
	v20 =	vld [tilespmem:s11+$0xFFFFFFC0];
	v14 =	vmovc v33  }
0x3cd: {  	v16 =	vadd.s32 v22, v16;
	v19 =	vadd.f32 v19, v23;
	v21 =	vadd.f32 v25, v26  }
0x3ce: {  	vm5 =	vlt.s32 v7, v13;
	vm0 =	vlt.s32 v7, v9  }
0x3cf: {  	s12 =	sadd.s32 $0xA0, s12;
	vm3 =	vlt.s32 v7, v12;
	vm1 =	vlt.s32 v7, v10;
	vm2 =	vlt.s32 v7, v14  }
0x3d0: {  	vm4 =	vlt.s32 v7, v8  }
0x3d1: {  	vm6 =	vlt.s32 v7, v15;
	vm7 =	vlt.s32 v7, v11;
	vm8 =	vlt.s32 v7, v18  }
0x3d2: {  	v22 =	vsel vm5, $0x1, v3;
	v23 =	vsel vm3, $0x1, v3;
	v24 =	vsel vm1, $0x1, v3  }
0x3d3: {  	v13 =	vnsel vm5, $0x0, v13;
	v25 =	vsel vm2, $0x1, v3;
	v27 =	vsel vm0, $0x1, v3  }
0x3d4: {  	v12 =	vnsel vm3, $0x0, v12;
	v14 =	vnsel vm2, $0x0, v14;
	vm9 =	vlt.s32 v7, v20  }
0x3d5: {  	v10 =	vnsel vm1, $0x0, v10;
	v18 =	vnsel vm8, $0x0, v18;
	v20 =	vnsel vm9, $0x0, v20  }
0x3d6: {  	v26 =	vsel vm7, $0x1, v3;
	v18 =	vadd.f32 v18, v19;
	v48 =	vadd.f32 v20, v21  }
0x3d7: {  	v28 =	vsel vm4, $0x1, v3;
	v8 =	vnsel vm4, $0x0, v8;
	v15 =	vnsel vm6, $0x0, v15  }
0x3d8: {  	v49 =	vsel vm8, $0x1, v3;
	v8 =	vadd.f32 v8, v18;
	v15 =	vadd.f32 v15, v48  }
0x3d9: {  	v11 =	vnsel vm7, $0x0, v11;
	v50 =	vsel vm9, $0x1, v3;
	v17 =	vadd.s32 v49, v17  }
0x3da: {  	v17 =	vadd.s32 v28, v17;
	v8 =	vadd.f32 v14, v8;
	v11 =	vadd.f32 v11, v15  }
0x3db: {  	v29 =	vsel vm6, $0x1, v3;
	v52 =	vadd.s32 v50, v16;
	v51 =	vadd.s32 v25, v17  }
0x3dc: {  	v15 =	vadd.s32 v29, v52;
	v8 =	vadd.f32 v12, v8;
	v10 =	vadd.f32 v10, v11  }
0x3dd: {  	v9 =	vnsel vm0, $0x0, v9;
	v53 =	vadd.s32 v23, v51;
	v54 =	vadd.s32 v26, v15  }
0x3de: {  	v12 =	vadd.s32 v24, v54;
	v8 =	vadd.f32 v9, v8;
	v55 =	vadd.f32 v13, v10  }
0x3df: {  	v56 =	vadd.s32 v27, v53;
	v57 =	vadd.s32 v22, v12  }
0x3e0: {  	v58 =	vand.u32 $0xF, v0;
	v10 =	vadd.s32 v56, v57;
	v8 =	vadd.f32 v55, v8  }
0x3e1: {  	v11 =	vperm.xlane v10, v58  }
0x3e2: {  	v9 =	vperm.xlane v8, v58  }
0x3e3: {  	v59 =	vand.u32 $0xF, v1;
	v10 =	vadd.s32 v10, v11  }
0x3e4: {  	v60 =	vperm.xlane v10, v59;
	v8 =	vadd.f32 v9, v8;
	_ =	sdelay $0x1  }
0x3e5: {  	v62 =	vand.u32 $0xF, v2;
	v61 =	vadd.s32 v60, v10;
	v11 =	vperm.xlane v8, v59  }
0x3e6: {  	v12 =	vperm.xlane v61, v62  }
0x3e7: {  	v8 =	vadd.f32 v11, v8  }
0x3e8: {  	v9 =	vadd.s32 v12, v61  }
0x3e9: {  	v63 =	vperm.xlane v9, v4;
	v10 =	vperm.xlane v8, v62;
	_ =	sdelay $0x1  }
0x3ea: {  	v9 =	vadd.s32 v9, v63;
	v8 =	vadd.f32 v10, v8  }
0x3eb: {  	v9 =	vsub.s32 v6, v9  }
0x3ec: {  	v9 =	vcvt.s32.f32 v9;
	v10 =	vperm.xlane v8, v4;
	_ =	sdelay $0x1  }
0x3ed: {  	v7 =	vmul.f32 v9, v7;
	v8 =	vadd.f32 v10, v8;
	_ =	sdelay $0x1  }
0x3ee: {  	v7 =	vadd.f32 v8, v7  }
0x3ef: {  	vm15 =	vgt.s32 v6, $0x0;
	s10 =	sadd.s32 $0x1, s10  }
0x3f0: {  	p0 =	sne.s32 s10, s6;
	v6 =	vnsel vm15, $0x0, v7  }
.Ltmp22:
0x3f1: {  	[tilespmem:$0x4E80] =	vst v6;
	(pc) =	sbr.rel @p0 .LBB2_2-.Ltmp22, $4  }
0x3f2: {  	[hbm4b:s4+s2] =	stream.linear.scatter [tilespmem:s9], [sflag:$0x1], $0x10, $0x38;
	[tilespmem:$0x4F80] =	vst v63  }
0x3f3: {  	_ =	swait.ge [sflag:s7], $0x10  }
0x3f4: {  	[sflag:s7] =	ssyncset.done $0x0  }
0x3f5: {  	[sflag:s7] =	ssyncadd.s32 $0xFFFFFFF0  }
.LBB2_45:
0x3f6: {  	_ =	sfence.sel $0x180000  }
0x3f7: {  	[bflag:$0x0] =	sbarrier.arrive $0xFFFF  }
0x3f8: {  	p0 =	sne.s32 s1, $0x0;
	_ =	strace $0x90000047  }
0x3f9: {  	s0 =	sadd.s32 @!p0 $0x100000, s0;
	[bflag:$0x2] =	sbarrier.arrive $0xFFFF  }
0x3fa: {  	[sflag:s0] =	ssyncadd.tile.s32 @!p0 $0x1;
	_ =	shalt  }
.Lfunc_end2:
_tile_overlayer_lowered:
.L_overlay_start_2:
0x3fb: {  	(tag) =	ssettag $0x2  }
0x3fc: {  	s0 =	rddreg [dreg:$0x0];
	s2 =	stileid.u32  }
0x3fd: {  	s1 =	rddreg [dreg:$0x1];
	p0 =	sne.s32 s2, $0x0  }
0x3fe: {  	s3 =	rddreg [dreg:$0x2];
	[bflag:$0x3] =	sbarrier.arrive $0xFFFF;
	s2 =	simm.s32 @!p0 $0x1C01  }
0x3ff: {  	[timem:s3], [sflag:s2] =	dma.local @!p0 [hbm:s0], s1  }
0x400: {  	s0 =	simm.s32 @!p0 $0x1  }
0x401: {  	_ =	swait.ge @!p0 [sflag:s0], s1  }
0x402: {  	s1 =	ssub.s32 @!p0 $0x0, s1;
	[sflag:s0] =	ssyncset.done @!p0 $0x0  }
0x403: {  	[sflag:s0] =	ssyncadd.s32 @!p0 s1  }
0x404: {  	[bflag:$0x3] =	sbarrier.arrive $0xFFFF  }
0x405: {  	_ =	shalt  }

</sc_bundles>
